<compile_context>
chip_gen: v7x
topology: tpu7x:2x2x1
jax: 0.10.2.dev20260603
libtpu: 0.0.44.dev20260713+nightly
codegen_flags: <defaults>
</compile_context>

<pallas_src>
import jax
import jax.numpy as jnp
from jax import lax
from jax.experimental import pallas as pl
from jax.experimental.pallas import tpu as pltpu
from jax.experimental.pallas import tpu_sc as plsc

VOCAB = 8192
N_TOK = 8192
LANES = 16
NW = 32
B_PER_W = N_TOK // NW
CHUNK = 2
N_CHUNKS = B_PER_W // CHUNK
N_GROUPS = B_PER_W // LANES


def _sc_body(table_hbm, x_hbm, y_hbm, logits_hbm, loss_hbm,
             idx_v, y_v, rows_0, rows_1, rows_2, rows_3, s_buf,
             part_all, pick_all,
             sem_in_0, sem_in_1, sem_in_2, sem_in_3,
             sem_out_0, sem_out_1, sem_out_2, sem_out_3):
    cid = lax.axis_index("c")
    sid = lax.axis_index("s")
    wid = sid * 2 + cid
    base = wid * B_PER_W

    pltpu.sync_copy(x_hbm.at[pl.ds(wid * N_CHUNKS, N_CHUNKS)], idx_v)
    pltpu.sync_copy(y_hbm.at[pl.ds(base, B_PER_W)], y_v)

    lane = lax.broadcasted_iota(jnp.int32, (LANES,), 0)
    rows = (rows_0, rows_1, rows_2, rows_3)
    sem_in = (sem_in_0, sem_in_1, sem_in_2, sem_in_3)
    sem_out = (sem_out_0, sem_out_1, sem_out_2, sem_out_3)

    def gather(c, r):
        pltpu.make_async_copy(
            table_hbm.at[idx_v.at[c]], rows[r], sem_in[r]).start()

    def scatter(c, r):
        pltpu.make_async_copy(
            rows[r], logits_hbm.at[pl.ds(base + c * CHUNK, CHUNK)],
            sem_out[r]).start()

    def wait(sem, r):
        pltpu.make_async_copy(table_hbm.at[pl.ds(0, CHUNK)], rows[r],
                              sem).wait()

    def compute(c, r):
        rows_v = rows[r]
        for j in range(CHUNK):
            def exp_body(i, accs, j=j):
                a0, a1, a2, a3 = accs
                off = i * 256
                for u in range(0, 16, 4):
                    a0 = a0 + jnp.exp(rows_v[j, pl.ds(off + u * 16, LANES)])
                    a1 = a1 + jnp.exp(rows_v[j, pl.ds(off + u * 16 + 16, LANES)])
                    a2 = a2 + jnp.exp(rows_v[j, pl.ds(off + u * 16 + 32, LANES)])
                    a3 = a3 + jnp.exp(rows_v[j, pl.ds(off + u * 16 + 48, LANES)])
                return (a0, a1, a2, a3)

            z = jnp.zeros((LANES,), jnp.float32)
            a0, a1, a2, a3 = lax.fori_loop(0, VOCAB // 256, exp_body,
                                           (z, z, z, z))
            tok = c * CHUNK + j
            part_all[pl.ds(tok * LANES, LANES)] = (a0 + a1) + (a2 + a3)
            y_b = plsc.load_gather(y_v, [jnp.full((LANES,), tok, jnp.int32)])
            pick = plsc.load_gather(
                rows_v, [jnp.full((LANES,), j, jnp.int32), y_b])
            pick_all[pl.ds(tok * LANES, LANES)] = pick

    gather(0, 0)
    gather(1, 1)
    gather(2, 2)

    def chunk_step(c, r):
        wait(sem_in[r], r)
        r2 = (r + 3) % 4

        @pl.when(c + 3 < N_CHUNKS)
        def _():
            @pl.when(c >= 1)
            def _():
                wait(sem_out[r2], r2)
            gather(c + 3, r2)

        scatter(c, r)
        compute(c, r)

    def body(t, carry):
        c0 = 4 * t
        chunk_step(c0, 0)
        chunk_step(c0 + 1, 1)
        chunk_step(c0 + 2, 2)
        chunk_step(c0 + 3, 3)
        return carry

    lax.fori_loop(0, N_CHUNKS // 4, body, 0)
    wait(sem_out[0], 0)
    wait(sem_out[1], 1)
    wait(sem_out[2], 2)
    wait(sem_out[3], 3)

    LN2 = 0.6931471805599453
    acc = jnp.zeros((LANES,), jnp.float32)
    for g in range(N_GROUPS):
        tok16 = (g * LANES + lane) * LANES
        s_vec = jnp.zeros((LANES,), jnp.float32)
        for k in range(LANES):
            s_vec = s_vec + plsc.load_gather(part_all, [tok16 + k])
        p_vec = plsc.load_gather(pick_all, [tok16])
        bits = plsc.bitcast(s_vec, jnp.int32)
        t = (bits.astype(jnp.float32) * (LN2 / (1 << 23))
             - jnp.float32(126.94269504 * LN2))
        for _ in range(3):
            t = t - 1.0 + s_vec * jnp.exp(-t)
        acc = acc + (t - p_vec)

    s_buf[pl.ds(0, LANES)] = acc
    lane_sum = jnp.zeros((LANES,), jnp.float32)
    for k in range(LANES):
        lane_sum = lane_sum + plsc.load_gather(
            s_buf, [jnp.full((LANES,), k, jnp.int32)])
    s_buf[pl.ds(0, LANES)] = lane_sum
    pltpu.sync_copy(s_buf.at[pl.ds(0, LANES)], loss_hbm.at[wid])


@jax.jit
def kernel(x, y, table):
    x_flat = x.reshape(N_TOK).astype(jnp.int32)
    y_flat = y.reshape(N_TOK).astype(jnp.int32)

    sc = pl.kernel(
        _sc_body,
        out_type=[
            jax.ShapeDtypeStruct((N_TOK, VOCAB), jnp.float32),
            jax.ShapeDtypeStruct((NW, LANES), jnp.float32),
        ],
        mesh=plsc.VectorSubcoreMesh(core_axis_name="c", subcore_axis_name="s"),
        compiler_params=pltpu.CompilerParams(needs_layout_passes=False),
        scratch_types=[
            pltpu.VMEM((N_CHUNKS, CHUNK), jnp.int32),
            pltpu.VMEM((B_PER_W,), jnp.int32),
            pltpu.VMEM((CHUNK, VOCAB), jnp.float32),
            pltpu.VMEM((CHUNK, VOCAB), jnp.float32),
            pltpu.VMEM((CHUNK, VOCAB), jnp.float32),
            pltpu.VMEM((CHUNK, VOCAB), jnp.float32),
            pltpu.VMEM((LANES,), jnp.float32),
            pltpu.VMEM((B_PER_W * LANES,), jnp.float32),
            pltpu.VMEM((B_PER_W * LANES,), jnp.float32),
            pltpu.SemaphoreType.DMA,
            pltpu.SemaphoreType.DMA,
            pltpu.SemaphoreType.DMA,
            pltpu.SemaphoreType.DMA,
            pltpu.SemaphoreType.DMA,
            pltpu.SemaphoreType.DMA,
            pltpu.SemaphoreType.DMA,
            pltpu.SemaphoreType.DMA,
        ],
    )
    logits, loss_parts = sc(table, x_flat.reshape(N_TOK // CHUNK, CHUNK),
                            y_flat)

    loss = jnp.sum(loss_parts[:, 0]) / N_TOK
    return logits, loss.reshape(())

# --- scband reference (transcript-rebuilt; emitter-appended) ---
"""Pipeline reference for scband-blmodel-50156628083036 (READ-ONLY COPY).

The authoritative reference and input builder live on the scoring server;
editing this copy changes nothing except your own understanding.
"""

import jax, jax.numpy as jnp
import numpy as np

VOCAB = 8192
B, T = 4, 2048

def setup_inputs(seed: int = 0) -> dict:
    key = jax.random.key(seed)
    kx, ky, kt = jax.random.split(key, 3)
    x = jax.random.randint(kx, (B, T), 0, VOCAB, dtype=jnp.int64) if jax.config.jax_enable_x64 else jax.random.randint(kx, (B, T), 0, VOCAB).astype(jnp.int32)
    y = jax.random.randint(ky, (B, T), 0, VOCAB, dtype=jnp.int64) if jax.config.jax_enable_x64 else jax.random.randint(ky, (B, T), 0, VOCAB).astype(jnp.int32)
    # nn.Embedding default init: N(0, 1)
    table = jax.random.normal(kt, (VOCAB, VOCAB), dtype=jnp.float32)
    return {"x": x, "y": y, "table": table}

def reference(x, y, table):
    # logits = token_embedding_table(x)
    logits = jnp.take(table, x, axis=0)  # [B, T, C]
    Bb, Tt, C = logits.shape
    logits2 = logits.reshape(Bb * Tt, C)
    y2 = y.reshape(Bb * Tt)
    # F.cross_entropy with mean reduction
    logp = jax.nn.log_softmax(logits2, axis=-1)
    nll = -jnp.take_along_axis(logp, y2[:, None], axis=1)[:, 0]
    loss = jnp.mean(nll)
    return (logits2, loss)

if __name__ == "__main__":
    import jax
    _d = setup_inputs()
    print(jax.jit(kernel)(*tuple(_d.values())))

</pallas_src>

<mosaic_0001>
#map = affine_map<(d0, d1) -> (0, 0)>
#map1 = affine_map<(d0, d1) -> (0)>
module attributes {stable_mosaic.version = 14 : i64} {
  func.func @_sc_body(%arg0: i32, %arg1: i32, %arg2: memref<8192x8192xf32, #tpu.memory_space<hbm>>, %arg3: memref<4096x2xi32, #tpu.memory_space<hbm>>, %arg4: memref<8192xi32, #tpu.memory_space<hbm>>, %arg5: memref<8192x8192xf32, #tpu.memory_space<hbm>>, %arg6: memref<32x16xf32, #tpu.memory_space<hbm>>, %arg7: memref<128x2xi32, #tpu.memory_space<vmem>>, %arg8: memref<256xi32, #tpu.memory_space<vmem>>, %arg9: memref<2x8192xf32, #tpu.memory_space<vmem>>, %arg10: memref<2x8192xf32, #tpu.memory_space<vmem>>, %arg11: memref<2x8192xf32, #tpu.memory_space<vmem>>, %arg12: memref<2x8192xf32, #tpu.memory_space<vmem>>, %arg13: memref<16xf32, #tpu.memory_space<vmem>>, %arg14: memref<4096xf32, #tpu.memory_space<vmem>>, %arg15: memref<4096xf32, #tpu.memory_space<vmem>>, %arg16: memref<!tpu.dma_semaphore, #tpu.memory_space<semaphore_mem>>, %arg17: memref<!tpu.dma_semaphore, #tpu.memory_space<semaphore_mem>>, %arg18: memref<!tpu.dma_semaphore, #tpu.memory_space<semaphore_mem>>, %arg19: memref<!tpu.dma_semaphore, #tpu.memory_space<semaphore_mem>>, %arg20: memref<!tpu.dma_semaphore, #tpu.memory_space<semaphore_mem>>, %arg21: memref<!tpu.dma_semaphore, #tpu.memory_space<semaphore_mem>>, %arg22: memref<!tpu.dma_semaphore, #tpu.memory_space<semaphore_mem>>, %arg23: memref<!tpu.dma_semaphore, #tpu.memory_space<semaphore_mem>>) attributes {dimension_semantics = [#tpu.dimension_semantics<core_parallel>, #tpu.dimension_semantics<subcore_parallel>], iteration_bounds = array<i64: 2, 16>, scalar_prefetch = 0 : i64, scratch_operands = 17 : i64, tpu.core_type = #tpu.core_type<sc_vector_subcore>, window_params = [{transform_indices = #map}, {transform_indices = #map}, {transform_indices = #map1}, {transform_indices = #map}, {transform_indices = #map}]} {
    %mul3A = arith.constant 2 : i32
    %mul3A_0 = arith.muli %arg1, %mul3A : i32
    %add3A = arith.addi %mul3A_0, %arg0 : i32
    %mul3A_1 = arith.constant 256 : i32
    %mul3A_2 = arith.muli %add3A, %mul3A_1 : i32
    %mul3A_3 = arith.constant 128 : i32
    %mul3A_4 = arith.muli %add3A, %mul3A_3 : i32
    "tpu.region"() ({
      %run_scoped3A = tpu.sem_alloc : memref<!tpu.dma_semaphore, #tpu.memory_space<semaphore_mem>>
      %dma_start3A_2133 = arith.constant 0 : i32
      %dma_start3A_2134 = tpu.memref_slice %arg3[%mul3A_4, %dma_start3A_2133] : memref<4096x2xi32, #tpu.memory_space<hbm>> -> memref<128x2xi32, #tpu.memory_space<hbm>>
      %dma_start3A_2135 = arith.constant 0 : i32
      %dma_start3A_2136 = tpu.memref_slice %arg3[%mul3A_4, %dma_start3A_2135] : memref<4096x2xi32, #tpu.memory_space<hbm>> -> memref<128x2xi32, #tpu.memory_space<hbm>>
      tpu.enqueue_dma source(%dma_start3A_2136 : memref<128x2xi32, #tpu.memory_space<hbm>>) target(%arg7 : memref<128x2xi32, #tpu.memory_space<vmem>>) target_semaphore(%run_scoped3A : memref<!tpu.dma_semaphore, #tpu.memory_space<semaphore_mem>>)
      %dma_wait3A_2137 = arith.constant 0 : i32
      %dma_wait3A_2138 = tpu.memref_slice %arg3[%mul3A_4, %dma_wait3A_2137] : memref<4096x2xi32, #tpu.memory_space<hbm>> -> memref<128x2xi32, #tpu.memory_space<hbm>>
      %dma_wait3A_2139 = arith.constant 0 : i32
      %dma_wait3A_2140 = tpu.memref_slice %arg3[%mul3A_4, %dma_wait3A_2139] : memref<4096x2xi32, #tpu.memory_space<hbm>> -> memref<128x2xi32, #tpu.memory_space<hbm>>
      tpu.wait_dma2 semaphore(%run_scoped3A : memref<!tpu.dma_semaphore, #tpu.memory_space<semaphore_mem>>) src(%dma_wait3A_2140 : memref<128x2xi32, #tpu.memory_space<hbm>>) dst(%arg7 : memref<128x2xi32, #tpu.memory_space<vmem>>)
      tpu.yield
    }) : () -> ()
    "tpu.region"() ({
      %run_scoped3A = tpu.sem_alloc : memref<!tpu.dma_semaphore, #tpu.memory_space<semaphore_mem>>
      %dma_start3A_2133 = tpu.memref_slice %arg4[%mul3A_2] : memref<8192xi32, #tpu.memory_space<hbm>> -> memref<256xi32, #tpu.memory_space<hbm>>
      %dma_start3A_2134 = tpu.memref_slice %arg4[%mul3A_2] : memref<8192xi32, #tpu.memory_space<hbm>> -> memref<256xi32, #tpu.memory_space<hbm>>
      tpu.enqueue_dma source(%dma_start3A_2134 : memref<256xi32, #tpu.memory_space<hbm>>) target(%arg8 : memref<256xi32, #tpu.memory_space<vmem>>) target_semaphore(%run_scoped3A : memref<!tpu.dma_semaphore, #tpu.memory_space<semaphore_mem>>)
      %dma_wait3A_2135 = tpu.memref_slice %arg4[%mul3A_2] : memref<8192xi32, #tpu.memory_space<hbm>> -> memref<256xi32, #tpu.memory_space<hbm>>
      %dma_wait3A_2136 = tpu.memref_slice %arg4[%mul3A_2] : memref<8192xi32, #tpu.memory_space<hbm>> -> memref<256xi32, #tpu.memory_space<hbm>>
      tpu.wait_dma2 semaphore(%run_scoped3A : memref<!tpu.dma_semaphore, #tpu.memory_space<semaphore_mem>>) src(%dma_wait3A_2136 : memref<256xi32, #tpu.memory_space<hbm>>) dst(%arg8 : memref<256xi32, #tpu.memory_space<vmem>>)
      tpu.yield
    }) : () -> ()
    %iota3A = tpu.iota {dimensions = array<i32: 0>} : vector<16xi32>
    %dma_start3A = arith.constant 0 : i32
    %dma_start3A_5 = arith.constant 0 : i32
    %dma_start3A_6 = tpu.memref_slice %arg7[%dma_start3A, %dma_start3A_5] : memref<128x2xi32, #tpu.memory_space<vmem>> -> memref<1x2xi32, #tpu.memory_space<vmem>>
    %dma_start3A_7 = tpu.memref_squeeze %dma_start3A_6 : memref<1x2xi32, #tpu.memory_space<vmem>> -> memref<2xi32, #tpu.memory_space<vmem>>
    %dma_start3A_8 = arith.constant 0 : i32
    %dma_start3A_9 = arith.constant 0 : i32
    %dma_start3A_10 = tpu.memref_slice %arg2[%dma_start3A_8, %dma_start3A_9] : memref<8192x8192xf32, #tpu.memory_space<hbm>> -> memref<8192x8192xf32, #tpu.memory_space<hbm>>
    tpu.enqueue_indirect_dma source(%dma_start3A_10 : memref<8192x8192xf32, #tpu.memory_space<hbm>>) target(%arg9 : memref<2x8192xf32, #tpu.memory_space<vmem>>) offsets(%dma_start3A_7 : memref<2xi32, #tpu.memory_space<vmem>>) semaphore(%arg16 : memref<!tpu.dma_semaphore, #tpu.memory_space<semaphore_mem>>)
    %dma_start3A_11 = arith.constant 1 : i32
    %dma_start3A_12 = arith.constant 0 : i32
    %dma_start3A_13 = tpu.memref_slice %arg7[%dma_start3A_11, %dma_start3A_12] : memref<128x2xi32, #tpu.memory_space<vmem>> -> memref<1x2xi32, #tpu.memory_space<vmem>>
    %dma_start3A_14 = tpu.memref_squeeze %dma_start3A_13 : memref<1x2xi32, #tpu.memory_space<vmem>> -> memref<2xi32, #tpu.memory_space<vmem>>
    %dma_start3A_15 = arith.constant 0 : i32
    %dma_start3A_16 = arith.constant 0 : i32
    %dma_start3A_17 = tpu.memref_slice %arg2[%dma_start3A_15, %dma_start3A_16] : memref<8192x8192xf32, #tpu.memory_space<hbm>> -> memref<8192x8192xf32, #tpu.memory_space<hbm>>
    tpu.enqueue_indirect_dma source(%dma_start3A_17 : memref<8192x8192xf32, #tpu.memory_space<hbm>>) target(%arg10 : memref<2x8192xf32, #tpu.memory_space<vmem>>) offsets(%dma_start3A_14 : memref<2xi32, #tpu.memory_space<vmem>>) semaphore(%arg17 : memref<!tpu.dma_semaphore, #tpu.memory_space<semaphore_mem>>)
    %dma_start3A_18 = arith.constant 2 : i32
    %dma_start3A_19 = arith.constant 0 : i32
    %dma_start3A_20 = tpu.memref_slice %arg7[%dma_start3A_18, %dma_start3A_19] : memref<128x2xi32, #tpu.memory_space<vmem>> -> memref<1x2xi32, #tpu.memory_space<vmem>>
    %dma_start3A_21 = tpu.memref_squeeze %dma_start3A_20 : memref<1x2xi32, #tpu.memory_space<vmem>> -> memref<2xi32, #tpu.memory_space<vmem>>
    %dma_start3A_22 = arith.constant 0 : i32
    %dma_start3A_23 = arith.constant 0 : i32
    %dma_start3A_24 = tpu.memref_slice %arg2[%dma_start3A_22, %dma_start3A_23] : memref<8192x8192xf32, #tpu.memory_space<hbm>> -> memref<8192x8192xf32, #tpu.memory_space<hbm>>
    tpu.enqueue_indirect_dma source(%dma_start3A_24 : memref<8192x8192xf32, #tpu.memory_space<hbm>>) target(%arg11 : memref<2x8192xf32, #tpu.memory_space<vmem>>) offsets(%dma_start3A_21 : memref<2xi32, #tpu.memory_space<vmem>>) semaphore(%arg18 : memref<!tpu.dma_semaphore, #tpu.memory_space<semaphore_mem>>)
    %scan3A = arith.constant 0 : i32
    %scan3A_25 = arith.constant 0 : i32
    %scan3A_26 = arith.constant 32 : i32
    %scan3A_27 = arith.addi %scan3A_25, %scan3A_26 : i32
    %scan3A_28 = arith.constant 1 : i32
    scf.for %scan3A_2133 = %scan3A_25 to %scan3A_27 step %scan3A_28  : i32 {
      %mul3A_2134 = arith.constant 4 : i32
      %mul3A_2135 = arith.muli %mul3A_2134, %scan3A_2133 : i32
      %dma_wait3A_2136 = arith.constant 0 : i32
      %dma_wait3A_2137 = arith.constant 0 : i32
      %dma_wait3A_2138 = tpu.memref_slice %arg2[%dma_wait3A_2136, %dma_wait3A_2137] : memref<8192x8192xf32, #tpu.memory_space<hbm>> -> memref<2x8192xf32, #tpu.memory_space<hbm>>
      %dma_wait3A_2139 = arith.constant 0 : i32
      %dma_wait3A_2140 = arith.constant 0 : i32
      %dma_wait3A_2141 = tpu.memref_slice %arg2[%dma_wait3A_2139, %dma_wait3A_2140] : memref<8192x8192xf32, #tpu.memory_space<hbm>> -> memref<2x8192xf32, #tpu.memory_space<hbm>>
      tpu.wait_dma2 semaphore(%arg16 : memref<!tpu.dma_semaphore, #tpu.memory_space<semaphore_mem>>) src(%dma_wait3A_2141 : memref<2x8192xf32, #tpu.memory_space<hbm>>) dst(%arg9 : memref<2x8192xf32, #tpu.memory_space<vmem>>)
      %add3A_2142 = arith.constant 3 : i32
      %add3A_2143 = arith.addi %mul3A_2135, %add3A_2142 : i32
      %lt3A = arith.constant 128 : i32
      %lt3A_2144 = arith.cmpi slt, %add3A_2143, %lt3A : i32
      %convert_element_type3A_2145 = arith.extui %lt3A_2144 : i1 to i32
      %cond3A = arith.constant 0 : i32
      %cond3A_2146 = arith.cmpi ne, %convert_element_type3A_2145, %cond3A : i32
      scf.if %cond3A_2146 {
        %ge3A = arith.constant 1 : i32
        %ge3A_2444 = arith.cmpi sge, %mul3A_2135, %ge3A : i32
        %convert_element_type3A_2445 = arith.extui %ge3A_2444 : i1 to i32
        %cond3A_2446 = arith.constant 0 : i32
        %cond3A_2447 = arith.cmpi ne, %convert_element_type3A_2445, %cond3A_2446 : i32
        scf.if %cond3A_2447 {
          %dma_wait3A_2456 = arith.constant 0 : i32
          %dma_wait3A_2457 = arith.constant 0 : i32
          %dma_wait3A_2458 = tpu.memref_slice %arg2[%dma_wait3A_2456, %dma_wait3A_2457] : memref<8192x8192xf32, #tpu.memory_space<hbm>> -> memref<2x8192xf32, #tpu.memory_space<hbm>>
          %dma_wait3A_2459 = arith.constant 0 : i32
          %dma_wait3A_2460 = arith.constant 0 : i32
          %dma_wait3A_2461 = tpu.memref_slice %arg2[%dma_wait3A_2459, %dma_wait3A_2460] : memref<8192x8192xf32, #tpu.memory_space<hbm>> -> memref<2x8192xf32, #tpu.memory_space<hbm>>
          tpu.wait_dma2 semaphore(%arg23 : memref<!tpu.dma_semaphore, #tpu.memory_space<semaphore_mem>>) src(%dma_wait3A_2461 : memref<2x8192xf32, #tpu.memory_space<hbm>>) dst(%arg12 : memref<2x8192xf32, #tpu.memory_space<vmem>>)
        } else {
        }
        %add3A_2448 = arith.constant 3 : i32
        %add3A_2449 = arith.addi %mul3A_2135, %add3A_2448 : i32
        %dma_start3A_2450 = arith.constant 0 : i32
        %dma_start3A_2451 = tpu.memref_slice %arg7[%add3A_2449, %dma_start3A_2450] : memref<128x2xi32, #tpu.memory_space<vmem>> -> memref<1x2xi32, #tpu.memory_space<vmem>>
        %dma_start3A_2452 = tpu.memref_squeeze %dma_start3A_2451 : memref<1x2xi32, #tpu.memory_space<vmem>> -> memref<2xi32, #tpu.memory_space<vmem>>
        %dma_start3A_2453 = arith.constant 0 : i32
        %dma_start3A_2454 = arith.constant 0 : i32
        %dma_start3A_2455 = tpu.memref_slice %arg2[%dma_start3A_2453, %dma_start3A_2454] : memref<8192x8192xf32, #tpu.memory_space<hbm>> -> memref<8192x8192xf32, #tpu.memory_space<hbm>>
        tpu.enqueue_indirect_dma source(%dma_start3A_2455 : memref<8192x8192xf32, #tpu.memory_space<hbm>>) target(%arg12 : memref<2x8192xf32, #tpu.memory_space<vmem>>) offsets(%dma_start3A_2452 : memref<2xi32, #tpu.memory_space<vmem>>) semaphore(%arg19 : memref<!tpu.dma_semaphore, #tpu.memory_space<semaphore_mem>>)
      } else {
      }
      %mul3A_2147 = arith.constant 2 : i32
      %mul3A_2148 = arith.muli %mul3A_2135, %mul3A_2147 : i32
      %add3A_2149 = arith.addi %mul3A_2, %mul3A_2148 : i32
      %dma_start3A_2150 = arith.constant 0 : i32
      %dma_start3A_2151 = tpu.memref_slice %arg5[%add3A_2149, %dma_start3A_2150] : memref<8192x8192xf32, #tpu.memory_space<hbm>> -> memref<2x8192xf32, #tpu.memory_space<hbm>>
      %dma_start3A_2152 = arith.constant 0 : i32
      %dma_start3A_2153 = tpu.memref_slice %arg5[%add3A_2149, %dma_start3A_2152] : memref<8192x8192xf32, #tpu.memory_space<hbm>> -> memref<2x8192xf32, #tpu.memory_space<hbm>>
      tpu.enqueue_dma source(%arg9 : memref<2x8192xf32, #tpu.memory_space<vmem>>) target(%dma_start3A_2153 : memref<2x8192xf32, #tpu.memory_space<hbm>>) target_semaphore(%arg20 : memref<!tpu.dma_semaphore, #tpu.memory_space<semaphore_mem>>)
      %broadcast_in_dim3A_2154 = arith.constant 0.000000e+00 : f32
      %broadcast_in_dim3A_2155 = vector.broadcast %broadcast_in_dim3A_2154 : f32 to vector<16xf32>
      %scan3A_2156 = arith.constant 0 : i32
      %scan3A_2157 = arith.constant 32 : i32
      %scan3A_2158 = arith.addi %scan3A_2156, %scan3A_2157 : i32
      %scan3A_2159 = arith.constant 1 : i32
      %scan3A_2160:4 = scf.for %scan3A_2444 = %scan3A_2156 to %scan3A_2158 step %scan3A_2159 iter_args(%scan3A_2445 = %broadcast_in_dim3A_2155, %scan3A_2446 = %broadcast_in_dim3A_2155, %scan3A_2447 = %broadcast_in_dim3A_2155, %scan3A_2448 = %broadcast_in_dim3A_2155) -> (vector<16xf32>, vector<16xf32>, vector<16xf32>, vector<16xf32>)  : i32 {
        %mul3A_2449 = arith.constant 256 : i32
        %mul3A_2450 = arith.muli %scan3A_2444, %mul3A_2449 : i32
        %add3A_2451 = arith.constant 0 : i32
        %add3A_2452 = arith.addi %mul3A_2450, %add3A_2451 : i32
        %get3A = arith.constant 0 : i32
        %get3A_2453 = arith.index_cast %get3A : i32 to index
        %get3A_2454 = arith.index_cast %add3A_2452 : i32 to index
        %get3A_2455 = tpu.vector_load %arg9[%get3A_2453, %get3A_2454] {strides = array<i32>} : memref<2x8192xf32, #tpu.memory_space<vmem>>, vector<16xf32>,
        %exp3A_2456 = math.exp %get3A_2455 : vector<16xf32>
        %add3A_2457 = arith.addf %scan3A_2445, %exp3A_2456 : vector<16xf32>
        %add3A_2458 = arith.constant 0 : i32
        %add3A_2459 = arith.addi %mul3A_2450, %add3A_2458 : i32
        %add3A_2460 = arith.constant 16 : i32
        %add3A_2461 = arith.addi %add3A_2459, %add3A_2460 : i32
        %get3A_2462 = arith.constant 0 : i32
        %get3A_2463 = arith.index_cast %get3A_2462 : i32 to index
        %get3A_2464 = arith.index_cast %add3A_2461 : i32 to index
        %get3A_2465 = tpu.vector_load %arg9[%get3A_2463, %get3A_2464] {strides = array<i32>} : memref<2x8192xf32, #tpu.memory_space<vmem>>, vector<16xf32>,
        %exp3A_2466 = math.exp %get3A_2465 : vector<16xf32>
        %add3A_2467 = arith.addf %scan3A_2446, %exp3A_2466 : vector<16xf32>
        %add3A_2468 = arith.constant 0 : i32
        %add3A_2469 = arith.addi %mul3A_2450, %add3A_2468 : i32
        %add3A_2470 = arith.constant 32 : i32
        %add3A_2471 = arith.addi %add3A_2469, %add3A_2470 : i32
        %get3A_2472 = arith.constant 0 : i32
        %get3A_2473 = arith.index_cast %get3A_2472 : i32 to index
        %get3A_2474 = arith.index_cast %add3A_2471 : i32 to index
        %get3A_2475 = tpu.vector_load %arg9[%get3A_2473, %get3A_2474] {strides = array<i32>} : memref<2x8192xf32, #tpu.memory_space<vmem>>, vector<16xf32>,
        %exp3A_2476 = math.exp %get3A_2475 : vector<16xf32>
        %add3A_2477 = arith.addf %scan3A_2447, %exp3A_2476 : vector<16xf32>
        %add3A_2478 = arith.constant 0 : i32
        %add3A_2479 = arith.addi %mul3A_2450, %add3A_2478 : i32
        %add3A_2480 = arith.constant 48 : i32
        %add3A_2481 = arith.addi %add3A_2479, %add3A_2480 : i32
        %get3A_2482 = arith.constant 0 : i32
        %get3A_2483 = arith.index_cast %get3A_2482 : i32 to index
        %get3A_2484 = arith.index_cast %add3A_2481 : i32 to index
        %get3A_2485 = tpu.vector_load %arg9[%get3A_2483, %get3A_2484] {strides = array<i32>} : memref<2x8192xf32, #tpu.memory_space<vmem>>, vector<16xf32>,
        %exp3A_2486 = math.exp %get3A_2485 : vector<16xf32>
        %add3A_2487 = arith.addf %scan3A_2448, %exp3A_2486 : vector<16xf32>
        %add3A_2488 = arith.constant 64 : i32
        %add3A_2489 = arith.addi %mul3A_2450, %add3A_2488 : i32
        %get3A_2490 = arith.constant 0 : i32
        %get3A_2491 = arith.index_cast %get3A_2490 : i32 to index
        %get3A_2492 = arith.index_cast %add3A_2489 : i32 to index
        %get3A_2493 = tpu.vector_load %arg9[%get3A_2491, %get3A_2492] {strides = array<i32>} : memref<2x8192xf32, #tpu.memory_space<vmem>>, vector<16xf32>,
        %exp3A_2494 = math.exp %get3A_2493 : vector<16xf32>
        %add3A_2495 = arith.addf %add3A_2457, %exp3A_2494 : vector<16xf32>
        %add3A_2496 = arith.constant 64 : i32
        %add3A_2497 = arith.addi %mul3A_2450, %add3A_2496 : i32
        %add3A_2498 = arith.constant 16 : i32
        %add3A_2499 = arith.addi %add3A_2497, %add3A_2498 : i32
        %get3A_2500 = arith.constant 0 : i32
        %get3A_2501 = arith.index_cast %get3A_2500 : i32 to index
        %get3A_2502 = arith.index_cast %add3A_2499 : i32 to index
        %get3A_2503 = tpu.vector_load %arg9[%get3A_2501, %get3A_2502] {strides = array<i32>} : memref<2x8192xf32, #tpu.memory_space<vmem>>, vector<16xf32>,
        %exp3A_2504 = math.exp %get3A_2503 : vector<16xf32>
        %add3A_2505 = arith.addf %add3A_2467, %exp3A_2504 : vector<16xf32>
        %add3A_2506 = arith.constant 64 : i32
        %add3A_2507 = arith.addi %mul3A_2450, %add3A_2506 : i32
        %add3A_2508 = arith.constant 32 : i32
        %add3A_2509 = arith.addi %add3A_2507, %add3A_2508 : i32
        %get3A_2510 = arith.constant 0 : i32
        %get3A_2511 = arith.index_cast %get3A_2510 : i32 to index
        %get3A_2512 = arith.index_cast %add3A_2509 : i32 to index
        %get3A_2513 = tpu.vector_load %arg9[%get3A_2511, %get3A_2512] {strides = array<i32>} : memref<2x8192xf32, #tpu.memory_space<vmem>>, vector<16xf32>,
        %exp3A_2514 = math.exp %get3A_2513 : vector<16xf32>
        %add3A_2515 = arith.addf %add3A_2477, %exp3A_2514 : vector<16xf32>
        %add3A_2516 = arith.constant 64 : i32
        %add3A_2517 = arith.addi %mul3A_2450, %add3A_2516 : i32
        %add3A_2518 = arith.constant 48 : i32
        %add3A_2519 = arith.addi %add3A_2517, %add3A_2518 : i32
        %get3A_2520 = arith.constant 0 : i32
        %get3A_2521 = arith.index_cast %get3A_2520 : i32 to index
        %get3A_2522 = arith.index_cast %add3A_2519 : i32 to index
        %get3A_2523 = tpu.vector_load %arg9[%get3A_2521, %get3A_2522] {strides = array<i32>} : memref<2x8192xf32, #tpu.memory_space<vmem>>, vector<16xf32>,
        %exp3A_2524 = math.exp %get3A_2523 : vector<16xf32>
        %add3A_2525 = arith.addf %add3A_2487, %exp3A_2524 : vector<16xf32>
        %add3A_2526 = arith.constant 128 : i32
        %add3A_2527 = arith.addi %mul3A_2450, %add3A_2526 : i32
        %get3A_2528 = arith.constant 0 : i32
        %get3A_2529 = arith.index_cast %get3A_2528 : i32 to index
        %get3A_2530 = arith.index_cast %add3A_2527 : i32 to index
        %get3A_2531 = tpu.vector_load %arg9[%get3A_2529, %get3A_2530] {strides = array<i32>} : memref<2x8192xf32, #tpu.memory_space<vmem>>, vector<16xf32>,
        %exp3A_2532 = math.exp %get3A_2531 : vector<16xf32>
        %add3A_2533 = arith.addf %add3A_2495, %exp3A_2532 : vector<16xf32>
        %add3A_2534 = arith.constant 128 : i32
        %add3A_2535 = arith.addi %mul3A_2450, %add3A_2534 : i32
        %add3A_2536 = arith.constant 16 : i32
        %add3A_2537 = arith.addi %add3A_2535, %add3A_2536 : i32
        %get3A_2538 = arith.constant 0 : i32
        %get3A_2539 = arith.index_cast %get3A_2538 : i32 to index
        %get3A_2540 = arith.index_cast %add3A_2537 : i32 to index
        %get3A_2541 = tpu.vector_load %arg9[%get3A_2539, %get3A_2540] {strides = array<i32>} : memref<2x8192xf32, #tpu.memory_space<vmem>>, vector<16xf32>,
        %exp3A_2542 = math.exp %get3A_2541 : vector<16xf32>
        %add3A_2543 = arith.addf %add3A_2505, %exp3A_2542 : vector<16xf32>
        %add3A_2544 = arith.constant 128 : i32
        %add3A_2545 = arith.addi %mul3A_2450, %add3A_2544 : i32
        %add3A_2546 = arith.constant 32 : i32
        %add3A_2547 = arith.addi %add3A_2545, %add3A_2546 : i32
        %get3A_2548 = arith.constant 0 : i32
        %get3A_2549 = arith.index_cast %get3A_2548 : i32 to index
        %get3A_2550 = arith.index_cast %add3A_2547 : i32 to index
        %get3A_2551 = tpu.vector_load %arg9[%get3A_2549, %get3A_2550] {strides = array<i32>} : memref<2x8192xf32, #tpu.memory_space<vmem>>, vector<16xf32>,
        %exp3A_2552 = math.exp %get3A_2551 : vector<16xf32>
        %add3A_2553 = arith.addf %add3A_2515, %exp3A_2552 : vector<16xf32>
        %add3A_2554 = arith.constant 128 : i32
        %add3A_2555 = arith.addi %mul3A_2450, %add3A_2554 : i32
        %add3A_2556 = arith.constant 48 : i32
        %add3A_2557 = arith.addi %add3A_2555, %add3A_2556 : i32
        %get3A_2558 = arith.constant 0 : i32
        %get3A_2559 = arith.index_cast %get3A_2558 : i32 to index
        %get3A_2560 = arith.index_cast %add3A_2557 : i32 to index
        %get3A_2561 = tpu.vector_load %arg9[%get3A_2559, %get3A_2560] {strides = array<i32>} : memref<2x8192xf32, #tpu.memory_space<vmem>>, vector<16xf32>,
        %exp3A_2562 = math.exp %get3A_2561 : vector<16xf32>
        %add3A_2563 = arith.addf %add3A_2525, %exp3A_2562 : vector<16xf32>
        %add3A_2564 = arith.constant 192 : i32
        %add3A_2565 = arith.addi %mul3A_2450, %add3A_2564 : i32
        %get3A_2566 = arith.constant 0 : i32
        %get3A_2567 = arith.index_cast %get3A_2566 : i32 to index
        %get3A_2568 = arith.index_cast %add3A_2565 : i32 to index
        %get3A_2569 = tpu.vector_load %arg9[%get3A_2567, %get3A_2568] {strides = array<i32>} : memref<2x8192xf32, #tpu.memory_space<vmem>>, vector<16xf32>,
        %exp3A_2570 = math.exp %get3A_2569 : vector<16xf32>
        %add3A_2571 = arith.addf %add3A_2533, %exp3A_2570 : vector<16xf32>
        %add3A_2572 = arith.constant 192 : i32
        %add3A_2573 = arith.addi %mul3A_2450, %add3A_2572 : i32
        %add3A_2574 = arith.constant 16 : i32
        %add3A_2575 = arith.addi %add3A_2573, %add3A_2574 : i32
        %get3A_2576 = arith.constant 0 : i32
        %get3A_2577 = arith.index_cast %get3A_2576 : i32 to index
        %get3A_2578 = arith.index_cast %add3A_2575 : i32 to index
        %get3A_2579 = tpu.vector_load %arg9[%get3A_2577, %get3A_2578] {strides = array<i32>} : memref<2x8192xf32, #tpu.memory_space<vmem>>, vector<16xf32>,
        %exp3A_2580 = math.exp %get3A_2579 : vector<16xf32>
        %add3A_2581 = arith.addf %add3A_2543, %exp3A_2580 : vector<16xf32>
        %add3A_2582 = arith.constant 192 : i32
        %add3A_2583 = arith.addi %mul3A_2450, %add3A_2582 : i32
        %add3A_2584 = arith.constant 32 : i32
        %add3A_2585 = arith.addi %add3A_2583, %add3A_2584 : i32
        %get3A_2586 = arith.constant 0 : i32
        %get3A_2587 = arith.index_cast %get3A_2586 : i32 to index
        %get3A_2588 = arith.index_cast %add3A_2585 : i32 to index
        %get3A_2589 = tpu.vector_load %arg9[%get3A_2587, %get3A_2588] {strides = array<i32>} : memref<2x8192xf32, #tpu.memory_space<vmem>>, vector<16xf32>,
        %exp3A_2590 = math.exp %get3A_2589 : vector<16xf32>
        %add3A_2591 = arith.addf %add3A_2553, %exp3A_2590 : vector<16xf32>
        %add3A_2592 = arith.constant 192 : i32
        %add3A_2593 = arith.addi %mul3A_2450, %add3A_2592 : i32
        %add3A_2594 = arith.constant 48 : i32
        %add3A_2595 = arith.addi %add3A_2593, %add3A_2594 : i32
        %get3A_2596 = arith.constant 0 : i32
        %get3A_2597 = arith.index_cast %get3A_2596 : i32 to index
        %get3A_2598 = arith.index_cast %add3A_2595 : i32 to index
        %get3A_2599 = tpu.vector_load %arg9[%get3A_2597, %get3A_2598] {strides = array<i32>} : memref<2x8192xf32, #tpu.memory_space<vmem>>, vector<16xf32>,
        %exp3A_2600 = math.exp %get3A_2599 : vector<16xf32>
        %add3A_2601 = arith.addf %add3A_2563, %exp3A_2600 : vector<16xf32>
        scf.yield %add3A_2571, %add3A_2581, %add3A_2591, %add3A_2601 : vector<16xf32>, vector<16xf32>, vector<16xf32>, vector<16xf32>
      }
      %scan3A_2161 = arith.constant 32 : i32
      %mul3A_2162 = arith.constant 2 : i32
      %mul3A_2163 = arith.muli %mul3A_2135, %mul3A_2162 : i32
      %add3A_2164 = arith.constant 0 : i32
      %add3A_2165 = arith.addi %mul3A_2163, %add3A_2164 : i32
      %add3A_2166 = arith.addf %scan3A_2160#0, %scan3A_2160#1 : vector<16xf32>
      %add3A_2167 = arith.addf %scan3A_2160#2, %scan3A_2160#3 : vector<16xf32>
      %add3A_2168 = arith.addf %add3A_2166, %add3A_2167 : vector<16xf32>
      %mul3A_2169 = arith.constant 16 : i32
      %mul3A_2170 = arith.muli %add3A_2165, %mul3A_2169 : i32
      %swap3A_2171 = arith.index_cast %mul3A_2170 : i32 to index
      %swap3A_2172 = tpu.vector_load %arg14[%swap3A_2171] {strides = array<i32>} : memref<4096xf32, #tpu.memory_space<vmem>>, vector<16xf32>,
      tpu.vector_store %arg14[%swap3A_2171], %add3A_2168 {strides = array<i32>} : memref<4096xf32, #tpu.memory_space<vmem>>, vector<16xf32>,
      %broadcast_in_dim3A_2173 = vector.broadcast %add3A_2165 : i32 to vector<16xi32>
      %gather3A_2174 = tpu.vector_load_idx %arg8[%broadcast_in_dim3A_2173] : memref<256xi32, #tpu.memory_space<vmem>>[vector<16xi32>], vector<16xi32>,
      %broadcast_in_dim3A_2175 = arith.constant 0 : i32
      %broadcast_in_dim3A_2176 = vector.broadcast %broadcast_in_dim3A_2175 : i32 to vector<16xi32>
      %gather3A_2177 = tpu.vector_load_idx %arg9[%broadcast_in_dim3A_2176, %gather3A_2174] : memref<2x8192xf32, #tpu.memory_space<vmem>>[vector<16xi32>, vector<16xi32>], vector<16xf32>,
      %mul3A_2178 = arith.constant 16 : i32
      %mul3A_2179 = arith.muli %add3A_2165, %mul3A_2178 : i32
      %swap3A_2180 = arith.index_cast %mul3A_2179 : i32 to index
      %swap3A_2181 = tpu.vector_load %arg15[%swap3A_2180] {strides = array<i32>} : memref<4096xf32, #tpu.memory_space<vmem>>, vector<16xf32>,
      tpu.vector_store %arg15[%swap3A_2180], %gather3A_2177 {strides = array<i32>} : memref<4096xf32, #tpu.memory_space<vmem>>, vector<16xf32>,
      %broadcast_in_dim3A_2182 = arith.constant 0.000000e+00 : f32
      %broadcast_in_dim3A_2183 = vector.broadcast %broadcast_in_dim3A_2182 : f32 to vector<16xf32>
      %scan3A_2184 = arith.constant 0 : i32
      %scan3A_2185 = arith.constant 32 : i32
      %scan3A_2186 = arith.addi %scan3A_2184, %scan3A_2185 : i32
      %scan3A_2187 = arith.constant 1 : i32
      %scan3A_2188:4 = scf.for %scan3A_2444 = %scan3A_2184 to %scan3A_2186 step %scan3A_2187 iter_args(%scan3A_2445 = %broadcast_in_dim3A_2183, %scan3A_2446 = %broadcast_in_dim3A_2183, %scan3A_2447 = %broadcast_in_dim3A_2183, %scan3A_2448 = %broadcast_in_dim3A_2183) -> (vector<16xf32>, vector<16xf32>, vector<16xf32>, vector<16xf32>)  : i32 {
        %mul3A_2449 = arith.constant 256 : i32
        %mul3A_2450 = arith.muli %scan3A_2444, %mul3A_2449 : i32
        %add3A_2451 = arith.constant 0 : i32
        %add3A_2452 = arith.addi %mul3A_2450, %add3A_2451 : i32
        %get3A = arith.constant 1 : i32
        %get3A_2453 = arith.index_cast %get3A : i32 to index
        %get3A_2454 = arith.index_cast %add3A_2452 : i32 to index
        %get3A_2455 = tpu.vector_load %arg9[%get3A_2453, %get3A_2454] {strides = array<i32>} : memref<2x8192xf32, #tpu.memory_space<vmem>>, vector<16xf32>,
        %exp3A_2456 = math.exp %get3A_2455 : vector<16xf32>
        %add3A_2457 = arith.addf %scan3A_2445, %exp3A_2456 : vector<16xf32>
        %add3A_2458 = arith.constant 0 : i32
        %add3A_2459 = arith.addi %mul3A_2450, %add3A_2458 : i32
        %add3A_2460 = arith.constant 16 : i32
        %add3A_2461 = arith.addi %add3A_2459, %add3A_2460 : i32
        %get3A_2462 = arith.constant 1 : i32
        %get3A_2463 = arith.index_cast %get3A_2462 : i32 to index
        %get3A_2464 = arith.index_cast %add3A_2461 : i32 to index
        %get3A_2465 = tpu.vector_load %arg9[%get3A_2463, %get3A_2464] {strides = array<i32>} : memref<2x8192xf32, #tpu.memory_space<vmem>>, vector<16xf32>,
        %exp3A_2466 = math.exp %get3A_2465 : vector<16xf32>
        %add3A_2467 = arith.addf %scan3A_2446, %exp3A_2466 : vector<16xf32>
        %add3A_2468 = arith.constant 0 : i32
        %add3A_2469 = arith.addi %mul3A_2450, %add3A_2468 : i32
        %add3A_2470 = arith.constant 32 : i32
        %add3A_2471 = arith.addi %add3A_2469, %add3A_2470 : i32
        %get3A_2472 = arith.constant 1 : i32
        %get3A_2473 = arith.index_cast %get3A_2472 : i32 to index
        %get3A_2474 = arith.index_cast %add3A_2471 : i32 to index
        %get3A_2475 = tpu.vector_load %arg9[%get3A_2473, %get3A_2474] {strides = array<i32>} : memref<2x8192xf32, #tpu.memory_space<vmem>>, vector<16xf32>,
        %exp3A_2476 = math.exp %get3A_2475 : vector<16xf32>
        %add3A_2477 = arith.addf %scan3A_2447, %exp3A_2476 : vector<16xf32>
        %add3A_2478 = arith.constant 0 : i32
        %add3A_2479 = arith.addi %mul3A_2450, %add3A_2478 : i32
        %add3A_2480 = arith.constant 48 : i32
        %add3A_2481 = arith.addi %add3A_2479, %add3A_2480 : i32
        %get3A_2482 = arith.constant 1 : i32
        %get3A_2483 = arith.index_cast %get3A_2482 : i32 to index
        %get3A_2484 = arith.index_cast %add3A_2481 : i32 to index
        %get3A_2485 = tpu.vector_load %arg9[%get3A_2483, %get3A_2484] {strides = array<i32>} : memref<2x8192xf32, #tpu.memory_space<vmem>>, vector<16xf32>,
        %exp3A_2486 = math.exp %get3A_2485 : vector<16xf32>
        %add3A_2487 = arith.addf %scan3A_2448, %exp3A_2486 : vector<16xf32>
        %add3A_2488 = arith.constant 64 : i32
        %add3A_2489 = arith.addi %mul3A_2450, %add3A_2488 : i32
        %get3A_2490 = arith.constant 1 : i32
        %get3A_2491 = arith.index_cast %get3A_2490 : i32 to index
        %get3A_2492 = arith.index_cast %add3A_2489 : i32 to index
        %get3A_2493 = tpu.vector_load %arg9[%get3A_2491, %get3A_2492] {strides = array<i32>} : memref<2x8192xf32, #tpu.memory_space<vmem>>, vector<16xf32>,
        %exp3A_2494 = math.exp %get3A_2493 : vector<16xf32>
        %add3A_2495 = arith.addf %add3A_2457, %exp3A_2494 : vector<16xf32>
        %add3A_2496 = arith.constant 64 : i32
        %add3A_2497 = arith.addi %mul3A_2450, %add3A_2496 : i32
        %add3A_2498 = arith.constant 16 : i32
        %add3A_2499 = arith.addi %add3A_2497, %add3A_2498 : i32
        %get3A_2500 = arith.constant 1 : i32
        %get3A_2501 = arith.index_cast %get3A_2500 : i32 to index
        %get3A_2502 = arith.index_cast %add3A_2499 : i32 to index
        %get3A_2503 = tpu.vector_load %arg9[%get3A_2501, %get3A_2502] {strides = array<i32>} : memref<2x8192xf32, #tpu.memory_space<vmem>>, vector<16xf32>,
        %exp3A_2504 = math.exp %get3A_2503 : vector<16xf32>
        %add3A_2505 = arith.addf %add3A_2467, %exp3A_2504 : vector<16xf32>
        %add3A_2506 = arith.constant 64 : i32
        %add3A_2507 = arith.addi %mul3A_2450, %add3A_2506 : i32
        %add3A_2508 = arith.constant 32 : i32
        %add3A_2509 = arith.addi %add3A_2507, %add3A_2508 : i32
        %get3A_2510 = arith.constant 1 : i32
        %get3A_2511 = arith.index_cast %get3A_2510 : i32 to index
        %get3A_2512 = arith.index_cast %add3A_2509 : i32 to index
        %get3A_2513 = tpu.vector_load %arg9[%get3A_2511, %get3A_2512] {strides = array<i32>} : memref<2x8192xf32, #tpu.memory_space<vmem>>, vector<16xf32>,
        %exp3A_2514 = math.exp %get3A_2513 : vector<16xf32>
        %add3A_2515 = arith.addf %add3A_2477, %exp3A_2514 : vector<16xf32>
        %add3A_2516 = arith.constant 64 : i32
        %add3A_2517 = arith.addi %mul3A_2450, %add3A_2516 : i32
        %add3A_2518 = arith.constant 48 : i32
        %add3A_2519 = arith.addi %add3A_2517, %add3A_2518 : i32
        %get3A_2520 = arith.constant 1 : i32
        %get3A_2521 = arith.index_cast %get3A_2520 : i32 to index
        %get3A_2522 = arith.index_cast %add3A_2519 : i32 to index
        %get3A_2523 = tpu.vector_load %arg9[%get3A_2521, %get3A_2522] {strides = array<i32>} : memref<2x8192xf32, #tpu.memory_space<vmem>>, vector<16xf32>,
        %exp3A_2524 = math.exp %get3A_2523 : vector<16xf32>
        %add3A_2525 = arith.addf %add3A_2487, %exp3A_2524 : vector<16xf32>
        %add3A_2526 = arith.constant 128 : i32
        %add3A_2527 = arith.addi %mul3A_2450, %add3A_2526 : i32
        %get3A_2528 = arith.constant 1 : i32
        %get3A_2529 = arith.index_cast %get3A_2528 : i32 to index
        %get3A_2530 = arith.index_cast %add3A_2527 : i32 to index
        %get3A_2531 = tpu.vector_load %arg9[%get3A_2529, %get3A_2530] {strides = array<i32>} : memref<2x8192xf32, #tpu.memory_space<vmem>>, vector<16xf32>,
        %exp3A_2532 = math.exp %get3A_2531 : vector<16xf32>
        %add3A_2533 = arith.addf %add3A_2495, %exp3A_2532 : vector<16xf32>
        %add3A_2534 = arith.constant 128 : i32
        %add3A_2535 = arith.addi %mul3A_2450, %add3A_2534 : i32
        %add3A_2536 = arith.constant 16 : i32
        %add3A_2537 = arith.addi %add3A_2535, %add3A_2536 : i32
        %get3A_2538 = arith.constant 1 : i32
        %get3A_2539 = arith.index_cast %get3A_2538 : i32 to index
        %get3A_2540 = arith.index_cast %add3A_2537 : i32 to index
        %get3A_2541 = tpu.vector_load %arg9[%get3A_2539, %get3A_2540] {strides = array<i32>} : memref<2x8192xf32, #tpu.memory_space<vmem>>, vector<16xf32>,
        %exp3A_2542 = math.exp %get3A_2541 : vector<16xf32>
        %add3A_2543 = arith.addf %add3A_2505, %exp3A_2542 : vector<16xf32>
        %add3A_2544 = arith.constant 128 : i32
        %add3A_2545 = arith.addi %mul3A_2450, %add3A_2544 : i32
        %add3A_2546 = arith.constant 32 : i32
        %add3A_2547 = arith.addi %add3A_2545, %add3A_2546 : i32
        %get3A_2548 = arith.constant 1 : i32
        %get3A_2549 = arith.index_cast %get3A_2548 : i32 to index
        %get3A_2550 = arith.index_cast %add3A_2547 : i32 to index
        %get3A_2551 = tpu.vector_load %arg9[%get3A_2549, %get3A_2550] {strides = array<i32>} : memref<2x8192xf32, #tpu.memory_space<vmem>>, vector<16xf32>,
        %exp3A_2552 = math.exp %get3A_2551 : vector<16xf32>
        %add3A_2553 = arith.addf %add3A_2515, %exp3A_2552 : vector<16xf32>
        %add3A_2554 = arith.constant 128 : i32
        %add3A_2555 = arith.addi %mul3A_2450, %add3A_2554 : i32
        %add3A_2556 = arith.constant 48 : i32
        %add3A_2557 = arith.addi %add3A_2555, %add3A_2556 : i32
        %get3A_2558 = arith.constant 1 : i32
        %get3A_2559 = arith.index_cast %get3A_2558 : i32 to index
        %get3A_2560 = arith.index_cast %add3A_2557 : i32 to index
        %get3A_2561 = tpu.vector_load %arg9[%get3A_2559, %get3A_2560] {strides = array<i32>} : memref<2x8192xf32, #tpu.memory_space<vmem>>, vector<16xf32>,
        %exp3A_2562 = math.exp %get3A_2561 : vector<16xf32>
        %add3A_2563 = arith.addf %add3A_2525, %exp3A_2562 : vector<16xf32>
        %add3A_2564 = arith.constant 192 : i32
        %add3A_2565 = arith.addi %mul3A_2450, %add3A_2564 : i32
        %get3A_2566 = arith.constant 1 : i32
        %get3A_2567 = arith.index_cast %get3A_2566 : i32 to index
        %get3A_2568 = arith.index_cast %add3A_2565 : i32 to index
        %get3A_2569 = tpu.vector_load %arg9[%get3A_2567, %get3A_2568] {strides = array<i32>} : memref<2x8192xf32, #tpu.memory_space<vmem>>, vector<16xf32>,
        %exp3A_2570 = math.exp %get3A_2569 : vector<16xf32>
        %add3A_2571 = arith.addf %add3A_2533, %exp3A_2570 : vector<16xf32>
        %add3A_2572 = arith.constant 192 : i32
        %add3A_2573 = arith.addi %mul3A_2450, %add3A_2572 : i32
        %add3A_2574 = arith.constant 16 : i32
        %add3A_2575 = arith.addi %add3A_2573, %add3A_2574 : i32
        %get3A_2576 = arith.constant 1 : i32
        %get3A_2577 = arith.index_cast %get3A_2576 : i32 to index
        %get3A_2578 = arith.index_cast %add3A_2575 : i32 to index
        %get3A_2579 = tpu.vector_load %arg9[%get3A_2577, %get3A_2578] {strides = array<i32>} : memref<2x8192xf32, #tpu.memory_space<vmem>>, vector<16xf32>,
        %exp3A_2580 = math.exp %get3A_2579 : vector<16xf32>
        %add3A_2581 = arith.addf %add3A_2543, %exp3A_2580 : vector<16xf32>
        %add3A_2582 = arith.constant 192 : i32
        %add3A_2583 = arith.addi %mul3A_2450, %add3A_2582 : i32
        %add3A_2584 = arith.constant 32 : i32
        %add3A_2585 = arith.addi %add3A_2583, %add3A_2584 : i32
        %get3A_2586 = arith.constant 1 : i32
        %get3A_2587 = arith.index_cast %get3A_2586 : i32 to index
        %get3A_2588 = arith.index_cast %add3A_2585 : i32 to index
        %get3A_2589 = tpu.vector_load %arg9[%get3A_2587, %get3A_2588] {strides = array<i32>} : memref<2x8192xf32, #tpu.memory_space<vmem>>, vector<16xf32>,
        %exp3A_2590 = math.exp %get3A_2589 : vector<16xf32>
        %add3A_2591 = arith.addf %add3A_2553, %exp3A_2590 : vector<16xf32>
        %add3A_2592 = arith.constant 192 : i32
        %add3A_2593 = arith.addi %mul3A_2450, %add3A_2592 : i32
        %add3A_2594 = arith.constant 48 : i32
        %add3A_2595 = arith.addi %add3A_2593, %add3A_2594 : i32
        %get3A_2596 = arith.constant 1 : i32
        %get3A_2597 = arith.index_cast %get3A_2596 : i32 to index
        %get3A_2598 = arith.index_cast %add3A_2595 : i32 to index
        %get3A_2599 = tpu.vector_load %arg9[%get3A_2597, %get3A_2598] {strides = array<i32>} : memref<2x8192xf32, #tpu.memory_space<vmem>>, vector<16xf32>,
        %exp3A_2600 = math.exp %get3A_2599 : vector<16xf32>
        %add3A_2601 = arith.addf %add3A_2563, %exp3A_2600 : vector<16xf32>
        scf.yield %add3A_2571, %add3A_2581, %add3A_2591, %add3A_2601 : vector<16xf32>, vector<16xf32>, vector<16xf32>, vector<16xf32>
      }
      %scan3A_2189 = arith.constant 32 : i32
      %mul3A_2190 = arith.constant 2 : i32
      %mul3A_2191 = arith.muli %mul3A_2135, %mul3A_2190 : i32
      %add3A_2192 = arith.constant 1 : i32
      %add3A_2193 = arith.addi %mul3A_2191, %add3A_2192 : i32
      %add3A_2194 = arith.addf %scan3A_2188#0, %scan3A_2188#1 : vector<16xf32>
      %add3A_2195 = arith.addf %scan3A_2188#2, %scan3A_2188#3 : vector<16xf32>
      %add3A_2196 = arith.addf %add3A_2194, %add3A_2195 : vector<16xf32>
      %mul3A_2197 = arith.constant 16 : i32
      %mul3A_2198 = arith.muli %add3A_2193, %mul3A_2197 : i32
      %swap3A_2199 = arith.index_cast %mul3A_2198 : i32 to index
      %swap3A_2200 = tpu.vector_load %arg14[%swap3A_2199] {strides = array<i32>} : memref<4096xf32, #tpu.memory_space<vmem>>, vector<16xf32>,
      tpu.vector_store %arg14[%swap3A_2199], %add3A_2196 {strides = array<i32>} : memref<4096xf32, #tpu.memory_space<vmem>>, vector<16xf32>,
      %broadcast_in_dim3A_2201 = vector.broadcast %add3A_2193 : i32 to vector<16xi32>
      %gather3A_2202 = tpu.vector_load_idx %arg8[%broadcast_in_dim3A_2201] : memref<256xi32, #tpu.memory_space<vmem>>[vector<16xi32>], vector<16xi32>,
      %broadcast_in_dim3A_2203 = arith.constant 1 : i32
      %broadcast_in_dim3A_2204 = vector.broadcast %broadcast_in_dim3A_2203 : i32 to vector<16xi32>
      %gather3A_2205 = tpu.vector_load_idx %arg9[%broadcast_in_dim3A_2204, %gather3A_2202] : memref<2x8192xf32, #tpu.memory_space<vmem>>[vector<16xi32>, vector<16xi32>], vector<16xf32>,
      %mul3A_2206 = arith.constant 16 : i32
      %mul3A_2207 = arith.muli %add3A_2193, %mul3A_2206 : i32
      %swap3A_2208 = arith.index_cast %mul3A_2207 : i32 to index
      %swap3A_2209 = tpu.vector_load %arg15[%swap3A_2208] {strides = array<i32>} : memref<4096xf32, #tpu.memory_space<vmem>>, vector<16xf32>,
      tpu.vector_store %arg15[%swap3A_2208], %gather3A_2205 {strides = array<i32>} : memref<4096xf32, #tpu.memory_space<vmem>>, vector<16xf32>,
      %add3A_2210 = arith.constant 1 : i32
      %add3A_2211 = arith.addi %mul3A_2135, %add3A_2210 : i32
      %dma_wait3A_2212 = arith.constant 0 : i32
      %dma_wait3A_2213 = arith.constant 0 : i32
      %dma_wait3A_2214 = tpu.memref_slice %arg2[%dma_wait3A_2212, %dma_wait3A_2213] : memref<8192x8192xf32, #tpu.memory_space<hbm>> -> memref<2x8192xf32, #tpu.memory_space<hbm>>
      %dma_wait3A_2215 = arith.constant 0 : i32
      %dma_wait3A_2216 = arith.constant 0 : i32
      %dma_wait3A_2217 = tpu.memref_slice %arg2[%dma_wait3A_2215, %dma_wait3A_2216] : memref<8192x8192xf32, #tpu.memory_space<hbm>> -> memref<2x8192xf32, #tpu.memory_space<hbm>>
      tpu.wait_dma2 semaphore(%arg17 : memref<!tpu.dma_semaphore, #tpu.memory_space<semaphore_mem>>) src(%dma_wait3A_2217 : memref<2x8192xf32, #tpu.memory_space<hbm>>) dst(%arg10 : memref<2x8192xf32, #tpu.memory_space<vmem>>)
      %add3A_2218 = arith.constant 3 : i32
      %add3A_2219 = arith.addi %add3A_2211, %add3A_2218 : i32
      %lt3A_2220 = arith.constant 128 : i32
      %lt3A_2221 = arith.cmpi slt, %add3A_2219, %lt3A_2220 : i32
      %convert_element_type3A_2222 = arith.extui %lt3A_2221 : i1 to i32
      %cond3A_2223 = arith.constant 0 : i32
      %cond3A_2224 = arith.cmpi ne, %convert_element_type3A_2222, %cond3A_2223 : i32
      scf.if %cond3A_2224 {
        %ge3A = arith.constant 1 : i32
        %ge3A_2444 = arith.cmpi sge, %add3A_2211, %ge3A : i32
        %convert_element_type3A_2445 = arith.extui %ge3A_2444 : i1 to i32
        %cond3A_2446 = arith.constant 0 : i32
        %cond3A_2447 = arith.cmpi ne, %convert_element_type3A_2445, %cond3A_2446 : i32
        scf.if %cond3A_2447 {
          %dma_wait3A_2456 = arith.constant 0 : i32
          %dma_wait3A_2457 = arith.constant 0 : i32
          %dma_wait3A_2458 = tpu.memref_slice %arg2[%dma_wait3A_2456, %dma_wait3A_2457] : memref<8192x8192xf32, #tpu.memory_space<hbm>> -> memref<2x8192xf32, #tpu.memory_space<hbm>>
          %dma_wait3A_2459 = arith.constant 0 : i32
          %dma_wait3A_2460 = arith.constant 0 : i32
          %dma_wait3A_2461 = tpu.memref_slice %arg2[%dma_wait3A_2459, %dma_wait3A_2460] : memref<8192x8192xf32, #tpu.memory_space<hbm>> -> memref<2x8192xf32, #tpu.memory_space<hbm>>
          tpu.wait_dma2 semaphore(%arg20 : memref<!tpu.dma_semaphore, #tpu.memory_space<semaphore_mem>>) src(%dma_wait3A_2461 : memref<2x8192xf32, #tpu.memory_space<hbm>>) dst(%arg9 : memref<2x8192xf32, #tpu.memory_space<vmem>>)
        } else {
        }
        %add3A_2448 = arith.constant 3 : i32
        %add3A_2449 = arith.addi %add3A_2211, %add3A_2448 : i32
        %dma_start3A_2450 = arith.constant 0 : i32
        %dma_start3A_2451 = tpu.memref_slice %arg7[%add3A_2449, %dma_start3A_2450] : memref<128x2xi32, #tpu.memory_space<vmem>> -> memref<1x2xi32, #tpu.memory_space<vmem>>
        %dma_start3A_2452 = tpu.memref_squeeze %dma_start3A_2451 : memref<1x2xi32, #tpu.memory_space<vmem>> -> memref<2xi32, #tpu.memory_space<vmem>>
        %dma_start3A_2453 = arith.constant 0 : i32
        %dma_start3A_2454 = arith.constant 0 : i32
        %dma_start3A_2455 = tpu.memref_slice %arg2[%dma_start3A_2453, %dma_start3A_2454] : memref<8192x8192xf32, #tpu.memory_space<hbm>> -> memref<8192x8192xf32, #tpu.memory_space<hbm>>
        tpu.enqueue_indirect_dma source(%dma_start3A_2455 : memref<8192x8192xf32, #tpu.memory_space<hbm>>) target(%arg9 : memref<2x8192xf32, #tpu.memory_space<vmem>>) offsets(%dma_start3A_2452 : memref<2xi32, #tpu.memory_space<vmem>>) semaphore(%arg16 : memref<!tpu.dma_semaphore, #tpu.memory_space<semaphore_mem>>)
      } else {
      }
      %mul3A_2225 = arith.constant 2 : i32
      %mul3A_2226 = arith.muli %add3A_2211, %mul3A_2225 : i32
      %add3A_2227 = arith.addi %mul3A_2, %mul3A_2226 : i32
      %dma_start3A_2228 = arith.constant 0 : i32
      %dma_start3A_2229 = tpu.memref_slice %arg5[%add3A_2227, %dma_start3A_2228] : memref<8192x8192xf32, #tpu.memory_space<hbm>> -> memref<2x8192xf32, #tpu.memory_space<hbm>>
      %dma_start3A_2230 = arith.constant 0 : i32
      %dma_start3A_2231 = tpu.memref_slice %arg5[%add3A_2227, %dma_start3A_2230] : memref<8192x8192xf32, #tpu.memory_space<hbm>> -> memref<2x8192xf32, #tpu.memory_space<hbm>>
      tpu.enqueue_dma source(%arg10 : memref<2x8192xf32, #tpu.memory_space<vmem>>) target(%dma_start3A_2231 : memref<2x8192xf32, #tpu.memory_space<hbm>>) target_semaphore(%arg21 : memref<!tpu.dma_semaphore, #tpu.memory_space<semaphore_mem>>)
      %broadcast_in_dim3A_2232 = arith.constant 0.000000e+00 : f32
      %broadcast_in_dim3A_2233 = vector.broadcast %broadcast_in_dim3A_2232 : f32 to vector<16xf32>
      %scan3A_2234 = arith.constant 0 : i32
      %scan3A_2235 = arith.constant 32 : i32
      %scan3A_2236 = arith.addi %scan3A_2234, %scan3A_2235 : i32
      %scan3A_2237 = arith.constant 1 : i32
      %scan3A_2238:4 = scf.for %scan3A_2444 = %scan3A_2234 to %scan3A_2236 step %scan3A_2237 iter_args(%scan3A_2445 = %broadcast_in_dim3A_2233, %scan3A_2446 = %broadcast_in_dim3A_2233, %scan3A_2447 = %broadcast_in_dim3A_2233, %scan3A_2448 = %broadcast_in_dim3A_2233) -> (vector<16xf32>, vector<16xf32>, vector<16xf32>, vector<16xf32>)  : i32 {
        %mul3A_2449 = arith.constant 256 : i32
        %mul3A_2450 = arith.muli %scan3A_2444, %mul3A_2449 : i32
        %add3A_2451 = arith.constant 0 : i32
        %add3A_2452 = arith.addi %mul3A_2450, %add3A_2451 : i32
        %get3A = arith.constant 0 : i32
        %get3A_2453 = arith.index_cast %get3A : i32 to index
        %get3A_2454 = arith.index_cast %add3A_2452 : i32 to index
        %get3A_2455 = tpu.vector_load %arg10[%get3A_2453, %get3A_2454] {strides = array<i32>} : memref<2x8192xf32, #tpu.memory_space<vmem>>, vector<16xf32>,
        %exp3A_2456 = math.exp %get3A_2455 : vector<16xf32>
        %add3A_2457 = arith.addf %scan3A_2445, %exp3A_2456 : vector<16xf32>
        %add3A_2458 = arith.constant 0 : i32
        %add3A_2459 = arith.addi %mul3A_2450, %add3A_2458 : i32
        %add3A_2460 = arith.constant 16 : i32
        %add3A_2461 = arith.addi %add3A_2459, %add3A_2460 : i32
        %get3A_2462 = arith.constant 0 : i32
        %get3A_2463 = arith.index_cast %get3A_2462 : i32 to index
        %get3A_2464 = arith.index_cast %add3A_2461 : i32 to index
        %get3A_2465 = tpu.vector_load %arg10[%get3A_2463, %get3A_2464] {strides = array<i32>} : memref<2x8192xf32, #tpu.memory_space<vmem>>, vector<16xf32>,
        %exp3A_2466 = math.exp %get3A_2465 : vector<16xf32>
        %add3A_2467 = arith.addf %scan3A_2446, %exp3A_2466 : vector<16xf32>
        %add3A_2468 = arith.constant 0 : i32
        %add3A_2469 = arith.addi %mul3A_2450, %add3A_2468 : i32
        %add3A_2470 = arith.constant 32 : i32
        %add3A_2471 = arith.addi %add3A_2469, %add3A_2470 : i32
        %get3A_2472 = arith.constant 0 : i32
        %get3A_2473 = arith.index_cast %get3A_2472 : i32 to index
        %get3A_2474 = arith.index_cast %add3A_2471 : i32 to index
        %get3A_2475 = tpu.vector_load %arg10[%get3A_2473, %get3A_2474] {strides = array<i32>} : memref<2x8192xf32, #tpu.memory_space<vmem>>, vector<16xf32>,
        %exp3A_2476 = math.exp %get3A_2475 : vector<16xf32>
        %add3A_2477 = arith.addf %scan3A_2447, %exp3A_2476 : vector<16xf32>
        %add3A_2478 = arith.constant 0 : i32
        %add3A_2479 = arith.addi %mul3A_2450, %add3A_2478 : i32
        %add3A_2480 = arith.constant 48 : i32
        %add3A_2481 = arith.addi %add3A_2479, %add3A_2480 : i32
        %get3A_2482 = arith.constant 0 : i32
        %get3A_2483 = arith.index_cast %get3A_2482 : i32 to index
        %get3A_2484 = arith.index_cast %add3A_2481 : i32 to index
        %get3A_2485 = tpu.vector_load %arg10[%get3A_2483, %get3A_2484] {strides = array<i32>} : memref<2x8192xf32, #tpu.memory_space<vmem>>, vector<16xf32>,
        %exp3A_2486 = math.exp %get3A_2485 : vector<16xf32>
        %add3A_2487 = arith.addf %scan3A_2448, %exp3A_2486 : vector<16xf32>
        %add3A_2488 = arith.constant 64 : i32
        %add3A_2489 = arith.addi %mul3A_2450, %add3A_2488 : i32
        %get3A_2490 = arith.constant 0 : i32
        %get3A_2491 = arith.index_cast %get3A_2490 : i32 to index
        %get3A_2492 = arith.index_cast %add3A_2489 : i32 to index
        %get3A_2493 = tpu.vector_load %arg10[%get3A_2491, %get3A_2492] {strides = array<i32>} : memref<2x8192xf32, #tpu.memory_space<vmem>>, vector<16xf32>,
        %exp3A_2494 = math.exp %get3A_2493 : vector<16xf32>
        %add3A_2495 = arith.addf %add3A_2457, %exp3A_2494 : vector<16xf32>
        %add3A_2496 = arith.constant 64 : i32
        %add3A_2497 = arith.addi %mul3A_2450, %add3A_2496 : i32
        %add3A_2498 = arith.constant 16 : i32
        %add3A_2499 = arith.addi %add3A_2497, %add3A_2498 : i32
        %get3A_2500 = arith.constant 0 : i32
        %get3A_2501 = arith.index_cast %get3A_2500 : i32 to index
        %get3A_2502 = arith.index_cast %add3A_2499 : i32 to index
        %get3A_2503 = tpu.vector_load %arg10[%get3A_2501, %get3A_2502] {strides = array<i32>} : memref<2x8192xf32, #tpu.memory_space<vmem>>, vector<16xf32>,
        %exp3A_2504 = math.exp %get3A_2503 : vector<16xf32>
        %add3A_2505 = arith.addf %add3A_2467, %exp3A_2504 : vector<16xf32>
        %add3A_2506 = arith.constant 64 : i32
        %add3A_2507 = arith.addi %mul3A_2450, %add3A_2506 : i32
        %add3A_2508 = arith.constant 32 : i32
        %add3A_2509 = arith.addi %add3A_2507, %add3A_2508 : i32
        %get3A_2510 = arith.constant 0 : i32
        %get3A_2511 = arith.index_cast %get3A_2510 : i32 to index
        %get3A_2512 = arith.index_cast %add3A_2509 : i32 to index
        %get3A_2513 = tpu.vector_load %arg10[%get3A_2511, %get3A_2512] {strides = array<i32>} : memref<2x8192xf32, #tpu.memory_space<vmem>>, vector<16xf32>,
        %exp3A_2514 = math.exp %get3A_2513 : vector<16xf32>
        %add3A_2515 = arith.addf %add3A_2477, %exp3A_2514 : vector<16xf32>
        %add3A_2516 = arith.constant 64 : i32
        %add3A_2517 = arith.addi %mul3A_2450, %add3A_2516 : i32
        %add3A_2518 = arith.constant 48 : i32
        %add3A_2519 = arith.addi %add3A_2517, %add3A_2518 : i32
        %get3A_2520 = arith.constant 0 : i32
        %get3A_2521 = arith.index_cast %get3A_2520 : i32 to index
        %get3A_2522 = arith.index_cast %add3A_2519 : i32 to index
        %get3A_2523 = tpu.vector_load %arg10[%get3A_2521, %get3A_2522] {strides = array<i32>} : memref<2x8192xf32, #tpu.memory_space<vmem>>, vector<16xf32>,
        %exp3A_2524 = math.exp %get3A_2523 : vector<16xf32>
        %add3A_2525 = arith.addf %add3A_2487, %exp3A_2524 : vector<16xf32>
        %add3A_2526 = arith.constant 128 : i32
        %add3A_2527 = arith.addi %mul3A_2450, %add3A_2526 : i32
        %get3A_2528 = arith.constant 0 : i32
        %get3A_2529 = arith.index_cast %get3A_2528 : i32 to index
        %get3A_2530 = arith.index_cast %add3A_2527 : i32 to index
        %get3A_2531 = tpu.vector_load %arg10[%get3A_2529, %get3A_2530] {strides = array<i32>} : memref<2x8192xf32, #tpu.memory_space<vmem>>, vector<16xf32>,
        %exp3A_2532 = math.exp %get3A_2531 : vector<16xf32>
        %add3A_2533 = arith.addf %add3A_2495, %exp3A_2532 : vector<16xf32>
        %add3A_2534 = arith.constant 128 : i32
        %add3A_2535 = arith.addi %mul3A_2450, %add3A_2534 : i32
        %add3A_2536 = arith.constant 16 : i32
        %add3A_2537 = arith.addi %add3A_2535, %add3A_2536 : i32
        %get3A_2538 = arith.constant 0 : i32
        %get3A_2539 = arith.index_cast %get3A_2538 : i32 to index
        %get3A_2540 = arith.index_cast %add3A_2537 : i32 to index
        %get3A_2541 = tpu.vector_load %arg10[%get3A_2539, %get3A_2540] {strides = array<i32>} : memref<2x8192xf32, #tpu.memory_space<vmem>>, vector<16xf32>,
        %exp3A_2542 = math.exp %get3A_2541 : vector<16xf32>
        %add3A_2543 = arith.addf %add3A_2505, %exp3A_2542 : vector<16xf32>
        %add3A_2544 = arith.constant 128 : i32
        %add3A_2545 = arith.addi %mul3A_2450, %add3A_2544 : i32
        %add3A_2546 = arith.constant 32 : i32
        %add3A_2547 = arith.addi %add3A_2545, %add3A_2546 : i32
        %get3A_2548 = arith.constant 0 : i32
        %get3A_2549 = arith.index_cast %get3A_2548 : i32 to index
        %get3A_2550 = arith.index_cast %add3A_2547 : i32 to index
        %get3A_2551 = tpu.vector_load %arg10[%get3A_2549, %get3A_2550] {strides = array<i32>} : memref<2x8192xf32, #tpu.memory_space<vmem>>, vector<16xf32>,
        %exp3A_2552 = math.exp %get3A_2551 : vector<16xf32>
        %add3A_2553 = arith.addf %add3A_2515, %exp3A_2552 : vector<16xf32>
        %add3A_2554 = arith.constant 128 : i32
        %add3A_2555 = arith.addi %mul3A_2450, %add3A_2554 : i32
        %add3A_2556 = arith.constant 48 : i32
        %add3A_2557 = arith.addi %add3A_2555, %add3A_2556 : i32
        %get3A_2558 = arith.constant 0 : i32
        %get3A_2559 = arith.index_cast %get3A_2558 : i32 to index
        %get3A_2560 = arith.index_cast %add3A_2557 : i32 to index
        %get3A_2561 = tpu.vector_load %arg10[%get3A_2559, %get3A_2560] {strides = array<i32>} : memref<2x8192xf32, #tpu.memory_space<vmem>>, vector<16xf32>,
        %exp3A_2562 = math.exp %get3A_2561 : vector<16xf32>
        %add3A_2563 = arith.addf %add3A_2525, %exp3A_2562 : vector<16xf32>
        %add3A_2564 = arith.constant 192 : i32
        %add3A_2565 = arith.addi %mul3A_2450, %add3A_2564 : i32
        %get3A_2566 = arith.constant 0 : i32
        %get3A_2567 = arith.index_cast %get3A_2566 : i32 to index
        %get3A_2568 = arith.index_cast %add3A_2565 : i32 to index
        %get3A_2569 = tpu.vector_load %arg10[%get3A_2567, %get3A_2568] {strides = array<i32>} : memref<2x8192xf32, #tpu.memory_space<vmem>>, vector<16xf32>,
        %exp3A_2570 = math.exp %get3A_2569 : vector<16xf32>
        %add3A_2571 = arith.addf %add3A_2533, %exp3A_2570 : vector<16xf32>
        %add3A_2572 = arith.constant 192 : i32
        %add3A_2573 = arith.addi %mul3A_2450, %add3A_2572 : i32
        %add3A_2574 = arith.constant 16 : i32
        %add3A_2575 = arith.addi %add3A_2573, %add3A_2574 : i32
        %get3A_2576 = arith.constant 0 : i32
        %get3A_2577 = arith.index_cast %get3A_2576 : i32 to index
        %get3A_2578 = arith.index_cast %add3A_2575 : i32 to index
        %get3A_2579 = tpu.vector_load %arg10[%get3A_2577, %get3A_2578] {strides = array<i32>} : memref<2x8192xf32, #tpu.memory_space<vmem>>, vector<16xf32>,
        %exp3A_2580 = math.exp %get3A_2579 : vector<16xf32>
        %add3A_2581 = arith.addf %add3A_2543, %exp3A_2580 : vector<16xf32>
        %add3A_2582 = arith.constant 192 : i32
        %add3A_2583 = arith.addi %mul3A_2450, %add3A_2582 : i32
        %add3A_2584 = arith.constant 32 : i32
        %add3A_2585 = arith.addi %add3A_2583, %add3A_2584 : i32
        %get3A_2586 = arith.constant 0 : i32
        %get3A_2587 = arith.index_cast %get3A_2586 : i32 to index
        %get3A_2588 = arith.index_cast %add3A_2585 : i32 to index
        %get3A_2589 = tpu.vector_load %arg10[%get3A_2587, %get3A_2588] {strides = array<i32>} : memref<2x8192xf32, #tpu.memory_space<vmem>>, vector<16xf32>,
        %exp3A_2590 = math.exp %get3A_2589 : vector<16xf32>
        %add3A_2591 = arith.addf %add3A_2553, %exp3A_2590 : vector<16xf32>
        %add3A_2592 = arith.constant 192 : i32
        %add3A_2593 = arith.addi %mul3A_2450, %add3A_2592 : i32
        %add3A_2594 = arith.constant 48 : i32
        %add3A_2595 = arith.addi %add3A_2593, %add3A_2594 : i32
        %get3A_2596 = arith.constant 0 : i32
        %get3A_2597 = arith.index_cast %get3A_2596 : i32 to index
        %get3A_2598 = arith.index_cast %add3A_2595 : i32 to index
        %get3A_2599 = tpu.vector_load %arg10[%get3A_2597, %get3A_2598] {strides = array<i32>} : memref<2x8192xf32, #tpu.memory_space<vmem>>, vector<16xf32>,
        %exp3A_2600 = math.exp %get3A_2599 : vector<16xf32>
        %add3A_2601 = arith.addf %add3A_2563, %exp3A_2600 : vector<16xf32>
        scf.yield %add3A_2571, %add3A_2581, %add3A_2591, %add3A_2601 : vector<16xf32>, vector<16xf32>, vector<16xf32>, vector<16xf32>
      }
      %scan3A_2239 = arith.constant 32 : i32
      %mul3A_2240 = arith.constant 2 : i32
      %mul3A_2241 = arith.muli %add3A_2211, %mul3A_2240 : i32
      %add3A_2242 = arith.constant 0 : i32
      %add3A_2243 = arith.addi %mul3A_2241, %add3A_2242 : i32
      %add3A_2244 = arith.addf %scan3A_2238#0, %scan3A_2238#1 : vector<16xf32>
      %add3A_2245 = arith.addf %scan3A_2238#2, %scan3A_2238#3 : vector<16xf32>
      %add3A_2246 = arith.addf %add3A_2244, %add3A_2245 : vector<16xf32>
      %mul3A_2247 = arith.constant 16 : i32
      %mul3A_2248 = arith.muli %add3A_2243, %mul3A_2247 : i32
      %swap3A_2249 = arith.index_cast %mul3A_2248 : i32 to index
      %swap3A_2250 = tpu.vector_load %arg14[%swap3A_2249] {strides = array<i32>} : memref<4096xf32, #tpu.memory_space<vmem>>, vector<16xf32>,
      tpu.vector_store %arg14[%swap3A_2249], %add3A_2246 {strides = array<i32>} : memref<4096xf32, #tpu.memory_space<vmem>>, vector<16xf32>,
      %broadcast_in_dim3A_2251 = vector.broadcast %add3A_2243 : i32 to vector<16xi32>
      %gather3A_2252 = tpu.vector_load_idx %arg8[%broadcast_in_dim3A_2251] : memref<256xi32, #tpu.memory_space<vmem>>[vector<16xi32>], vector<16xi32>,
      %broadcast_in_dim3A_2253 = arith.constant 0 : i32
      %broadcast_in_dim3A_2254 = vector.broadcast %broadcast_in_dim3A_2253 : i32 to vector<16xi32>
      %gather3A_2255 = tpu.vector_load_idx %arg10[%broadcast_in_dim3A_2254, %gather3A_2252] : memref<2x8192xf32, #tpu.memory_space<vmem>>[vector<16xi32>, vector<16xi32>], vector<16xf32>,
      %mul3A_2256 = arith.constant 16 : i32
      %mul3A_2257 = arith.muli %add3A_2243, %mul3A_2256 : i32
      %swap3A_2258 = arith.index_cast %mul3A_2257 : i32 to index
      %swap3A_2259 = tpu.vector_load %arg15[%swap3A_2258] {strides = array<i32>} : memref<4096xf32, #tpu.memory_space<vmem>>, vector<16xf32>,
      tpu.vector_store %arg15[%swap3A_2258], %gather3A_2255 {strides = array<i32>} : memref<4096xf32, #tpu.memory_space<vmem>>, vector<16xf32>,
      %broadcast_in_dim3A_2260 = arith.constant 0.000000e+00 : f32
      %broadcast_in_dim3A_2261 = vector.broadcast %broadcast_in_dim3A_2260 : f32 to vector<16xf32>
      %scan3A_2262 = arith.constant 0 : i32
      %scan3A_2263 = arith.constant 32 : i32
      %scan3A_2264 = arith.addi %scan3A_2262, %scan3A_2263 : i32
      %scan3A_2265 = arith.constant 1 : i32
      %scan3A_2266:4 = scf.for %scan3A_2444 = %scan3A_2262 to %scan3A_2264 step %scan3A_2265 iter_args(%scan3A_2445 = %broadcast_in_dim3A_2261, %scan3A_2446 = %broadcast_in_dim3A_2261, %scan3A_2447 = %broadcast_in_dim3A_2261, %scan3A_2448 = %broadcast_in_dim3A_2261) -> (vector<16xf32>, vector<16xf32>, vector<16xf32>, vector<16xf32>)  : i32 {
        %mul3A_2449 = arith.constant 256 : i32
        %mul3A_2450 = arith.muli %scan3A_2444, %mul3A_2449 : i32
        %add3A_2451 = arith.constant 0 : i32
        %add3A_2452 = arith.addi %mul3A_2450, %add3A_2451 : i32
        %get3A = arith.constant 1 : i32
        %get3A_2453 = arith.index_cast %get3A : i32 to index
        %get3A_2454 = arith.index_cast %add3A_2452 : i32 to index
        %get3A_2455 = tpu.vector_load %arg10[%get3A_2453, %get3A_2454] {strides = array<i32>} : memref<2x8192xf32, #tpu.memory_space<vmem>>, vector<16xf32>,
        %exp3A_2456 = math.exp %get3A_2455 : vector<16xf32>
        %add3A_2457 = arith.addf %scan3A_2445, %exp3A_2456 : vector<16xf32>
        %add3A_2458 = arith.constant 0 : i32
        %add3A_2459 = arith.addi %mul3A_2450, %add3A_2458 : i32
        %add3A_2460 = arith.constant 16 : i32
        %add3A_2461 = arith.addi %add3A_2459, %add3A_2460 : i32
        %get3A_2462 = arith.constant 1 : i32
        %get3A_2463 = arith.index_cast %get3A_2462 : i32 to index
        %get3A_2464 = arith.index_cast %add3A_2461 : i32 to index
        %get3A_2465 = tpu.vector_load %arg10[%get3A_2463, %get3A_2464] {strides = array<i32>} : memref<2x8192xf32, #tpu.memory_space<vmem>>, vector<16xf32>,
        %exp3A_2466 = math.exp %get3A_2465 : vector<16xf32>
        %add3A_2467 = arith.addf %scan3A_2446, %exp3A_2466 : vector<16xf32>
        %add3A_2468 = arith.constant 0 : i32
        %add3A_2469 = arith.addi %mul3A_2450, %add3A_2468 : i32
        %add3A_2470 = arith.constant 32 : i32
        %add3A_2471 = arith.addi %add3A_2469, %add3A_2470 : i32
        %get3A_2472 = arith.constant 1 : i32
        %get3A_2473 = arith.index_cast %get3A_2472 : i32 to index
        %get3A_2474 = arith.index_cast %add3A_2471 : i32 to index
        %get3A_2475 = tpu.vector_load %arg10[%get3A_2473, %get3A_2474] {strides = array<i32>} : memref<2x8192xf32, #tpu.memory_space<vmem>>, vector<16xf32>,
        %exp3A_2476 = math.exp %get3A_2475 : vector<16xf32>
        %add3A_2477 = arith.addf %scan3A_2447, %exp3A_2476 : vector<16xf32>
        %add3A_2478 = arith.constant 0 : i32
        %add3A_2479 = arith.addi %mul3A_2450, %add3A_2478 : i32
        %add3A_2480 = arith.constant 48 : i32
        %add3A_2481 = arith.addi %add3A_2479, %add3A_2480 : i32
        %get3A_2482 = arith.constant 1 : i32
        %get3A_2483 = arith.index_cast %get3A_2482 : i32 to index
        %get3A_2484 = arith.index_cast %add3A_2481 : i32 to index
        %get3A_2485 = tpu.vector_load %arg10[%get3A_2483, %get3A_2484] {strides = array<i32>} : memref<2x8192xf32, #tpu.memory_space<vmem>>, vector<16xf32>,
        %exp3A_2486 = math.exp %get3A_2485 : vector<16xf32>
        %add3A_2487 = arith.addf %scan3A_2448, %exp3A_2486 : vector<16xf32>
        %add3A_2488 = arith.constant 64 : i32
        %add3A_2489 = arith.addi %mul3A_2450, %add3A_2488 : i32
        %get3A_2490 = arith.constant 1 : i32
        %get3A_2491 = arith.index_cast %get3A_2490 : i32 to index
        %get3A_2492 = arith.index_cast %add3A_2489 : i32 to index
        %get3A_2493 = tpu.vector_load %arg10[%get3A_2491, %get3A_2492] {strides = array<i32>} : memref<2x8192xf32, #tpu.memory_space<vmem>>, vector<16xf32>,
        %exp3A_2494 = math.exp %get3A_2493 : vector<16xf32>
        %add3A_2495 = arith.addf %add3A_2457, %exp3A_2494 : vector<16xf32>
        %add3A_2496 = arith.constant 64 : i32
        %add3A_2497 = arith.addi %mul3A_2450, %add3A_2496 : i32
        %add3A_2498 = arith.constant 16 : i32
        %add3A_2499 = arith.addi %add3A_2497, %add3A_2498 : i32
        %get3A_2500 = arith.constant 1 : i32
        %get3A_2501 = arith.index_cast %get3A_2500 : i32 to index
        %get3A_2502 = arith.index_cast %add3A_2499 : i32 to index
        %get3A_2503 = tpu.vector_load %arg10[%get3A_2501, %get3A_2502] {strides = array<i32>} : memref<2x8192xf32, #tpu.memory_space<vmem>>, vector<16xf32>,
        %exp3A_2504 = math.exp %get3A_2503 : vector<16xf32>
        %add3A_2505 = arith.addf %add3A_2467, %exp3A_2504 : vector<16xf32>
        %add3A_2506 = arith.constant 64 : i32
        %add3A_2507 = arith.addi %mul3A_2450, %add3A_2506 : i32
        %add3A_2508 = arith.constant 32 : i32
        %add3A_2509 = arith.addi %add3A_2507, %add3A_2508 : i32
        %get3A_2510 = arith.constant 1 : i32
        %get3A_2511 = arith.index_cast %get3A_2510 : i32 to index
        %get3A_2512 = arith.index_cast %add3A_2509 : i32 to index
        %get3A_2513 = tpu.vector_load %arg10[%get3A_2511, %get3A_2512] {strides = array<i32>} : memref<2x8192xf32, #tpu.memory_space<vmem>>, vector<16xf32>,
        %exp3A_2514 = math.exp %get3A_2513 : vector<16xf32>
        %add3A_2515 = arith.addf %add3A_2477, %exp3A_2514 : vector<16xf32>
        %add3A_2516 = arith.constant 64 : i32
        %add3A_2517 = arith.addi %mul3A_2450, %add3A_2516 : i32
        %add3A_2518 = arith.constant 48 : i32
        %add3A_2519 = arith.addi %add3A_2517, %add3A_2518 : i32
        %get3A_2520 = arith.constant 1 : i32
        %get3A_2521 = arith.index_cast %get3A_2520 : i32 to index
        %get3A_2522 = arith.index_cast %add3A_2519 : i32 to index
        %get3A_2523 = tpu.vector_load %arg10[%get3A_2521, %get3A_2522] {strides = array<i32>} : memref<2x8192xf32, #tpu.memory_space<vmem>>, vector<16xf32>,
        %exp3A_2524 = math.exp %get3A_2523 : vector<16xf32>
        %add3A_2525 = arith.addf %add3A_2487, %exp3A_2524 : vector<16xf32>
        %add3A_2526 = arith.constant 128 : i32
        %add3A_2527 = arith.addi %mul3A_2450, %add3A_2526 : i32
        %get3A_2528 = arith.constant 1 : i32
        %get3A_2529 = arith.index_cast %get3A_2528 : i32 to index
        %get3A_2530 = arith.index_cast %add3A_2527 : i32 to index
        %get3A_2531 = tpu.vector_load %arg10[%get3A_2529, %get3A_2530] {strides = array<i32>} : memref<2x8192xf32, #tpu.memory_space<vmem>>, vector<16xf32>,
        %exp3A_2532 = math.exp %get3A_2531 : vector<16xf32>
        %add3A_2533 = arith.addf %add3A_2495, %exp3A_2532 : vector<16xf32>
        %add3A_2534 = arith.constant 128 : i32
        %add3A_2535 = arith.addi %mul3A_2450, %add3A_2534 : i32
        %add3A_2536 = arith.constant 16 : i32
        %add3A_2537 = arith.addi %add3A_2535, %add3A_2536 : i32
        %get3A_2538 = arith.constant 1 : i32
        %get3A_2539 = arith.index_cast %get3A_2538 : i32 to index
        %get3A_2540 = arith.index_cast %add3A_2537 : i32 to index
        %get3A_2541 = tpu.vector_load %arg10[%get3A_2539, %get3A_2540] {strides = array<i32>} : memref<2x8192xf32, #tpu.memory_space<vmem>>, vector<16xf32>,
        %exp3A_2542 = math.exp %get3A_2541 : vector<16xf32>
        %add3A_2543 = arith.addf %add3A_2505, %exp3A_2542 : vector<16xf32>
        %add3A_2544 = arith.constant 128 : i32
        %add3A_2545 = arith.addi %mul3A_2450, %add3A_2544 : i32
        %add3A_2546 = arith.constant 32 : i32
        %add3A_2547 = arith.addi %add3A_2545, %add3A_2546 : i32
        %get3A_2548 = arith.constant 1 : i32
        %get3A_2549 = arith.index_cast %get3A_2548 : i32 to index
        %get3A_2550 = arith.index_cast %add3A_2547 : i32 to index
        %get3A_2551 = tpu.vector_load %arg10[%get3A_2549, %get3A_2550] {strides = array<i32>} : memref<2x8192xf32, #tpu.memory_space<vmem>>, vector<16xf32>,
        %exp3A_2552 = math.exp %get3A_2551 : vector<16xf32>
        %add3A_2553 = arith.addf %add3A_2515, %exp3A_2552 : vector<16xf32>
        %add3A_2554 = arith.constant 128 : i32
        %add3A_2555 = arith.addi %mul3A_2450, %add3A_2554 : i32
        %add3A_2556 = arith.constant 48 : i32
        %add3A_2557 = arith.addi %add3A_2555, %add3A_2556 : i32
        %get3A_2558 = arith.constant 1 : i32
        %get3A_2559 = arith.index_cast %get3A_2558 : i32 to index
        %get3A_2560 = arith.index_cast %add3A_2557 : i32 to index
        %get3A_2561 = tpu.vector_load %arg10[%get3A_2559, %get3A_2560] {strides = array<i32>} : memref<2x8192xf32, #tpu.memory_space<vmem>>, vector<16xf32>,
        %exp3A_2562 = math.exp %get3A_2561 : vector<16xf32>
        %add3A_2563 = arith.addf %add3A_2525, %exp3A_2562 : vector<16xf32>
        %add3A_2564 = arith.constant 192 : i32
        %add3A_2565 = arith.addi %mul3A_2450, %add3A_2564 : i32
        %get3A_2566 = arith.constant 1 : i32
        %get3A_2567 = arith.index_cast %get3A_2566 : i32 to index
        %get3A_2568 = arith.index_cast %add3A_2565 : i32 to index
        %get3A_2569 = tpu.vector_load %arg10[%get3A_2567, %get3A_2568] {strides = array<i32>} : memref<2x8192xf32, #tpu.memory_space<vmem>>, vector<16xf32>,
        %exp3A_2570 = math.exp %get3A_2569 : vector<16xf32>
        %add3A_2571 = arith.addf %add3A_2533, %exp3A_2570 : vector<16xf32>
        %add3A_2572 = arith.constant 192 : i32
        %add3A_2573 = arith.addi %mul3A_2450, %add3A_2572 : i32
        %add3A_2574 = arith.constant 16 : i32
        %add3A_2575 = arith.addi %add3A_2573, %add3A_2574 : i32
        %get3A_2576 = arith.constant 1 : i32
        %get3A_2577 = arith.index_cast %get3A_2576 : i32 to index
        %get3A_2578 = arith.index_cast %add3A_2575 : i32 to index
        %get3A_2579 = tpu.vector_load %arg10[%get3A_2577, %get3A_2578] {strides = array<i32>} : memref<2x8192xf32, #tpu.memory_space<vmem>>, vector<16xf32>,
        %exp3A_2580 = math.exp %get3A_2579 : vector<16xf32>
        %add3A_2581 = arith.addf %add3A_2543, %exp3A_2580 : vector<16xf32>
        %add3A_2582 = arith.constant 192 : i32
        %add3A_2583 = arith.addi %mul3A_2450, %add3A_2582 : i32
        %add3A_2584 = arith.constant 32 : i32
        %add3A_2585 = arith.addi %add3A_2583, %add3A_2584 : i32
        %get3A_2586 = arith.constant 1 : i32
        %get3A_2587 = arith.index_cast %get3A_2586 : i32 to index
        %get3A_2588 = arith.index_cast %add3A_2585 : i32 to index
        %get3A_2589 = tpu.vector_load %arg10[%get3A_2587, %get3A_2588] {strides = array<i32>} : memref<2x8192xf32, #tpu.memory_space<vmem>>, vector<16xf32>,
        %exp3A_2590 = math.exp %get3A_2589 : vector<16xf32>
        %add3A_2591 = arith.addf %add3A_2553, %exp3A_2590 : vector<16xf32>
        %add3A_2592 = arith.constant 192 : i32
        %add3A_2593 = arith.addi %mul3A_2450, %add3A_2592 : i32
        %add3A_2594 = arith.constant 48 : i32
        %add3A_2595 = arith.addi %add3A_2593, %add3A_2594 : i32
        %get3A_2596 = arith.constant 1 : i32
        %get3A_2597 = arith.index_cast %get3A_2596 : i32 to index
        %get3A_2598 = arith.index_cast %add3A_2595 : i32 to index
        %get3A_2599 = tpu.vector_load %arg10[%get3A_2597, %get3A_2598] {strides = array<i32>} : memref<2x8192xf32, #tpu.memory_space<vmem>>, vector<16xf32>,
        %exp3A_2600 = math.exp %get3A_2599 : vector<16xf32>
        %add3A_2601 = arith.addf %add3A_2563, %exp3A_2600 : vector<16xf32>
        scf.yield %add3A_2571, %add3A_2581, %add3A_2591, %add3A_2601 : vector<16xf32>, vector<16xf32>, vector<16xf32>, vector<16xf32>
      }
      %scan3A_2267 = arith.constant 32 : i32
      %mul3A_2268 = arith.constant 2 : i32
      %mul3A_2269 = arith.muli %add3A_2211, %mul3A_2268 : i32
      %add3A_2270 = arith.constant 1 : i32
      %add3A_2271 = arith.addi %mul3A_2269, %add3A_2270 : i32
      %add3A_2272 = arith.addf %scan3A_2266#0, %scan3A_2266#1 : vector<16xf32>
      %add3A_2273 = arith.addf %scan3A_2266#2, %scan3A_2266#3 : vector<16xf32>
      %add3A_2274 = arith.addf %add3A_2272, %add3A_2273 : vector<16xf32>
      %mul3A_2275 = arith.constant 16 : i32
      %mul3A_2276 = arith.muli %add3A_2271, %mul3A_2275 : i32
      %swap3A_2277 = arith.index_cast %mul3A_2276 : i32 to index
      %swap3A_2278 = tpu.vector_load %arg14[%swap3A_2277] {strides = array<i32>} : memref<4096xf32, #tpu.memory_space<vmem>>, vector<16xf32>,
      tpu.vector_store %arg14[%swap3A_2277], %add3A_2274 {strides = array<i32>} : memref<4096xf32, #tpu.memory_space<vmem>>, vector<16xf32>,
      %broadcast_in_dim3A_2279 = vector.broadcast %add3A_2271 : i32 to vector<16xi32>
      %gather3A_2280 = tpu.vector_load_idx %arg8[%broadcast_in_dim3A_2279] : memref<256xi32, #tpu.memory_space<vmem>>[vector<16xi32>], vector<16xi32>,
      %broadcast_in_dim3A_2281 = arith.constant 1 : i32
      %broadcast_in_dim3A_2282 = vector.broadcast %broadcast_in_dim3A_2281 : i32 to vector<16xi32>
      %gather3A_2283 = tpu.vector_load_idx %arg10[%broadcast_in_dim3A_2282, %gather3A_2280] : memref<2x8192xf32, #tpu.memory_space<vmem>>[vector<16xi32>, vector<16xi32>], vector<16xf32>,
      %mul3A_2284 = arith.constant 16 : i32
      %mul3A_2285 = arith.muli %add3A_2271, %mul3A_2284 : i32
      %swap3A_2286 = arith.index_cast %mul3A_2285 : i32 to index
      %swap3A_2287 = tpu.vector_load %arg15[%swap3A_2286] {strides = array<i32>} : memref<4096xf32, #tpu.memory_space<vmem>>, vector<16xf32>,
      tpu.vector_store %arg15[%swap3A_2286], %gather3A_2283 {strides = array<i32>} : memref<4096xf32, #tpu.memory_space<vmem>>, vector<16xf32>,
      %add3A_2288 = arith.constant 2 : i32
      %add3A_2289 = arith.addi %mul3A_2135, %add3A_2288 : i32
      %dma_wait3A_2290 = arith.constant 0 : i32
      %dma_wait3A_2291 = arith.constant 0 : i32
      %dma_wait3A_2292 = tpu.memref_slice %arg2[%dma_wait3A_2290, %dma_wait3A_2291] : memref<8192x8192xf32, #tpu.memory_space<hbm>> -> memref<2x8192xf32, #tpu.memory_space<hbm>>
      %dma_wait3A_2293 = arith.constant 0 : i32
      %dma_wait3A_2294 = arith.constant 0 : i32
      %dma_wait3A_2295 = tpu.memref_slice %arg2[%dma_wait3A_2293, %dma_wait3A_2294] : memref<8192x8192xf32, #tpu.memory_space<hbm>> -> memref<2x8192xf32, #tpu.memory_space<hbm>>
      tpu.wait_dma2 semaphore(%arg18 : memref<!tpu.dma_semaphore, #tpu.memory_space<semaphore_mem>>) src(%dma_wait3A_2295 : memref<2x8192xf32, #tpu.memory_space<hbm>>) dst(%arg11 : memref<2x8192xf32, #tpu.memory_space<vmem>>)
      %add3A_2296 = arith.constant 3 : i32
      %add3A_2297 = arith.addi %add3A_2289, %add3A_2296 : i32
      %lt3A_2298 = arith.constant 128 : i32
      %lt3A_2299 = arith.cmpi slt, %add3A_2297, %lt3A_2298 : i32
      %convert_element_type3A_2300 = arith.extui %lt3A_2299 : i1 to i32
      %cond3A_2301 = arith.constant 0 : i32
      %cond3A_2302 = arith.cmpi ne, %convert_element_type3A_2300, %cond3A_2301 : i32
      scf.if %cond3A_2302 {
        %ge3A = arith.constant 1 : i32
        %ge3A_2444 = arith.cmpi sge, %add3A_2289, %ge3A : i32
        %convert_element_type3A_2445 = arith.extui %ge3A_2444 : i1 to i32
        %cond3A_2446 = arith.constant 0 : i32
        %cond3A_2447 = arith.cmpi ne, %convert_element_type3A_2445, %cond3A_2446 : i32
        scf.if %cond3A_2447 {
          %dma_wait3A_2456 = arith.constant 0 : i32
          %dma_wait3A_2457 = arith.constant 0 : i32
          %dma_wait3A_2458 = tpu.memref_slice %arg2[%dma_wait3A_2456, %dma_wait3A_2457] : memref<8192x8192xf32, #tpu.memory_space<hbm>> -> memref<2x8192xf32, #tpu.memory_space<hbm>>
          %dma_wait3A_2459 = arith.constant 0 : i32
          %dma_wait3A_2460 = arith.constant 0 : i32
          %dma_wait3A_2461 = tpu.memref_slice %arg2[%dma_wait3A_2459, %dma_wait3A_2460] : memref<8192x8192xf32, #tpu.memory_space<hbm>> -> memref<2x8192xf32, #tpu.memory_space<hbm>>
          tpu.wait_dma2 semaphore(%arg21 : memref<!tpu.dma_semaphore, #tpu.memory_space<semaphore_mem>>) src(%dma_wait3A_2461 : memref<2x8192xf32, #tpu.memory_space<hbm>>) dst(%arg10 : memref<2x8192xf32, #tpu.memory_space<vmem>>)
        } else {
        }
        %add3A_2448 = arith.constant 3 : i32
        %add3A_2449 = arith.addi %add3A_2289, %add3A_2448 : i32
        %dma_start3A_2450 = arith.constant 0 : i32
        %dma_start3A_2451 = tpu.memref_slice %arg7[%add3A_2449, %dma_start3A_2450] : memref<128x2xi32, #tpu.memory_space<vmem>> -> memref<1x2xi32, #tpu.memory_space<vmem>>
        %dma_start3A_2452 = tpu.memref_squeeze %dma_start3A_2451 : memref<1x2xi32, #tpu.memory_space<vmem>> -> memref<2xi32, #tpu.memory_space<vmem>>
        %dma_start3A_2453 = arith.constant 0 : i32
        %dma_start3A_2454 = arith.constant 0 : i32
        %dma_start3A_2455 = tpu.memref_slice %arg2[%dma_start3A_2453, %dma_start3A_2454] : memref<8192x8192xf32, #tpu.memory_space<hbm>> -> memref<8192x8192xf32, #tpu.memory_space<hbm>>
        tpu.enqueue_indirect_dma source(%dma_start3A_2455 : memref<8192x8192xf32, #tpu.memory_space<hbm>>) target(%arg10 : memref<2x8192xf32, #tpu.memory_space<vmem>>) offsets(%dma_start3A_2452 : memref<2xi32, #tpu.memory_space<vmem>>) semaphore(%arg17 : memref<!tpu.dma_semaphore, #tpu.memory_space<semaphore_mem>>)
      } else {
      }
      %mul3A_2303 = arith.constant 2 : i32
      %mul3A_2304 = arith.muli %add3A_2289, %mul3A_2303 : i32
      %add3A_2305 = arith.addi %mul3A_2, %mul3A_2304 : i32
      %dma_start3A_2306 = arith.constant 0 : i32
      %dma_start3A_2307 = tpu.memref_slice %arg5[%add3A_2305, %dma_start3A_2306] : memref<8192x8192xf32, #tpu.memory_space<hbm>> -> memref<2x8192xf32, #tpu.memory_space<hbm>>
      %dma_start3A_2308 = arith.constant 0 : i32
      %dma_start3A_2309 = tpu.memref_slice %arg5[%add3A_2305, %dma_start3A_2308] : memref<8192x8192xf32, #tpu.memory_space<hbm>> -> memref<2x8192xf32, #tpu.memory_space<hbm>>
      tpu.enqueue_dma source(%arg11 : memref<2x8192xf32, #tpu.memory_space<vmem>>) target(%dma_start3A_2309 : memref<2x8192xf32, #tpu.memory_space<hbm>>) target_semaphore(%arg22 : memref<!tpu.dma_semaphore, #tpu.memory_space<semaphore_mem>>)
      %broadcast_in_dim3A_2310 = arith.constant 0.000000e+00 : f32
      %broadcast_in_dim3A_2311 = vector.broadcast %broadcast_in_dim3A_2310 : f32 to vector<16xf32>
      %scan3A_2312 = arith.constant 0 : i32
      %scan3A_2313 = arith.constant 32 : i32
      %scan3A_2314 = arith.addi %scan3A_2312, %scan3A_2313 : i32
      %scan3A_2315 = arith.constant 1 : i32
      %scan3A_2316:4 = scf.for %scan3A_2444 = %scan3A_2312 to %scan3A_2314 step %scan3A_2315 iter_args(%scan3A_2445 = %broadcast_in_dim3A_2311, %scan3A_2446 = %broadcast_in_dim3A_2311, %scan3A_2447 = %broadcast_in_dim3A_2311, %scan3A_2448 = %broadcast_in_dim3A_2311) -> (vector<16xf32>, vector<16xf32>, vector<16xf32>, vector<16xf32>)  : i32 {
        %mul3A_2449 = arith.constant 256 : i32
        %mul3A_2450 = arith.muli %scan3A_2444, %mul3A_2449 : i32
        %add3A_2451 = arith.constant 0 : i32
        %add3A_2452 = arith.addi %mul3A_2450, %add3A_2451 : i32
        %get3A = arith.constant 0 : i32
        %get3A_2453 = arith.index_cast %get3A : i32 to index
        %get3A_2454 = arith.index_cast %add3A_2452 : i32 to index
        %get3A_2455 = tpu.vector_load %arg11[%get3A_2453, %get3A_2454] {strides = array<i32>} : memref<2x8192xf32, #tpu.memory_space<vmem>>, vector<16xf32>,
        %exp3A_2456 = math.exp %get3A_2455 : vector<16xf32>
        %add3A_2457 = arith.addf %scan3A_2445, %exp3A_2456 : vector<16xf32>
        %add3A_2458 = arith.constant 0 : i32
        %add3A_2459 = arith.addi %mul3A_2450, %add3A_2458 : i32
        %add3A_2460 = arith.constant 16 : i32
        %add3A_2461 = arith.addi %add3A_2459, %add3A_2460 : i32
        %get3A_2462 = arith.constant 0 : i32
        %get3A_2463 = arith.index_cast %get3A_2462 : i32 to index
        %get3A_2464 = arith.index_cast %add3A_2461 : i32 to index
        %get3A_2465 = tpu.vector_load %arg11[%get3A_2463, %get3A_2464] {strides = array<i32>} : memref<2x8192xf32, #tpu.memory_space<vmem>>, vector<16xf32>,
        %exp3A_2466 = math.exp %get3A_2465 : vector<16xf32>
        %add3A_2467 = arith.addf %scan3A_2446, %exp3A_2466 : vector<16xf32>
        %add3A_2468 = arith.constant 0 : i32
        %add3A_2469 = arith.addi %mul3A_2450, %add3A_2468 : i32
        %add3A_2470 = arith.constant 32 : i32
        %add3A_2471 = arith.addi %add3A_2469, %add3A_2470 : i32
        %get3A_2472 = arith.constant 0 : i32
        %get3A_2473 = arith.index_cast %get3A_2472 : i32 to index
        %get3A_2474 = arith.index_cast %add3A_2471 : i32 to index
        %get3A_2475 = tpu.vector_load %arg11[%get3A_2473, %get3A_2474] {strides = array<i32>} : memref<2x8192xf32, #tpu.memory_space<vmem>>, vector<16xf32>,
        %exp3A_2476 = math.exp %get3A_2475 : vector<16xf32>
        %add3A_2477 = arith.addf %scan3A_2447, %exp3A_2476 : vector<16xf32>
        %add3A_2478 = arith.constant 0 : i32
        %add3A_2479 = arith.addi %mul3A_2450, %add3A_2478 : i32
        %add3A_2480 = arith.constant 48 : i32
        %add3A_2481 = arith.addi %add3A_2479, %add3A_2480 : i32
        %get3A_2482 = arith.constant 0 : i32
        %get3A_2483 = arith.index_cast %get3A_2482 : i32 to index
        %get3A_2484 = arith.index_cast %add3A_2481 : i32 to index
        %get3A_2485 = tpu.vector_load %arg11[%get3A_2483, %get3A_2484] {strides = array<i32>} : memref<2x8192xf32, #tpu.memory_space<vmem>>, vector<16xf32>,
        %exp3A_2486 = math.exp %get3A_2485 : vector<16xf32>
        %add3A_2487 = arith.addf %scan3A_2448, %exp3A_2486 : vector<16xf32>
        %add3A_2488 = arith.constant 64 : i32
        %add3A_2489 = arith.addi %mul3A_2450, %add3A_2488 : i32
        %get3A_2490 = arith.constant 0 : i32
        %get3A_2491 = arith.index_cast %get3A_2490 : i32 to index
        %get3A_2492 = arith.index_cast %add3A_2489 : i32 to index
        %get3A_2493 = tpu.vector_load %arg11[%get3A_2491, %get3A_2492] {strides = array<i32>} : memref<2x8192xf32, #tpu.memory_space<vmem>>, vector<16xf32>,
        %exp3A_2494 = math.exp %get3A_2493 : vector<16xf32>
        %add3A_2495 = arith.addf %add3A_2457, %exp3A_2494 : vector<16xf32>
        %add3A_2496 = arith.constant 64 : i32
        %add3A_2497 = arith.addi %mul3A_2450, %add3A_2496 : i32
        %add3A_2498 = arith.constant 16 : i32
        %add3A_2499 = arith.addi %add3A_2497, %add3A_2498 : i32
        %get3A_2500 = arith.constant 0 : i32
        %get3A_2501 = arith.index_cast %get3A_2500 : i32 to index
        %get3A_2502 = arith.index_cast %add3A_2499 : i32 to index
        %get3A_2503 = tpu.vector_load %arg11[%get3A_2501, %get3A_2502] {strides = array<i32>} : memref<2x8192xf32, #tpu.memory_space<vmem>>, vector<16xf32>,
        %exp3A_2504 = math.exp %get3A_2503 : vector<16xf32>
        %add3A_2505 = arith.addf %add3A_2467, %exp3A_2504 : vector<16xf32>
        %add3A_2506 = arith.constant 64 : i32
        %add3A_2507 = arith.addi %mul3A_2450, %add3A_2506 : i32
        %add3A_2508 = arith.constant 32 : i32
        %add3A_2509 = arith.addi %add3A_2507, %add3A_2508 : i32
        %get3A_2510 = arith.constant 0 : i32
        %get3A_2511 = arith.index_cast %get3A_2510 : i32 to index
        %get3A_2512 = arith.index_cast %add3A_2509 : i32 to index
        %get3A_2513 = tpu.vector_load %arg11[%get3A_2511, %get3A_2512] {strides = array<i32>} : memref<2x8192xf32, #tpu.memory_space<vmem>>, vector<16xf32>,
        %exp3A_2514 = math.exp %get3A_2513 : vector<16xf32>
        %add3A_2515 = arith.addf %add3A_2477, %exp3A_2514 : vector<16xf32>
        %add3A_2516 = arith.constant 64 : i32
        %add3A_2517 = arith.addi %mul3A_2450, %add3A_2516 : i32
        %add3A_2518 = arith.constant 48 : i32
        %add3A_2519 = arith.addi %add3A_2517, %add3A_2518 : i32
        %get3A_2520 = arith.constant 0 : i32
        %get3A_2521 = arith.index_cast %get3A_2520 : i32 to index
        %get3A_2522 = arith.index_cast %add3A_2519 : i32 to index
        %get3A_2523 = tpu.vector_load %arg11[%get3A_2521, %get3A_2522] {strides = array<i32>} : memref<2x8192xf32, #tpu.memory_space<vmem>>, vector<16xf32>,
        %exp3A_2524 = math.exp %get3A_2523 : vector<16xf32>
        %add3A_2525 = arith.addf %add3A_2487, %exp3A_2524 : vector<16xf32>
        %add3A_2526 = arith.constant 128 : i32
        %add3A_2527 = arith.addi %mul3A_2450, %add3A_2526 : i32
        %get3A_2528 = arith.constant 0 : i32
        %get3A_2529 = arith.index_cast %get3A_2528 : i32 to index
        %get3A_2530 = arith.index_cast %add3A_2527 : i32 to index
        %get3A_2531 = tpu.vector_load %arg11[%get3A_2529, %get3A_2530] {strides = array<i32>} : memref<2x8192xf32, #tpu.memory_space<vmem>>, vector<16xf32>,
        %exp3A_2532 = math.exp %get3A_2531 : vector<16xf32>
        %add3A_2533 = arith.addf %add3A_2495, %exp3A_2532 : vector<16xf32>
        %add3A_2534 = arith.constant 128 : i32
        %add3A_2535 = arith.addi %mul3A_2450, %add3A_2534 : i32
        %add3A_2536 = arith.constant 16 : i32
        %add3A_2537 = arith.addi %add3A_2535, %add3A_2536 : i32
        %get3A_2538 = arith.constant 0 : i32
        %get3A_2539 = arith.index_cast %get3A_2538 : i32 to index
        %get3A_2540 = arith.index_cast %add3A_2537 : i32 to index
        %get3A_2541 = tpu.vector_load %arg11[%get3A_2539, %get3A_2540] {strides = array<i32>} : memref<2x8192xf32, #tpu.memory_space<vmem>>, vector<16xf32>,
        %exp3A_2542 = math.exp %get3A_2541 : vector<16xf32>
        %add3A_2543 = arith.addf %add3A_2505, %exp3A_2542 : vector<16xf32>
        %add3A_2544 = arith.constant 128 : i32
        %add3A_2545 = arith.addi %mul3A_2450, %add3A_2544 : i32
        %add3A_2546 = arith.constant 32 : i32
        %add3A_2547 = arith.addi %add3A_2545, %add3A_2546 : i32
        %get3A_2548 = arith.constant 0 : i32
        %get3A_2549 = arith.index_cast %get3A_2548 : i32 to index
        %get3A_2550 = arith.index_cast %add3A_2547 : i32 to index
        %get3A_2551 = tpu.vector_load %arg11[%get3A_2549, %get3A_2550] {strides = array<i32>} : memref<2x8192xf32, #tpu.memory_space<vmem>>, vector<16xf32>,
        %exp3A_2552 = math.exp %get3A_2551 : vector<16xf32>
        %add3A_2553 = arith.addf %add3A_2515, %exp3A_2552 : vector<16xf32>
        %add3A_2554 = arith.constant 128 : i32
        %add3A_2555 = arith.addi %mul3A_2450, %add3A_2554 : i32
        %add3A_2556 = arith.constant 48 : i32
        %add3A_2557 = arith.addi %add3A_2555, %add3A_2556 : i32
        %get3A_2558 = arith.constant 0 : i32
        %get3A_2559 = arith.index_cast %get3A_2558 : i32 to index
        %get3A_2560 = arith.index_cast %add3A_2557 : i32 to index
        %get3A_2561 = tpu.vector_load %arg11[%get3A_2559, %get3A_2560] {strides = array<i32>} : memref<2x8192xf32, #tpu.memory_space<vmem>>, vector<16xf32>,
        %exp3A_2562 = math.exp %get3A_2561 : vector<16xf32>
        %add3A_2563 = arith.addf %add3A_2525, %exp3A_2562 : vector<16xf32>
        %add3A_2564 = arith.constant 192 : i32
        %add3A_2565 = arith.addi %mul3A_2450, %add3A_2564 : i32
        %get3A_2566 = arith.constant 0 : i32
        %get3A_2567 = arith.index_cast %get3A_2566 : i32 to index
        %get3A_2568 = arith.index_cast %add3A_2565 : i32 to index
        %get3A_2569 = tpu.vector_load %arg11[%get3A_2567, %get3A_2568] {strides = array<i32>} : memref<2x8192xf32, #tpu.memory_space<vmem>>, vector<16xf32>,
        %exp3A_2570 = math.exp %get3A_2569 : vector<16xf32>
        %add3A_2571 = arith.addf %add3A_2533, %exp3A_2570 : vector<16xf32>
        %add3A_2572 = arith.constant 192 : i32
        %add3A_2573 = arith.addi %mul3A_2450, %add3A_2572 : i32
        %add3A_2574 = arith.constant 16 : i32
        %add3A_2575 = arith.addi %add3A_2573, %add3A_2574 : i32
        %get3A_2576 = arith.constant 0 : i32
        %get3A_2577 = arith.index_cast %get3A_2576 : i32 to index
        %get3A_2578 = arith.index_cast %add3A_2575 : i32 to index
        %get3A_2579 = tpu.vector_load %arg11[%get3A_2577, %get3A_2578] {strides = array<i32>} : memref<2x8192xf32, #tpu.memory_space<vmem>>, vector<16xf32>,
        %exp3A_2580 = math.exp %get3A_2579 : vector<16xf32>
        %add3A_2581 = arith.addf %add3A_2543, %exp3A_2580 : vector<16xf32>
        %add3A_2582 = arith.constant 192 : i32
        %add3A_2583 = arith.addi %mul3A_2450, %add3A_2582 : i32
        %add3A_2584 = arith.constant 32 : i32
        %add3A_2585 = arith.addi %add3A_2583, %add3A_2584 : i32
        %get3A_2586 = arith.constant 0 : i32
        %get3A_2587 = arith.index_cast %get3A_2586 : i32 to index
        %get3A_2588 = arith.index_cast %add3A_2585 : i32 to index
        %get3A_2589 = tpu.vector_load %arg11[%get3A_2587, %get3A_2588] {strides = array<i32>} : memref<2x8192xf32, #tpu.memory_space<vmem>>, vector<16xf32>,
        %exp3A_2590 = math.exp %get3A_2589 : vector<16xf32>
        %add3A_2591 = arith.addf %add3A_2553, %exp3A_2590 : vector<16xf32>
        %add3A_2592 = arith.constant 192 : i32
        %add3A_2593 = arith.addi %mul3A_2450, %add3A_2592 : i32
        %add3A_2594 = arith.constant 48 : i32
        %add3A_2595 = arith.addi %add3A_2593, %add3A_2594 : i32
        %get3A_2596 = arith.constant 0 : i32
        %get3A_2597 = arith.index_cast %get3A_2596 : i32 to index
        %get3A_2598 = arith.index_cast %add3A_2595 : i32 to index
        %get3A_2599 = tpu.vector_load %arg11[%get3A_2597, %get3A_2598] {strides = array<i32>} : memref<2x8192xf32, #tpu.memory_space<vmem>>, vector<16xf32>,
        %exp3A_2600 = math.exp %get3A_2599 : vector<16xf32>
        %add3A_2601 = arith.addf %add3A_2563, %exp3A_2600 : vector<16xf32>
        scf.yield %add3A_2571, %add3A_2581, %add3A_2591, %add3A_2601 : vector<16xf32>, vector<16xf32>, vector<16xf32>, vector<16xf32>
      }
      %scan3A_2317 = arith.constant 32 : i32
      %mul3A_2318 = arith.constant 2 : i32
      %mul3A_2319 = arith.muli %add3A_2289, %mul3A_2318 : i32
      %add3A_2320 = arith.constant 0 : i32
      %add3A_2321 = arith.addi %mul3A_2319, %add3A_2320 : i32
      %add3A_2322 = arith.addf %scan3A_2316#0, %scan3A_2316#1 : vector<16xf32>
      %add3A_2323 = arith.addf %scan3A_2316#2, %scan3A_2316#3 : vector<16xf32>
      %add3A_2324 = arith.addf %add3A_2322, %add3A_2323 : vector<16xf32>
      %mul3A_2325 = arith.constant 16 : i32
      %mul3A_2326 = arith.muli %add3A_2321, %mul3A_2325 : i32
      %swap3A_2327 = arith.index_cast %mul3A_2326 : i32 to index
      %swap3A_2328 = tpu.vector_load %arg14[%swap3A_2327] {strides = array<i32>} : memref<4096xf32, #tpu.memory_space<vmem>>, vector<16xf32>,
      tpu.vector_store %arg14[%swap3A_2327], %add3A_2324 {strides = array<i32>} : memref<4096xf32, #tpu.memory_space<vmem>>, vector<16xf32>,
      %broadcast_in_dim3A_2329 = vector.broadcast %add3A_2321 : i32 to vector<16xi32>
      %gather3A_2330 = tpu.vector_load_idx %arg8[%broadcast_in_dim3A_2329] : memref<256xi32, #tpu.memory_space<vmem>>[vector<16xi32>], vector<16xi32>,
      %broadcast_in_dim3A_2331 = arith.constant 0 : i32
      %broadcast_in_dim3A_2332 = vector.broadcast %broadcast_in_dim3A_2331 : i32 to vector<16xi32>
      %gather3A_2333 = tpu.vector_load_idx %arg11[%broadcast_in_dim3A_2332, %gather3A_2330] : memref<2x8192xf32, #tpu.memory_space<vmem>>[vector<16xi32>, vector<16xi32>], vector<16xf32>,
      %mul3A_2334 = arith.constant 16 : i32
      %mul3A_2335 = arith.muli %add3A_2321, %mul3A_2334 : i32
      %swap3A_2336 = arith.index_cast %mul3A_2335 : i32 to index
      %swap3A_2337 = tpu.vector_load %arg15[%swap3A_2336] {strides = array<i32>} : memref<4096xf32, #tpu.memory_space<vmem>>, vector<16xf32>,
      tpu.vector_store %arg15[%swap3A_2336], %gather3A_2333 {strides = array<i32>} : memref<4096xf32, #tpu.memory_space<vmem>>, vector<16xf32>,
      %broadcast_in_dim3A_2338 = arith.constant 0.000000e+00 : f32
      %broadcast_in_dim3A_2339 = vector.broadcast %broadcast_in_dim3A_2338 : f32 to vector<16xf32>
      %scan3A_2340 = arith.constant 0 : i32
      %scan3A_2341 = arith.constant 32 : i32
      %scan3A_2342 = arith.addi %scan3A_2340, %scan3A_2341 : i32
      %scan3A_2343 = arith.constant 1 : i32
      %scan3A_2344:4 = scf.for %scan3A_2444 = %scan3A_2340 to %scan3A_2342 step %scan3A_2343 iter_args(%scan3A_2445 = %broadcast_in_dim3A_2339, %scan3A_2446 = %broadcast_in_dim3A_2339, %scan3A_2447 = %broadcast_in_dim3A_2339, %scan3A_2448 = %broadcast_in_dim3A_2339) -> (vector<16xf32>, vector<16xf32>, vector<16xf32>, vector<16xf32>)  : i32 {
        %mul3A_2449 = arith.constant 256 : i32
        %mul3A_2450 = arith.muli %scan3A_2444, %mul3A_2449 : i32
        %add3A_2451 = arith.constant 0 : i32
        %add3A_2452 = arith.addi %mul3A_2450, %add3A_2451 : i32
        %get3A = arith.constant 1 : i32
        %get3A_2453 = arith.index_cast %get3A : i32 to index
        %get3A_2454 = arith.index_cast %add3A_2452 : i32 to index
        %get3A_2455 = tpu.vector_load %arg11[%get3A_2453, %get3A_2454] {strides = array<i32>} : memref<2x8192xf32, #tpu.memory_space<vmem>>, vector<16xf32>,
        %exp3A_2456 = math.exp %get3A_2455 : vector<16xf32>
        %add3A_2457 = arith.addf %scan3A_2445, %exp3A_2456 : vector<16xf32>
        %add3A_2458 = arith.constant 0 : i32
        %add3A_2459 = arith.addi %mul3A_2450, %add3A_2458 : i32
        %add3A_2460 = arith.constant 16 : i32
        %add3A_2461 = arith.addi %add3A_2459, %add3A_2460 : i32
        %get3A_2462 = arith.constant 1 : i32
        %get3A_2463 = arith.index_cast %get3A_2462 : i32 to index
        %get3A_2464 = arith.index_cast %add3A_2461 : i32 to index
        %get3A_2465 = tpu.vector_load %arg11[%get3A_2463, %get3A_2464] {strides = array<i32>} : memref<2x8192xf32, #tpu.memory_space<vmem>>, vector<16xf32>,
        %exp3A_2466 = math.exp %get3A_2465 : vector<16xf32>
        %add3A_2467 = arith.addf %scan3A_2446, %exp3A_2466 : vector<16xf32>
        %add3A_2468 = arith.constant 0 : i32
        %add3A_2469 = arith.addi %mul3A_2450, %add3A_2468 : i32
        %add3A_2470 = arith.constant 32 : i32
        %add3A_2471 = arith.addi %add3A_2469, %add3A_2470 : i32
        %get3A_2472 = arith.constant 1 : i32
        %get3A_2473 = arith.index_cast %get3A_2472 : i32 to index
        %get3A_2474 = arith.index_cast %add3A_2471 : i32 to index
        %get3A_2475 = tpu.vector_load %arg11[%get3A_2473, %get3A_2474] {strides = array<i32>} : memref<2x8192xf32, #tpu.memory_space<vmem>>, vector<16xf32>,
        %exp3A_2476 = math.exp %get3A_2475 : vector<16xf32>
        %add3A_2477 = arith.addf %scan3A_2447, %exp3A_2476 : vector<16xf32>
        %add3A_2478 = arith.constant 0 : i32
        %add3A_2479 = arith.addi %mul3A_2450, %add3A_2478 : i32
        %add3A_2480 = arith.constant 48 : i32
        %add3A_2481 = arith.addi %add3A_2479, %add3A_2480 : i32
        %get3A_2482 = arith.constant 1 : i32
        %get3A_2483 = arith.index_cast %get3A_2482 : i32 to index
        %get3A_2484 = arith.index_cast %add3A_2481 : i32 to index
        %get3A_2485 = tpu.vector_load %arg11[%get3A_2483, %get3A_2484] {strides = array<i32>} : memref<2x8192xf32, #tpu.memory_space<vmem>>, vector<16xf32>,
        %exp3A_2486 = math.exp %get3A_2485 : vector<16xf32>
        %add3A_2487 = arith.addf %scan3A_2448, %exp3A_2486 : vector<16xf32>
        %add3A_2488 = arith.constant 64 : i32
        %add3A_2489 = arith.addi %mul3A_2450, %add3A_2488 : i32
        %get3A_2490 = arith.constant 1 : i32
        %get3A_2491 = arith.index_cast %get3A_2490 : i32 to index
        %get3A_2492 = arith.index_cast %add3A_2489 : i32 to index
        %get3A_2493 = tpu.vector_load %arg11[%get3A_2491, %get3A_2492] {strides = array<i32>} : memref<2x8192xf32, #tpu.memory_space<vmem>>, vector<16xf32>,
        %exp3A_2494 = math.exp %get3A_2493 : vector<16xf32>
        %add3A_2495 = arith.addf %add3A_2457, %exp3A_2494 : vector<16xf32>
        %add3A_2496 = arith.constant 64 : i32
        %add3A_2497 = arith.addi %mul3A_2450, %add3A_2496 : i32
        %add3A_2498 = arith.constant 16 : i32
        %add3A_2499 = arith.addi %add3A_2497, %add3A_2498 : i32
        %get3A_2500 = arith.constant 1 : i32
        %get3A_2501 = arith.index_cast %get3A_2500 : i32 to index
        %get3A_2502 = arith.index_cast %add3A_2499 : i32 to index
        %get3A_2503 = tpu.vector_load %arg11[%get3A_2501, %get3A_2502] {strides = array<i32>} : memref<2x8192xf32, #tpu.memory_space<vmem>>, vector<16xf32>,
        %exp3A_2504 = math.exp %get3A_2503 : vector<16xf32>
        %add3A_2505 = arith.addf %add3A_2467, %exp3A_2504 : vector<16xf32>
        %add3A_2506 = arith.constant 64 : i32
        %add3A_2507 = arith.addi %mul3A_2450, %add3A_2506 : i32
        %add3A_2508 = arith.constant 32 : i32
        %add3A_2509 = arith.addi %add3A_2507, %add3A_2508 : i32
        %get3A_2510 = arith.constant 1 : i32
        %get3A_2511 = arith.index_cast %get3A_2510 : i32 to index
        %get3A_2512 = arith.index_cast %add3A_2509 : i32 to index
        %get3A_2513 = tpu.vector_load %arg11[%get3A_2511, %get3A_2512] {strides = array<i32>} : memref<2x8192xf32, #tpu.memory_space<vmem>>, vector<16xf32>,
        %exp3A_2514 = math.exp %get3A_2513 : vector<16xf32>
        %add3A_2515 = arith.addf %add3A_2477, %exp3A_2514 : vector<16xf32>
        %add3A_2516 = arith.constant 64 : i32
        %add3A_2517 = arith.addi %mul3A_2450, %add3A_2516 : i32
        %add3A_2518 = arith.constant 48 : i32
        %add3A_2519 = arith.addi %add3A_2517, %add3A_2518 : i32
        %get3A_2520 = arith.constant 1 : i32
        %get3A_2521 = arith.index_cast %get3A_2520 : i32 to index
        %get3A_2522 = arith.index_cast %add3A_2519 : i32 to index
        %get3A_2523 = tpu.vector_load %arg11[%get3A_2521, %get3A_2522] {strides = array<i32>} : memref<2x8192xf32, #tpu.memory_space<vmem>>, vector<16xf32>,
        %exp3A_2524 = math.exp %get3A_2523 : vector<16xf32>
        %add3A_2525 = arith.addf %add3A_2487, %exp3A_2524 : vector<16xf32>
        %add3A_2526 = arith.constant 128 : i32
        %add3A_2527 = arith.addi %mul3A_2450, %add3A_2526 : i32
        %get3A_2528 = arith.constant 1 : i32
        %get3A_2529 = arith.index_cast %get3A_2528 : i32 to index
        %get3A_2530 = arith.index_cast %add3A_2527 : i32 to index
        %get3A_2531 = tpu.vector_load %arg11[%get3A_2529, %get3A_2530] {strides = array<i32>} : memref<2x8192xf32, #tpu.memory_space<vmem>>, vector<16xf32>,
        %exp3A_2532 = math.exp %get3A_2531 : vector<16xf32>
        %add3A_2533 = arith.addf %add3A_2495, %exp3A_2532 : vector<16xf32>
        %add3A_2534 = arith.constant 128 : i32
        %add3A_2535 = arith.addi %mul3A_2450, %add3A_2534 : i32
        %add3A_2536 = arith.constant 16 : i32
        %add3A_2537 = arith.addi %add3A_2535, %add3A_2536 : i32
        %get3A_2538 = arith.constant 1 : i32
        %get3A_2539 = arith.index_cast %get3A_2538 : i32 to index
        %get3A_2540 = arith.index_cast %add3A_2537 : i32 to index
        %get3A_2541 = tpu.vector_load %arg11[%get3A_2539, %get3A_2540] {strides = array<i32>} : memref<2x8192xf32, #tpu.memory_space<vmem>>, vector<16xf32>,
        %exp3A_2542 = math.exp %get3A_2541 : vector<16xf32>
        %add3A_2543 = arith.addf %add3A_2505, %exp3A_2542 : vector<16xf32>
        %add3A_2544 = arith.constant 128 : i32
        %add3A_2545 = arith.addi %mul3A_2450, %add3A_2544 : i32
        %add3A_2546 = arith.constant 32 : i32
        %add3A_2547 = arith.addi %add3A_2545, %add3A_2546 : i32
        %get3A_2548 = arith.constant 1 : i32
        %get3A_2549 = arith.index_cast %get3A_2548 : i32 to index
        %get3A_2550 = arith.index_cast %add3A_2547 : i32 to index
        %get3A_2551 = tpu.vector_load %arg11[%get3A_2549, %get3A_2550] {strides = array<i32>} : memref<2x8192xf32, #tpu.memory_space<vmem>>, vector<16xf32>,
        %exp3A_2552 = math.exp %get3A_2551 : vector<16xf32>
        %add3A_2553 = arith.addf %add3A_2515, %exp3A_2552 : vector<16xf32>
        %add3A_2554 = arith.constant 128 : i32
        %add3A_2555 = arith.addi %mul3A_2450, %add3A_2554 : i32
        %add3A_2556 = arith.constant 48 : i32
        %add3A_2557 = arith.addi %add3A_2555, %add3A_2556 : i32
        %get3A_2558 = arith.constant 1 : i32
        %get3A_2559 = arith.index_cast %get3A_2558 : i32 to index
        %get3A_2560 = arith.index_cast %add3A_2557 : i32 to index
        %get3A_2561 = tpu.vector_load %arg11[%get3A_2559, %get3A_2560] {strides = array<i32>} : memref<2x8192xf32, #tpu.memory_space<vmem>>, vector<16xf32>,
        %exp3A_2562 = math.exp %get3A_2561 : vector<16xf32>
        %add3A_2563 = arith.addf %add3A_2525, %exp3A_2562 : vector<16xf32>
        %add3A_2564 = arith.constant 192 : i32
        %add3A_2565 = arith.addi %mul3A_2450, %add3A_2564 : i32
        %get3A_2566 = arith.constant 1 : i32
        %get3A_2567 = arith.index_cast %get3A_2566 : i32 to index
        %get3A_2568 = arith.index_cast %add3A_2565 : i32 to index
        %get3A_2569 = tpu.vector_load %arg11[%get3A_2567, %get3A_2568] {strides = array<i32>} : memref<2x8192xf32, #tpu.memory_space<vmem>>, vector<16xf32>,
        %exp3A_2570 = math.exp %get3A_2569 : vector<16xf32>
        %add3A_2571 = arith.addf %add3A_2533, %exp3A_2570 : vector<16xf32>
        %add3A_2572 = arith.constant 192 : i32
        %add3A_2573 = arith.addi %mul3A_2450, %add3A_2572 : i32
        %add3A_2574 = arith.constant 16 : i32
        %add3A_2575 = arith.addi %add3A_2573, %add3A_2574 : i32
        %get3A_2576 = arith.constant 1 : i32
        %get3A_2577 = arith.index_cast %get3A_2576 : i32 to index
        %get3A_2578 = arith.index_cast %add3A_2575 : i32 to index
        %get3A_2579 = tpu.vector_load %arg11[%get3A_2577, %get3A_2578] {strides = array<i32>} : memref<2x8192xf32, #tpu.memory_space<vmem>>, vector<16xf32>,
        %exp3A_2580 = math.exp %get3A_2579 : vector<16xf32>
        %add3A_2581 = arith.addf %add3A_2543, %exp3A_2580 : vector<16xf32>
        %add3A_2582 = arith.constant 192 : i32
        %add3A_2583 = arith.addi %mul3A_2450, %add3A_2582 : i32
        %add3A_2584 = arith.constant 32 : i32
        %add3A_2585 = arith.addi %add3A_2583, %add3A_2584 : i32
        %get3A_2586 = arith.constant 1 : i32
        %get3A_2587 = arith.index_cast %get3A_2586 : i32 to index
        %get3A_2588 = arith.index_cast %add3A_2585 : i32 to index
        %get3A_2589 = tpu.vector_load %arg11[%get3A_2587, %get3A_2588] {strides = array<i32>} : memref<2x8192xf32, #tpu.memory_space<vmem>>, vector<16xf32>,
        %exp3A_2590 = math.exp %get3A_2589 : vector<16xf32>
        %add3A_2591 = arith.addf %add3A_2553, %exp3A_2590 : vector<16xf32>
        %add3A_2592 = arith.constant 192 : i32
        %add3A_2593 = arith.addi %mul3A_2450, %add3A_2592 : i32
        %add3A_2594 = arith.constant 48 : i32
        %add3A_2595 = arith.addi %add3A_2593, %add3A_2594 : i32
        %get3A_2596 = arith.constant 1 : i32
        %get3A_2597 = arith.index_cast %get3A_2596 : i32 to index
        %get3A_2598 = arith.index_cast %add3A_2595 : i32 to index
        %get3A_2599 = tpu.vector_load %arg11[%get3A_2597, %get3A_2598] {strides = array<i32>} : memref<2x8192xf32, #tpu.memory_space<vmem>>, vector<16xf32>,
        %exp3A_2600 = math.exp %get3A_2599 : vector<16xf32>
        %add3A_2601 = arith.addf %add3A_2563, %exp3A_2600 : vector<16xf32>
        scf.yield %add3A_2571, %add3A_2581, %add3A_2591, %add3A_2601 : vector<16xf32>, vector<16xf32>, vector<16xf32>, vector<16xf32>
      }
      %scan3A_2345 = arith.constant 32 : i32
      %mul3A_2346 = arith.constant 2 : i32
      %mul3A_2347 = arith.muli %add3A_2289, %mul3A_2346 : i32
      %add3A_2348 = arith.constant 1 : i32
      %add3A_2349 = arith.addi %mul3A_2347, %add3A_2348 : i32
      %add3A_2350 = arith.addf %scan3A_2344#0, %scan3A_2344#1 : vector<16xf32>
      %add3A_2351 = arith.addf %scan3A_2344#2, %scan3A_2344#3 : vector<16xf32>
      %add3A_2352 = arith.addf %add3A_2350, %add3A_2351 : vector<16xf32>
      %mul3A_2353 = arith.constant 16 : i32
      %mul3A_2354 = arith.muli %add3A_2349, %mul3A_2353 : i32
      %swap3A_2355 = arith.index_cast %mul3A_2354 : i32 to index
      %swap3A_2356 = tpu.vector_load %arg14[%swap3A_2355] {strides = array<i32>} : memref<4096xf32, #tpu.memory_space<vmem>>, vector<16xf32>,
      tpu.vector_store %arg14[%swap3A_2355], %add3A_2352 {strides = array<i32>} : memref<4096xf32, #tpu.memory_space<vmem>>, vector<16xf32>,
      %broadcast_in_dim3A_2357 = vector.broadcast %add3A_2349 : i32 to vector<16xi32>
      %gather3A_2358 = tpu.vector_load_idx %arg8[%broadcast_in_dim3A_2357] : memref<256xi32, #tpu.memory_space<vmem>>[vector<16xi32>], vector<16xi32>,
      %broadcast_in_dim3A_2359 = arith.constant 1 : i32
      %broadcast_in_dim3A_2360 = vector.broadcast %broadcast_in_dim3A_2359 : i32 to vector<16xi32>
      %gather3A_2361 = tpu.vector_load_idx %arg11[%broadcast_in_dim3A_2360, %gather3A_2358] : memref<2x8192xf32, #tpu.memory_space<vmem>>[vector<16xi32>, vector<16xi32>], vector<16xf32>,
      %mul3A_2362 = arith.constant 16 : i32
      %mul3A_2363 = arith.muli %add3A_2349, %mul3A_2362 : i32
      %swap3A_2364 = arith.index_cast %mul3A_2363 : i32 to index
      %swap3A_2365 = tpu.vector_load %arg15[%swap3A_2364] {strides = array<i32>} : memref<4096xf32, #tpu.memory_space<vmem>>, vector<16xf32>,
      tpu.vector_store %arg15[%swap3A_2364], %gather3A_2361 {strides = array<i32>} : memref<4096xf32, #tpu.memory_space<vmem>>, vector<16xf32>,
      %add3A_2366 = arith.constant 3 : i32
      %add3A_2367 = arith.addi %mul3A_2135, %add3A_2366 : i32
      %dma_wait3A_2368 = arith.constant 0 : i32
      %dma_wait3A_2369 = arith.constant 0 : i32
      %dma_wait3A_2370 = tpu.memref_slice %arg2[%dma_wait3A_2368, %dma_wait3A_2369] : memref<8192x8192xf32, #tpu.memory_space<hbm>> -> memref<2x8192xf32, #tpu.memory_space<hbm>>
      %dma_wait3A_2371 = arith.constant 0 : i32
      %dma_wait3A_2372 = arith.constant 0 : i32
      %dma_wait3A_2373 = tpu.memref_slice %arg2[%dma_wait3A_2371, %dma_wait3A_2372] : memref<8192x8192xf32, #tpu.memory_space<hbm>> -> memref<2x8192xf32, #tpu.memory_space<hbm>>
      tpu.wait_dma2 semaphore(%arg19 : memref<!tpu.dma_semaphore, #tpu.memory_space<semaphore_mem>>) src(%dma_wait3A_2373 : memref<2x8192xf32, #tpu.memory_space<hbm>>) dst(%arg12 : memref<2x8192xf32, #tpu.memory_space<vmem>>)
      %add3A_2374 = arith.constant 3 : i32
      %add3A_2375 = arith.addi %add3A_2367, %add3A_2374 : i32
      %lt3A_2376 = arith.constant 128 : i32
      %lt3A_2377 = arith.cmpi slt, %add3A_2375, %lt3A_2376 : i32
      %convert_element_type3A_2378 = arith.extui %lt3A_2377 : i1 to i32
      %cond3A_2379 = arith.constant 0 : i32
      %cond3A_2380 = arith.cmpi ne, %convert_element_type3A_2378, %cond3A_2379 : i32
      scf.if %cond3A_2380 {
        %ge3A = arith.constant 1 : i32
        %ge3A_2444 = arith.cmpi sge, %add3A_2367, %ge3A : i32
        %convert_element_type3A_2445 = arith.extui %ge3A_2444 : i1 to i32
        %cond3A_2446 = arith.constant 0 : i32
        %cond3A_2447 = arith.cmpi ne, %convert_element_type3A_2445, %cond3A_2446 : i32
        scf.if %cond3A_2447 {
          %dma_wait3A_2456 = arith.constant 0 : i32
          %dma_wait3A_2457 = arith.constant 0 : i32
          %dma_wait3A_2458 = tpu.memref_slice %arg2[%dma_wait3A_2456, %dma_wait3A_2457] : memref<8192x8192xf32, #tpu.memory_space<hbm>> -> memref<2x8192xf32, #tpu.memory_space<hbm>>
          %dma_wait3A_2459 = arith.constant 0 : i32
          %dma_wait3A_2460 = arith.constant 0 : i32
          %dma_wait3A_2461 = tpu.memref_slice %arg2[%dma_wait3A_2459, %dma_wait3A_2460] : memref<8192x8192xf32, #tpu.memory_space<hbm>> -> memref<2x8192xf32, #tpu.memory_space<hbm>>
          tpu.wait_dma2 semaphore(%arg22 : memref<!tpu.dma_semaphore, #tpu.memory_space<semaphore_mem>>) src(%dma_wait3A_2461 : memref<2x8192xf32, #tpu.memory_space<hbm>>) dst(%arg11 : memref<2x8192xf32, #tpu.memory_space<vmem>>)
        } else {
        }
        %add3A_2448 = arith.constant 3 : i32
        %add3A_2449 = arith.addi %add3A_2367, %add3A_2448 : i32
        %dma_start3A_2450 = arith.constant 0 : i32
        %dma_start3A_2451 = tpu.memref_slice %arg7[%add3A_2449, %dma_start3A_2450] : memref<128x2xi32, #tpu.memory_space<vmem>> -> memref<1x2xi32, #tpu.memory_space<vmem>>
        %dma_start3A_2452 = tpu.memref_squeeze %dma_start3A_2451 : memref<1x2xi32, #tpu.memory_space<vmem>> -> memref<2xi32, #tpu.memory_space<vmem>>
        %dma_start3A_2453 = arith.constant 0 : i32
        %dma_start3A_2454 = arith.constant 0 : i32
        %dma_start3A_2455 = tpu.memref_slice %arg2[%dma_start3A_2453, %dma_start3A_2454] : memref<8192x8192xf32, #tpu.memory_space<hbm>> -> memref<8192x8192xf32, #tpu.memory_space<hbm>>
        tpu.enqueue_indirect_dma source(%dma_start3A_2455 : memref<8192x8192xf32, #tpu.memory_space<hbm>>) target(%arg11 : memref<2x8192xf32, #tpu.memory_space<vmem>>) offsets(%dma_start3A_2452 : memref<2xi32, #tpu.memory_space<vmem>>) semaphore(%arg18 : memref<!tpu.dma_semaphore, #tpu.memory_space<semaphore_mem>>)
      } else {
      }
      %mul3A_2381 = arith.constant 2 : i32
      %mul3A_2382 = arith.muli %add3A_2367, %mul3A_2381 : i32
      %add3A_2383 = arith.addi %mul3A_2, %mul3A_2382 : i32
      %dma_start3A_2384 = arith.constant 0 : i32
      %dma_start3A_2385 = tpu.memref_slice %arg5[%add3A_2383, %dma_start3A_2384] : memref<8192x8192xf32, #tpu.memory_space<hbm>> -> memref<2x8192xf32, #tpu.memory_space<hbm>>
      %dma_start3A_2386 = arith.constant 0 : i32
      %dma_start3A_2387 = tpu.memref_slice %arg5[%add3A_2383, %dma_start3A_2386] : memref<8192x8192xf32, #tpu.memory_space<hbm>> -> memref<2x8192xf32, #tpu.memory_space<hbm>>
      tpu.enqueue_dma source(%arg12 : memref<2x8192xf32, #tpu.memory_space<vmem>>) target(%dma_start3A_2387 : memref<2x8192xf32, #tpu.memory_space<hbm>>) target_semaphore(%arg23 : memref<!tpu.dma_semaphore, #tpu.memory_space<semaphore_mem>>)
      %broadcast_in_dim3A_2388 = arith.constant 0.000000e+00 : f32
      %broadcast_in_dim3A_2389 = vector.broadcast %broadcast_in_dim3A_2388 : f32 to vector<16xf32>
      %scan3A_2390 = arith.constant 0 : i32
      %scan3A_2391 = arith.constant 32 : i32
      %scan3A_2392 = arith.addi %scan3A_2390, %scan3A_2391 : i32
      %scan3A_2393 = arith.constant 1 : i32
      %scan3A_2394:4 = scf.for %scan3A_2444 = %scan3A_2390 to %scan3A_2392 step %scan3A_2393 iter_args(%scan3A_2445 = %broadcast_in_dim3A_2389, %scan3A_2446 = %broadcast_in_dim3A_2389, %scan3A_2447 = %broadcast_in_dim3A_2389, %scan3A_2448 = %broadcast_in_dim3A_2389) -> (vector<16xf32>, vector<16xf32>, vector<16xf32>, vector<16xf32>)  : i32 {
        %mul3A_2449 = arith.constant 256 : i32
        %mul3A_2450 = arith.muli %scan3A_2444, %mul3A_2449 : i32
        %add3A_2451 = arith.constant 0 : i32
        %add3A_2452 = arith.addi %mul3A_2450, %add3A_2451 : i32
        %get3A = arith.constant 0 : i32
        %get3A_2453 = arith.index_cast %get3A : i32 to index
        %get3A_2454 = arith.index_cast %add3A_2452 : i32 to index
        %get3A_2455 = tpu.vector_load %arg12[%get3A_2453, %get3A_2454] {strides = array<i32>} : memref<2x8192xf32, #tpu.memory_space<vmem>>, vector<16xf32>,
        %exp3A_2456 = math.exp %get3A_2455 : vector<16xf32>
        %add3A_2457 = arith.addf %scan3A_2445, %exp3A_2456 : vector<16xf32>
        %add3A_2458 = arith.constant 0 : i32
        %add3A_2459 = arith.addi %mul3A_2450, %add3A_2458 : i32
        %add3A_2460 = arith.constant 16 : i32
        %add3A_2461 = arith.addi %add3A_2459, %add3A_2460 : i32
        %get3A_2462 = arith.constant 0 : i32
        %get3A_2463 = arith.index_cast %get3A_2462 : i32 to index
        %get3A_2464 = arith.index_cast %add3A_2461 : i32 to index
        %get3A_2465 = tpu.vector_load %arg12[%get3A_2463, %get3A_2464] {strides = array<i32>} : memref<2x8192xf32, #tpu.memory_space<vmem>>, vector<16xf32>,
        %exp3A_2466 = math.exp %get3A_2465 : vector<16xf32>
        %add3A_2467 = arith.addf %scan3A_2446, %exp3A_2466 : vector<16xf32>
        %add3A_2468 = arith.constant 0 : i32
        %add3A_2469 = arith.addi %mul3A_2450, %add3A_2468 : i32
        %add3A_2470 = arith.constant 32 : i32
        %add3A_2471 = arith.addi %add3A_2469, %add3A_2470 : i32
        %get3A_2472 = arith.constant 0 : i32
        %get3A_2473 = arith.index_cast %get3A_2472 : i32 to index
        %get3A_2474 = arith.index_cast %add3A_2471 : i32 to index
        %get3A_2475 = tpu.vector_load %arg12[%get3A_2473, %get3A_2474] {strides = array<i32>} : memref<2x8192xf32, #tpu.memory_space<vmem>>, vector<16xf32>,
        %exp3A_2476 = math.exp %get3A_2475 : vector<16xf32>
        %add3A_2477 = arith.addf %scan3A_2447, %exp3A_2476 : vector<16xf32>
        %add3A_2478 = arith.constant 0 : i32
        %add3A_2479 = arith.addi %mul3A_2450, %add3A_2478 : i32
        %add3A_2480 = arith.constant 48 : i32
        %add3A_2481 = arith.addi %add3A_2479, %add3A_2480 : i32
        %get3A_2482 = arith.constant 0 : i32
        %get3A_2483 = arith.index_cast %get3A_2482 : i32 to index
        %get3A_2484 = arith.index_cast %add3A_2481 : i32 to index
        %get3A_2485 = tpu.vector_load %arg12[%get3A_2483, %get3A_2484] {strides = array<i32>} : memref<2x8192xf32, #tpu.memory_space<vmem>>, vector<16xf32>,
        %exp3A_2486 = math.exp %get3A_2485 : vector<16xf32>
        %add3A_2487 = arith.addf %scan3A_2448, %exp3A_2486 : vector<16xf32>
        %add3A_2488 = arith.constant 64 : i32
        %add3A_2489 = arith.addi %mul3A_2450, %add3A_2488 : i32
        %get3A_2490 = arith.constant 0 : i32
        %get3A_2491 = arith.index_cast %get3A_2490 : i32 to index
        %get3A_2492 = arith.index_cast %add3A_2489 : i32 to index
        %get3A_2493 = tpu.vector_load %arg12[%get3A_2491, %get3A_2492] {strides = array<i32>} : memref<2x8192xf32, #tpu.memory_space<vmem>>, vector<16xf32>,
        %exp3A_2494 = math.exp %get3A_2493 : vector<16xf32>
        %add3A_2495 = arith.addf %add3A_2457, %exp3A_2494 : vector<16xf32>
        %add3A_2496 = arith.constant 64 : i32
        %add3A_2497 = arith.addi %mul3A_2450, %add3A_2496 : i32
        %add3A_2498 = arith.constant 16 : i32
        %add3A_2499 = arith.addi %add3A_2497, %add3A_2498 : i32
        %get3A_2500 = arith.constant 0 : i32
        %get3A_2501 = arith.index_cast %get3A_2500 : i32 to index
        %get3A_2502 = arith.index_cast %add3A_2499 : i32 to index
        %get3A_2503 = tpu.vector_load %arg12[%get3A_2501, %get3A_2502] {strides = array<i32>} : memref<2x8192xf32, #tpu.memory_space<vmem>>, vector<16xf32>,
        %exp3A_2504 = math.exp %get3A_2503 : vector<16xf32>
        %add3A_2505 = arith.addf %add3A_2467, %exp3A_2504 : vector<16xf32>
        %add3A_2506 = arith.constant 64 : i32
        %add3A_2507 = arith.addi %mul3A_2450, %add3A_2506 : i32
        %add3A_2508 = arith.constant 32 : i32
        %add3A_2509 = arith.addi %add3A_2507, %add3A_2508 : i32
        %get3A_2510 = arith.constant 0 : i32
        %get3A_2511 = arith.index_cast %get3A_2510 : i32 to index
        %get3A_2512 = arith.index_cast %add3A_2509 : i32 to index
        %get3A_2513 = tpu.vector_load %arg12[%get3A_2511, %get3A_2512] {strides = array<i32>} : memref<2x8192xf32, #tpu.memory_space<vmem>>, vector<16xf32>,
        %exp3A_2514 = math.exp %get3A_2513 : vector<16xf32>
        %add3A_2515 = arith.addf %add3A_2477, %exp3A_2514 : vector<16xf32>
        %add3A_2516 = arith.constant 64 : i32
        %add3A_2517 = arith.addi %mul3A_2450, %add3A_2516 : i32
        %add3A_2518 = arith.constant 48 : i32
        %add3A_2519 = arith.addi %add3A_2517, %add3A_2518 : i32
        %get3A_2520 = arith.constant 0 : i32
        %get3A_2521 = arith.index_cast %get3A_2520 : i32 to index
        %get3A_2522 = arith.index_cast %add3A_2519 : i32 to index
        %get3A_2523 = tpu.vector_load %arg12[%get3A_2521, %get3A_2522] {strides = array<i32>} : memref<2x8192xf32, #tpu.memory_space<vmem>>, vector<16xf32>,
        %exp3A_2524 = math.exp %get3A_2523 : vector<16xf32>
        %add3A_2525 = arith.addf %add3A_2487, %exp3A_2524 : vector<16xf32>
        %add3A_2526 = arith.constant 128 : i32
        %add3A_2527 = arith.addi %mul3A_2450, %add3A_2526 : i32
        %get3A_2528 = arith.constant 0 : i32
        %get3A_2529 = arith.index_cast %get3A_2528 : i32 to index
        %get3A_2530 = arith.index_cast %add3A_2527 : i32 to index
        %get3A_2531 = tpu.vector_load %arg12[%get3A_2529, %get3A_2530] {strides = array<i32>} : memref<2x8192xf32, #tpu.memory_space<vmem>>, vector<16xf32>,
        %exp3A_2532 = math.exp %get3A_2531 : vector<16xf32>
        %add3A_2533 = arith.addf %add3A_2495, %exp3A_2532 : vector<16xf32>
        %add3A_2534 = arith.constant 128 : i32
        %add3A_2535 = arith.addi %mul3A_2450, %add3A_2534 : i32
        %add3A_2536 = arith.constant 16 : i32
        %add3A_2537 = arith.addi %add3A_2535, %add3A_2536 : i32
        %get3A_2538 = arith.constant 0 : i32
        %get3A_2539 = arith.index_cast %get3A_2538 : i32 to index
        %get3A_2540 = arith.index_cast %add3A_2537 : i32 to index
        %get3A_2541 = tpu.vector_load %arg12[%get3A_2539, %get3A_2540] {strides = array<i32>} : memref<2x8192xf32, #tpu.memory_space<vmem>>, vector<16xf32>,
        %exp3A_2542 = math.exp %get3A_2541 : vector<16xf32>
        %add3A_2543 = arith.addf %add3A_2505, %exp3A_2542 : vector<16xf32>
        %add3A_2544 = arith.constant 128 : i32
        %add3A_2545 = arith.addi %mul3A_2450, %add3A_2544 : i32
        %add3A_2546 = arith.constant 32 : i32
        %add3A_2547 = arith.addi %add3A_2545, %add3A_2546 : i32
        %get3A_2548 = arith.constant 0 : i32
        %get3A_2549 = arith.index_cast %get3A_2548 : i32 to index
        %get3A_2550 = arith.index_cast %add3A_2547 : i32 to index
        %get3A_2551 = tpu.vector_load %arg12[%get3A_2549, %get3A_2550] {strides = array<i32>} : memref<2x8192xf32, #tpu.memory_space<vmem>>, vector<16xf32>,
        %exp3A_2552 = math.exp %get3A_2551 : vector<16xf32>
        %add3A_2553 = arith.addf %add3A_2515, %exp3A_2552 : vector<16xf32>
        %add3A_2554 = arith.constant 128 : i32
        %add3A_2555 = arith.addi %mul3A_2450, %add3A_2554 : i32
        %add3A_2556 = arith.constant 48 : i32
        %add3A_2557 = arith.addi %add3A_2555, %add3A_2556 : i32
        %get3A_2558 = arith.constant 0 : i32
        %get3A_2559 = arith.index_cast %get3A_2558 : i32 to index
        %get3A_2560 = arith.index_cast %add3A_2557 : i32 to index
        %get3A_2561 = tpu.vector_load %arg12[%get3A_2559, %get3A_2560] {strides = array<i32>} : memref<2x8192xf32, #tpu.memory_space<vmem>>, vector<16xf32>,
        %exp3A_2562 = math.exp %get3A_2561 : vector<16xf32>
        %add3A_2563 = arith.addf %add3A_2525, %exp3A_2562 : vector<16xf32>
        %add3A_2564 = arith.constant 192 : i32
        %add3A_2565 = arith.addi %mul3A_2450, %add3A_2564 : i32
        %get3A_2566 = arith.constant 0 : i32
        %get3A_2567 = arith.index_cast %get3A_2566 : i32 to index
        %get3A_2568 = arith.index_cast %add3A_2565 : i32 to index
        %get3A_2569 = tpu.vector_load %arg12[%get3A_2567, %get3A_2568] {strides = array<i32>} : memref<2x8192xf32, #tpu.memory_space<vmem>>, vector<16xf32>,
        %exp3A_2570 = math.exp %get3A_2569 : vector<16xf32>
        %add3A_2571 = arith.addf %add3A_2533, %exp3A_2570 : vector<16xf32>
        %add3A_2572 = arith.constant 192 : i32
        %add3A_2573 = arith.addi %mul3A_2450, %add3A_2572 : i32
        %add3A_2574 = arith.constant 16 : i32
        %add3A_2575 = arith.addi %add3A_2573, %add3A_2574 : i32
        %get3A_2576 = arith.constant 0 : i32
        %get3A_2577 = arith.index_cast %get3A_2576 : i32 to index
        %get3A_2578 = arith.index_cast %add3A_2575 : i32 to index
        %get3A_2579 = tpu.vector_load %arg12[%get3A_2577, %get3A_2578] {strides = array<i32>} : memref<2x8192xf32, #tpu.memory_space<vmem>>, vector<16xf32>,
        %exp3A_2580 = math.exp %get3A_2579 : vector<16xf32>
        %add3A_2581 = arith.addf %add3A_2543, %exp3A_2580 : vector<16xf32>
        %add3A_2582 = arith.constant 192 : i32
        %add3A_2583 = arith.addi %mul3A_2450, %add3A_2582 : i32
        %add3A_2584 = arith.constant 32 : i32
        %add3A_2585 = arith.addi %add3A_2583, %add3A_2584 : i32
        %get3A_2586 = arith.constant 0 : i32
        %get3A_2587 = arith.index_cast %get3A_2586 : i32 to index
        %get3A_2588 = arith.index_cast %add3A_2585 : i32 to index
        %get3A_2589 = tpu.vector_load %arg12[%get3A_2587, %get3A_2588] {strides = array<i32>} : memref<2x8192xf32, #tpu.memory_space<vmem>>, vector<16xf32>,
        %exp3A_2590 = math.exp %get3A_2589 : vector<16xf32>
        %add3A_2591 = arith.addf %add3A_2553, %exp3A_2590 : vector<16xf32>
        %add3A_2592 = arith.constant 192 : i32
        %add3A_2593 = arith.addi %mul3A_2450, %add3A_2592 : i32
        %add3A_2594 = arith.constant 48 : i32
        %add3A_2595 = arith.addi %add3A_2593, %add3A_2594 : i32
        %get3A_2596 = arith.constant 0 : i32
        %get3A_2597 = arith.index_cast %get3A_2596 : i32 to index
        %get3A_2598 = arith.index_cast %add3A_2595 : i32 to index
        %get3A_2599 = tpu.vector_load %arg12[%get3A_2597, %get3A_2598] {strides = array<i32>} : memref<2x8192xf32, #tpu.memory_space<vmem>>, vector<16xf32>,
        %exp3A_2600 = math.exp %get3A_2599 : vector<16xf32>
        %add3A_2601 = arith.addf %add3A_2563, %exp3A_2600 : vector<16xf32>
        scf.yield %add3A_2571, %add3A_2581, %add3A_2591, %add3A_2601 : vector<16xf32>, vector<16xf32>, vector<16xf32>, vector<16xf32>
      }
      %scan3A_2395 = arith.constant 32 : i32
      %mul3A_2396 = arith.constant 2 : i32
      %mul3A_2397 = arith.muli %add3A_2367, %mul3A_2396 : i32
      %add3A_2398 = arith.constant 0 : i32
      %add3A_2399 = arith.addi %mul3A_2397, %add3A_2398 : i32
      %add3A_2400 = arith.addf %scan3A_2394#0, %scan3A_2394#1 : vector<16xf32>
      %add3A_2401 = arith.addf %scan3A_2394#2, %scan3A_2394#3 : vector<16xf32>
      %add3A_2402 = arith.addf %add3A_2400, %add3A_2401 : vector<16xf32>
      %mul3A_2403 = arith.constant 16 : i32
      %mul3A_2404 = arith.muli %add3A_2399, %mul3A_2403 : i32
      %swap3A_2405 = arith.index_cast %mul3A_2404 : i32 to index
      %swap3A_2406 = tpu.vector_load %arg14[%swap3A_2405] {strides = array<i32>} : memref<4096xf32, #tpu.memory_space<vmem>>, vector<16xf32>,
      tpu.vector_store %arg14[%swap3A_2405], %add3A_2402 {strides = array<i32>} : memref<4096xf32, #tpu.memory_space<vmem>>, vector<16xf32>,
      %broadcast_in_dim3A_2407 = vector.broadcast %add3A_2399 : i32 to vector<16xi32>
      %gather3A_2408 = tpu.vector_load_idx %arg8[%broadcast_in_dim3A_2407] : memref<256xi32, #tpu.memory_space<vmem>>[vector<16xi32>], vector<16xi32>,
      %broadcast_in_dim3A_2409 = arith.constant 0 : i32
      %broadcast_in_dim3A_2410 = vector.broadcast %broadcast_in_dim3A_2409 : i32 to vector<16xi32>
      %gather3A_2411 = tpu.vector_load_idx %arg12[%broadcast_in_dim3A_2410, %gather3A_2408] : memref<2x8192xf32, #tpu.memory_space<vmem>>[vector<16xi32>, vector<16xi32>], vector<16xf32>,
      %mul3A_2412 = arith.constant 16 : i32
      %mul3A_2413 = arith.muli %add3A_2399, %mul3A_2412 : i32
      %swap3A_2414 = arith.index_cast %mul3A_2413 : i32 to index
      %swap3A_2415 = tpu.vector_load %arg15[%swap3A_2414] {strides = array<i32>} : memref<4096xf32, #tpu.memory_space<vmem>>, vector<16xf32>,
      tpu.vector_store %arg15[%swap3A_2414], %gather3A_2411 {strides = array<i32>} : memref<4096xf32, #tpu.memory_space<vmem>>, vector<16xf32>,
      %broadcast_in_dim3A_2416 = arith.constant 0.000000e+00 : f32
      %broadcast_in_dim3A_2417 = vector.broadcast %broadcast_in_dim3A_2416 : f32 to vector<16xf32>
      %scan3A_2418 = arith.constant 0 : i32
      %scan3A_2419 = arith.constant 32 : i32
      %scan3A_2420 = arith.addi %scan3A_2418, %scan3A_2419 : i32
      %scan3A_2421 = arith.constant 1 : i32
      %scan3A_2422:4 = scf.for %scan3A_2444 = %scan3A_2418 to %scan3A_2420 step %scan3A_2421 iter_args(%scan3A_2445 = %broadcast_in_dim3A_2417, %scan3A_2446 = %broadcast_in_dim3A_2417, %scan3A_2447 = %broadcast_in_dim3A_2417, %scan3A_2448 = %broadcast_in_dim3A_2417) -> (vector<16xf32>, vector<16xf32>, vector<16xf32>, vector<16xf32>)  : i32 {
        %mul3A_2449 = arith.constant 256 : i32
        %mul3A_2450 = arith.muli %scan3A_2444, %mul3A_2449 : i32
        %add3A_2451 = arith.constant 0 : i32
        %add3A_2452 = arith.addi %mul3A_2450, %add3A_2451 : i32
        %get3A = arith.constant 1 : i32
        %get3A_2453 = arith.index_cast %get3A : i32 to index
        %get3A_2454 = arith.index_cast %add3A_2452 : i32 to index
        %get3A_2455 = tpu.vector_load %arg12[%get3A_2453, %get3A_2454] {strides = array<i32>} : memref<2x8192xf32, #tpu.memory_space<vmem>>, vector<16xf32>,
        %exp3A_2456 = math.exp %get3A_2455 : vector<16xf32>
        %add3A_2457 = arith.addf %scan3A_2445, %exp3A_2456 : vector<16xf32>
        %add3A_2458 = arith.constant 0 : i32
        %add3A_2459 = arith.addi %mul3A_2450, %add3A_2458 : i32
        %add3A_2460 = arith.constant 16 : i32
        %add3A_2461 = arith.addi %add3A_2459, %add3A_2460 : i32
        %get3A_2462 = arith.constant 1 : i32
        %get3A_2463 = arith.index_cast %get3A_2462 : i32 to index
        %get3A_2464 = arith.index_cast %add3A_2461 : i32 to index
        %get3A_2465 = tpu.vector_load %arg12[%get3A_2463, %get3A_2464] {strides = array<i32>} : memref<2x8192xf32, #tpu.memory_space<vmem>>, vector<16xf32>,
        %exp3A_2466 = math.exp %get3A_2465 : vector<16xf32>
        %add3A_2467 = arith.addf %scan3A_2446, %exp3A_2466 : vector<16xf32>
        %add3A_2468 = arith.constant 0 : i32
        %add3A_2469 = arith.addi %mul3A_2450, %add3A_2468 : i32
        %add3A_2470 = arith.constant 32 : i32
        %add3A_2471 = arith.addi %add3A_2469, %add3A_2470 : i32
        %get3A_2472 = arith.constant 1 : i32
        %get3A_2473 = arith.index_cast %get3A_2472 : i32 to index
        %get3A_2474 = arith.index_cast %add3A_2471 : i32 to index
        %get3A_2475 = tpu.vector_load %arg12[%get3A_2473, %get3A_2474] {strides = array<i32>} : memref<2x8192xf32, #tpu.memory_space<vmem>>, vector<16xf32>,
        %exp3A_2476 = math.exp %get3A_2475 : vector<16xf32>
        %add3A_2477 = arith.addf %scan3A_2447, %exp3A_2476 : vector<16xf32>
        %add3A_2478 = arith.constant 0 : i32
        %add3A_2479 = arith.addi %mul3A_2450, %add3A_2478 : i32
        %add3A_2480 = arith.constant 48 : i32
        %add3A_2481 = arith.addi %add3A_2479, %add3A_2480 : i32
        %get3A_2482 = arith.constant 1 : i32
        %get3A_2483 = arith.index_cast %get3A_2482 : i32 to index
        %get3A_2484 = arith.index_cast %add3A_2481 : i32 to index
        %get3A_2485 = tpu.vector_load %arg12[%get3A_2483, %get3A_2484] {strides = array<i32>} : memref<2x8192xf32, #tpu.memory_space<vmem>>, vector<16xf32>,
        %exp3A_2486 = math.exp %get3A_2485 : vector<16xf32>
        %add3A_2487 = arith.addf %scan3A_2448, %exp3A_2486 : vector<16xf32>
        %add3A_2488 = arith.constant 64 : i32
        %add3A_2489 = arith.addi %mul3A_2450, %add3A_2488 : i32
        %get3A_2490 = arith.constant 1 : i32
        %get3A_2491 = arith.index_cast %get3A_2490 : i32 to index
        %get3A_2492 = arith.index_cast %add3A_2489 : i32 to index
        %get3A_2493 = tpu.vector_load %arg12[%get3A_2491, %get3A_2492] {strides = array<i32>} : memref<2x8192xf32, #tpu.memory_space<vmem>>, vector<16xf32>,
        %exp3A_2494 = math.exp %get3A_2493 : vector<16xf32>
        %add3A_2495 = arith.addf %add3A_2457, %exp3A_2494 : vector<16xf32>
        %add3A_2496 = arith.constant 64 : i32
        %add3A_2497 = arith.addi %mul3A_2450, %add3A_2496 : i32
        %add3A_2498 = arith.constant 16 : i32
        %add3A_2499 = arith.addi %add3A_2497, %add3A_2498 : i32
        %get3A_2500 = arith.constant 1 : i32
        %get3A_2501 = arith.index_cast %get3A_2500 : i32 to index
        %get3A_2502 = arith.index_cast %add3A_2499 : i32 to index
        %get3A_2503 = tpu.vector_load %arg12[%get3A_2501, %get3A_2502] {strides = array<i32>} : memref<2x8192xf32, #tpu.memory_space<vmem>>, vector<16xf32>,
        %exp3A_2504 = math.exp %get3A_2503 : vector<16xf32>
        %add3A_2505 = arith.addf %add3A_2467, %exp3A_2504 : vector<16xf32>
        %add3A_2506 = arith.constant 64 : i32
        %add3A_2507 = arith.addi %mul3A_2450, %add3A_2506 : i32
        %add3A_2508 = arith.constant 32 : i32
        %add3A_2509 = arith.addi %add3A_2507, %add3A_2508 : i32
        %get3A_2510 = arith.constant 1 : i32
        %get3A_2511 = arith.index_cast %get3A_2510 : i32 to index
        %get3A_2512 = arith.index_cast %add3A_2509 : i32 to index
        %get3A_2513 = tpu.vector_load %arg12[%get3A_2511, %get3A_2512] {strides = array<i32>} : memref<2x8192xf32, #tpu.memory_space<vmem>>, vector<16xf32>,
        %exp3A_2514 = math.exp %get3A_2513 : vector<16xf32>
        %add3A_2515 = arith.addf %add3A_2477, %exp3A_2514 : vector<16xf32>
        %add3A_2516 = arith.constant 64 : i32
        %add3A_2517 = arith.addi %mul3A_2450, %add3A_2516 : i32
        %add3A_2518 = arith.constant 48 : i32
        %add3A_2519 = arith.addi %add3A_2517, %add3A_2518 : i32
        %get3A_2520 = arith.constant 1 : i32
        %get3A_2521 = arith.index_cast %get3A_2520 : i32 to index
        %get3A_2522 = arith.index_cast %add3A_2519 : i32 to index
        %get3A_2523 = tpu.vector_load %arg12[%get3A_2521, %get3A_2522] {strides = array<i32>} : memref<2x8192xf32, #tpu.memory_space<vmem>>, vector<16xf32>,
        %exp3A_2524 = math.exp %get3A_2523 : vector<16xf32>
        %add3A_2525 = arith.addf %add3A_2487, %exp3A_2524 : vector<16xf32>
        %add3A_2526 = arith.constant 128 : i32
        %add3A_2527 = arith.addi %mul3A_2450, %add3A_2526 : i32
        %get3A_2528 = arith.constant 1 : i32
        %get3A_2529 = arith.index_cast %get3A_2528 : i32 to index
        %get3A_2530 = arith.index_cast %add3A_2527 : i32 to index
        %get3A_2531 = tpu.vector_load %arg12[%get3A_2529, %get3A_2530] {strides = array<i32>} : memref<2x8192xf32, #tpu.memory_space<vmem>>, vector<16xf32>,
        %exp3A_2532 = math.exp %get3A_2531 : vector<16xf32>
        %add3A_2533 = arith.addf %add3A_2495, %exp3A_2532 : vector<16xf32>
        %add3A_2534 = arith.constant 128 : i32
        %add3A_2535 = arith.addi %mul3A_2450, %add3A_2534 : i32
        %add3A_2536 = arith.constant 16 : i32
        %add3A_2537 = arith.addi %add3A_2535, %add3A_2536 : i32
        %get3A_2538 = arith.constant 1 : i32
        %get3A_2539 = arith.index_cast %get3A_2538 : i32 to index
        %get3A_2540 = arith.index_cast %add3A_2537 : i32 to index
        %get3A_2541 = tpu.vector_load %arg12[%get3A_2539, %get3A_2540] {strides = array<i32>} : memref<2x8192xf32, #tpu.memory_space<vmem>>, vector<16xf32>,
        %exp3A_2542 = math.exp %get3A_2541 : vector<16xf32>
        %add3A_2543 = arith.addf %add3A_2505, %exp3A_2542 : vector<16xf32>
        %add3A_2544 = arith.constant 128 : i32
        %add3A_2545 = arith.addi %mul3A_2450, %add3A_2544 : i32
        %add3A_2546 = arith.constant 32 : i32
        %add3A_2547 = arith.addi %add3A_2545, %add3A_2546 : i32
        %get3A_2548 = arith.constant 1 : i32
        %get3A_2549 = arith.index_cast %get3A_2548 : i32 to index
        %get3A_2550 = arith.index_cast %add3A_2547 : i32 to index
        %get3A_2551 = tpu.vector_load %arg12[%get3A_2549, %get3A_2550] {strides = array<i32>} : memref<2x8192xf32, #tpu.memory_space<vmem>>, vector<16xf32>,
        %exp3A_2552 = math.exp %get3A_2551 : vector<16xf32>
        %add3A_2553 = arith.addf %add3A_2515, %exp3A_2552 : vector<16xf32>
        %add3A_2554 = arith.constant 128 : i32
        %add3A_2555 = arith.addi %mul3A_2450, %add3A_2554 : i32
        %add3A_2556 = arith.constant 48 : i32
        %add3A_2557 = arith.addi %add3A_2555, %add3A_2556 : i32
        %get3A_2558 = arith.constant 1 : i32
        %get3A_2559 = arith.index_cast %get3A_2558 : i32 to index
        %get3A_2560 = arith.index_cast %add3A_2557 : i32 to index
        %get3A_2561 = tpu.vector_load %arg12[%get3A_2559, %get3A_2560] {strides = array<i32>} : memref<2x8192xf32, #tpu.memory_space<vmem>>, vector<16xf32>,
        %exp3A_2562 = math.exp %get3A_2561 : vector<16xf32>
        %add3A_2563 = arith.addf %add3A_2525, %exp3A_2562 : vector<16xf32>
        %add3A_2564 = arith.constant 192 : i32
        %add3A_2565 = arith.addi %mul3A_2450, %add3A_2564 : i32
        %get3A_2566 = arith.constant 1 : i32
        %get3A_2567 = arith.index_cast %get3A_2566 : i32 to index
        %get3A_2568 = arith.index_cast %add3A_2565 : i32 to index
        %get3A_2569 = tpu.vector_load %arg12[%get3A_2567, %get3A_2568] {strides = array<i32>} : memref<2x8192xf32, #tpu.memory_space<vmem>>, vector<16xf32>,
        %exp3A_2570 = math.exp %get3A_2569 : vector<16xf32>
        %add3A_2571 = arith.addf %add3A_2533, %exp3A_2570 : vector<16xf32>
        %add3A_2572 = arith.constant 192 : i32
        %add3A_2573 = arith.addi %mul3A_2450, %add3A_2572 : i32
        %add3A_2574 = arith.constant 16 : i32
        %add3A_2575 = arith.addi %add3A_2573, %add3A_2574 : i32
        %get3A_2576 = arith.constant 1 : i32
        %get3A_2577 = arith.index_cast %get3A_2576 : i32 to index
        %get3A_2578 = arith.index_cast %add3A_2575 : i32 to index
        %get3A_2579 = tpu.vector_load %arg12[%get3A_2577, %get3A_2578] {strides = array<i32>} : memref<2x8192xf32, #tpu.memory_space<vmem>>, vector<16xf32>,
        %exp3A_2580 = math.exp %get3A_2579 : vector<16xf32>
        %add3A_2581 = arith.addf %add3A_2543, %exp3A_2580 : vector<16xf32>
        %add3A_2582 = arith.constant 192 : i32
        %add3A_2583 = arith.addi %mul3A_2450, %add3A_2582 : i32
        %add3A_2584 = arith.constant 32 : i32
        %add3A_2585 = arith.addi %add3A_2583, %add3A_2584 : i32
        %get3A_2586 = arith.constant 1 : i32
        %get3A_2587 = arith.index_cast %get3A_2586 : i32 to index
        %get3A_2588 = arith.index_cast %add3A_2585 : i32 to index
        %get3A_2589 = tpu.vector_load %arg12[%get3A_2587, %get3A_2588] {strides = array<i32>} : memref<2x8192xf32, #tpu.memory_space<vmem>>, vector<16xf32>,
        %exp3A_2590 = math.exp %get3A_2589 : vector<16xf32>
        %add3A_2591 = arith.addf %add3A_2553, %exp3A_2590 : vector<16xf32>
        %add3A_2592 = arith.constant 192 : i32
        %add3A_2593 = arith.addi %mul3A_2450, %add3A_2592 : i32
        %add3A_2594 = arith.constant 48 : i32
        %add3A_2595 = arith.addi %add3A_2593, %add3A_2594 : i32
        %get3A_2596 = arith.constant 1 : i32
        %get3A_2597 = arith.index_cast %get3A_2596 : i32 to index
        %get3A_2598 = arith.index_cast %add3A_2595 : i32 to index
        %get3A_2599 = tpu.vector_load %arg12[%get3A_2597, %get3A_2598] {strides = array<i32>} : memref<2x8192xf32, #tpu.memory_space<vmem>>, vector<16xf32>,
        %exp3A_2600 = math.exp %get3A_2599 : vector<16xf32>
        %add3A_2601 = arith.addf %add3A_2563, %exp3A_2600 : vector<16xf32>
        scf.yield %add3A_2571, %add3A_2581, %add3A_2591, %add3A_2601 : vector<16xf32>, vector<16xf32>, vector<16xf32>, vector<16xf32>
      }
      %scan3A_2423 = arith.constant 32 : i32
      %mul3A_2424 = arith.constant 2 : i32
      %mul3A_2425 = arith.muli %add3A_2367, %mul3A_2424 : i32
      %add3A_2426 = arith.constant 1 : i32
      %add3A_2427 = arith.addi %mul3A_2425, %add3A_2426 : i32
      %add3A_2428 = arith.addf %scan3A_2422#0, %scan3A_2422#1 : vector<16xf32>
      %add3A_2429 = arith.addf %scan3A_2422#2, %scan3A_2422#3 : vector<16xf32>
      %add3A_2430 = arith.addf %add3A_2428, %add3A_2429 : vector<16xf32>
      %mul3A_2431 = arith.constant 16 : i32
      %mul3A_2432 = arith.muli %add3A_2427, %mul3A_2431 : i32
      %swap3A_2433 = arith.index_cast %mul3A_2432 : i32 to index
      %swap3A_2434 = tpu.vector_load %arg14[%swap3A_2433] {strides = array<i32>} : memref<4096xf32, #tpu.memory_space<vmem>>, vector<16xf32>,
      tpu.vector_store %arg14[%swap3A_2433], %add3A_2430 {strides = array<i32>} : memref<4096xf32, #tpu.memory_space<vmem>>, vector<16xf32>,
      %broadcast_in_dim3A_2435 = vector.broadcast %add3A_2427 : i32 to vector<16xi32>
      %gather3A_2436 = tpu.vector_load_idx %arg8[%broadcast_in_dim3A_2435] : memref<256xi32, #tpu.memory_space<vmem>>[vector<16xi32>], vector<16xi32>,
      %broadcast_in_dim3A_2437 = arith.constant 1 : i32
      %broadcast_in_dim3A_2438 = vector.broadcast %broadcast_in_dim3A_2437 : i32 to vector<16xi32>
      %gather3A_2439 = tpu.vector_load_idx %arg12[%broadcast_in_dim3A_2438, %gather3A_2436] : memref<2x8192xf32, #tpu.memory_space<vmem>>[vector<16xi32>, vector<16xi32>], vector<16xf32>,
      %mul3A_2440 = arith.constant 16 : i32
      %mul3A_2441 = arith.muli %add3A_2427, %mul3A_2440 : i32
      %swap3A_2442 = arith.index_cast %mul3A_2441 : i32 to index
      %swap3A_2443 = tpu.vector_load %arg15[%swap3A_2442] {strides = array<i32>} : memref<4096xf32, #tpu.memory_space<vmem>>, vector<16xf32>,
      tpu.vector_store %arg15[%swap3A_2442], %gather3A_2439 {strides = array<i32>} : memref<4096xf32, #tpu.memory_space<vmem>>, vector<16xf32>,
    }
    %scan3A_29 = arith.constant 32 : i32
    %dma_wait3A = arith.constant 0 : i32
    %dma_wait3A_30 = arith.constant 0 : i32
    %dma_wait3A_31 = tpu.memref_slice %arg2[%dma_wait3A, %dma_wait3A_30] : memref<8192x8192xf32, #tpu.memory_space<hbm>> -> memref<2x8192xf32, #tpu.memory_space<hbm>>
    %dma_wait3A_32 = arith.constant 0 : i32
    %dma_wait3A_33 = arith.constant 0 : i32
    %dma_wait3A_34 = tpu.memref_slice %arg2[%dma_wait3A_32, %dma_wait3A_33] : memref<8192x8192xf32, #tpu.memory_space<hbm>> -> memref<2x8192xf32, #tpu.memory_space<hbm>>
    tpu.wait_dma2 semaphore(%arg20 : memref<!tpu.dma_semaphore, #tpu.memory_space<semaphore_mem>>) src(%dma_wait3A_34 : memref<2x8192xf32, #tpu.memory_space<hbm>>) dst(%arg9 : memref<2x8192xf32, #tpu.memory_space<vmem>>)
    %dma_wait3A_35 = arith.constant 0 : i32
    %dma_wait3A_36 = arith.constant 0 : i32
    %dma_wait3A_37 = tpu.memref_slice %arg2[%dma_wait3A_35, %dma_wait3A_36] : memref<8192x8192xf32, #tpu.memory_space<hbm>> -> memref<2x8192xf32, #tpu.memory_space<hbm>>
    %dma_wait3A_38 = arith.constant 0 : i32
    %dma_wait3A_39 = arith.constant 0 : i32
    %dma_wait3A_40 = tpu.memref_slice %arg2[%dma_wait3A_38, %dma_wait3A_39] : memref<8192x8192xf32, #tpu.memory_space<hbm>> -> memref<2x8192xf32, #tpu.memory_space<hbm>>
    tpu.wait_dma2 semaphore(%arg21 : memref<!tpu.dma_semaphore, #tpu.memory_space<semaphore_mem>>) src(%dma_wait3A_40 : memref<2x8192xf32, #tpu.memory_space<hbm>>) dst(%arg10 : memref<2x8192xf32, #tpu.memory_space<vmem>>)
    %dma_wait3A_41 = arith.constant 0 : i32
    %dma_wait3A_42 = arith.constant 0 : i32
    %dma_wait3A_43 = tpu.memref_slice %arg2[%dma_wait3A_41, %dma_wait3A_42] : memref<8192x8192xf32, #tpu.memory_space<hbm>> -> memref<2x8192xf32, #tpu.memory_space<hbm>>
    %dma_wait3A_44 = arith.constant 0 : i32
    %dma_wait3A_45 = arith.constant 0 : i32
    %dma_wait3A_46 = tpu.memref_slice %arg2[%dma_wait3A_44, %dma_wait3A_45] : memref<8192x8192xf32, #tpu.memory_space<hbm>> -> memref<2x8192xf32, #tpu.memory_space<hbm>>
    tpu.wait_dma2 semaphore(%arg22 : memref<!tpu.dma_semaphore, #tpu.memory_space<semaphore_mem>>) src(%dma_wait3A_46 : memref<2x8192xf32, #tpu.memory_space<hbm>>) dst(%arg11 : memref<2x8192xf32, #tpu.memory_space<vmem>>)
    %dma_wait3A_47 = arith.constant 0 : i32
    %dma_wait3A_48 = arith.constant 0 : i32
    %dma_wait3A_49 = tpu.memref_slice %arg2[%dma_wait3A_47, %dma_wait3A_48] : memref<8192x8192xf32, #tpu.memory_space<hbm>> -> memref<2x8192xf32, #tpu.memory_space<hbm>>
    %dma_wait3A_50 = arith.constant 0 : i32
    %dma_wait3A_51 = arith.constant 0 : i32
    %dma_wait3A_52 = tpu.memref_slice %arg2[%dma_wait3A_50, %dma_wait3A_51] : memref<8192x8192xf32, #tpu.memory_space<hbm>> -> memref<2x8192xf32, #tpu.memory_space<hbm>>
    tpu.wait_dma2 semaphore(%arg23 : memref<!tpu.dma_semaphore, #tpu.memory_space<semaphore_mem>>) src(%dma_wait3A_52 : memref<2x8192xf32, #tpu.memory_space<hbm>>) dst(%arg12 : memref<2x8192xf32, #tpu.memory_space<vmem>>)
    %broadcast_in_dim3A = arith.constant 0.000000e+00 : f32
    %broadcast_in_dim3A_53 = vector.broadcast %broadcast_in_dim3A : f32 to vector<16xf32>
    %add3A_54 = arith.constant 0 : i32
    %add3A_55 = vector.broadcast %add3A_54 : i32 to vector<16xi32>
    %add3A_56 = arith.addi %add3A_55, %iota3A : vector<16xi32>
    %mul3A_57 = arith.constant 16 : i32
    %mul3A_58 = vector.broadcast %mul3A_57 : i32 to vector<16xi32>
    %mul3A_59 = arith.muli %add3A_56, %mul3A_58 : vector<16xi32>
    %broadcast_in_dim3A_60 = arith.constant 0.000000e+00 : f32
    %broadcast_in_dim3A_61 = vector.broadcast %broadcast_in_dim3A_60 : f32 to vector<16xf32>
    %add3A_62 = arith.constant 0 : i32
    %add3A_63 = vector.broadcast %add3A_62 : i32 to vector<16xi32>
    %add3A_64 = arith.addi %mul3A_59, %add3A_63 : vector<16xi32>
    %gather3A = tpu.vector_load_idx %arg14[%add3A_64] : memref<4096xf32, #tpu.memory_space<vmem>>[vector<16xi32>], vector<16xf32>,
    %add3A_65 = arith.addf %broadcast_in_dim3A_61, %gather3A : vector<16xf32>
    %add3A_66 = arith.constant 1 : i32
    %add3A_67 = vector.broadcast %add3A_66 : i32 to vector<16xi32>
    %add3A_68 = arith.addi %mul3A_59, %add3A_67 : vector<16xi32>
    %gather3A_69 = tpu.vector_load_idx %arg14[%add3A_68] : memref<4096xf32, #tpu.memory_space<vmem>>[vector<16xi32>], vector<16xf32>,
    %add3A_70 = arith.addf %add3A_65, %gather3A_69 : vector<16xf32>
    %add3A_71 = arith.constant 2 : i32
    %add3A_72 = vector.broadcast %add3A_71 : i32 to vector<16xi32>
    %add3A_73 = arith.addi %mul3A_59, %add3A_72 : vector<16xi32>
    %gather3A_74 = tpu.vector_load_idx %arg14[%add3A_73] : memref<4096xf32, #tpu.memory_space<vmem>>[vector<16xi32>], vector<16xf32>,
    %add3A_75 = arith.addf %add3A_70, %gather3A_74 : vector<16xf32>
    %add3A_76 = arith.constant 3 : i32
    %add3A_77 = vector.broadcast %add3A_76 : i32 to vector<16xi32>
    %add3A_78 = arith.addi %mul3A_59, %add3A_77 : vector<16xi32>
    %gather3A_79 = tpu.vector_load_idx %arg14[%add3A_78] : memref<4096xf32, #tpu.memory_space<vmem>>[vector<16xi32>], vector<16xf32>,
    %add3A_80 = arith.addf %add3A_75, %gather3A_79 : vector<16xf32>
    %add3A_81 = arith.constant 4 : i32
    %add3A_82 = vector.broadcast %add3A_81 : i32 to vector<16xi32>
    %add3A_83 = arith.addi %mul3A_59, %add3A_82 : vector<16xi32>
    %gather3A_84 = tpu.vector_load_idx %arg14[%add3A_83] : memref<4096xf32, #tpu.memory_space<vmem>>[vector<16xi32>], vector<16xf32>,
    %add3A_85 = arith.addf %add3A_80, %gather3A_84 : vector<16xf32>
    %add3A_86 = arith.constant 5 : i32
    %add3A_87 = vector.broadcast %add3A_86 : i32 to vector<16xi32>
    %add3A_88 = arith.addi %mul3A_59, %add3A_87 : vector<16xi32>
    %gather3A_89 = tpu.vector_load_idx %arg14[%add3A_88] : memref<4096xf32, #tpu.memory_space<vmem>>[vector<16xi32>], vector<16xf32>,
    %add3A_90 = arith.addf %add3A_85, %gather3A_89 : vector<16xf32>
    %add3A_91 = arith.constant 6 : i32
    %add3A_92 = vector.broadcast %add3A_91 : i32 to vector<16xi32>
    %add3A_93 = arith.addi %mul3A_59, %add3A_92 : vector<16xi32>
    %gather3A_94 = tpu.vector_load_idx %arg14[%add3A_93] : memref<4096xf32, #tpu.memory_space<vmem>>[vector<16xi32>], vector<16xf32>,
    %add3A_95 = arith.addf %add3A_90, %gather3A_94 : vector<16xf32>
    %add3A_96 = arith.constant 7 : i32
    %add3A_97 = vector.broadcast %add3A_96 : i32 to vector<16xi32>
    %add3A_98 = arith.addi %mul3A_59, %add3A_97 : vector<16xi32>
    %gather3A_99 = tpu.vector_load_idx %arg14[%add3A_98] : memref<4096xf32, #tpu.memory_space<vmem>>[vector<16xi32>], vector<16xf32>,
    %add3A_100 = arith.addf %add3A_95, %gather3A_99 : vector<16xf32>
    %add3A_101 = arith.constant 8 : i32
    %add3A_102 = vector.broadcast %add3A_101 : i32 to vector<16xi32>
    %add3A_103 = arith.addi %mul3A_59, %add3A_102 : vector<16xi32>
    %gather3A_104 = tpu.vector_load_idx %arg14[%add3A_103] : memref<4096xf32, #tpu.memory_space<vmem>>[vector<16xi32>], vector<16xf32>,
    %add3A_105 = arith.addf %add3A_100, %gather3A_104 : vector<16xf32>
    %add3A_106 = arith.constant 9 : i32
    %add3A_107 = vector.broadcast %add3A_106 : i32 to vector<16xi32>
    %add3A_108 = arith.addi %mul3A_59, %add3A_107 : vector<16xi32>
    %gather3A_109 = tpu.vector_load_idx %arg14[%add3A_108] : memref<4096xf32, #tpu.memory_space<vmem>>[vector<16xi32>], vector<16xf32>,
    %add3A_110 = arith.addf %add3A_105, %gather3A_109 : vector<16xf32>
    %add3A_111 = arith.constant 10 : i32
    %add3A_112 = vector.broadcast %add3A_111 : i32 to vector<16xi32>
    %add3A_113 = arith.addi %mul3A_59, %add3A_112 : vector<16xi32>
    %gather3A_114 = tpu.vector_load_idx %arg14[%add3A_113] : memref<4096xf32, #tpu.memory_space<vmem>>[vector<16xi32>], vector<16xf32>,
    %add3A_115 = arith.addf %add3A_110, %gather3A_114 : vector<16xf32>
    %add3A_116 = arith.constant 11 : i32
    %add3A_117 = vector.broadcast %add3A_116 : i32 to vector<16xi32>
    %add3A_118 = arith.addi %mul3A_59, %add3A_117 : vector<16xi32>
    %gather3A_119 = tpu.vector_load_idx %arg14[%add3A_118] : memref<4096xf32, #tpu.memory_space<vmem>>[vector<16xi32>], vector<16xf32>,
    %add3A_120 = arith.addf %add3A_115, %gather3A_119 : vector<16xf32>
    %add3A_121 = arith.constant 12 : i32
    %add3A_122 = vector.broadcast %add3A_121 : i32 to vector<16xi32>
    %add3A_123 = arith.addi %mul3A_59, %add3A_122 : vector<16xi32>
    %gather3A_124 = tpu.vector_load_idx %arg14[%add3A_123] : memref<4096xf32, #tpu.memory_space<vmem>>[vector<16xi32>], vector<16xf32>,
    %add3A_125 = arith.addf %add3A_120, %gather3A_124 : vector<16xf32>
    %add3A_126 = arith.constant 13 : i32
    %add3A_127 = vector.broadcast %add3A_126 : i32 to vector<16xi32>
    %add3A_128 = arith.addi %mul3A_59, %add3A_127 : vector<16xi32>
    %gather3A_129 = tpu.vector_load_idx %arg14[%add3A_128] : memref<4096xf32, #tpu.memory_space<vmem>>[vector<16xi32>], vector<16xf32>,
    %add3A_130 = arith.addf %add3A_125, %gather3A_129 : vector<16xf32>
    %add3A_131 = arith.constant 14 : i32
    %add3A_132 = vector.broadcast %add3A_131 : i32 to vector<16xi32>
    %add3A_133 = arith.addi %mul3A_59, %add3A_132 : vector<16xi32>
    %gather3A_134 = tpu.vector_load_idx %arg14[%add3A_133] : memref<4096xf32, #tpu.memory_space<vmem>>[vector<16xi32>], vector<16xf32>,
    %add3A_135 = arith.addf %add3A_130, %gather3A_134 : vector<16xf32>
    %add3A_136 = arith.constant 15 : i32
    %add3A_137 = vector.broadcast %add3A_136 : i32 to vector<16xi32>
    %add3A_138 = arith.addi %mul3A_59, %add3A_137 : vector<16xi32>
    %gather3A_139 = tpu.vector_load_idx %arg14[%add3A_138] : memref<4096xf32, #tpu.memory_space<vmem>>[vector<16xi32>], vector<16xf32>,
    %add3A_140 = arith.addf %add3A_135, %gather3A_139 : vector<16xf32>
    %gather3A_141 = tpu.vector_load_idx %arg15[%mul3A_59] : memref<4096xf32, #tpu.memory_space<vmem>>[vector<16xi32>], vector<16xf32>,
    %bitcast3A = vector.bitcast %add3A_140 : vector<16xf32> to vector<16xi32>
    %convert_element_type3A = arith.sitofp %bitcast3A : vector<16xi32> to vector<16xf32>
    %mul3A_142 = arith.constant 8.26295832E-8 : f32
    %mul3A_143 = vector.broadcast %mul3A_142 : f32 to vector<16xf32>
    %mul3A_144 = arith.mulf %convert_element_type3A, %mul3A_143 : vector<16xf32>
    %sub3A = arith.constant 87.9899673 : f32
    %sub3A_145 = vector.broadcast %sub3A : f32 to vector<16xf32>
    %sub3A_146 = arith.subf %mul3A_144, %sub3A_145 : vector<16xf32>
    %sub3A_147 = arith.constant 1.000000e+00 : f32
    %sub3A_148 = vector.broadcast %sub3A_147 : f32 to vector<16xf32>
    %sub3A_149 = arith.subf %sub3A_146, %sub3A_148 : vector<16xf32>
    %neg3A = arith.constant 0.000000e+00 : f32
    %neg3A_150 = vector.broadcast %neg3A : f32 to vector<16xf32>
    %neg3A_151 = arith.subf %neg3A_150, %sub3A_146 : vector<16xf32>
    %exp3A = math.exp %neg3A_151 : vector<16xf32>
    %mul3A_152 = arith.mulf %add3A_140, %exp3A : vector<16xf32>
    %add3A_153 = arith.addf %sub3A_149, %mul3A_152 : vector<16xf32>
    %sub3A_154 = arith.constant 1.000000e+00 : f32
    %sub3A_155 = vector.broadcast %sub3A_154 : f32 to vector<16xf32>
    %sub3A_156 = arith.subf %add3A_153, %sub3A_155 : vector<16xf32>
    %neg3A_157 = arith.constant 0.000000e+00 : f32
    %neg3A_158 = vector.broadcast %neg3A_157 : f32 to vector<16xf32>
    %neg3A_159 = arith.subf %neg3A_158, %add3A_153 : vector<16xf32>
    %exp3A_160 = math.exp %neg3A_159 : vector<16xf32>
    %mul3A_161 = arith.mulf %add3A_140, %exp3A_160 : vector<16xf32>
    %add3A_162 = arith.addf %sub3A_156, %mul3A_161 : vector<16xf32>
    %sub3A_163 = arith.constant 1.000000e+00 : f32
    %sub3A_164 = vector.broadcast %sub3A_163 : f32 to vector<16xf32>
    %sub3A_165 = arith.subf %add3A_162, %sub3A_164 : vector<16xf32>
    %neg3A_166 = arith.constant 0.000000e+00 : f32
    %neg3A_167 = vector.broadcast %neg3A_166 : f32 to vector<16xf32>
    %neg3A_168 = arith.subf %neg3A_167, %add3A_162 : vector<16xf32>
    %exp3A_169 = math.exp %neg3A_168 : vector<16xf32>
    %mul3A_170 = arith.mulf %add3A_140, %exp3A_169 : vector<16xf32>
    %add3A_171 = arith.addf %sub3A_165, %mul3A_170 : vector<16xf32>
    %sub3A_172 = arith.subf %add3A_171, %gather3A_141 : vector<16xf32>
    %add3A_173 = arith.addf %broadcast_in_dim3A_53, %sub3A_172 : vector<16xf32>
    %add3A_174 = arith.constant 16 : i32
    %add3A_175 = vector.broadcast %add3A_174 : i32 to vector<16xi32>
    %add3A_176 = arith.addi %add3A_175, %iota3A : vector<16xi32>
    %mul3A_177 = arith.constant 16 : i32
    %mul3A_178 = vector.broadcast %mul3A_177 : i32 to vector<16xi32>
    %mul3A_179 = arith.muli %add3A_176, %mul3A_178 : vector<16xi32>
    %broadcast_in_dim3A_180 = arith.constant 0.000000e+00 : f32
    %broadcast_in_dim3A_181 = vector.broadcast %broadcast_in_dim3A_180 : f32 to vector<16xf32>
    %add3A_182 = arith.constant 0 : i32
    %add3A_183 = vector.broadcast %add3A_182 : i32 to vector<16xi32>
    %add3A_184 = arith.addi %mul3A_179, %add3A_183 : vector<16xi32>
    %gather3A_185 = tpu.vector_load_idx %arg14[%add3A_184] : memref<4096xf32, #tpu.memory_space<vmem>>[vector<16xi32>], vector<16xf32>,
    %add3A_186 = arith.addf %broadcast_in_dim3A_181, %gather3A_185 : vector<16xf32>
    %add3A_187 = arith.constant 1 : i32
    %add3A_188 = vector.broadcast %add3A_187 : i32 to vector<16xi32>
    %add3A_189 = arith.addi %mul3A_179, %add3A_188 : vector<16xi32>
    %gather3A_190 = tpu.vector_load_idx %arg14[%add3A_189] : memref<4096xf32, #tpu.memory_space<vmem>>[vector<16xi32>], vector<16xf32>,
    %add3A_191 = arith.addf %add3A_186, %gather3A_190 : vector<16xf32>
    %add3A_192 = arith.constant 2 : i32
    %add3A_193 = vector.broadcast %add3A_192 : i32 to vector<16xi32>
    %add3A_194 = arith.addi %mul3A_179, %add3A_193 : vector<16xi32>
    %gather3A_195 = tpu.vector_load_idx %arg14[%add3A_194] : memref<4096xf32, #tpu.memory_space<vmem>>[vector<16xi32>], vector<16xf32>,
    %add3A_196 = arith.addf %add3A_191, %gather3A_195 : vector<16xf32>
    %add3A_197 = arith.constant 3 : i32
    %add3A_198 = vector.broadcast %add3A_197 : i32 to vector<16xi32>
    %add3A_199 = arith.addi %mul3A_179, %add3A_198 : vector<16xi32>
    %gather3A_200 = tpu.vector_load_idx %arg14[%add3A_199] : memref<4096xf32, #tpu.memory_space<vmem>>[vector<16xi32>], vector<16xf32>,
    %add3A_201 = arith.addf %add3A_196, %gather3A_200 : vector<16xf32>
    %add3A_202 = arith.constant 4 : i32
    %add3A_203 = vector.broadcast %add3A_202 : i32 to vector<16xi32>
    %add3A_204 = arith.addi %mul3A_179, %add3A_203 : vector<16xi32>
    %gather3A_205 = tpu.vector_load_idx %arg14[%add3A_204] : memref<4096xf32, #tpu.memory_space<vmem>>[vector<16xi32>], vector<16xf32>,
    %add3A_206 = arith.addf %add3A_201, %gather3A_205 : vector<16xf32>
    %add3A_207 = arith.constant 5 : i32
    %add3A_208 = vector.broadcast %add3A_207 : i32 to vector<16xi32>
    %add3A_209 = arith.addi %mul3A_179, %add3A_208 : vector<16xi32>
    %gather3A_210 = tpu.vector_load_idx %arg14[%add3A_209] : memref<4096xf32, #tpu.memory_space<vmem>>[vector<16xi32>], vector<16xf32>,
    %add3A_211 = arith.addf %add3A_206, %gather3A_210 : vector<16xf32>
    %add3A_212 = arith.constant 6 : i32
    %add3A_213 = vector.broadcast %add3A_212 : i32 to vector<16xi32>
    %add3A_214 = arith.addi %mul3A_179, %add3A_213 : vector<16xi32>
    %gather3A_215 = tpu.vector_load_idx %arg14[%add3A_214] : memref<4096xf32, #tpu.memory_space<vmem>>[vector<16xi32>], vector<16xf32>,
    %add3A_216 = arith.addf %add3A_211, %gather3A_215 : vector<16xf32>
    %add3A_217 = arith.constant 7 : i32
    %add3A_218 = vector.broadcast %add3A_217 : i32 to vector<16xi32>
    %add3A_219 = arith.addi %mul3A_179, %add3A_218 : vector<16xi32>
    %gather3A_220 = tpu.vector_load_idx %arg14[%add3A_219] : memref<4096xf32, #tpu.memory_space<vmem>>[vector<16xi32>], vector<16xf32>,
    %add3A_221 = arith.addf %add3A_216, %gather3A_220 : vector<16xf32>
    %add3A_222 = arith.constant 8 : i32
    %add3A_223 = vector.broadcast %add3A_222 : i32 to vector<16xi32>
    %add3A_224 = arith.addi %mul3A_179, %add3A_223 : vector<16xi32>
    %gather3A_225 = tpu.vector_load_idx %arg14[%add3A_224] : memref<4096xf32, #tpu.memory_space<vmem>>[vector<16xi32>], vector<16xf32>,
    %add3A_226 = arith.addf %add3A_221, %gather3A_225 : vector<16xf32>
    %add3A_227 = arith.constant 9 : i32
    %add3A_228 = vector.broadcast %add3A_227 : i32 to vector<16xi32>
    %add3A_229 = arith.addi %mul3A_179, %add3A_228 : vector<16xi32>
    %gather3A_230 = tpu.vector_load_idx %arg14[%add3A_229] : memref<4096xf32, #tpu.memory_space<vmem>>[vector<16xi32>], vector<16xf32>,
    %add3A_231 = arith.addf %add3A_226, %gather3A_230 : vector<16xf32>
    %add3A_232 = arith.constant 10 : i32
    %add3A_233 = vector.broadcast %add3A_232 : i32 to vector<16xi32>
    %add3A_234 = arith.addi %mul3A_179, %add3A_233 : vector<16xi32>
    %gather3A_235 = tpu.vector_load_idx %arg14[%add3A_234] : memref<4096xf32, #tpu.memory_space<vmem>>[vector<16xi32>], vector<16xf32>,
    %add3A_236 = arith.addf %add3A_231, %gather3A_235 : vector<16xf32>
    %add3A_237 = arith.constant 11 : i32
    %add3A_238 = vector.broadcast %add3A_237 : i32 to vector<16xi32>
    %add3A_239 = arith.addi %mul3A_179, %add3A_238 : vector<16xi32>
    %gather3A_240 = tpu.vector_load_idx %arg14[%add3A_239] : memref<4096xf32, #tpu.memory_space<vmem>>[vector<16xi32>], vector<16xf32>,
    %add3A_241 = arith.addf %add3A_236, %gather3A_240 : vector<16xf32>
    %add3A_242 = arith.constant 12 : i32
    %add3A_243 = vector.broadcast %add3A_242 : i32 to vector<16xi32>
    %add3A_244 = arith.addi %mul3A_179, %add3A_243 : vector<16xi32>
    %gather3A_245 = tpu.vector_load_idx %arg14[%add3A_244] : memref<4096xf32, #tpu.memory_space<vmem>>[vector<16xi32>], vector<16xf32>,
    %add3A_246 = arith.addf %add3A_241, %gather3A_245 : vector<16xf32>
    %add3A_247 = arith.constant 13 : i32
    %add3A_248 = vector.broadcast %add3A_247 : i32 to vector<16xi32>
    %add3A_249 = arith.addi %mul3A_179, %add3A_248 : vector<16xi32>
    %gather3A_250 = tpu.vector_load_idx %arg14[%add3A_249] : memref<4096xf32, #tpu.memory_space<vmem>>[vector<16xi32>], vector<16xf32>,
    %add3A_251 = arith.addf %add3A_246, %gather3A_250 : vector<16xf32>
    %add3A_252 = arith.constant 14 : i32
    %add3A_253 = vector.broadcast %add3A_252 : i32 to vector<16xi32>
    %add3A_254 = arith.addi %mul3A_179, %add3A_253 : vector<16xi32>
    %gather3A_255 = tpu.vector_load_idx %arg14[%add3A_254] : memref<4096xf32, #tpu.memory_space<vmem>>[vector<16xi32>], vector<16xf32>,
    %add3A_256 = arith.addf %add3A_251, %gather3A_255 : vector<16xf32>
    %add3A_257 = arith.constant 15 : i32
    %add3A_258 = vector.broadcast %add3A_257 : i32 to vector<16xi32>
    %add3A_259 = arith.addi %mul3A_179, %add3A_258 : vector<16xi32>
    %gather3A_260 = tpu.vector_load_idx %arg14[%add3A_259] : memref<4096xf32, #tpu.memory_space<vmem>>[vector<16xi32>], vector<16xf32>,
    %add3A_261 = arith.addf %add3A_256, %gather3A_260 : vector<16xf32>
    %gather3A_262 = tpu.vector_load_idx %arg15[%mul3A_179] : memref<4096xf32, #tpu.memory_space<vmem>>[vector<16xi32>], vector<16xf32>,
    %bitcast3A_263 = vector.bitcast %add3A_261 : vector<16xf32> to vector<16xi32>
    %convert_element_type3A_264 = arith.sitofp %bitcast3A_263 : vector<16xi32> to vector<16xf32>
    %mul3A_265 = arith.constant 8.26295832E-8 : f32
    %mul3A_266 = vector.broadcast %mul3A_265 : f32 to vector<16xf32>
    %mul3A_267 = arith.mulf %convert_element_type3A_264, %mul3A_266 : vector<16xf32>
    %sub3A_268 = arith.constant 87.9899673 : f32
    %sub3A_269 = vector.broadcast %sub3A_268 : f32 to vector<16xf32>
    %sub3A_270 = arith.subf %mul3A_267, %sub3A_269 : vector<16xf32>
    %sub3A_271 = arith.constant 1.000000e+00 : f32
    %sub3A_272 = vector.broadcast %sub3A_271 : f32 to vector<16xf32>
    %sub3A_273 = arith.subf %sub3A_270, %sub3A_272 : vector<16xf32>
    %neg3A_274 = arith.constant 0.000000e+00 : f32
    %neg3A_275 = vector.broadcast %neg3A_274 : f32 to vector<16xf32>
    %neg3A_276 = arith.subf %neg3A_275, %sub3A_270 : vector<16xf32>
    %exp3A_277 = math.exp %neg3A_276 : vector<16xf32>
    %mul3A_278 = arith.mulf %add3A_261, %exp3A_277 : vector<16xf32>
    %add3A_279 = arith.addf %sub3A_273, %mul3A_278 : vector<16xf32>
    %sub3A_280 = arith.constant 1.000000e+00 : f32
    %sub3A_281 = vector.broadcast %sub3A_280 : f32 to vector<16xf32>
    %sub3A_282 = arith.subf %add3A_279, %sub3A_281 : vector<16xf32>
    %neg3A_283 = arith.constant 0.000000e+00 : f32
    %neg3A_284 = vector.broadcast %neg3A_283 : f32 to vector<16xf32>
    %neg3A_285 = arith.subf %neg3A_284, %add3A_279 : vector<16xf32>
    %exp3A_286 = math.exp %neg3A_285 : vector<16xf32>
    %mul3A_287 = arith.mulf %add3A_261, %exp3A_286 : vector<16xf32>
    %add3A_288 = arith.addf %sub3A_282, %mul3A_287 : vector<16xf32>
    %sub3A_289 = arith.constant 1.000000e+00 : f32
    %sub3A_290 = vector.broadcast %sub3A_289 : f32 to vector<16xf32>
    %sub3A_291 = arith.subf %add3A_288, %sub3A_290 : vector<16xf32>
    %neg3A_292 = arith.constant 0.000000e+00 : f32
    %neg3A_293 = vector.broadcast %neg3A_292 : f32 to vector<16xf32>
    %neg3A_294 = arith.subf %neg3A_293, %add3A_288 : vector<16xf32>
    %exp3A_295 = math.exp %neg3A_294 : vector<16xf32>
    %mul3A_296 = arith.mulf %add3A_261, %exp3A_295 : vector<16xf32>
    %add3A_297 = arith.addf %sub3A_291, %mul3A_296 : vector<16xf32>
    %sub3A_298 = arith.subf %add3A_297, %gather3A_262 : vector<16xf32>
    %add3A_299 = arith.addf %add3A_173, %sub3A_298 : vector<16xf32>
    %add3A_300 = arith.constant 32 : i32
    %add3A_301 = vector.broadcast %add3A_300 : i32 to vector<16xi32>
    %add3A_302 = arith.addi %add3A_301, %iota3A : vector<16xi32>
    %mul3A_303 = arith.constant 16 : i32
    %mul3A_304 = vector.broadcast %mul3A_303 : i32 to vector<16xi32>
    %mul3A_305 = arith.muli %add3A_302, %mul3A_304 : vector<16xi32>
    %broadcast_in_dim3A_306 = arith.constant 0.000000e+00 : f32
    %broadcast_in_dim3A_307 = vector.broadcast %broadcast_in_dim3A_306 : f32 to vector<16xf32>
    %add3A_308 = arith.constant 0 : i32
    %add3A_309 = vector.broadcast %add3A_308 : i32 to vector<16xi32>
    %add3A_310 = arith.addi %mul3A_305, %add3A_309 : vector<16xi32>
    %gather3A_311 = tpu.vector_load_idx %arg14[%add3A_310] : memref<4096xf32, #tpu.memory_space<vmem>>[vector<16xi32>], vector<16xf32>,
    %add3A_312 = arith.addf %broadcast_in_dim3A_307, %gather3A_311 : vector<16xf32>
    %add3A_313 = arith.constant 1 : i32
    %add3A_314 = vector.broadcast %add3A_313 : i32 to vector<16xi32>
    %add3A_315 = arith.addi %mul3A_305, %add3A_314 : vector<16xi32>
    %gather3A_316 = tpu.vector_load_idx %arg14[%add3A_315] : memref<4096xf32, #tpu.memory_space<vmem>>[vector<16xi32>], vector<16xf32>,
    %add3A_317 = arith.addf %add3A_312, %gather3A_316 : vector<16xf32>
    %add3A_318 = arith.constant 2 : i32
    %add3A_319 = vector.broadcast %add3A_318 : i32 to vector<16xi32>
    %add3A_320 = arith.addi %mul3A_305, %add3A_319 : vector<16xi32>
    %gather3A_321 = tpu.vector_load_idx %arg14[%add3A_320] : memref<4096xf32, #tpu.memory_space<vmem>>[vector<16xi32>], vector<16xf32>,
    %add3A_322 = arith.addf %add3A_317, %gather3A_321 : vector<16xf32>
    %add3A_323 = arith.constant 3 : i32
    %add3A_324 = vector.broadcast %add3A_323 : i32 to vector<16xi32>
    %add3A_325 = arith.addi %mul3A_305, %add3A_324 : vector<16xi32>
    %gather3A_326 = tpu.vector_load_idx %arg14[%add3A_325] : memref<4096xf32, #tpu.memory_space<vmem>>[vector<16xi32>], vector<16xf32>,
    %add3A_327 = arith.addf %add3A_322, %gather3A_326 : vector<16xf32>
    %add3A_328 = arith.constant 4 : i32
    %add3A_329 = vector.broadcast %add3A_328 : i32 to vector<16xi32>
    %add3A_330 = arith.addi %mul3A_305, %add3A_329 : vector<16xi32>
    %gather3A_331 = tpu.vector_load_idx %arg14[%add3A_330] : memref<4096xf32, #tpu.memory_space<vmem>>[vector<16xi32>], vector<16xf32>,
    %add3A_332 = arith.addf %add3A_327, %gather3A_331 : vector<16xf32>
    %add3A_333 = arith.constant 5 : i32
    %add3A_334 = vector.broadcast %add3A_333 : i32 to vector<16xi32>
    %add3A_335 = arith.addi %mul3A_305, %add3A_334 : vector<16xi32>
    %gather3A_336 = tpu.vector_load_idx %arg14[%add3A_335] : memref<4096xf32, #tpu.memory_space<vmem>>[vector<16xi32>], vector<16xf32>,
    %add3A_337 = arith.addf %add3A_332, %gather3A_336 : vector<16xf32>
    %add3A_338 = arith.constant 6 : i32
    %add3A_339 = vector.broadcast %add3A_338 : i32 to vector<16xi32>
    %add3A_340 = arith.addi %mul3A_305, %add3A_339 : vector<16xi32>
    %gather3A_341 = tpu.vector_load_idx %arg14[%add3A_340] : memref<4096xf32, #tpu.memory_space<vmem>>[vector<16xi32>], vector<16xf32>,
    %add3A_342 = arith.addf %add3A_337, %gather3A_341 : vector<16xf32>
    %add3A_343 = arith.constant 7 : i32
    %add3A_344 = vector.broadcast %add3A_343 : i32 to vector<16xi32>
    %add3A_345 = arith.addi %mul3A_305, %add3A_344 : vector<16xi32>
    %gather3A_346 = tpu.vector_load_idx %arg14[%add3A_345] : memref<4096xf32, #tpu.memory_space<vmem>>[vector<16xi32>], vector<16xf32>,
    %add3A_347 = arith.addf %add3A_342, %gather3A_346 : vector<16xf32>
    %add3A_348 = arith.constant 8 : i32
    %add3A_349 = vector.broadcast %add3A_348 : i32 to vector<16xi32>
    %add3A_350 = arith.addi %mul3A_305, %add3A_349 : vector<16xi32>
    %gather3A_351 = tpu.vector_load_idx %arg14[%add3A_350] : memref<4096xf32, #tpu.memory_space<vmem>>[vector<16xi32>], vector<16xf32>,
    %add3A_352 = arith.addf %add3A_347, %gather3A_351 : vector<16xf32>
    %add3A_353 = arith.constant 9 : i32
    %add3A_354 = vector.broadcast %add3A_353 : i32 to vector<16xi32>
    %add3A_355 = arith.addi %mul3A_305, %add3A_354 : vector<16xi32>
    %gather3A_356 = tpu.vector_load_idx %arg14[%add3A_355] : memref<4096xf32, #tpu.memory_space<vmem>>[vector<16xi32>], vector<16xf32>,
    %add3A_357 = arith.addf %add3A_352, %gather3A_356 : vector<16xf32>
    %add3A_358 = arith.constant 10 : i32
    %add3A_359 = vector.broadcast %add3A_358 : i32 to vector<16xi32>
    %add3A_360 = arith.addi %mul3A_305, %add3A_359 : vector<16xi32>
    %gather3A_361 = tpu.vector_load_idx %arg14[%add3A_360] : memref<4096xf32, #tpu.memory_space<vmem>>[vector<16xi32>], vector<16xf32>,
    %add3A_362 = arith.addf %add3A_357, %gather3A_361 : vector<16xf32>
    %add3A_363 = arith.constant 11 : i32
    %add3A_364 = vector.broadcast %add3A_363 : i32 to vector<16xi32>
    %add3A_365 = arith.addi %mul3A_305, %add3A_364 : vector<16xi32>
    %gather3A_366 = tpu.vector_load_idx %arg14[%add3A_365] : memref<4096xf32, #tpu.memory_space<vmem>>[vector<16xi32>], vector<16xf32>,
    %add3A_367 = arith.addf %add3A_362, %gather3A_366 : vector<16xf32>
    %add3A_368 = arith.constant 12 : i32
    %add3A_369 = vector.broadcast %add3A_368 : i32 to vector<16xi32>
    %add3A_370 = arith.addi %mul3A_305, %add3A_369 : vector<16xi32>
    %gather3A_371 = tpu.vector_load_idx %arg14[%add3A_370] : memref<4096xf32, #tpu.memory_space<vmem>>[vector<16xi32>], vector<16xf32>,
    %add3A_372 = arith.addf %add3A_367, %gather3A_371 : vector<16xf32>
    %add3A_373 = arith.constant 13 : i32
    %add3A_374 = vector.broadcast %add3A_373 : i32 to vector<16xi32>
    %add3A_375 = arith.addi %mul3A_305, %add3A_374 : vector<16xi32>
    %gather3A_376 = tpu.vector_load_idx %arg14[%add3A_375] : memref<4096xf32, #tpu.memory_space<vmem>>[vector<16xi32>], vector<16xf32>,
    %add3A_377 = arith.addf %add3A_372, %gather3A_376 : vector<16xf32>
    %add3A_378 = arith.constant 14 : i32
    %add3A_379 = vector.broadcast %add3A_378 : i32 to vector<16xi32>
    %add3A_380 = arith.addi %mul3A_305, %add3A_379 : vector<16xi32>
    %gather3A_381 = tpu.vector_load_idx %arg14[%add3A_380] : memref<4096xf32, #tpu.memory_space<vmem>>[vector<16xi32>], vector<16xf32>,
    %add3A_382 = arith.addf %add3A_377, %gather3A_381 : vector<16xf32>
    %add3A_383 = arith.constant 15 : i32
    %add3A_384 = vector.broadcast %add3A_383 : i32 to vector<16xi32>
    %add3A_385 = arith.addi %mul3A_305, %add3A_384 : vector<16xi32>
    %gather3A_386 = tpu.vector_load_idx %arg14[%add3A_385] : memref<4096xf32, #tpu.memory_space<vmem>>[vector<16xi32>], vector<16xf32>,
    %add3A_387 = arith.addf %add3A_382, %gather3A_386 : vector<16xf32>
    %gather3A_388 = tpu.vector_load_idx %arg15[%mul3A_305] : memref<4096xf32, #tpu.memory_space<vmem>>[vector<16xi32>], vector<16xf32>,
    %bitcast3A_389 = vector.bitcast %add3A_387 : vector<16xf32> to vector<16xi32>
    %convert_element_type3A_390 = arith.sitofp %bitcast3A_389 : vector<16xi32> to vector<16xf32>
    %mul3A_391 = arith.constant 8.26295832E-8 : f32
    %mul3A_392 = vector.broadcast %mul3A_391 : f32 to vector<16xf32>
    %mul3A_393 = arith.mulf %convert_element_type3A_390, %mul3A_392 : vector<16xf32>
    %sub3A_394 = arith.constant 87.9899673 : f32
    %sub3A_395 = vector.broadcast %sub3A_394 : f32 to vector<16xf32>
    %sub3A_396 = arith.subf %mul3A_393, %sub3A_395 : vector<16xf32>
    %sub3A_397 = arith.constant 1.000000e+00 : f32
    %sub3A_398 = vector.broadcast %sub3A_397 : f32 to vector<16xf32>
    %sub3A_399 = arith.subf %sub3A_396, %sub3A_398 : vector<16xf32>
    %neg3A_400 = arith.constant 0.000000e+00 : f32
    %neg3A_401 = vector.broadcast %neg3A_400 : f32 to vector<16xf32>
    %neg3A_402 = arith.subf %neg3A_401, %sub3A_396 : vector<16xf32>
    %exp3A_403 = math.exp %neg3A_402 : vector<16xf32>
    %mul3A_404 = arith.mulf %add3A_387, %exp3A_403 : vector<16xf32>
    %add3A_405 = arith.addf %sub3A_399, %mul3A_404 : vector<16xf32>
    %sub3A_406 = arith.constant 1.000000e+00 : f32
    %sub3A_407 = vector.broadcast %sub3A_406 : f32 to vector<16xf32>
    %sub3A_408 = arith.subf %add3A_405, %sub3A_407 : vector<16xf32>
    %neg3A_409 = arith.constant 0.000000e+00 : f32
    %neg3A_410 = vector.broadcast %neg3A_409 : f32 to vector<16xf32>
    %neg3A_411 = arith.subf %neg3A_410, %add3A_405 : vector<16xf32>
    %exp3A_412 = math.exp %neg3A_411 : vector<16xf32>
    %mul3A_413 = arith.mulf %add3A_387, %exp3A_412 : vector<16xf32>
    %add3A_414 = arith.addf %sub3A_408, %mul3A_413 : vector<16xf32>
    %sub3A_415 = arith.constant 1.000000e+00 : f32
    %sub3A_416 = vector.broadcast %sub3A_415 : f32 to vector<16xf32>
    %sub3A_417 = arith.subf %add3A_414, %sub3A_416 : vector<16xf32>
    %neg3A_418 = arith.constant 0.000000e+00 : f32
    %neg3A_419 = vector.broadcast %neg3A_418 : f32 to vector<16xf32>
    %neg3A_420 = arith.subf %neg3A_419, %add3A_414 : vector<16xf32>
    %exp3A_421 = math.exp %neg3A_420 : vector<16xf32>
    %mul3A_422 = arith.mulf %add3A_387, %exp3A_421 : vector<16xf32>
    %add3A_423 = arith.addf %sub3A_417, %mul3A_422 : vector<16xf32>
    %sub3A_424 = arith.subf %add3A_423, %gather3A_388 : vector<16xf32>
    %add3A_425 = arith.addf %add3A_299, %sub3A_424 : vector<16xf32>
    %add3A_426 = arith.constant 48 : i32
    %add3A_427 = vector.broadcast %add3A_426 : i32 to vector<16xi32>
    %add3A_428 = arith.addi %add3A_427, %iota3A : vector<16xi32>
    %mul3A_429 = arith.constant 16 : i32
    %mul3A_430 = vector.broadcast %mul3A_429 : i32 to vector<16xi32>
    %mul3A_431 = arith.muli %add3A_428, %mul3A_430 : vector<16xi32>
    %broadcast_in_dim3A_432 = arith.constant 0.000000e+00 : f32
    %broadcast_in_dim3A_433 = vector.broadcast %broadcast_in_dim3A_432 : f32 to vector<16xf32>
    %add3A_434 = arith.constant 0 : i32
    %add3A_435 = vector.broadcast %add3A_434 : i32 to vector<16xi32>
    %add3A_436 = arith.addi %mul3A_431, %add3A_435 : vector<16xi32>
    %gather3A_437 = tpu.vector_load_idx %arg14[%add3A_436] : memref<4096xf32, #tpu.memory_space<vmem>>[vector<16xi32>], vector<16xf32>,
    %add3A_438 = arith.addf %broadcast_in_dim3A_433, %gather3A_437 : vector<16xf32>
    %add3A_439 = arith.constant 1 : i32
    %add3A_440 = vector.broadcast %add3A_439 : i32 to vector<16xi32>
    %add3A_441 = arith.addi %mul3A_431, %add3A_440 : vector<16xi32>
    %gather3A_442 = tpu.vector_load_idx %arg14[%add3A_441] : memref<4096xf32, #tpu.memory_space<vmem>>[vector<16xi32>], vector<16xf32>,
    %add3A_443 = arith.addf %add3A_438, %gather3A_442 : vector<16xf32>
    %add3A_444 = arith.constant 2 : i32
    %add3A_445 = vector.broadcast %add3A_444 : i32 to vector<16xi32>
    %add3A_446 = arith.addi %mul3A_431, %add3A_445 : vector<16xi32>
    %gather3A_447 = tpu.vector_load_idx %arg14[%add3A_446] : memref<4096xf32, #tpu.memory_space<vmem>>[vector<16xi32>], vector<16xf32>,
    %add3A_448 = arith.addf %add3A_443, %gather3A_447 : vector<16xf32>
    %add3A_449 = arith.constant 3 : i32
    %add3A_450 = vector.broadcast %add3A_449 : i32 to vector<16xi32>
    %add3A_451 = arith.addi %mul3A_431, %add3A_450 : vector<16xi32>
    %gather3A_452 = tpu.vector_load_idx %arg14[%add3A_451] : memref<4096xf32, #tpu.memory_space<vmem>>[vector<16xi32>], vector<16xf32>,
    %add3A_453 = arith.addf %add3A_448, %gather3A_452 : vector<16xf32>
    %add3A_454 = arith.constant 4 : i32
    %add3A_455 = vector.broadcast %add3A_454 : i32 to vector<16xi32>
    %add3A_456 = arith.addi %mul3A_431, %add3A_455 : vector<16xi32>
    %gather3A_457 = tpu.vector_load_idx %arg14[%add3A_456] : memref<4096xf32, #tpu.memory_space<vmem>>[vector<16xi32>], vector<16xf32>,
    %add3A_458 = arith.addf %add3A_453, %gather3A_457 : vector<16xf32>
    %add3A_459 = arith.constant 5 : i32
    %add3A_460 = vector.broadcast %add3A_459 : i32 to vector<16xi32>
    %add3A_461 = arith.addi %mul3A_431, %add3A_460 : vector<16xi32>
    %gather3A_462 = tpu.vector_load_idx %arg14[%add3A_461] : memref<4096xf32, #tpu.memory_space<vmem>>[vector<16xi32>], vector<16xf32>,
    %add3A_463 = arith.addf %add3A_458, %gather3A_462 : vector<16xf32>
    %add3A_464 = arith.constant 6 : i32
    %add3A_465 = vector.broadcast %add3A_464 : i32 to vector<16xi32>
    %add3A_466 = arith.addi %mul3A_431, %add3A_465 : vector<16xi32>
    %gather3A_467 = tpu.vector_load_idx %arg14[%add3A_466] : memref<4096xf32, #tpu.memory_space<vmem>>[vector<16xi32>], vector<16xf32>,
    %add3A_468 = arith.addf %add3A_463, %gather3A_467 : vector<16xf32>
    %add3A_469 = arith.constant 7 : i32
    %add3A_470 = vector.broadcast %add3A_469 : i32 to vector<16xi32>
    %add3A_471 = arith.addi %mul3A_431, %add3A_470 : vector<16xi32>
    %gather3A_472 = tpu.vector_load_idx %arg14[%add3A_471] : memref<4096xf32, #tpu.memory_space<vmem>>[vector<16xi32>], vector<16xf32>,
    %add3A_473 = arith.addf %add3A_468, %gather3A_472 : vector<16xf32>
    %add3A_474 = arith.constant 8 : i32
    %add3A_475 = vector.broadcast %add3A_474 : i32 to vector<16xi32>
    %add3A_476 = arith.addi %mul3A_431, %add3A_475 : vector<16xi32>
    %gather3A_477 = tpu.vector_load_idx %arg14[%add3A_476] : memref<4096xf32, #tpu.memory_space<vmem>>[vector<16xi32>], vector<16xf32>,
    %add3A_478 = arith.addf %add3A_473, %gather3A_477 : vector<16xf32>
    %add3A_479 = arith.constant 9 : i32
    %add3A_480 = vector.broadcast %add3A_479 : i32 to vector<16xi32>
    %add3A_481 = arith.addi %mul3A_431, %add3A_480 : vector<16xi32>
    %gather3A_482 = tpu.vector_load_idx %arg14[%add3A_481] : memref<4096xf32, #tpu.memory_space<vmem>>[vector<16xi32>], vector<16xf32>,
    %add3A_483 = arith.addf %add3A_478, %gather3A_482 : vector<16xf32>
    %add3A_484 = arith.constant 10 : i32
    %add3A_485 = vector.broadcast %add3A_484 : i32 to vector<16xi32>
    %add3A_486 = arith.addi %mul3A_431, %add3A_485 : vector<16xi32>
    %gather3A_487 = tpu.vector_load_idx %arg14[%add3A_486] : memref<4096xf32, #tpu.memory_space<vmem>>[vector<16xi32>], vector<16xf32>,
    %add3A_488 = arith.addf %add3A_483, %gather3A_487 : vector<16xf32>
    %add3A_489 = arith.constant 11 : i32
    %add3A_490 = vector.broadcast %add3A_489 : i32 to vector<16xi32>
    %add3A_491 = arith.addi %mul3A_431, %add3A_490 : vector<16xi32>
    %gather3A_492 = tpu.vector_load_idx %arg14[%add3A_491] : memref<4096xf32, #tpu.memory_space<vmem>>[vector<16xi32>], vector<16xf32>,
    %add3A_493 = arith.addf %add3A_488, %gather3A_492 : vector<16xf32>
    %add3A_494 = arith.constant 12 : i32
    %add3A_495 = vector.broadcast %add3A_494 : i32 to vector<16xi32>
    %add3A_496 = arith.addi %mul3A_431, %add3A_495 : vector<16xi32>
    %gather3A_497 = tpu.vector_load_idx %arg14[%add3A_496] : memref<4096xf32, #tpu.memory_space<vmem>>[vector<16xi32>], vector<16xf32>,
    %add3A_498 = arith.addf %add3A_493, %gather3A_497 : vector<16xf32>
    %add3A_499 = arith.constant 13 : i32
    %add3A_500 = vector.broadcast %add3A_499 : i32 to vector<16xi32>
    %add3A_501 = arith.addi %mul3A_431, %add3A_500 : vector<16xi32>
    %gather3A_502 = tpu.vector_load_idx %arg14[%add3A_501] : memref<4096xf32, #tpu.memory_space<vmem>>[vector<16xi32>], vector<16xf32>,
    %add3A_503 = arith.addf %add3A_498, %gather3A_502 : vector<16xf32>
    %add3A_504 = arith.constant 14 : i32
    %add3A_505 = vector.broadcast %add3A_504 : i32 to vector<16xi32>
    %add3A_506 = arith.addi %mul3A_431, %add3A_505 : vector<16xi32>
    %gather3A_507 = tpu.vector_load_idx %arg14[%add3A_506] : memref<4096xf32, #tpu.memory_space<vmem>>[vector<16xi32>], vector<16xf32>,
    %add3A_508 = arith.addf %add3A_503, %gather3A_507 : vector<16xf32>
    %add3A_509 = arith.constant 15 : i32
    %add3A_510 = vector.broadcast %add3A_509 : i32 to vector<16xi32>
    %add3A_511 = arith.addi %mul3A_431, %add3A_510 : vector<16xi32>
    %gather3A_512 = tpu.vector_load_idx %arg14[%add3A_511] : memref<4096xf32, #tpu.memory_space<vmem>>[vector<16xi32>], vector<16xf32>,
    %add3A_513 = arith.addf %add3A_508, %gather3A_512 : vector<16xf32>
    %gather3A_514 = tpu.vector_load_idx %arg15[%mul3A_431] : memref<4096xf32, #tpu.memory_space<vmem>>[vector<16xi32>], vector<16xf32>,
    %bitcast3A_515 = vector.bitcast %add3A_513 : vector<16xf32> to vector<16xi32>
    %convert_element_type3A_516 = arith.sitofp %bitcast3A_515 : vector<16xi32> to vector<16xf32>
    %mul3A_517 = arith.constant 8.26295832E-8 : f32
    %mul3A_518 = vector.broadcast %mul3A_517 : f32 to vector<16xf32>
    %mul3A_519 = arith.mulf %convert_element_type3A_516, %mul3A_518 : vector<16xf32>
    %sub3A_520 = arith.constant 87.9899673 : f32
    %sub3A_521 = vector.broadcast %sub3A_520 : f32 to vector<16xf32>
    %sub3A_522 = arith.subf %mul3A_519, %sub3A_521 : vector<16xf32>
    %sub3A_523 = arith.constant 1.000000e+00 : f32
    %sub3A_524 = vector.broadcast %sub3A_523 : f32 to vector<16xf32>
    %sub3A_525 = arith.subf %sub3A_522, %sub3A_524 : vector<16xf32>
    %neg3A_526 = arith.constant 0.000000e+00 : f32
    %neg3A_527 = vector.broadcast %neg3A_526 : f32 to vector<16xf32>
    %neg3A_528 = arith.subf %neg3A_527, %sub3A_522 : vector<16xf32>
    %exp3A_529 = math.exp %neg3A_528 : vector<16xf32>
    %mul3A_530 = arith.mulf %add3A_513, %exp3A_529 : vector<16xf32>
    %add3A_531 = arith.addf %sub3A_525, %mul3A_530 : vector<16xf32>
    %sub3A_532 = arith.constant 1.000000e+00 : f32
    %sub3A_533 = vector.broadcast %sub3A_532 : f32 to vector<16xf32>
    %sub3A_534 = arith.subf %add3A_531, %sub3A_533 : vector<16xf32>
    %neg3A_535 = arith.constant 0.000000e+00 : f32
    %neg3A_536 = vector.broadcast %neg3A_535 : f32 to vector<16xf32>
    %neg3A_537 = arith.subf %neg3A_536, %add3A_531 : vector<16xf32>
    %exp3A_538 = math.exp %neg3A_537 : vector<16xf32>
    %mul3A_539 = arith.mulf %add3A_513, %exp3A_538 : vector<16xf32>
    %add3A_540 = arith.addf %sub3A_534, %mul3A_539 : vector<16xf32>
    %sub3A_541 = arith.constant 1.000000e+00 : f32
    %sub3A_542 = vector.broadcast %sub3A_541 : f32 to vector<16xf32>
    %sub3A_543 = arith.subf %add3A_540, %sub3A_542 : vector<16xf32>
    %neg3A_544 = arith.constant 0.000000e+00 : f32
    %neg3A_545 = vector.broadcast %neg3A_544 : f32 to vector<16xf32>
    %neg3A_546 = arith.subf %neg3A_545, %add3A_540 : vector<16xf32>
    %exp3A_547 = math.exp %neg3A_546 : vector<16xf32>
    %mul3A_548 = arith.mulf %add3A_513, %exp3A_547 : vector<16xf32>
    %add3A_549 = arith.addf %sub3A_543, %mul3A_548 : vector<16xf32>
    %sub3A_550 = arith.subf %add3A_549, %gather3A_514 : vector<16xf32>
    %add3A_551 = arith.addf %add3A_425, %sub3A_550 : vector<16xf32>
    %add3A_552 = arith.constant 64 : i32
    %add3A_553 = vector.broadcast %add3A_552 : i32 to vector<16xi32>
    %add3A_554 = arith.addi %add3A_553, %iota3A : vector<16xi32>
    %mul3A_555 = arith.constant 16 : i32
    %mul3A_556 = vector.broadcast %mul3A_555 : i32 to vector<16xi32>
    %mul3A_557 = arith.muli %add3A_554, %mul3A_556 : vector<16xi32>
    %broadcast_in_dim3A_558 = arith.constant 0.000000e+00 : f32
    %broadcast_in_dim3A_559 = vector.broadcast %broadcast_in_dim3A_558 : f32 to vector<16xf32>
    %add3A_560 = arith.constant 0 : i32
    %add3A_561 = vector.broadcast %add3A_560 : i32 to vector<16xi32>
    %add3A_562 = arith.addi %mul3A_557, %add3A_561 : vector<16xi32>
    %gather3A_563 = tpu.vector_load_idx %arg14[%add3A_562] : memref<4096xf32, #tpu.memory_space<vmem>>[vector<16xi32>], vector<16xf32>,
    %add3A_564 = arith.addf %broadcast_in_dim3A_559, %gather3A_563 : vector<16xf32>
    %add3A_565 = arith.constant 1 : i32
    %add3A_566 = vector.broadcast %add3A_565 : i32 to vector<16xi32>
    %add3A_567 = arith.addi %mul3A_557, %add3A_566 : vector<16xi32>
    %gather3A_568 = tpu.vector_load_idx %arg14[%add3A_567] : memref<4096xf32, #tpu.memory_space<vmem>>[vector<16xi32>], vector<16xf32>,
    %add3A_569 = arith.addf %add3A_564, %gather3A_568 : vector<16xf32>
    %add3A_570 = arith.constant 2 : i32
    %add3A_571 = vector.broadcast %add3A_570 : i32 to vector<16xi32>
    %add3A_572 = arith.addi %mul3A_557, %add3A_571 : vector<16xi32>
    %gather3A_573 = tpu.vector_load_idx %arg14[%add3A_572] : memref<4096xf32, #tpu.memory_space<vmem>>[vector<16xi32>], vector<16xf32>,
    %add3A_574 = arith.addf %add3A_569, %gather3A_573 : vector<16xf32>
    %add3A_575 = arith.constant 3 : i32
    %add3A_576 = vector.broadcast %add3A_575 : i32 to vector<16xi32>
    %add3A_577 = arith.addi %mul3A_557, %add3A_576 : vector<16xi32>
    %gather3A_578 = tpu.vector_load_idx %arg14[%add3A_577] : memref<4096xf32, #tpu.memory_space<vmem>>[vector<16xi32>], vector<16xf32>,
    %add3A_579 = arith.addf %add3A_574, %gather3A_578 : vector<16xf32>
    %add3A_580 = arith.constant 4 : i32
    %add3A_581 = vector.broadcast %add3A_580 : i32 to vector<16xi32>
    %add3A_582 = arith.addi %mul3A_557, %add3A_581 : vector<16xi32>
    %gather3A_583 = tpu.vector_load_idx %arg14[%add3A_582] : memref<4096xf32, #tpu.memory_space<vmem>>[vector<16xi32>], vector<16xf32>,
    %add3A_584 = arith.addf %add3A_579, %gather3A_583 : vector<16xf32>
    %add3A_585 = arith.constant 5 : i32
    %add3A_586 = vector.broadcast %add3A_585 : i32 to vector<16xi32>
    %add3A_587 = arith.addi %mul3A_557, %add3A_586 : vector<16xi32>
    %gather3A_588 = tpu.vector_load_idx %arg14[%add3A_587] : memref<4096xf32, #tpu.memory_space<vmem>>[vector<16xi32>], vector<16xf32>,
    %add3A_589 = arith.addf %add3A_584, %gather3A_588 : vector<16xf32>
    %add3A_590 = arith.constant 6 : i32
    %add3A_591 = vector.broadcast %add3A_590 : i32 to vector<16xi32>
    %add3A_592 = arith.addi %mul3A_557, %add3A_591 : vector<16xi32>
    %gather3A_593 = tpu.vector_load_idx %arg14[%add3A_592] : memref<4096xf32, #tpu.memory_space<vmem>>[vector<16xi32>], vector<16xf32>,
    %add3A_594 = arith.addf %add3A_589, %gather3A_593 : vector<16xf32>
    %add3A_595 = arith.constant 7 : i32
    %add3A_596 = vector.broadcast %add3A_595 : i32 to vector<16xi32>
    %add3A_597 = arith.addi %mul3A_557, %add3A_596 : vector<16xi32>
    %gather3A_598 = tpu.vector_load_idx %arg14[%add3A_597] : memref<4096xf32, #tpu.memory_space<vmem>>[vector<16xi32>], vector<16xf32>,
    %add3A_599 = arith.addf %add3A_594, %gather3A_598 : vector<16xf32>
    %add3A_600 = arith.constant 8 : i32
    %add3A_601 = vector.broadcast %add3A_600 : i32 to vector<16xi32>
    %add3A_602 = arith.addi %mul3A_557, %add3A_601 : vector<16xi32>
    %gather3A_603 = tpu.vector_load_idx %arg14[%add3A_602] : memref<4096xf32, #tpu.memory_space<vmem>>[vector<16xi32>], vector<16xf32>,
    %add3A_604 = arith.addf %add3A_599, %gather3A_603 : vector<16xf32>
    %add3A_605 = arith.constant 9 : i32
    %add3A_606 = vector.broadcast %add3A_605 : i32 to vector<16xi32>
    %add3A_607 = arith.addi %mul3A_557, %add3A_606 : vector<16xi32>
    %gather3A_608 = tpu.vector_load_idx %arg14[%add3A_607] : memref<4096xf32, #tpu.memory_space<vmem>>[vector<16xi32>], vector<16xf32>,
    %add3A_609 = arith.addf %add3A_604, %gather3A_608 : vector<16xf32>
    %add3A_610 = arith.constant 10 : i32
    %add3A_611 = vector.broadcast %add3A_610 : i32 to vector<16xi32>
    %add3A_612 = arith.addi %mul3A_557, %add3A_611 : vector<16xi32>
    %gather3A_613 = tpu.vector_load_idx %arg14[%add3A_612] : memref<4096xf32, #tpu.memory_space<vmem>>[vector<16xi32>], vector<16xf32>,
    %add3A_614 = arith.addf %add3A_609, %gather3A_613 : vector<16xf32>
    %add3A_615 = arith.constant 11 : i32
    %add3A_616 = vector.broadcast %add3A_615 : i32 to vector<16xi32>
    %add3A_617 = arith.addi %mul3A_557, %add3A_616 : vector<16xi32>
    %gather3A_618 = tpu.vector_load_idx %arg14[%add3A_617] : memref<4096xf32, #tpu.memory_space<vmem>>[vector<16xi32>], vector<16xf32>,
    %add3A_619 = arith.addf %add3A_614, %gather3A_618 : vector<16xf32>
    %add3A_620 = arith.constant 12 : i32
    %add3A_621 = vector.broadcast %add3A_620 : i32 to vector<16xi32>
    %add3A_622 = arith.addi %mul3A_557, %add3A_621 : vector<16xi32>
    %gather3A_623 = tpu.vector_load_idx %arg14[%add3A_622] : memref<4096xf32, #tpu.memory_space<vmem>>[vector<16xi32>], vector<16xf32>,
    %add3A_624 = arith.addf %add3A_619, %gather3A_623 : vector<16xf32>
    %add3A_625 = arith.constant 13 : i32
    %add3A_626 = vector.broadcast %add3A_625 : i32 to vector<16xi32>
    %add3A_627 = arith.addi %mul3A_557, %add3A_626 : vector<16xi32>
    %gather3A_628 = tpu.vector_load_idx %arg14[%add3A_627] : memref<4096xf32, #tpu.memory_space<vmem>>[vector<16xi32>], vector<16xf32>,
    %add3A_629 = arith.addf %add3A_624, %gather3A_628 : vector<16xf32>
    %add3A_630 = arith.constant 14 : i32
    %add3A_631 = vector.broadcast %add3A_630 : i32 to vector<16xi32>
    %add3A_632 = arith.addi %mul3A_557, %add3A_631 : vector<16xi32>
    %gather3A_633 = tpu.vector_load_idx %arg14[%add3A_632] : memref<4096xf32, #tpu.memory_space<vmem>>[vector<16xi32>], vector<16xf32>,
    %add3A_634 = arith.addf %add3A_629, %gather3A_633 : vector<16xf32>
    %add3A_635 = arith.constant 15 : i32
    %add3A_636 = vector.broadcast %add3A_635 : i32 to vector<16xi32>
    %add3A_637 = arith.addi %mul3A_557, %add3A_636 : vector<16xi32>
    %gather3A_638 = tpu.vector_load_idx %arg14[%add3A_637] : memref<4096xf32, #tpu.memory_space<vmem>>[vector<16xi32>], vector<16xf32>,
    %add3A_639 = arith.addf %add3A_634, %gather3A_638 : vector<16xf32>
    %gather3A_640 = tpu.vector_load_idx %arg15[%mul3A_557] : memref<4096xf32, #tpu.memory_space<vmem>>[vector<16xi32>], vector<16xf32>,
    %bitcast3A_641 = vector.bitcast %add3A_639 : vector<16xf32> to vector<16xi32>
    %convert_element_type3A_642 = arith.sitofp %bitcast3A_641 : vector<16xi32> to vector<16xf32>
    %mul3A_643 = arith.constant 8.26295832E-8 : f32
    %mul3A_644 = vector.broadcast %mul3A_643 : f32 to vector<16xf32>
    %mul3A_645 = arith.mulf %convert_element_type3A_642, %mul3A_644 : vector<16xf32>
    %sub3A_646 = arith.constant 87.9899673 : f32
    %sub3A_647 = vector.broadcast %sub3A_646 : f32 to vector<16xf32>
    %sub3A_648 = arith.subf %mul3A_645, %sub3A_647 : vector<16xf32>
    %sub3A_649 = arith.constant 1.000000e+00 : f32
    %sub3A_650 = vector.broadcast %sub3A_649 : f32 to vector<16xf32>
    %sub3A_651 = arith.subf %sub3A_648, %sub3A_650 : vector<16xf32>
    %neg3A_652 = arith.constant 0.000000e+00 : f32
    %neg3A_653 = vector.broadcast %neg3A_652 : f32 to vector<16xf32>
    %neg3A_654 = arith.subf %neg3A_653, %sub3A_648 : vector<16xf32>
    %exp3A_655 = math.exp %neg3A_654 : vector<16xf32>
    %mul3A_656 = arith.mulf %add3A_639, %exp3A_655 : vector<16xf32>
    %add3A_657 = arith.addf %sub3A_651, %mul3A_656 : vector<16xf32>
    %sub3A_658 = arith.constant 1.000000e+00 : f32
    %sub3A_659 = vector.broadcast %sub3A_658 : f32 to vector<16xf32>
    %sub3A_660 = arith.subf %add3A_657, %sub3A_659 : vector<16xf32>
    %neg3A_661 = arith.constant 0.000000e+00 : f32
    %neg3A_662 = vector.broadcast %neg3A_661 : f32 to vector<16xf32>
    %neg3A_663 = arith.subf %neg3A_662, %add3A_657 : vector<16xf32>
    %exp3A_664 = math.exp %neg3A_663 : vector<16xf32>
    %mul3A_665 = arith.mulf %add3A_639, %exp3A_664 : vector<16xf32>
    %add3A_666 = arith.addf %sub3A_660, %mul3A_665 : vector<16xf32>
    %sub3A_667 = arith.constant 1.000000e+00 : f32
    %sub3A_668 = vector.broadcast %sub3A_667 : f32 to vector<16xf32>
    %sub3A_669 = arith.subf %add3A_666, %sub3A_668 : vector<16xf32>
    %neg3A_670 = arith.constant 0.000000e+00 : f32
    %neg3A_671 = vector.broadcast %neg3A_670 : f32 to vector<16xf32>
    %neg3A_672 = arith.subf %neg3A_671, %add3A_666 : vector<16xf32>
    %exp3A_673 = math.exp %neg3A_672 : vector<16xf32>
    %mul3A_674 = arith.mulf %add3A_639, %exp3A_673 : vector<16xf32>
    %add3A_675 = arith.addf %sub3A_669, %mul3A_674 : vector<16xf32>
    %sub3A_676 = arith.subf %add3A_675, %gather3A_640 : vector<16xf32>
    %add3A_677 = arith.addf %add3A_551, %sub3A_676 : vector<16xf32>
    %add3A_678 = arith.constant 80 : i32
    %add3A_679 = vector.broadcast %add3A_678 : i32 to vector<16xi32>
    %add3A_680 = arith.addi %add3A_679, %iota3A : vector<16xi32>
    %mul3A_681 = arith.constant 16 : i32
    %mul3A_682 = vector.broadcast %mul3A_681 : i32 to vector<16xi32>
    %mul3A_683 = arith.muli %add3A_680, %mul3A_682 : vector<16xi32>
    %broadcast_in_dim3A_684 = arith.constant 0.000000e+00 : f32
    %broadcast_in_dim3A_685 = vector.broadcast %broadcast_in_dim3A_684 : f32 to vector<16xf32>
    %add3A_686 = arith.constant 0 : i32
    %add3A_687 = vector.broadcast %add3A_686 : i32 to vector<16xi32>
    %add3A_688 = arith.addi %mul3A_683, %add3A_687 : vector<16xi32>
    %gather3A_689 = tpu.vector_load_idx %arg14[%add3A_688] : memref<4096xf32, #tpu.memory_space<vmem>>[vector<16xi32>], vector<16xf32>,
    %add3A_690 = arith.addf %broadcast_in_dim3A_685, %gather3A_689 : vector<16xf32>
    %add3A_691 = arith.constant 1 : i32
    %add3A_692 = vector.broadcast %add3A_691 : i32 to vector<16xi32>
    %add3A_693 = arith.addi %mul3A_683, %add3A_692 : vector<16xi32>
    %gather3A_694 = tpu.vector_load_idx %arg14[%add3A_693] : memref<4096xf32, #tpu.memory_space<vmem>>[vector<16xi32>], vector<16xf32>,
    %add3A_695 = arith.addf %add3A_690, %gather3A_694 : vector<16xf32>
    %add3A_696 = arith.constant 2 : i32
    %add3A_697 = vector.broadcast %add3A_696 : i32 to vector<16xi32>
    %add3A_698 = arith.addi %mul3A_683, %add3A_697 : vector<16xi32>
    %gather3A_699 = tpu.vector_load_idx %arg14[%add3A_698] : memref<4096xf32, #tpu.memory_space<vmem>>[vector<16xi32>], vector<16xf32>,
    %add3A_700 = arith.addf %add3A_695, %gather3A_699 : vector<16xf32>
    %add3A_701 = arith.constant 3 : i32
    %add3A_702 = vector.broadcast %add3A_701 : i32 to vector<16xi32>
    %add3A_703 = arith.addi %mul3A_683, %add3A_702 : vector<16xi32>
    %gather3A_704 = tpu.vector_load_idx %arg14[%add3A_703] : memref<4096xf32, #tpu.memory_space<vmem>>[vector<16xi32>], vector<16xf32>,
    %add3A_705 = arith.addf %add3A_700, %gather3A_704 : vector<16xf32>
    %add3A_706 = arith.constant 4 : i32
    %add3A_707 = vector.broadcast %add3A_706 : i32 to vector<16xi32>
    %add3A_708 = arith.addi %mul3A_683, %add3A_707 : vector<16xi32>
    %gather3A_709 = tpu.vector_load_idx %arg14[%add3A_708] : memref<4096xf32, #tpu.memory_space<vmem>>[vector<16xi32>], vector<16xf32>,
    %add3A_710 = arith.addf %add3A_705, %gather3A_709 : vector<16xf32>
    %add3A_711 = arith.constant 5 : i32
    %add3A_712 = vector.broadcast %add3A_711 : i32 to vector<16xi32>
    %add3A_713 = arith.addi %mul3A_683, %add3A_712 : vector<16xi32>
    %gather3A_714 = tpu.vector_load_idx %arg14[%add3A_713] : memref<4096xf32, #tpu.memory_space<vmem>>[vector<16xi32>], vector<16xf32>,
    %add3A_715 = arith.addf %add3A_710, %gather3A_714 : vector<16xf32>
    %add3A_716 = arith.constant 6 : i32
    %add3A_717 = vector.broadcast %add3A_716 : i32 to vector<16xi32>
    %add3A_718 = arith.addi %mul3A_683, %add3A_717 : vector<16xi32>
    %gather3A_719 = tpu.vector_load_idx %arg14[%add3A_718] : memref<4096xf32, #tpu.memory_space<vmem>>[vector<16xi32>], vector<16xf32>,
    %add3A_720 = arith.addf %add3A_715, %gather3A_719 : vector<16xf32>
    %add3A_721 = arith.constant 7 : i32
    %add3A_722 = vector.broadcast %add3A_721 : i32 to vector<16xi32>
    %add3A_723 = arith.addi %mul3A_683, %add3A_722 : vector<16xi32>
    %gather3A_724 = tpu.vector_load_idx %arg14[%add3A_723] : memref<4096xf32, #tpu.memory_space<vmem>>[vector<16xi32>], vector<16xf32>,
    %add3A_725 = arith.addf %add3A_720, %gather3A_724 : vector<16xf32>
    %add3A_726 = arith.constant 8 : i32
    %add3A_727 = vector.broadcast %add3A_726 : i32 to vector<16xi32>
    %add3A_728 = arith.addi %mul3A_683, %add3A_727 : vector<16xi32>
    %gather3A_729 = tpu.vector_load_idx %arg14[%add3A_728] : memref<4096xf32, #tpu.memory_space<vmem>>[vector<16xi32>], vector<16xf32>,
    %add3A_730 = arith.addf %add3A_725, %gather3A_729 : vector<16xf32>
    %add3A_731 = arith.constant 9 : i32
    %add3A_732 = vector.broadcast %add3A_731 : i32 to vector<16xi32>
    %add3A_733 = arith.addi %mul3A_683, %add3A_732 : vector<16xi32>
    %gather3A_734 = tpu.vector_load_idx %arg14[%add3A_733] : memref<4096xf32, #tpu.memory_space<vmem>>[vector<16xi32>], vector<16xf32>,
    %add3A_735 = arith.addf %add3A_730, %gather3A_734 : vector<16xf32>
    %add3A_736 = arith.constant 10 : i32
    %add3A_737 = vector.broadcast %add3A_736 : i32 to vector<16xi32>
    %add3A_738 = arith.addi %mul3A_683, %add3A_737 : vector<16xi32>
    %gather3A_739 = tpu.vector_load_idx %arg14[%add3A_738] : memref<4096xf32, #tpu.memory_space<vmem>>[vector<16xi32>], vector<16xf32>,
    %add3A_740 = arith.addf %add3A_735, %gather3A_739 : vector<16xf32>
    %add3A_741 = arith.constant 11 : i32
    %add3A_742 = vector.broadcast %add3A_741 : i32 to vector<16xi32>
    %add3A_743 = arith.addi %mul3A_683, %add3A_742 : vector<16xi32>
    %gather3A_744 = tpu.vector_load_idx %arg14[%add3A_743] : memref<4096xf32, #tpu.memory_space<vmem>>[vector<16xi32>], vector<16xf32>,
    %add3A_745 = arith.addf %add3A_740, %gather3A_744 : vector<16xf32>
    %add3A_746 = arith.constant 12 : i32
    %add3A_747 = vector.broadcast %add3A_746 : i32 to vector<16xi32>
    %add3A_748 = arith.addi %mul3A_683, %add3A_747 : vector<16xi32>
    %gather3A_749 = tpu.vector_load_idx %arg14[%add3A_748] : memref<4096xf32, #tpu.memory_space<vmem>>[vector<16xi32>], vector<16xf32>,
    %add3A_750 = arith.addf %add3A_745, %gather3A_749 : vector<16xf32>
    %add3A_751 = arith.constant 13 : i32
    %add3A_752 = vector.broadcast %add3A_751 : i32 to vector<16xi32>
    %add3A_753 = arith.addi %mul3A_683, %add3A_752 : vector<16xi32>
    %gather3A_754 = tpu.vector_load_idx %arg14[%add3A_753] : memref<4096xf32, #tpu.memory_space<vmem>>[vector<16xi32>], vector<16xf32>,
    %add3A_755 = arith.addf %add3A_750, %gather3A_754 : vector<16xf32>
    %add3A_756 = arith.constant 14 : i32
    %add3A_757 = vector.broadcast %add3A_756 : i32 to vector<16xi32>
    %add3A_758 = arith.addi %mul3A_683, %add3A_757 : vector<16xi32>
    %gather3A_759 = tpu.vector_load_idx %arg14[%add3A_758] : memref<4096xf32, #tpu.memory_space<vmem>>[vector<16xi32>], vector<16xf32>,
    %add3A_760 = arith.addf %add3A_755, %gather3A_759 : vector<16xf32>
    %add3A_761 = arith.constant 15 : i32
    %add3A_762 = vector.broadcast %add3A_761 : i32 to vector<16xi32>
    %add3A_763 = arith.addi %mul3A_683, %add3A_762 : vector<16xi32>
    %gather3A_764 = tpu.vector_load_idx %arg14[%add3A_763] : memref<4096xf32, #tpu.memory_space<vmem>>[vector<16xi32>], vector<16xf32>,
    %add3A_765 = arith.addf %add3A_760, %gather3A_764 : vector<16xf32>
    %gather3A_766 = tpu.vector_load_idx %arg15[%mul3A_683] : memref<4096xf32, #tpu.memory_space<vmem>>[vector<16xi32>], vector<16xf32>,
    %bitcast3A_767 = vector.bitcast %add3A_765 : vector<16xf32> to vector<16xi32>
    %convert_element_type3A_768 = arith.sitofp %bitcast3A_767 : vector<16xi32> to vector<16xf32>
    %mul3A_769 = arith.constant 8.26295832E-8 : f32
    %mul3A_770 = vector.broadcast %mul3A_769 : f32 to vector<16xf32>
    %mul3A_771 = arith.mulf %convert_element_type3A_768, %mul3A_770 : vector<16xf32>
    %sub3A_772 = arith.constant 87.9899673 : f32
    %sub3A_773 = vector.broadcast %sub3A_772 : f32 to vector<16xf32>
    %sub3A_774 = arith.subf %mul3A_771, %sub3A_773 : vector<16xf32>
    %sub3A_775 = arith.constant 1.000000e+00 : f32
    %sub3A_776 = vector.broadcast %sub3A_775 : f32 to vector<16xf32>
    %sub3A_777 = arith.subf %sub3A_774, %sub3A_776 : vector<16xf32>
    %neg3A_778 = arith.constant 0.000000e+00 : f32
    %neg3A_779 = vector.broadcast %neg3A_778 : f32 to vector<16xf32>
    %neg3A_780 = arith.subf %neg3A_779, %sub3A_774 : vector<16xf32>
    %exp3A_781 = math.exp %neg3A_780 : vector<16xf32>
    %mul3A_782 = arith.mulf %add3A_765, %exp3A_781 : vector<16xf32>
    %add3A_783 = arith.addf %sub3A_777, %mul3A_782 : vector<16xf32>
    %sub3A_784 = arith.constant 1.000000e+00 : f32
    %sub3A_785 = vector.broadcast %sub3A_784 : f32 to vector<16xf32>
    %sub3A_786 = arith.subf %add3A_783, %sub3A_785 : vector<16xf32>
    %neg3A_787 = arith.constant 0.000000e+00 : f32
    %neg3A_788 = vector.broadcast %neg3A_787 : f32 to vector<16xf32>
    %neg3A_789 = arith.subf %neg3A_788, %add3A_783 : vector<16xf32>
    %exp3A_790 = math.exp %neg3A_789 : vector<16xf32>
    %mul3A_791 = arith.mulf %add3A_765, %exp3A_790 : vector<16xf32>
    %add3A_792 = arith.addf %sub3A_786, %mul3A_791 : vector<16xf32>
    %sub3A_793 = arith.constant 1.000000e+00 : f32
    %sub3A_794 = vector.broadcast %sub3A_793 : f32 to vector<16xf32>
    %sub3A_795 = arith.subf %add3A_792, %sub3A_794 : vector<16xf32>
    %neg3A_796 = arith.constant 0.000000e+00 : f32
    %neg3A_797 = vector.broadcast %neg3A_796 : f32 to vector<16xf32>
    %neg3A_798 = arith.subf %neg3A_797, %add3A_792 : vector<16xf32>
    %exp3A_799 = math.exp %neg3A_798 : vector<16xf32>
    %mul3A_800 = arith.mulf %add3A_765, %exp3A_799 : vector<16xf32>
    %add3A_801 = arith.addf %sub3A_795, %mul3A_800 : vector<16xf32>
    %sub3A_802 = arith.subf %add3A_801, %gather3A_766 : vector<16xf32>
    %add3A_803 = arith.addf %add3A_677, %sub3A_802 : vector<16xf32>
    %add3A_804 = arith.constant 96 : i32
    %add3A_805 = vector.broadcast %add3A_804 : i32 to vector<16xi32>
    %add3A_806 = arith.addi %add3A_805, %iota3A : vector<16xi32>
    %mul3A_807 = arith.constant 16 : i32
    %mul3A_808 = vector.broadcast %mul3A_807 : i32 to vector<16xi32>
    %mul3A_809 = arith.muli %add3A_806, %mul3A_808 : vector<16xi32>
    %broadcast_in_dim3A_810 = arith.constant 0.000000e+00 : f32
    %broadcast_in_dim3A_811 = vector.broadcast %broadcast_in_dim3A_810 : f32 to vector<16xf32>
    %add3A_812 = arith.constant 0 : i32
    %add3A_813 = vector.broadcast %add3A_812 : i32 to vector<16xi32>
    %add3A_814 = arith.addi %mul3A_809, %add3A_813 : vector<16xi32>
    %gather3A_815 = tpu.vector_load_idx %arg14[%add3A_814] : memref<4096xf32, #tpu.memory_space<vmem>>[vector<16xi32>], vector<16xf32>,
    %add3A_816 = arith.addf %broadcast_in_dim3A_811, %gather3A_815 : vector<16xf32>
    %add3A_817 = arith.constant 1 : i32
    %add3A_818 = vector.broadcast %add3A_817 : i32 to vector<16xi32>
    %add3A_819 = arith.addi %mul3A_809, %add3A_818 : vector<16xi32>
    %gather3A_820 = tpu.vector_load_idx %arg14[%add3A_819] : memref<4096xf32, #tpu.memory_space<vmem>>[vector<16xi32>], vector<16xf32>,
    %add3A_821 = arith.addf %add3A_816, %gather3A_820 : vector<16xf32>
    %add3A_822 = arith.constant 2 : i32
    %add3A_823 = vector.broadcast %add3A_822 : i32 to vector<16xi32>
    %add3A_824 = arith.addi %mul3A_809, %add3A_823 : vector<16xi32>
    %gather3A_825 = tpu.vector_load_idx %arg14[%add3A_824] : memref<4096xf32, #tpu.memory_space<vmem>>[vector<16xi32>], vector<16xf32>,
    %add3A_826 = arith.addf %add3A_821, %gather3A_825 : vector<16xf32>
    %add3A_827 = arith.constant 3 : i32
    %add3A_828 = vector.broadcast %add3A_827 : i32 to vector<16xi32>
    %add3A_829 = arith.addi %mul3A_809, %add3A_828 : vector<16xi32>
    %gather3A_830 = tpu.vector_load_idx %arg14[%add3A_829] : memref<4096xf32, #tpu.memory_space<vmem>>[vector<16xi32>], vector<16xf32>,
    %add3A_831 = arith.addf %add3A_826, %gather3A_830 : vector<16xf32>
    %add3A_832 = arith.constant 4 : i32
    %add3A_833 = vector.broadcast %add3A_832 : i32 to vector<16xi32>
    %add3A_834 = arith.addi %mul3A_809, %add3A_833 : vector<16xi32>
    %gather3A_835 = tpu.vector_load_idx %arg14[%add3A_834] : memref<4096xf32, #tpu.memory_space<vmem>>[vector<16xi32>], vector<16xf32>,
    %add3A_836 = arith.addf %add3A_831, %gather3A_835 : vector<16xf32>
    %add3A_837 = arith.constant 5 : i32
    %add3A_838 = vector.broadcast %add3A_837 : i32 to vector<16xi32>
    %add3A_839 = arith.addi %mul3A_809, %add3A_838 : vector<16xi32>
    %gather3A_840 = tpu.vector_load_idx %arg14[%add3A_839] : memref<4096xf32, #tpu.memory_space<vmem>>[vector<16xi32>], vector<16xf32>,
    %add3A_841 = arith.addf %add3A_836, %gather3A_840 : vector<16xf32>
    %add3A_842 = arith.constant 6 : i32
    %add3A_843 = vector.broadcast %add3A_842 : i32 to vector<16xi32>
    %add3A_844 = arith.addi %mul3A_809, %add3A_843 : vector<16xi32>
    %gather3A_845 = tpu.vector_load_idx %arg14[%add3A_844] : memref<4096xf32, #tpu.memory_space<vmem>>[vector<16xi32>], vector<16xf32>,
    %add3A_846 = arith.addf %add3A_841, %gather3A_845 : vector<16xf32>
    %add3A_847 = arith.constant 7 : i32
    %add3A_848 = vector.broadcast %add3A_847 : i32 to vector<16xi32>
    %add3A_849 = arith.addi %mul3A_809, %add3A_848 : vector<16xi32>
    %gather3A_850 = tpu.vector_load_idx %arg14[%add3A_849] : memref<4096xf32, #tpu.memory_space<vmem>>[vector<16xi32>], vector<16xf32>,
    %add3A_851 = arith.addf %add3A_846, %gather3A_850 : vector<16xf32>
    %add3A_852 = arith.constant 8 : i32
    %add3A_853 = vector.broadcast %add3A_852 : i32 to vector<16xi32>
    %add3A_854 = arith.addi %mul3A_809, %add3A_853 : vector<16xi32>
    %gather3A_855 = tpu.vector_load_idx %arg14[%add3A_854] : memref<4096xf32, #tpu.memory_space<vmem>>[vector<16xi32>], vector<16xf32>,
    %add3A_856 = arith.addf %add3A_851, %gather3A_855 : vector<16xf32>
    %add3A_857 = arith.constant 9 : i32
    %add3A_858 = vector.broadcast %add3A_857 : i32 to vector<16xi32>
    %add3A_859 = arith.addi %mul3A_809, %add3A_858 : vector<16xi32>
    %gather3A_860 = tpu.vector_load_idx %arg14[%add3A_859] : memref<4096xf32, #tpu.memory_space<vmem>>[vector<16xi32>], vector<16xf32>,
    %add3A_861 = arith.addf %add3A_856, %gather3A_860 : vector<16xf32>
    %add3A_862 = arith.constant 10 : i32
    %add3A_863 = vector.broadcast %add3A_862 : i32 to vector<16xi32>
    %add3A_864 = arith.addi %mul3A_809, %add3A_863 : vector<16xi32>
    %gather3A_865 = tpu.vector_load_idx %arg14[%add3A_864] : memref<4096xf32, #tpu.memory_space<vmem>>[vector<16xi32>], vector<16xf32>,
    %add3A_866 = arith.addf %add3A_861, %gather3A_865 : vector<16xf32>
    %add3A_867 = arith.constant 11 : i32
    %add3A_868 = vector.broadcast %add3A_867 : i32 to vector<16xi32>
    %add3A_869 = arith.addi %mul3A_809, %add3A_868 : vector<16xi32>
    %gather3A_870 = tpu.vector_load_idx %arg14[%add3A_869] : memref<4096xf32, #tpu.memory_space<vmem>>[vector<16xi32>], vector<16xf32>,
    %add3A_871 = arith.addf %add3A_866, %gather3A_870 : vector<16xf32>
    %add3A_872 = arith.constant 12 : i32
    %add3A_873 = vector.broadcast %add3A_872 : i32 to vector<16xi32>
    %add3A_874 = arith.addi %mul3A_809, %add3A_873 : vector<16xi32>
    %gather3A_875 = tpu.vector_load_idx %arg14[%add3A_874] : memref<4096xf32, #tpu.memory_space<vmem>>[vector<16xi32>], vector<16xf32>,
    %add3A_876 = arith.addf %add3A_871, %gather3A_875 : vector<16xf32>
    %add3A_877 = arith.constant 13 : i32
    %add3A_878 = vector.broadcast %add3A_877 : i32 to vector<16xi32>
    %add3A_879 = arith.addi %mul3A_809, %add3A_878 : vector<16xi32>
    %gather3A_880 = tpu.vector_load_idx %arg14[%add3A_879] : memref<4096xf32, #tpu.memory_space<vmem>>[vector<16xi32>], vector<16xf32>,
    %add3A_881 = arith.addf %add3A_876, %gather3A_880 : vector<16xf32>
    %add3A_882 = arith.constant 14 : i32
    %add3A_883 = vector.broadcast %add3A_882 : i32 to vector<16xi32>
    %add3A_884 = arith.addi %mul3A_809, %add3A_883 : vector<16xi32>
    %gather3A_885 = tpu.vector_load_idx %arg14[%add3A_884] : memref<4096xf32, #tpu.memory_space<vmem>>[vector<16xi32>], vector<16xf32>,
    %add3A_886 = arith.addf %add3A_881, %gather3A_885 : vector<16xf32>
    %add3A_887 = arith.constant 15 : i32
    %add3A_888 = vector.broadcast %add3A_887 : i32 to vector<16xi32>
    %add3A_889 = arith.addi %mul3A_809, %add3A_888 : vector<16xi32>
    %gather3A_890 = tpu.vector_load_idx %arg14[%add3A_889] : memref<4096xf32, #tpu.memory_space<vmem>>[vector<16xi32>], vector<16xf32>,
    %add3A_891 = arith.addf %add3A_886, %gather3A_890 : vector<16xf32>
    %gather3A_892 = tpu.vector_load_idx %arg15[%mul3A_809] : memref<4096xf32, #tpu.memory_space<vmem>>[vector<16xi32>], vector<16xf32>,
    %bitcast3A_893 = vector.bitcast %add3A_891 : vector<16xf32> to vector<16xi32>
    %convert_element_type3A_894 = arith.sitofp %bitcast3A_893 : vector<16xi32> to vector<16xf32>
    %mul3A_895 = arith.constant 8.26295832E-8 : f32
    %mul3A_896 = vector.broadcast %mul3A_895 : f32 to vector<16xf32>
    %mul3A_897 = arith.mulf %convert_element_type3A_894, %mul3A_896 : vector<16xf32>
    %sub3A_898 = arith.constant 87.9899673 : f32
    %sub3A_899 = vector.broadcast %sub3A_898 : f32 to vector<16xf32>
    %sub3A_900 = arith.subf %mul3A_897, %sub3A_899 : vector<16xf32>
    %sub3A_901 = arith.constant 1.000000e+00 : f32
    %sub3A_902 = vector.broadcast %sub3A_901 : f32 to vector<16xf32>
    %sub3A_903 = arith.subf %sub3A_900, %sub3A_902 : vector<16xf32>
    %neg3A_904 = arith.constant 0.000000e+00 : f32
    %neg3A_905 = vector.broadcast %neg3A_904 : f32 to vector<16xf32>
    %neg3A_906 = arith.subf %neg3A_905, %sub3A_900 : vector<16xf32>
    %exp3A_907 = math.exp %neg3A_906 : vector<16xf32>
    %mul3A_908 = arith.mulf %add3A_891, %exp3A_907 : vector<16xf32>
    %add3A_909 = arith.addf %sub3A_903, %mul3A_908 : vector<16xf32>
    %sub3A_910 = arith.constant 1.000000e+00 : f32
    %sub3A_911 = vector.broadcast %sub3A_910 : f32 to vector<16xf32>
    %sub3A_912 = arith.subf %add3A_909, %sub3A_911 : vector<16xf32>
    %neg3A_913 = arith.constant 0.000000e+00 : f32
    %neg3A_914 = vector.broadcast %neg3A_913 : f32 to vector<16xf32>
    %neg3A_915 = arith.subf %neg3A_914, %add3A_909 : vector<16xf32>
    %exp3A_916 = math.exp %neg3A_915 : vector<16xf32>
    %mul3A_917 = arith.mulf %add3A_891, %exp3A_916 : vector<16xf32>
    %add3A_918 = arith.addf %sub3A_912, %mul3A_917 : vector<16xf32>
    %sub3A_919 = arith.constant 1.000000e+00 : f32
    %sub3A_920 = vector.broadcast %sub3A_919 : f32 to vector<16xf32>
    %sub3A_921 = arith.subf %add3A_918, %sub3A_920 : vector<16xf32>
    %neg3A_922 = arith.constant 0.000000e+00 : f32
    %neg3A_923 = vector.broadcast %neg3A_922 : f32 to vector<16xf32>
    %neg3A_924 = arith.subf %neg3A_923, %add3A_918 : vector<16xf32>
    %exp3A_925 = math.exp %neg3A_924 : vector<16xf32>
    %mul3A_926 = arith.mulf %add3A_891, %exp3A_925 : vector<16xf32>
    %add3A_927 = arith.addf %sub3A_921, %mul3A_926 : vector<16xf32>
    %sub3A_928 = arith.subf %add3A_927, %gather3A_892 : vector<16xf32>
    %add3A_929 = arith.addf %add3A_803, %sub3A_928 : vector<16xf32>
    %add3A_930 = arith.constant 112 : i32
    %add3A_931 = vector.broadcast %add3A_930 : i32 to vector<16xi32>
    %add3A_932 = arith.addi %add3A_931, %iota3A : vector<16xi32>
    %mul3A_933 = arith.constant 16 : i32
    %mul3A_934 = vector.broadcast %mul3A_933 : i32 to vector<16xi32>
    %mul3A_935 = arith.muli %add3A_932, %mul3A_934 : vector<16xi32>
    %broadcast_in_dim3A_936 = arith.constant 0.000000e+00 : f32
    %broadcast_in_dim3A_937 = vector.broadcast %broadcast_in_dim3A_936 : f32 to vector<16xf32>
    %add3A_938 = arith.constant 0 : i32
    %add3A_939 = vector.broadcast %add3A_938 : i32 to vector<16xi32>
    %add3A_940 = arith.addi %mul3A_935, %add3A_939 : vector<16xi32>
    %gather3A_941 = tpu.vector_load_idx %arg14[%add3A_940] : memref<4096xf32, #tpu.memory_space<vmem>>[vector<16xi32>], vector<16xf32>,
    %add3A_942 = arith.addf %broadcast_in_dim3A_937, %gather3A_941 : vector<16xf32>
    %add3A_943 = arith.constant 1 : i32
    %add3A_944 = vector.broadcast %add3A_943 : i32 to vector<16xi32>
    %add3A_945 = arith.addi %mul3A_935, %add3A_944 : vector<16xi32>
    %gather3A_946 = tpu.vector_load_idx %arg14[%add3A_945] : memref<4096xf32, #tpu.memory_space<vmem>>[vector<16xi32>], vector<16xf32>,
    %add3A_947 = arith.addf %add3A_942, %gather3A_946 : vector<16xf32>
    %add3A_948 = arith.constant 2 : i32
    %add3A_949 = vector.broadcast %add3A_948 : i32 to vector<16xi32>
    %add3A_950 = arith.addi %mul3A_935, %add3A_949 : vector<16xi32>
    %gather3A_951 = tpu.vector_load_idx %arg14[%add3A_950] : memref<4096xf32, #tpu.memory_space<vmem>>[vector<16xi32>], vector<16xf32>,
    %add3A_952 = arith.addf %add3A_947, %gather3A_951 : vector<16xf32>
    %add3A_953 = arith.constant 3 : i32
    %add3A_954 = vector.broadcast %add3A_953 : i32 to vector<16xi32>
    %add3A_955 = arith.addi %mul3A_935, %add3A_954 : vector<16xi32>
    %gather3A_956 = tpu.vector_load_idx %arg14[%add3A_955] : memref<4096xf32, #tpu.memory_space<vmem>>[vector<16xi32>], vector<16xf32>,
    %add3A_957 = arith.addf %add3A_952, %gather3A_956 : vector<16xf32>
    %add3A_958 = arith.constant 4 : i32
    %add3A_959 = vector.broadcast %add3A_958 : i32 to vector<16xi32>
    %add3A_960 = arith.addi %mul3A_935, %add3A_959 : vector<16xi32>
    %gather3A_961 = tpu.vector_load_idx %arg14[%add3A_960] : memref<4096xf32, #tpu.memory_space<vmem>>[vector<16xi32>], vector<16xf32>,
    %add3A_962 = arith.addf %add3A_957, %gather3A_961 : vector<16xf32>
    %add3A_963 = arith.constant 5 : i32
    %add3A_964 = vector.broadcast %add3A_963 : i32 to vector<16xi32>
    %add3A_965 = arith.addi %mul3A_935, %add3A_964 : vector<16xi32>
    %gather3A_966 = tpu.vector_load_idx %arg14[%add3A_965] : memref<4096xf32, #tpu.memory_space<vmem>>[vector<16xi32>], vector<16xf32>,
    %add3A_967 = arith.addf %add3A_962, %gather3A_966 : vector<16xf32>
    %add3A_968 = arith.constant 6 : i32
    %add3A_969 = vector.broadcast %add3A_968 : i32 to vector<16xi32>
    %add3A_970 = arith.addi %mul3A_935, %add3A_969 : vector<16xi32>
    %gather3A_971 = tpu.vector_load_idx %arg14[%add3A_970] : memref<4096xf32, #tpu.memory_space<vmem>>[vector<16xi32>], vector<16xf32>,
    %add3A_972 = arith.addf %add3A_967, %gather3A_971 : vector<16xf32>
    %add3A_973 = arith.constant 7 : i32
    %add3A_974 = vector.broadcast %add3A_973 : i32 to vector<16xi32>
    %add3A_975 = arith.addi %mul3A_935, %add3A_974 : vector<16xi32>
    %gather3A_976 = tpu.vector_load_idx %arg14[%add3A_975] : memref<4096xf32, #tpu.memory_space<vmem>>[vector<16xi32>], vector<16xf32>,
    %add3A_977 = arith.addf %add3A_972, %gather3A_976 : vector<16xf32>
    %add3A_978 = arith.constant 8 : i32
    %add3A_979 = vector.broadcast %add3A_978 : i32 to vector<16xi32>
    %add3A_980 = arith.addi %mul3A_935, %add3A_979 : vector<16xi32>
    %gather3A_981 = tpu.vector_load_idx %arg14[%add3A_980] : memref<4096xf32, #tpu.memory_space<vmem>>[vector<16xi32>], vector<16xf32>,
    %add3A_982 = arith.addf %add3A_977, %gather3A_981 : vector<16xf32>
    %add3A_983 = arith.constant 9 : i32
    %add3A_984 = vector.broadcast %add3A_983 : i32 to vector<16xi32>
    %add3A_985 = arith.addi %mul3A_935, %add3A_984 : vector<16xi32>
    %gather3A_986 = tpu.vector_load_idx %arg14[%add3A_985] : memref<4096xf32, #tpu.memory_space<vmem>>[vector<16xi32>], vector<16xf32>,
    %add3A_987 = arith.addf %add3A_982, %gather3A_986 : vector<16xf32>
    %add3A_988 = arith.constant 10 : i32
    %add3A_989 = vector.broadcast %add3A_988 : i32 to vector<16xi32>
    %add3A_990 = arith.addi %mul3A_935, %add3A_989 : vector<16xi32>
    %gather3A_991 = tpu.vector_load_idx %arg14[%add3A_990] : memref<4096xf32, #tpu.memory_space<vmem>>[vector<16xi32>], vector<16xf32>,
    %add3A_992 = arith.addf %add3A_987, %gather3A_991 : vector<16xf32>
    %add3A_993 = arith.constant 11 : i32
    %add3A_994 = vector.broadcast %add3A_993 : i32 to vector<16xi32>
    %add3A_995 = arith.addi %mul3A_935, %add3A_994 : vector<16xi32>
    %gather3A_996 = tpu.vector_load_idx %arg14[%add3A_995] : memref<4096xf32, #tpu.memory_space<vmem>>[vector<16xi32>], vector<16xf32>,
    %add3A_997 = arith.addf %add3A_992, %gather3A_996 : vector<16xf32>
    %add3A_998 = arith.constant 12 : i32
    %add3A_999 = vector.broadcast %add3A_998 : i32 to vector<16xi32>
    %add3A_1000 = arith.addi %mul3A_935, %add3A_999 : vector<16xi32>
    %gather3A_1001 = tpu.vector_load_idx %arg14[%add3A_1000] : memref<4096xf32, #tpu.memory_space<vmem>>[vector<16xi32>], vector<16xf32>,
    %add3A_1002 = arith.addf %add3A_997, %gather3A_1001 : vector<16xf32>
    %add3A_1003 = arith.constant 13 : i32
    %add3A_1004 = vector.broadcast %add3A_1003 : i32 to vector<16xi32>
    %add3A_1005 = arith.addi %mul3A_935, %add3A_1004 : vector<16xi32>
    %gather3A_1006 = tpu.vector_load_idx %arg14[%add3A_1005] : memref<4096xf32, #tpu.memory_space<vmem>>[vector<16xi32>], vector<16xf32>,
    %add3A_1007 = arith.addf %add3A_1002, %gather3A_1006 : vector<16xf32>
    %add3A_1008 = arith.constant 14 : i32
    %add3A_1009 = vector.broadcast %add3A_1008 : i32 to vector<16xi32>
    %add3A_1010 = arith.addi %mul3A_935, %add3A_1009 : vector<16xi32>
    %gather3A_1011 = tpu.vector_load_idx %arg14[%add3A_1010] : memref<4096xf32, #tpu.memory_space<vmem>>[vector<16xi32>], vector<16xf32>,
    %add3A_1012 = arith.addf %add3A_1007, %gather3A_1011 : vector<16xf32>
    %add3A_1013 = arith.constant 15 : i32
    %add3A_1014 = vector.broadcast %add3A_1013 : i32 to vector<16xi32>
    %add3A_1015 = arith.addi %mul3A_935, %add3A_1014 : vector<16xi32>
    %gather3A_1016 = tpu.vector_load_idx %arg14[%add3A_1015] : memref<4096xf32, #tpu.memory_space<vmem>>[vector<16xi32>], vector<16xf32>,
    %add3A_1017 = arith.addf %add3A_1012, %gather3A_1016 : vector<16xf32>
    %gather3A_1018 = tpu.vector_load_idx %arg15[%mul3A_935] : memref<4096xf32, #tpu.memory_space<vmem>>[vector<16xi32>], vector<16xf32>,
    %bitcast3A_1019 = vector.bitcast %add3A_1017 : vector<16xf32> to vector<16xi32>
    %convert_element_type3A_1020 = arith.sitofp %bitcast3A_1019 : vector<16xi32> to vector<16xf32>
    %mul3A_1021 = arith.constant 8.26295832E-8 : f32
    %mul3A_1022 = vector.broadcast %mul3A_1021 : f32 to vector<16xf32>
    %mul3A_1023 = arith.mulf %convert_element_type3A_1020, %mul3A_1022 : vector<16xf32>
    %sub3A_1024 = arith.constant 87.9899673 : f32
    %sub3A_1025 = vector.broadcast %sub3A_1024 : f32 to vector<16xf32>
    %sub3A_1026 = arith.subf %mul3A_1023, %sub3A_1025 : vector<16xf32>
    %sub3A_1027 = arith.constant 1.000000e+00 : f32
    %sub3A_1028 = vector.broadcast %sub3A_1027 : f32 to vector<16xf32>
    %sub3A_1029 = arith.subf %sub3A_1026, %sub3A_1028 : vector<16xf32>
    %neg3A_1030 = arith.constant 0.000000e+00 : f32
    %neg3A_1031 = vector.broadcast %neg3A_1030 : f32 to vector<16xf32>
    %neg3A_1032 = arith.subf %neg3A_1031, %sub3A_1026 : vector<16xf32>
    %exp3A_1033 = math.exp %neg3A_1032 : vector<16xf32>
    %mul3A_1034 = arith.mulf %add3A_1017, %exp3A_1033 : vector<16xf32>
    %add3A_1035 = arith.addf %sub3A_1029, %mul3A_1034 : vector<16xf32>
    %sub3A_1036 = arith.constant 1.000000e+00 : f32
    %sub3A_1037 = vector.broadcast %sub3A_1036 : f32 to vector<16xf32>
    %sub3A_1038 = arith.subf %add3A_1035, %sub3A_1037 : vector<16xf32>
    %neg3A_1039 = arith.constant 0.000000e+00 : f32
    %neg3A_1040 = vector.broadcast %neg3A_1039 : f32 to vector<16xf32>
    %neg3A_1041 = arith.subf %neg3A_1040, %add3A_1035 : vector<16xf32>
    %exp3A_1042 = math.exp %neg3A_1041 : vector<16xf32>
    %mul3A_1043 = arith.mulf %add3A_1017, %exp3A_1042 : vector<16xf32>
    %add3A_1044 = arith.addf %sub3A_1038, %mul3A_1043 : vector<16xf32>
    %sub3A_1045 = arith.constant 1.000000e+00 : f32
    %sub3A_1046 = vector.broadcast %sub3A_1045 : f32 to vector<16xf32>
    %sub3A_1047 = arith.subf %add3A_1044, %sub3A_1046 : vector<16xf32>
    %neg3A_1048 = arith.constant 0.000000e+00 : f32
    %neg3A_1049 = vector.broadcast %neg3A_1048 : f32 to vector<16xf32>
    %neg3A_1050 = arith.subf %neg3A_1049, %add3A_1044 : vector<16xf32>
    %exp3A_1051 = math.exp %neg3A_1050 : vector<16xf32>
    %mul3A_1052 = arith.mulf %add3A_1017, %exp3A_1051 : vector<16xf32>
    %add3A_1053 = arith.addf %sub3A_1047, %mul3A_1052 : vector<16xf32>
    %sub3A_1054 = arith.subf %add3A_1053, %gather3A_1018 : vector<16xf32>
    %add3A_1055 = arith.addf %add3A_929, %sub3A_1054 : vector<16xf32>
    %add3A_1056 = arith.constant 128 : i32
    %add3A_1057 = vector.broadcast %add3A_1056 : i32 to vector<16xi32>
    %add3A_1058 = arith.addi %add3A_1057, %iota3A : vector<16xi32>
    %mul3A_1059 = arith.constant 16 : i32
    %mul3A_1060 = vector.broadcast %mul3A_1059 : i32 to vector<16xi32>
    %mul3A_1061 = arith.muli %add3A_1058, %mul3A_1060 : vector<16xi32>
    %broadcast_in_dim3A_1062 = arith.constant 0.000000e+00 : f32
    %broadcast_in_dim3A_1063 = vector.broadcast %broadcast_in_dim3A_1062 : f32 to vector<16xf32>
    %add3A_1064 = arith.constant 0 : i32
    %add3A_1065 = vector.broadcast %add3A_1064 : i32 to vector<16xi32>
    %add3A_1066 = arith.addi %mul3A_1061, %add3A_1065 : vector<16xi32>
    %gather3A_1067 = tpu.vector_load_idx %arg14[%add3A_1066] : memref<4096xf32, #tpu.memory_space<vmem>>[vector<16xi32>], vector<16xf32>,
    %add3A_1068 = arith.addf %broadcast_in_dim3A_1063, %gather3A_1067 : vector<16xf32>
    %add3A_1069 = arith.constant 1 : i32
    %add3A_1070 = vector.broadcast %add3A_1069 : i32 to vector<16xi32>
    %add3A_1071 = arith.addi %mul3A_1061, %add3A_1070 : vector<16xi32>
    %gather3A_1072 = tpu.vector_load_idx %arg14[%add3A_1071] : memref<4096xf32, #tpu.memory_space<vmem>>[vector<16xi32>], vector<16xf32>,
    %add3A_1073 = arith.addf %add3A_1068, %gather3A_1072 : vector<16xf32>
    %add3A_1074 = arith.constant 2 : i32
    %add3A_1075 = vector.broadcast %add3A_1074 : i32 to vector<16xi32>
    %add3A_1076 = arith.addi %mul3A_1061, %add3A_1075 : vector<16xi32>
    %gather3A_1077 = tpu.vector_load_idx %arg14[%add3A_1076] : memref<4096xf32, #tpu.memory_space<vmem>>[vector<16xi32>], vector<16xf32>,
    %add3A_1078 = arith.addf %add3A_1073, %gather3A_1077 : vector<16xf32>
    %add3A_1079 = arith.constant 3 : i32
    %add3A_1080 = vector.broadcast %add3A_1079 : i32 to vector<16xi32>
    %add3A_1081 = arith.addi %mul3A_1061, %add3A_1080 : vector<16xi32>
    %gather3A_1082 = tpu.vector_load_idx %arg14[%add3A_1081] : memref<4096xf32, #tpu.memory_space<vmem>>[vector<16xi32>], vector<16xf32>,
    %add3A_1083 = arith.addf %add3A_1078, %gather3A_1082 : vector<16xf32>
    %add3A_1084 = arith.constant 4 : i32
    %add3A_1085 = vector.broadcast %add3A_1084 : i32 to vector<16xi32>
    %add3A_1086 = arith.addi %mul3A_1061, %add3A_1085 : vector<16xi32>
    %gather3A_1087 = tpu.vector_load_idx %arg14[%add3A_1086] : memref<4096xf32, #tpu.memory_space<vmem>>[vector<16xi32>], vector<16xf32>,
    %add3A_1088 = arith.addf %add3A_1083, %gather3A_1087 : vector<16xf32>
    %add3A_1089 = arith.constant 5 : i32
    %add3A_1090 = vector.broadcast %add3A_1089 : i32 to vector<16xi32>
    %add3A_1091 = arith.addi %mul3A_1061, %add3A_1090 : vector<16xi32>
    %gather3A_1092 = tpu.vector_load_idx %arg14[%add3A_1091] : memref<4096xf32, #tpu.memory_space<vmem>>[vector<16xi32>], vector<16xf32>,
    %add3A_1093 = arith.addf %add3A_1088, %gather3A_1092 : vector<16xf32>
    %add3A_1094 = arith.constant 6 : i32
    %add3A_1095 = vector.broadcast %add3A_1094 : i32 to vector<16xi32>
    %add3A_1096 = arith.addi %mul3A_1061, %add3A_1095 : vector<16xi32>
    %gather3A_1097 = tpu.vector_load_idx %arg14[%add3A_1096] : memref<4096xf32, #tpu.memory_space<vmem>>[vector<16xi32>], vector<16xf32>,
    %add3A_1098 = arith.addf %add3A_1093, %gather3A_1097 : vector<16xf32>
    %add3A_1099 = arith.constant 7 : i32
    %add3A_1100 = vector.broadcast %add3A_1099 : i32 to vector<16xi32>
    %add3A_1101 = arith.addi %mul3A_1061, %add3A_1100 : vector<16xi32>
    %gather3A_1102 = tpu.vector_load_idx %arg14[%add3A_1101] : memref<4096xf32, #tpu.memory_space<vmem>>[vector<16xi32>], vector<16xf32>,
    %add3A_1103 = arith.addf %add3A_1098, %gather3A_1102 : vector<16xf32>
    %add3A_1104 = arith.constant 8 : i32
    %add3A_1105 = vector.broadcast %add3A_1104 : i32 to vector<16xi32>
    %add3A_1106 = arith.addi %mul3A_1061, %add3A_1105 : vector<16xi32>
    %gather3A_1107 = tpu.vector_load_idx %arg14[%add3A_1106] : memref<4096xf32, #tpu.memory_space<vmem>>[vector<16xi32>], vector<16xf32>,
    %add3A_1108 = arith.addf %add3A_1103, %gather3A_1107 : vector<16xf32>
    %add3A_1109 = arith.constant 9 : i32
    %add3A_1110 = vector.broadcast %add3A_1109 : i32 to vector<16xi32>
    %add3A_1111 = arith.addi %mul3A_1061, %add3A_1110 : vector<16xi32>
    %gather3A_1112 = tpu.vector_load_idx %arg14[%add3A_1111] : memref<4096xf32, #tpu.memory_space<vmem>>[vector<16xi32>], vector<16xf32>,
    %add3A_1113 = arith.addf %add3A_1108, %gather3A_1112 : vector<16xf32>
    %add3A_1114 = arith.constant 10 : i32
    %add3A_1115 = vector.broadcast %add3A_1114 : i32 to vector<16xi32>
    %add3A_1116 = arith.addi %mul3A_1061, %add3A_1115 : vector<16xi32>
    %gather3A_1117 = tpu.vector_load_idx %arg14[%add3A_1116] : memref<4096xf32, #tpu.memory_space<vmem>>[vector<16xi32>], vector<16xf32>,
    %add3A_1118 = arith.addf %add3A_1113, %gather3A_1117 : vector<16xf32>
    %add3A_1119 = arith.constant 11 : i32
    %add3A_1120 = vector.broadcast %add3A_1119 : i32 to vector<16xi32>
    %add3A_1121 = arith.addi %mul3A_1061, %add3A_1120 : vector<16xi32>
    %gather3A_1122 = tpu.vector_load_idx %arg14[%add3A_1121] : memref<4096xf32, #tpu.memory_space<vmem>>[vector<16xi32>], vector<16xf32>,
    %add3A_1123 = arith.addf %add3A_1118, %gather3A_1122 : vector<16xf32>
    %add3A_1124 = arith.constant 12 : i32
    %add3A_1125 = vector.broadcast %add3A_1124 : i32 to vector<16xi32>
    %add3A_1126 = arith.addi %mul3A_1061, %add3A_1125 : vector<16xi32>
    %gather3A_1127 = tpu.vector_load_idx %arg14[%add3A_1126] : memref<4096xf32, #tpu.memory_space<vmem>>[vector<16xi32>], vector<16xf32>,
    %add3A_1128 = arith.addf %add3A_1123, %gather3A_1127 : vector<16xf32>
    %add3A_1129 = arith.constant 13 : i32
    %add3A_1130 = vector.broadcast %add3A_1129 : i32 to vector<16xi32>
    %add3A_1131 = arith.addi %mul3A_1061, %add3A_1130 : vector<16xi32>
    %gather3A_1132 = tpu.vector_load_idx %arg14[%add3A_1131] : memref<4096xf32, #tpu.memory_space<vmem>>[vector<16xi32>], vector<16xf32>,
    %add3A_1133 = arith.addf %add3A_1128, %gather3A_1132 : vector<16xf32>
    %add3A_1134 = arith.constant 14 : i32
    %add3A_1135 = vector.broadcast %add3A_1134 : i32 to vector<16xi32>
    %add3A_1136 = arith.addi %mul3A_1061, %add3A_1135 : vector<16xi32>
    %gather3A_1137 = tpu.vector_load_idx %arg14[%add3A_1136] : memref<4096xf32, #tpu.memory_space<vmem>>[vector<16xi32>], vector<16xf32>,
    %add3A_1138 = arith.addf %add3A_1133, %gather3A_1137 : vector<16xf32>
    %add3A_1139 = arith.constant 15 : i32
    %add3A_1140 = vector.broadcast %add3A_1139 : i32 to vector<16xi32>
    %add3A_1141 = arith.addi %mul3A_1061, %add3A_1140 : vector<16xi32>
    %gather3A_1142 = tpu.vector_load_idx %arg14[%add3A_1141] : memref<4096xf32, #tpu.memory_space<vmem>>[vector<16xi32>], vector<16xf32>,
    %add3A_1143 = arith.addf %add3A_1138, %gather3A_1142 : vector<16xf32>
    %gather3A_1144 = tpu.vector_load_idx %arg15[%mul3A_1061] : memref<4096xf32, #tpu.memory_space<vmem>>[vector<16xi32>], vector<16xf32>,
    %bitcast3A_1145 = vector.bitcast %add3A_1143 : vector<16xf32> to vector<16xi32>
    %convert_element_type3A_1146 = arith.sitofp %bitcast3A_1145 : vector<16xi32> to vector<16xf32>
    %mul3A_1147 = arith.constant 8.26295832E-8 : f32
    %mul3A_1148 = vector.broadcast %mul3A_1147 : f32 to vector<16xf32>
    %mul3A_1149 = arith.mulf %convert_element_type3A_1146, %mul3A_1148 : vector<16xf32>
    %sub3A_1150 = arith.constant 87.9899673 : f32
    %sub3A_1151 = vector.broadcast %sub3A_1150 : f32 to vector<16xf32>
    %sub3A_1152 = arith.subf %mul3A_1149, %sub3A_1151 : vector<16xf32>
    %sub3A_1153 = arith.constant 1.000000e+00 : f32
    %sub3A_1154 = vector.broadcast %sub3A_1153 : f32 to vector<16xf32>
    %sub3A_1155 = arith.subf %sub3A_1152, %sub3A_1154 : vector<16xf32>
    %neg3A_1156 = arith.constant 0.000000e+00 : f32
    %neg3A_1157 = vector.broadcast %neg3A_1156 : f32 to vector<16xf32>
    %neg3A_1158 = arith.subf %neg3A_1157, %sub3A_1152 : vector<16xf32>
    %exp3A_1159 = math.exp %neg3A_1158 : vector<16xf32>
    %mul3A_1160 = arith.mulf %add3A_1143, %exp3A_1159 : vector<16xf32>
    %add3A_1161 = arith.addf %sub3A_1155, %mul3A_1160 : vector<16xf32>
    %sub3A_1162 = arith.constant 1.000000e+00 : f32
    %sub3A_1163 = vector.broadcast %sub3A_1162 : f32 to vector<16xf32>
    %sub3A_1164 = arith.subf %add3A_1161, %sub3A_1163 : vector<16xf32>
    %neg3A_1165 = arith.constant 0.000000e+00 : f32
    %neg3A_1166 = vector.broadcast %neg3A_1165 : f32 to vector<16xf32>
    %neg3A_1167 = arith.subf %neg3A_1166, %add3A_1161 : vector<16xf32>
    %exp3A_1168 = math.exp %neg3A_1167 : vector<16xf32>
    %mul3A_1169 = arith.mulf %add3A_1143, %exp3A_1168 : vector<16xf32>
    %add3A_1170 = arith.addf %sub3A_1164, %mul3A_1169 : vector<16xf32>
    %sub3A_1171 = arith.constant 1.000000e+00 : f32
    %sub3A_1172 = vector.broadcast %sub3A_1171 : f32 to vector<16xf32>
    %sub3A_1173 = arith.subf %add3A_1170, %sub3A_1172 : vector<16xf32>
    %neg3A_1174 = arith.constant 0.000000e+00 : f32
    %neg3A_1175 = vector.broadcast %neg3A_1174 : f32 to vector<16xf32>
    %neg3A_1176 = arith.subf %neg3A_1175, %add3A_1170 : vector<16xf32>
    %exp3A_1177 = math.exp %neg3A_1176 : vector<16xf32>
    %mul3A_1178 = arith.mulf %add3A_1143, %exp3A_1177 : vector<16xf32>
    %add3A_1179 = arith.addf %sub3A_1173, %mul3A_1178 : vector<16xf32>
    %sub3A_1180 = arith.subf %add3A_1179, %gather3A_1144 : vector<16xf32>
    %add3A_1181 = arith.addf %add3A_1055, %sub3A_1180 : vector<16xf32>
    %add3A_1182 = arith.constant 144 : i32
    %add3A_1183 = vector.broadcast %add3A_1182 : i32 to vector<16xi32>
    %add3A_1184 = arith.addi %add3A_1183, %iota3A : vector<16xi32>
    %mul3A_1185 = arith.constant 16 : i32
    %mul3A_1186 = vector.broadcast %mul3A_1185 : i32 to vector<16xi32>
    %mul3A_1187 = arith.muli %add3A_1184, %mul3A_1186 : vector<16xi32>
    %broadcast_in_dim3A_1188 = arith.constant 0.000000e+00 : f32
    %broadcast_in_dim3A_1189 = vector.broadcast %broadcast_in_dim3A_1188 : f32 to vector<16xf32>
    %add3A_1190 = arith.constant 0 : i32
    %add3A_1191 = vector.broadcast %add3A_1190 : i32 to vector<16xi32>
    %add3A_1192 = arith.addi %mul3A_1187, %add3A_1191 : vector<16xi32>
    %gather3A_1193 = tpu.vector_load_idx %arg14[%add3A_1192] : memref<4096xf32, #tpu.memory_space<vmem>>[vector<16xi32>], vector<16xf32>,
    %add3A_1194 = arith.addf %broadcast_in_dim3A_1189, %gather3A_1193 : vector<16xf32>
    %add3A_1195 = arith.constant 1 : i32
    %add3A_1196 = vector.broadcast %add3A_1195 : i32 to vector<16xi32>
    %add3A_1197 = arith.addi %mul3A_1187, %add3A_1196 : vector<16xi32>
    %gather3A_1198 = tpu.vector_load_idx %arg14[%add3A_1197] : memref<4096xf32, #tpu.memory_space<vmem>>[vector<16xi32>], vector<16xf32>,
    %add3A_1199 = arith.addf %add3A_1194, %gather3A_1198 : vector<16xf32>
    %add3A_1200 = arith.constant 2 : i32
    %add3A_1201 = vector.broadcast %add3A_1200 : i32 to vector<16xi32>
    %add3A_1202 = arith.addi %mul3A_1187, %add3A_1201 : vector<16xi32>
    %gather3A_1203 = tpu.vector_load_idx %arg14[%add3A_1202] : memref<4096xf32, #tpu.memory_space<vmem>>[vector<16xi32>], vector<16xf32>,
    %add3A_1204 = arith.addf %add3A_1199, %gather3A_1203 : vector<16xf32>
    %add3A_1205 = arith.constant 3 : i32
    %add3A_1206 = vector.broadcast %add3A_1205 : i32 to vector<16xi32>
    %add3A_1207 = arith.addi %mul3A_1187, %add3A_1206 : vector<16xi32>
    %gather3A_1208 = tpu.vector_load_idx %arg14[%add3A_1207] : memref<4096xf32, #tpu.memory_space<vmem>>[vector<16xi32>], vector<16xf32>,
    %add3A_1209 = arith.addf %add3A_1204, %gather3A_1208 : vector<16xf32>
    %add3A_1210 = arith.constant 4 : i32
    %add3A_1211 = vector.broadcast %add3A_1210 : i32 to vector<16xi32>
    %add3A_1212 = arith.addi %mul3A_1187, %add3A_1211 : vector<16xi32>
    %gather3A_1213 = tpu.vector_load_idx %arg14[%add3A_1212] : memref<4096xf32, #tpu.memory_space<vmem>>[vector<16xi32>], vector<16xf32>,
    %add3A_1214 = arith.addf %add3A_1209, %gather3A_1213 : vector<16xf32>
    %add3A_1215 = arith.constant 5 : i32
    %add3A_1216 = vector.broadcast %add3A_1215 : i32 to vector<16xi32>
    %add3A_1217 = arith.addi %mul3A_1187, %add3A_1216 : vector<16xi32>
    %gather3A_1218 = tpu.vector_load_idx %arg14[%add3A_1217] : memref<4096xf32, #tpu.memory_space<vmem>>[vector<16xi32>], vector<16xf32>,
    %add3A_1219 = arith.addf %add3A_1214, %gather3A_1218 : vector<16xf32>
    %add3A_1220 = arith.constant 6 : i32
    %add3A_1221 = vector.broadcast %add3A_1220 : i32 to vector<16xi32>
    %add3A_1222 = arith.addi %mul3A_1187, %add3A_1221 : vector<16xi32>
    %gather3A_1223 = tpu.vector_load_idx %arg14[%add3A_1222] : memref<4096xf32, #tpu.memory_space<vmem>>[vector<16xi32>], vector<16xf32>,
    %add3A_1224 = arith.addf %add3A_1219, %gather3A_1223 : vector<16xf32>
    %add3A_1225 = arith.constant 7 : i32
    %add3A_1226 = vector.broadcast %add3A_1225 : i32 to vector<16xi32>
    %add3A_1227 = arith.addi %mul3A_1187, %add3A_1226 : vector<16xi32>
    %gather3A_1228 = tpu.vector_load_idx %arg14[%add3A_1227] : memref<4096xf32, #tpu.memory_space<vmem>>[vector<16xi32>], vector<16xf32>,
    %add3A_1229 = arith.addf %add3A_1224, %gather3A_1228 : vector<16xf32>
    %add3A_1230 = arith.constant 8 : i32
    %add3A_1231 = vector.broadcast %add3A_1230 : i32 to vector<16xi32>
    %add3A_1232 = arith.addi %mul3A_1187, %add3A_1231 : vector<16xi32>
    %gather3A_1233 = tpu.vector_load_idx %arg14[%add3A_1232] : memref<4096xf32, #tpu.memory_space<vmem>>[vector<16xi32>], vector<16xf32>,
    %add3A_1234 = arith.addf %add3A_1229, %gather3A_1233 : vector<16xf32>
    %add3A_1235 = arith.constant 9 : i32
    %add3A_1236 = vector.broadcast %add3A_1235 : i32 to vector<16xi32>
    %add3A_1237 = arith.addi %mul3A_1187, %add3A_1236 : vector<16xi32>
    %gather3A_1238 = tpu.vector_load_idx %arg14[%add3A_1237] : memref<4096xf32, #tpu.memory_space<vmem>>[vector<16xi32>], vector<16xf32>,
    %add3A_1239 = arith.addf %add3A_1234, %gather3A_1238 : vector<16xf32>
    %add3A_1240 = arith.constant 10 : i32
    %add3A_1241 = vector.broadcast %add3A_1240 : i32 to vector<16xi32>
    %add3A_1242 = arith.addi %mul3A_1187, %add3A_1241 : vector<16xi32>
    %gather3A_1243 = tpu.vector_load_idx %arg14[%add3A_1242] : memref<4096xf32, #tpu.memory_space<vmem>>[vector<16xi32>], vector<16xf32>,
    %add3A_1244 = arith.addf %add3A_1239, %gather3A_1243 : vector<16xf32>
    %add3A_1245 = arith.constant 11 : i32
    %add3A_1246 = vector.broadcast %add3A_1245 : i32 to vector<16xi32>
    %add3A_1247 = arith.addi %mul3A_1187, %add3A_1246 : vector<16xi32>
    %gather3A_1248 = tpu.vector_load_idx %arg14[%add3A_1247] : memref<4096xf32, #tpu.memory_space<vmem>>[vector<16xi32>], vector<16xf32>,
    %add3A_1249 = arith.addf %add3A_1244, %gather3A_1248 : vector<16xf32>
    %add3A_1250 = arith.constant 12 : i32
    %add3A_1251 = vector.broadcast %add3A_1250 : i32 to vector<16xi32>
    %add3A_1252 = arith.addi %mul3A_1187, %add3A_1251 : vector<16xi32>
    %gather3A_1253 = tpu.vector_load_idx %arg14[%add3A_1252] : memref<4096xf32, #tpu.memory_space<vmem>>[vector<16xi32>], vector<16xf32>,
    %add3A_1254 = arith.addf %add3A_1249, %gather3A_1253 : vector<16xf32>
    %add3A_1255 = arith.constant 13 : i32
    %add3A_1256 = vector.broadcast %add3A_1255 : i32 to vector<16xi32>
    %add3A_1257 = arith.addi %mul3A_1187, %add3A_1256 : vector<16xi32>
    %gather3A_1258 = tpu.vector_load_idx %arg14[%add3A_1257] : memref<4096xf32, #tpu.memory_space<vmem>>[vector<16xi32>], vector<16xf32>,
    %add3A_1259 = arith.addf %add3A_1254, %gather3A_1258 : vector<16xf32>
    %add3A_1260 = arith.constant 14 : i32
    %add3A_1261 = vector.broadcast %add3A_1260 : i32 to vector<16xi32>
    %add3A_1262 = arith.addi %mul3A_1187, %add3A_1261 : vector<16xi32>
    %gather3A_1263 = tpu.vector_load_idx %arg14[%add3A_1262] : memref<4096xf32, #tpu.memory_space<vmem>>[vector<16xi32>], vector<16xf32>,
    %add3A_1264 = arith.addf %add3A_1259, %gather3A_1263 : vector<16xf32>
    %add3A_1265 = arith.constant 15 : i32
    %add3A_1266 = vector.broadcast %add3A_1265 : i32 to vector<16xi32>
    %add3A_1267 = arith.addi %mul3A_1187, %add3A_1266 : vector<16xi32>
    %gather3A_1268 = tpu.vector_load_idx %arg14[%add3A_1267] : memref<4096xf32, #tpu.memory_space<vmem>>[vector<16xi32>], vector<16xf32>,
    %add3A_1269 = arith.addf %add3A_1264, %gather3A_1268 : vector<16xf32>
    %gather3A_1270 = tpu.vector_load_idx %arg15[%mul3A_1187] : memref<4096xf32, #tpu.memory_space<vmem>>[vector<16xi32>], vector<16xf32>,
    %bitcast3A_1271 = vector.bitcast %add3A_1269 : vector<16xf32> to vector<16xi32>
    %convert_element_type3A_1272 = arith.sitofp %bitcast3A_1271 : vector<16xi32> to vector<16xf32>
    %mul3A_1273 = arith.constant 8.26295832E-8 : f32
    %mul3A_1274 = vector.broadcast %mul3A_1273 : f32 to vector<16xf32>
    %mul3A_1275 = arith.mulf %convert_element_type3A_1272, %mul3A_1274 : vector<16xf32>
    %sub3A_1276 = arith.constant 87.9899673 : f32
    %sub3A_1277 = vector.broadcast %sub3A_1276 : f32 to vector<16xf32>
    %sub3A_1278 = arith.subf %mul3A_1275, %sub3A_1277 : vector<16xf32>
    %sub3A_1279 = arith.constant 1.000000e+00 : f32
    %sub3A_1280 = vector.broadcast %sub3A_1279 : f32 to vector<16xf32>
    %sub3A_1281 = arith.subf %sub3A_1278, %sub3A_1280 : vector<16xf32>
    %neg3A_1282 = arith.constant 0.000000e+00 : f32
    %neg3A_1283 = vector.broadcast %neg3A_1282 : f32 to vector<16xf32>
    %neg3A_1284 = arith.subf %neg3A_1283, %sub3A_1278 : vector<16xf32>
    %exp3A_1285 = math.exp %neg3A_1284 : vector<16xf32>
    %mul3A_1286 = arith.mulf %add3A_1269, %exp3A_1285 : vector<16xf32>
    %add3A_1287 = arith.addf %sub3A_1281, %mul3A_1286 : vector<16xf32>
    %sub3A_1288 = arith.constant 1.000000e+00 : f32
    %sub3A_1289 = vector.broadcast %sub3A_1288 : f32 to vector<16xf32>
    %sub3A_1290 = arith.subf %add3A_1287, %sub3A_1289 : vector<16xf32>
    %neg3A_1291 = arith.constant 0.000000e+00 : f32
    %neg3A_1292 = vector.broadcast %neg3A_1291 : f32 to vector<16xf32>
    %neg3A_1293 = arith.subf %neg3A_1292, %add3A_1287 : vector<16xf32>
    %exp3A_1294 = math.exp %neg3A_1293 : vector<16xf32>
    %mul3A_1295 = arith.mulf %add3A_1269, %exp3A_1294 : vector<16xf32>
    %add3A_1296 = arith.addf %sub3A_1290, %mul3A_1295 : vector<16xf32>
    %sub3A_1297 = arith.constant 1.000000e+00 : f32
    %sub3A_1298 = vector.broadcast %sub3A_1297 : f32 to vector<16xf32>
    %sub3A_1299 = arith.subf %add3A_1296, %sub3A_1298 : vector<16xf32>
    %neg3A_1300 = arith.constant 0.000000e+00 : f32
    %neg3A_1301 = vector.broadcast %neg3A_1300 : f32 to vector<16xf32>
    %neg3A_1302 = arith.subf %neg3A_1301, %add3A_1296 : vector<16xf32>
    %exp3A_1303 = math.exp %neg3A_1302 : vector<16xf32>
    %mul3A_1304 = arith.mulf %add3A_1269, %exp3A_1303 : vector<16xf32>
    %add3A_1305 = arith.addf %sub3A_1299, %mul3A_1304 : vector<16xf32>
    %sub3A_1306 = arith.subf %add3A_1305, %gather3A_1270 : vector<16xf32>
    %add3A_1307 = arith.addf %add3A_1181, %sub3A_1306 : vector<16xf32>
    %add3A_1308 = arith.constant 160 : i32
    %add3A_1309 = vector.broadcast %add3A_1308 : i32 to vector<16xi32>
    %add3A_1310 = arith.addi %add3A_1309, %iota3A : vector<16xi32>
    %mul3A_1311 = arith.constant 16 : i32
    %mul3A_1312 = vector.broadcast %mul3A_1311 : i32 to vector<16xi32>
    %mul3A_1313 = arith.muli %add3A_1310, %mul3A_1312 : vector<16xi32>
    %broadcast_in_dim3A_1314 = arith.constant 0.000000e+00 : f32
    %broadcast_in_dim3A_1315 = vector.broadcast %broadcast_in_dim3A_1314 : f32 to vector<16xf32>
    %add3A_1316 = arith.constant 0 : i32
    %add3A_1317 = vector.broadcast %add3A_1316 : i32 to vector<16xi32>
    %add3A_1318 = arith.addi %mul3A_1313, %add3A_1317 : vector<16xi32>
    %gather3A_1319 = tpu.vector_load_idx %arg14[%add3A_1318] : memref<4096xf32, #tpu.memory_space<vmem>>[vector<16xi32>], vector<16xf32>,
    %add3A_1320 = arith.addf %broadcast_in_dim3A_1315, %gather3A_1319 : vector<16xf32>
    %add3A_1321 = arith.constant 1 : i32
    %add3A_1322 = vector.broadcast %add3A_1321 : i32 to vector<16xi32>
    %add3A_1323 = arith.addi %mul3A_1313, %add3A_1322 : vector<16xi32>
    %gather3A_1324 = tpu.vector_load_idx %arg14[%add3A_1323] : memref<4096xf32, #tpu.memory_space<vmem>>[vector<16xi32>], vector<16xf32>,
    %add3A_1325 = arith.addf %add3A_1320, %gather3A_1324 : vector<16xf32>
    %add3A_1326 = arith.constant 2 : i32
    %add3A_1327 = vector.broadcast %add3A_1326 : i32 to vector<16xi32>
    %add3A_1328 = arith.addi %mul3A_1313, %add3A_1327 : vector<16xi32>
    %gather3A_1329 = tpu.vector_load_idx %arg14[%add3A_1328] : memref<4096xf32, #tpu.memory_space<vmem>>[vector<16xi32>], vector<16xf32>,
    %add3A_1330 = arith.addf %add3A_1325, %gather3A_1329 : vector<16xf32>
    %add3A_1331 = arith.constant 3 : i32
    %add3A_1332 = vector.broadcast %add3A_1331 : i32 to vector<16xi32>
    %add3A_1333 = arith.addi %mul3A_1313, %add3A_1332 : vector<16xi32>
    %gather3A_1334 = tpu.vector_load_idx %arg14[%add3A_1333] : memref<4096xf32, #tpu.memory_space<vmem>>[vector<16xi32>], vector<16xf32>,
    %add3A_1335 = arith.addf %add3A_1330, %gather3A_1334 : vector<16xf32>
    %add3A_1336 = arith.constant 4 : i32
    %add3A_1337 = vector.broadcast %add3A_1336 : i32 to vector<16xi32>
    %add3A_1338 = arith.addi %mul3A_1313, %add3A_1337 : vector<16xi32>
    %gather3A_1339 = tpu.vector_load_idx %arg14[%add3A_1338] : memref<4096xf32, #tpu.memory_space<vmem>>[vector<16xi32>], vector<16xf32>,
    %add3A_1340 = arith.addf %add3A_1335, %gather3A_1339 : vector<16xf32>
    %add3A_1341 = arith.constant 5 : i32
    %add3A_1342 = vector.broadcast %add3A_1341 : i32 to vector<16xi32>
    %add3A_1343 = arith.addi %mul3A_1313, %add3A_1342 : vector<16xi32>
    %gather3A_1344 = tpu.vector_load_idx %arg14[%add3A_1343] : memref<4096xf32, #tpu.memory_space<vmem>>[vector<16xi32>], vector<16xf32>,
    %add3A_1345 = arith.addf %add3A_1340, %gather3A_1344 : vector<16xf32>
    %add3A_1346 = arith.constant 6 : i32
    %add3A_1347 = vector.broadcast %add3A_1346 : i32 to vector<16xi32>
    %add3A_1348 = arith.addi %mul3A_1313, %add3A_1347 : vector<16xi32>
    %gather3A_1349 = tpu.vector_load_idx %arg14[%add3A_1348] : memref<4096xf32, #tpu.memory_space<vmem>>[vector<16xi32>], vector<16xf32>,
    %add3A_1350 = arith.addf %add3A_1345, %gather3A_1349 : vector<16xf32>
    %add3A_1351 = arith.constant 7 : i32
    %add3A_1352 = vector.broadcast %add3A_1351 : i32 to vector<16xi32>
    %add3A_1353 = arith.addi %mul3A_1313, %add3A_1352 : vector<16xi32>
    %gather3A_1354 = tpu.vector_load_idx %arg14[%add3A_1353] : memref<4096xf32, #tpu.memory_space<vmem>>[vector<16xi32>], vector<16xf32>,
    %add3A_1355 = arith.addf %add3A_1350, %gather3A_1354 : vector<16xf32>
    %add3A_1356 = arith.constant 8 : i32
    %add3A_1357 = vector.broadcast %add3A_1356 : i32 to vector<16xi32>
    %add3A_1358 = arith.addi %mul3A_1313, %add3A_1357 : vector<16xi32>
    %gather3A_1359 = tpu.vector_load_idx %arg14[%add3A_1358] : memref<4096xf32, #tpu.memory_space<vmem>>[vector<16xi32>], vector<16xf32>,
    %add3A_1360 = arith.addf %add3A_1355, %gather3A_1359 : vector<16xf32>
    %add3A_1361 = arith.constant 9 : i32
    %add3A_1362 = vector.broadcast %add3A_1361 : i32 to vector<16xi32>
    %add3A_1363 = arith.addi %mul3A_1313, %add3A_1362 : vector<16xi32>
    %gather3A_1364 = tpu.vector_load_idx %arg14[%add3A_1363] : memref<4096xf32, #tpu.memory_space<vmem>>[vector<16xi32>], vector<16xf32>,
    %add3A_1365 = arith.addf %add3A_1360, %gather3A_1364 : vector<16xf32>
    %add3A_1366 = arith.constant 10 : i32
    %add3A_1367 = vector.broadcast %add3A_1366 : i32 to vector<16xi32>
    %add3A_1368 = arith.addi %mul3A_1313, %add3A_1367 : vector<16xi32>
    %gather3A_1369 = tpu.vector_load_idx %arg14[%add3A_1368] : memref<4096xf32, #tpu.memory_space<vmem>>[vector<16xi32>], vector<16xf32>,
    %add3A_1370 = arith.addf %add3A_1365, %gather3A_1369 : vector<16xf32>
    %add3A_1371 = arith.constant 11 : i32
    %add3A_1372 = vector.broadcast %add3A_1371 : i32 to vector<16xi32>
    %add3A_1373 = arith.addi %mul3A_1313, %add3A_1372 : vector<16xi32>
    %gather3A_1374 = tpu.vector_load_idx %arg14[%add3A_1373] : memref<4096xf32, #tpu.memory_space<vmem>>[vector<16xi32>], vector<16xf32>,
    %add3A_1375 = arith.addf %add3A_1370, %gather3A_1374 : vector<16xf32>
    %add3A_1376 = arith.constant 12 : i32
    %add3A_1377 = vector.broadcast %add3A_1376 : i32 to vector<16xi32>
    %add3A_1378 = arith.addi %mul3A_1313, %add3A_1377 : vector<16xi32>
    %gather3A_1379 = tpu.vector_load_idx %arg14[%add3A_1378] : memref<4096xf32, #tpu.memory_space<vmem>>[vector<16xi32>], vector<16xf32>,
    %add3A_1380 = arith.addf %add3A_1375, %gather3A_1379 : vector<16xf32>
    %add3A_1381 = arith.constant 13 : i32
    %add3A_1382 = vector.broadcast %add3A_1381 : i32 to vector<16xi32>
    %add3A_1383 = arith.addi %mul3A_1313, %add3A_1382 : vector<16xi32>
    %gather3A_1384 = tpu.vector_load_idx %arg14[%add3A_1383] : memref<4096xf32, #tpu.memory_space<vmem>>[vector<16xi32>], vector<16xf32>,
    %add3A_1385 = arith.addf %add3A_1380, %gather3A_1384 : vector<16xf32>
    %add3A_1386 = arith.constant 14 : i32
    %add3A_1387 = vector.broadcast %add3A_1386 : i32 to vector<16xi32>
    %add3A_1388 = arith.addi %mul3A_1313, %add3A_1387 : vector<16xi32>
    %gather3A_1389 = tpu.vector_load_idx %arg14[%add3A_1388] : memref<4096xf32, #tpu.memory_space<vmem>>[vector<16xi32>], vector<16xf32>,
    %add3A_1390 = arith.addf %add3A_1385, %gather3A_1389 : vector<16xf32>
    %add3A_1391 = arith.constant 15 : i32
    %add3A_1392 = vector.broadcast %add3A_1391 : i32 to vector<16xi32>
    %add3A_1393 = arith.addi %mul3A_1313, %add3A_1392 : vector<16xi32>
    %gather3A_1394 = tpu.vector_load_idx %arg14[%add3A_1393] : memref<4096xf32, #tpu.memory_space<vmem>>[vector<16xi32>], vector<16xf32>,
    %add3A_1395 = arith.addf %add3A_1390, %gather3A_1394 : vector<16xf32>
    %gather3A_1396 = tpu.vector_load_idx %arg15[%mul3A_1313] : memref<4096xf32, #tpu.memory_space<vmem>>[vector<16xi32>], vector<16xf32>,
    %bitcast3A_1397 = vector.bitcast %add3A_1395 : vector<16xf32> to vector<16xi32>
    %convert_element_type3A_1398 = arith.sitofp %bitcast3A_1397 : vector<16xi32> to vector<16xf32>
    %mul3A_1399 = arith.constant 8.26295832E-8 : f32
    %mul3A_1400 = vector.broadcast %mul3A_1399 : f32 to vector<16xf32>
    %mul3A_1401 = arith.mulf %convert_element_type3A_1398, %mul3A_1400 : vector<16xf32>
    %sub3A_1402 = arith.constant 87.9899673 : f32
    %sub3A_1403 = vector.broadcast %sub3A_1402 : f32 to vector<16xf32>
    %sub3A_1404 = arith.subf %mul3A_1401, %sub3A_1403 : vector<16xf32>
    %sub3A_1405 = arith.constant 1.000000e+00 : f32
    %sub3A_1406 = vector.broadcast %sub3A_1405 : f32 to vector<16xf32>
    %sub3A_1407 = arith.subf %sub3A_1404, %sub3A_1406 : vector<16xf32>
    %neg3A_1408 = arith.constant 0.000000e+00 : f32
    %neg3A_1409 = vector.broadcast %neg3A_1408 : f32 to vector<16xf32>
    %neg3A_1410 = arith.subf %neg3A_1409, %sub3A_1404 : vector<16xf32>
    %exp3A_1411 = math.exp %neg3A_1410 : vector<16xf32>
    %mul3A_1412 = arith.mulf %add3A_1395, %exp3A_1411 : vector<16xf32>
    %add3A_1413 = arith.addf %sub3A_1407, %mul3A_1412 : vector<16xf32>
    %sub3A_1414 = arith.constant 1.000000e+00 : f32
    %sub3A_1415 = vector.broadcast %sub3A_1414 : f32 to vector<16xf32>
    %sub3A_1416 = arith.subf %add3A_1413, %sub3A_1415 : vector<16xf32>
    %neg3A_1417 = arith.constant 0.000000e+00 : f32
    %neg3A_1418 = vector.broadcast %neg3A_1417 : f32 to vector<16xf32>
    %neg3A_1419 = arith.subf %neg3A_1418, %add3A_1413 : vector<16xf32>
    %exp3A_1420 = math.exp %neg3A_1419 : vector<16xf32>
    %mul3A_1421 = arith.mulf %add3A_1395, %exp3A_1420 : vector<16xf32>
    %add3A_1422 = arith.addf %sub3A_1416, %mul3A_1421 : vector<16xf32>
    %sub3A_1423 = arith.constant 1.000000e+00 : f32
    %sub3A_1424 = vector.broadcast %sub3A_1423 : f32 to vector<16xf32>
    %sub3A_1425 = arith.subf %add3A_1422, %sub3A_1424 : vector<16xf32>
    %neg3A_1426 = arith.constant 0.000000e+00 : f32
    %neg3A_1427 = vector.broadcast %neg3A_1426 : f32 to vector<16xf32>
    %neg3A_1428 = arith.subf %neg3A_1427, %add3A_1422 : vector<16xf32>
    %exp3A_1429 = math.exp %neg3A_1428 : vector<16xf32>
    %mul3A_1430 = arith.mulf %add3A_1395, %exp3A_1429 : vector<16xf32>
    %add3A_1431 = arith.addf %sub3A_1425, %mul3A_1430 : vector<16xf32>
    %sub3A_1432 = arith.subf %add3A_1431, %gather3A_1396 : vector<16xf32>
    %add3A_1433 = arith.addf %add3A_1307, %sub3A_1432 : vector<16xf32>
    %add3A_1434 = arith.constant 176 : i32
    %add3A_1435 = vector.broadcast %add3A_1434 : i32 to vector<16xi32>
    %add3A_1436 = arith.addi %add3A_1435, %iota3A : vector<16xi32>
    %mul3A_1437 = arith.constant 16 : i32
    %mul3A_1438 = vector.broadcast %mul3A_1437 : i32 to vector<16xi32>
    %mul3A_1439 = arith.muli %add3A_1436, %mul3A_1438 : vector<16xi32>
    %broadcast_in_dim3A_1440 = arith.constant 0.000000e+00 : f32
    %broadcast_in_dim3A_1441 = vector.broadcast %broadcast_in_dim3A_1440 : f32 to vector<16xf32>
    %add3A_1442 = arith.constant 0 : i32
    %add3A_1443 = vector.broadcast %add3A_1442 : i32 to vector<16xi32>
    %add3A_1444 = arith.addi %mul3A_1439, %add3A_1443 : vector<16xi32>
    %gather3A_1445 = tpu.vector_load_idx %arg14[%add3A_1444] : memref<4096xf32, #tpu.memory_space<vmem>>[vector<16xi32>], vector<16xf32>,
    %add3A_1446 = arith.addf %broadcast_in_dim3A_1441, %gather3A_1445 : vector<16xf32>
    %add3A_1447 = arith.constant 1 : i32
    %add3A_1448 = vector.broadcast %add3A_1447 : i32 to vector<16xi32>
    %add3A_1449 = arith.addi %mul3A_1439, %add3A_1448 : vector<16xi32>
    %gather3A_1450 = tpu.vector_load_idx %arg14[%add3A_1449] : memref<4096xf32, #tpu.memory_space<vmem>>[vector<16xi32>], vector<16xf32>,
    %add3A_1451 = arith.addf %add3A_1446, %gather3A_1450 : vector<16xf32>
    %add3A_1452 = arith.constant 2 : i32
    %add3A_1453 = vector.broadcast %add3A_1452 : i32 to vector<16xi32>
    %add3A_1454 = arith.addi %mul3A_1439, %add3A_1453 : vector<16xi32>
    %gather3A_1455 = tpu.vector_load_idx %arg14[%add3A_1454] : memref<4096xf32, #tpu.memory_space<vmem>>[vector<16xi32>], vector<16xf32>,
    %add3A_1456 = arith.addf %add3A_1451, %gather3A_1455 : vector<16xf32>
    %add3A_1457 = arith.constant 3 : i32
    %add3A_1458 = vector.broadcast %add3A_1457 : i32 to vector<16xi32>
    %add3A_1459 = arith.addi %mul3A_1439, %add3A_1458 : vector<16xi32>
    %gather3A_1460 = tpu.vector_load_idx %arg14[%add3A_1459] : memref<4096xf32, #tpu.memory_space<vmem>>[vector<16xi32>], vector<16xf32>,
    %add3A_1461 = arith.addf %add3A_1456, %gather3A_1460 : vector<16xf32>
    %add3A_1462 = arith.constant 4 : i32
    %add3A_1463 = vector.broadcast %add3A_1462 : i32 to vector<16xi32>
    %add3A_1464 = arith.addi %mul3A_1439, %add3A_1463 : vector<16xi32>
    %gather3A_1465 = tpu.vector_load_idx %arg14[%add3A_1464] : memref<4096xf32, #tpu.memory_space<vmem>>[vector<16xi32>], vector<16xf32>,
    %add3A_1466 = arith.addf %add3A_1461, %gather3A_1465 : vector<16xf32>
    %add3A_1467 = arith.constant 5 : i32
    %add3A_1468 = vector.broadcast %add3A_1467 : i32 to vector<16xi32>
    %add3A_1469 = arith.addi %mul3A_1439, %add3A_1468 : vector<16xi32>
    %gather3A_1470 = tpu.vector_load_idx %arg14[%add3A_1469] : memref<4096xf32, #tpu.memory_space<vmem>>[vector<16xi32>], vector<16xf32>,
    %add3A_1471 = arith.addf %add3A_1466, %gather3A_1470 : vector<16xf32>
    %add3A_1472 = arith.constant 6 : i32
    %add3A_1473 = vector.broadcast %add3A_1472 : i32 to vector<16xi32>
    %add3A_1474 = arith.addi %mul3A_1439, %add3A_1473 : vector<16xi32>
    %gather3A_1475 = tpu.vector_load_idx %arg14[%add3A_1474] : memref<4096xf32, #tpu.memory_space<vmem>>[vector<16xi32>], vector<16xf32>,
    %add3A_1476 = arith.addf %add3A_1471, %gather3A_1475 : vector<16xf32>
    %add3A_1477 = arith.constant 7 : i32
    %add3A_1478 = vector.broadcast %add3A_1477 : i32 to vector<16xi32>
    %add3A_1479 = arith.addi %mul3A_1439, %add3A_1478 : vector<16xi32>
    %gather3A_1480 = tpu.vector_load_idx %arg14[%add3A_1479] : memref<4096xf32, #tpu.memory_space<vmem>>[vector<16xi32>], vector<16xf32>,
    %add3A_1481 = arith.addf %add3A_1476, %gather3A_1480 : vector<16xf32>
    %add3A_1482 = arith.constant 8 : i32
    %add3A_1483 = vector.broadcast %add3A_1482 : i32 to vector<16xi32>
    %add3A_1484 = arith.addi %mul3A_1439, %add3A_1483 : vector<16xi32>
    %gather3A_1485 = tpu.vector_load_idx %arg14[%add3A_1484] : memref<4096xf32, #tpu.memory_space<vmem>>[vector<16xi32>], vector<16xf32>,
    %add3A_1486 = arith.addf %add3A_1481, %gather3A_1485 : vector<16xf32>
    %add3A_1487 = arith.constant 9 : i32
    %add3A_1488 = vector.broadcast %add3A_1487 : i32 to vector<16xi32>
    %add3A_1489 = arith.addi %mul3A_1439, %add3A_1488 : vector<16xi32>
    %gather3A_1490 = tpu.vector_load_idx %arg14[%add3A_1489] : memref<4096xf32, #tpu.memory_space<vmem>>[vector<16xi32>], vector<16xf32>,
    %add3A_1491 = arith.addf %add3A_1486, %gather3A_1490 : vector<16xf32>
    %add3A_1492 = arith.constant 10 : i32
    %add3A_1493 = vector.broadcast %add3A_1492 : i32 to vector<16xi32>
    %add3A_1494 = arith.addi %mul3A_1439, %add3A_1493 : vector<16xi32>
    %gather3A_1495 = tpu.vector_load_idx %arg14[%add3A_1494] : memref<4096xf32, #tpu.memory_space<vmem>>[vector<16xi32>], vector<16xf32>,
    %add3A_1496 = arith.addf %add3A_1491, %gather3A_1495 : vector<16xf32>
    %add3A_1497 = arith.constant 11 : i32
    %add3A_1498 = vector.broadcast %add3A_1497 : i32 to vector<16xi32>
    %add3A_1499 = arith.addi %mul3A_1439, %add3A_1498 : vector<16xi32>
    %gather3A_1500 = tpu.vector_load_idx %arg14[%add3A_1499] : memref<4096xf32, #tpu.memory_space<vmem>>[vector<16xi32>], vector<16xf32>,
    %add3A_1501 = arith.addf %add3A_1496, %gather3A_1500 : vector<16xf32>
    %add3A_1502 = arith.constant 12 : i32
    %add3A_1503 = vector.broadcast %add3A_1502 : i32 to vector<16xi32>
    %add3A_1504 = arith.addi %mul3A_1439, %add3A_1503 : vector<16xi32>
    %gather3A_1505 = tpu.vector_load_idx %arg14[%add3A_1504] : memref<4096xf32, #tpu.memory_space<vmem>>[vector<16xi32>], vector<16xf32>,
    %add3A_1506 = arith.addf %add3A_1501, %gather3A_1505 : vector<16xf32>
    %add3A_1507 = arith.constant 13 : i32
    %add3A_1508 = vector.broadcast %add3A_1507 : i32 to vector<16xi32>
    %add3A_1509 = arith.addi %mul3A_1439, %add3A_1508 : vector<16xi32>
    %gather3A_1510 = tpu.vector_load_idx %arg14[%add3A_1509] : memref<4096xf32, #tpu.memory_space<vmem>>[vector<16xi32>], vector<16xf32>,
    %add3A_1511 = arith.addf %add3A_1506, %gather3A_1510 : vector<16xf32>
    %add3A_1512 = arith.constant 14 : i32
    %add3A_1513 = vector.broadcast %add3A_1512 : i32 to vector<16xi32>
    %add3A_1514 = arith.addi %mul3A_1439, %add3A_1513 : vector<16xi32>
    %gather3A_1515 = tpu.vector_load_idx %arg14[%add3A_1514] : memref<4096xf32, #tpu.memory_space<vmem>>[vector<16xi32>], vector<16xf32>,
    %add3A_1516 = arith.addf %add3A_1511, %gather3A_1515 : vector<16xf32>
    %add3A_1517 = arith.constant 15 : i32
    %add3A_1518 = vector.broadcast %add3A_1517 : i32 to vector<16xi32>
    %add3A_1519 = arith.addi %mul3A_1439, %add3A_1518 : vector<16xi32>
    %gather3A_1520 = tpu.vector_load_idx %arg14[%add3A_1519] : memref<4096xf32, #tpu.memory_space<vmem>>[vector<16xi32>], vector<16xf32>,
    %add3A_1521 = arith.addf %add3A_1516, %gather3A_1520 : vector<16xf32>
    %gather3A_1522 = tpu.vector_load_idx %arg15[%mul3A_1439] : memref<4096xf32, #tpu.memory_space<vmem>>[vector<16xi32>], vector<16xf32>,
    %bitcast3A_1523 = vector.bitcast %add3A_1521 : vector<16xf32> to vector<16xi32>
    %convert_element_type3A_1524 = arith.sitofp %bitcast3A_1523 : vector<16xi32> to vector<16xf32>
    %mul3A_1525 = arith.constant 8.26295832E-8 : f32
    %mul3A_1526 = vector.broadcast %mul3A_1525 : f32 to vector<16xf32>
    %mul3A_1527 = arith.mulf %convert_element_type3A_1524, %mul3A_1526 : vector<16xf32>
    %sub3A_1528 = arith.constant 87.9899673 : f32
    %sub3A_1529 = vector.broadcast %sub3A_1528 : f32 to vector<16xf32>
    %sub3A_1530 = arith.subf %mul3A_1527, %sub3A_1529 : vector<16xf32>
    %sub3A_1531 = arith.constant 1.000000e+00 : f32
    %sub3A_1532 = vector.broadcast %sub3A_1531 : f32 to vector<16xf32>
    %sub3A_1533 = arith.subf %sub3A_1530, %sub3A_1532 : vector<16xf32>
    %neg3A_1534 = arith.constant 0.000000e+00 : f32
    %neg3A_1535 = vector.broadcast %neg3A_1534 : f32 to vector<16xf32>
    %neg3A_1536 = arith.subf %neg3A_1535, %sub3A_1530 : vector<16xf32>
    %exp3A_1537 = math.exp %neg3A_1536 : vector<16xf32>
    %mul3A_1538 = arith.mulf %add3A_1521, %exp3A_1537 : vector<16xf32>
    %add3A_1539 = arith.addf %sub3A_1533, %mul3A_1538 : vector<16xf32>
    %sub3A_1540 = arith.constant 1.000000e+00 : f32
    %sub3A_1541 = vector.broadcast %sub3A_1540 : f32 to vector<16xf32>
    %sub3A_1542 = arith.subf %add3A_1539, %sub3A_1541 : vector<16xf32>
    %neg3A_1543 = arith.constant 0.000000e+00 : f32
    %neg3A_1544 = vector.broadcast %neg3A_1543 : f32 to vector<16xf32>
    %neg3A_1545 = arith.subf %neg3A_1544, %add3A_1539 : vector<16xf32>
    %exp3A_1546 = math.exp %neg3A_1545 : vector<16xf32>
    %mul3A_1547 = arith.mulf %add3A_1521, %exp3A_1546 : vector<16xf32>
    %add3A_1548 = arith.addf %sub3A_1542, %mul3A_1547 : vector<16xf32>
    %sub3A_1549 = arith.constant 1.000000e+00 : f32
    %sub3A_1550 = vector.broadcast %sub3A_1549 : f32 to vector<16xf32>
    %sub3A_1551 = arith.subf %add3A_1548, %sub3A_1550 : vector<16xf32>
    %neg3A_1552 = arith.constant 0.000000e+00 : f32
    %neg3A_1553 = vector.broadcast %neg3A_1552 : f32 to vector<16xf32>
    %neg3A_1554 = arith.subf %neg3A_1553, %add3A_1548 : vector<16xf32>
    %exp3A_1555 = math.exp %neg3A_1554 : vector<16xf32>
    %mul3A_1556 = arith.mulf %add3A_1521, %exp3A_1555 : vector<16xf32>
    %add3A_1557 = arith.addf %sub3A_1551, %mul3A_1556 : vector<16xf32>
    %sub3A_1558 = arith.subf %add3A_1557, %gather3A_1522 : vector<16xf32>
    %add3A_1559 = arith.addf %add3A_1433, %sub3A_1558 : vector<16xf32>
    %add3A_1560 = arith.constant 192 : i32
    %add3A_1561 = vector.broadcast %add3A_1560 : i32 to vector<16xi32>
    %add3A_1562 = arith.addi %add3A_1561, %iota3A : vector<16xi32>
    %mul3A_1563 = arith.constant 16 : i32
    %mul3A_1564 = vector.broadcast %mul3A_1563 : i32 to vector<16xi32>
    %mul3A_1565 = arith.muli %add3A_1562, %mul3A_1564 : vector<16xi32>
    %broadcast_in_dim3A_1566 = arith.constant 0.000000e+00 : f32
    %broadcast_in_dim3A_1567 = vector.broadcast %broadcast_in_dim3A_1566 : f32 to vector<16xf32>
    %add3A_1568 = arith.constant 0 : i32
    %add3A_1569 = vector.broadcast %add3A_1568 : i32 to vector<16xi32>
    %add3A_1570 = arith.addi %mul3A_1565, %add3A_1569 : vector<16xi32>
    %gather3A_1571 = tpu.vector_load_idx %arg14[%add3A_1570] : memref<4096xf32, #tpu.memory_space<vmem>>[vector<16xi32>], vector<16xf32>,
    %add3A_1572 = arith.addf %broadcast_in_dim3A_1567, %gather3A_1571 : vector<16xf32>
    %add3A_1573 = arith.constant 1 : i32
    %add3A_1574 = vector.broadcast %add3A_1573 : i32 to vector<16xi32>
    %add3A_1575 = arith.addi %mul3A_1565, %add3A_1574 : vector<16xi32>
    %gather3A_1576 = tpu.vector_load_idx %arg14[%add3A_1575] : memref<4096xf32, #tpu.memory_space<vmem>>[vector<16xi32>], vector<16xf32>,
    %add3A_1577 = arith.addf %add3A_1572, %gather3A_1576 : vector<16xf32>
    %add3A_1578 = arith.constant 2 : i32
    %add3A_1579 = vector.broadcast %add3A_1578 : i32 to vector<16xi32>
    %add3A_1580 = arith.addi %mul3A_1565, %add3A_1579 : vector<16xi32>
    %gather3A_1581 = tpu.vector_load_idx %arg14[%add3A_1580] : memref<4096xf32, #tpu.memory_space<vmem>>[vector<16xi32>], vector<16xf32>,
    %add3A_1582 = arith.addf %add3A_1577, %gather3A_1581 : vector<16xf32>
    %add3A_1583 = arith.constant 3 : i32
    %add3A_1584 = vector.broadcast %add3A_1583 : i32 to vector<16xi32>
    %add3A_1585 = arith.addi %mul3A_1565, %add3A_1584 : vector<16xi32>
    %gather3A_1586 = tpu.vector_load_idx %arg14[%add3A_1585] : memref<4096xf32, #tpu.memory_space<vmem>>[vector<16xi32>], vector<16xf32>,
    %add3A_1587 = arith.addf %add3A_1582, %gather3A_1586 : vector<16xf32>
    %add3A_1588 = arith.constant 4 : i32
    %add3A_1589 = vector.broadcast %add3A_1588 : i32 to vector<16xi32>
    %add3A_1590 = arith.addi %mul3A_1565, %add3A_1589 : vector<16xi32>
    %gather3A_1591 = tpu.vector_load_idx %arg14[%add3A_1590] : memref<4096xf32, #tpu.memory_space<vmem>>[vector<16xi32>], vector<16xf32>,
    %add3A_1592 = arith.addf %add3A_1587, %gather3A_1591 : vector<16xf32>
    %add3A_1593 = arith.constant 5 : i32
    %add3A_1594 = vector.broadcast %add3A_1593 : i32 to vector<16xi32>
    %add3A_1595 = arith.addi %mul3A_1565, %add3A_1594 : vector<16xi32>
    %gather3A_1596 = tpu.vector_load_idx %arg14[%add3A_1595] : memref<4096xf32, #tpu.memory_space<vmem>>[vector<16xi32>], vector<16xf32>,
    %add3A_1597 = arith.addf %add3A_1592, %gather3A_1596 : vector<16xf32>
    %add3A_1598 = arith.constant 6 : i32
    %add3A_1599 = vector.broadcast %add3A_1598 : i32 to vector<16xi32>
    %add3A_1600 = arith.addi %mul3A_1565, %add3A_1599 : vector<16xi32>
    %gather3A_1601 = tpu.vector_load_idx %arg14[%add3A_1600] : memref<4096xf32, #tpu.memory_space<vmem>>[vector<16xi32>], vector<16xf32>,
    %add3A_1602 = arith.addf %add3A_1597, %gather3A_1601 : vector<16xf32>
    %add3A_1603 = arith.constant 7 : i32
    %add3A_1604 = vector.broadcast %add3A_1603 : i32 to vector<16xi32>
    %add3A_1605 = arith.addi %mul3A_1565, %add3A_1604 : vector<16xi32>
    %gather3A_1606 = tpu.vector_load_idx %arg14[%add3A_1605] : memref<4096xf32, #tpu.memory_space<vmem>>[vector<16xi32>], vector<16xf32>,
    %add3A_1607 = arith.addf %add3A_1602, %gather3A_1606 : vector<16xf32>
    %add3A_1608 = arith.constant 8 : i32
    %add3A_1609 = vector.broadcast %add3A_1608 : i32 to vector<16xi32>
    %add3A_1610 = arith.addi %mul3A_1565, %add3A_1609 : vector<16xi32>
    %gather3A_1611 = tpu.vector_load_idx %arg14[%add3A_1610] : memref<4096xf32, #tpu.memory_space<vmem>>[vector<16xi32>], vector<16xf32>,
    %add3A_1612 = arith.addf %add3A_1607, %gather3A_1611 : vector<16xf32>
    %add3A_1613 = arith.constant 9 : i32
    %add3A_1614 = vector.broadcast %add3A_1613 : i32 to vector<16xi32>
    %add3A_1615 = arith.addi %mul3A_1565, %add3A_1614 : vector<16xi32>
    %gather3A_1616 = tpu.vector_load_idx %arg14[%add3A_1615] : memref<4096xf32, #tpu.memory_space<vmem>>[vector<16xi32>], vector<16xf32>,
    %add3A_1617 = arith.addf %add3A_1612, %gather3A_1616 : vector<16xf32>
    %add3A_1618 = arith.constant 10 : i32
    %add3A_1619 = vector.broadcast %add3A_1618 : i32 to vector<16xi32>
    %add3A_1620 = arith.addi %mul3A_1565, %add3A_1619 : vector<16xi32>
    %gather3A_1621 = tpu.vector_load_idx %arg14[%add3A_1620] : memref<4096xf32, #tpu.memory_space<vmem>>[vector<16xi32>], vector<16xf32>,
    %add3A_1622 = arith.addf %add3A_1617, %gather3A_1621 : vector<16xf32>
    %add3A_1623 = arith.constant 11 : i32
    %add3A_1624 = vector.broadcast %add3A_1623 : i32 to vector<16xi32>
    %add3A_1625 = arith.addi %mul3A_1565, %add3A_1624 : vector<16xi32>
    %gather3A_1626 = tpu.vector_load_idx %arg14[%add3A_1625] : memref<4096xf32, #tpu.memory_space<vmem>>[vector<16xi32>], vector<16xf32>,
    %add3A_1627 = arith.addf %add3A_1622, %gather3A_1626 : vector<16xf32>
    %add3A_1628 = arith.constant 12 : i32
    %add3A_1629 = vector.broadcast %add3A_1628 : i32 to vector<16xi32>
    %add3A_1630 = arith.addi %mul3A_1565, %add3A_1629 : vector<16xi32>
    %gather3A_1631 = tpu.vector_load_idx %arg14[%add3A_1630] : memref<4096xf32, #tpu.memory_space<vmem>>[vector<16xi32>], vector<16xf32>,
    %add3A_1632 = arith.addf %add3A_1627, %gather3A_1631 : vector<16xf32>
    %add3A_1633 = arith.constant 13 : i32
    %add3A_1634 = vector.broadcast %add3A_1633 : i32 to vector<16xi32>
    %add3A_1635 = arith.addi %mul3A_1565, %add3A_1634 : vector<16xi32>
    %gather3A_1636 = tpu.vector_load_idx %arg14[%add3A_1635] : memref<4096xf32, #tpu.memory_space<vmem>>[vector<16xi32>], vector<16xf32>,
    %add3A_1637 = arith.addf %add3A_1632, %gather3A_1636 : vector<16xf32>
    %add3A_1638 = arith.constant 14 : i32
    %add3A_1639 = vector.broadcast %add3A_1638 : i32 to vector<16xi32>
    %add3A_1640 = arith.addi %mul3A_1565, %add3A_1639 : vector<16xi32>
    %gather3A_1641 = tpu.vector_load_idx %arg14[%add3A_1640] : memref<4096xf32, #tpu.memory_space<vmem>>[vector<16xi32>], vector<16xf32>,
    %add3A_1642 = arith.addf %add3A_1637, %gather3A_1641 : vector<16xf32>
    %add3A_1643 = arith.constant 15 : i32
    %add3A_1644 = vector.broadcast %add3A_1643 : i32 to vector<16xi32>
    %add3A_1645 = arith.addi %mul3A_1565, %add3A_1644 : vector<16xi32>
    %gather3A_1646 = tpu.vector_load_idx %arg14[%add3A_1645] : memref<4096xf32, #tpu.memory_space<vmem>>[vector<16xi32>], vector<16xf32>,
    %add3A_1647 = arith.addf %add3A_1642, %gather3A_1646 : vector<16xf32>
    %gather3A_1648 = tpu.vector_load_idx %arg15[%mul3A_1565] : memref<4096xf32, #tpu.memory_space<vmem>>[vector<16xi32>], vector<16xf32>,
    %bitcast3A_1649 = vector.bitcast %add3A_1647 : vector<16xf32> to vector<16xi32>
    %convert_element_type3A_1650 = arith.sitofp %bitcast3A_1649 : vector<16xi32> to vector<16xf32>
    %mul3A_1651 = arith.constant 8.26295832E-8 : f32
    %mul3A_1652 = vector.broadcast %mul3A_1651 : f32 to vector<16xf32>
    %mul3A_1653 = arith.mulf %convert_element_type3A_1650, %mul3A_1652 : vector<16xf32>
    %sub3A_1654 = arith.constant 87.9899673 : f32
    %sub3A_1655 = vector.broadcast %sub3A_1654 : f32 to vector<16xf32>
    %sub3A_1656 = arith.subf %mul3A_1653, %sub3A_1655 : vector<16xf32>
    %sub3A_1657 = arith.constant 1.000000e+00 : f32
    %sub3A_1658 = vector.broadcast %sub3A_1657 : f32 to vector<16xf32>
    %sub3A_1659 = arith.subf %sub3A_1656, %sub3A_1658 : vector<16xf32>
    %neg3A_1660 = arith.constant 0.000000e+00 : f32
    %neg3A_1661 = vector.broadcast %neg3A_1660 : f32 to vector<16xf32>
    %neg3A_1662 = arith.subf %neg3A_1661, %sub3A_1656 : vector<16xf32>
    %exp3A_1663 = math.exp %neg3A_1662 : vector<16xf32>
    %mul3A_1664 = arith.mulf %add3A_1647, %exp3A_1663 : vector<16xf32>
    %add3A_1665 = arith.addf %sub3A_1659, %mul3A_1664 : vector<16xf32>
    %sub3A_1666 = arith.constant 1.000000e+00 : f32
    %sub3A_1667 = vector.broadcast %sub3A_1666 : f32 to vector<16xf32>
    %sub3A_1668 = arith.subf %add3A_1665, %sub3A_1667 : vector<16xf32>
    %neg3A_1669 = arith.constant 0.000000e+00 : f32
    %neg3A_1670 = vector.broadcast %neg3A_1669 : f32 to vector<16xf32>
    %neg3A_1671 = arith.subf %neg3A_1670, %add3A_1665 : vector<16xf32>
    %exp3A_1672 = math.exp %neg3A_1671 : vector<16xf32>
    %mul3A_1673 = arith.mulf %add3A_1647, %exp3A_1672 : vector<16xf32>
    %add3A_1674 = arith.addf %sub3A_1668, %mul3A_1673 : vector<16xf32>
    %sub3A_1675 = arith.constant 1.000000e+00 : f32
    %sub3A_1676 = vector.broadcast %sub3A_1675 : f32 to vector<16xf32>
    %sub3A_1677 = arith.subf %add3A_1674, %sub3A_1676 : vector<16xf32>
    %neg3A_1678 = arith.constant 0.000000e+00 : f32
    %neg3A_1679 = vector.broadcast %neg3A_1678 : f32 to vector<16xf32>
    %neg3A_1680 = arith.subf %neg3A_1679, %add3A_1674 : vector<16xf32>
    %exp3A_1681 = math.exp %neg3A_1680 : vector<16xf32>
    %mul3A_1682 = arith.mulf %add3A_1647, %exp3A_1681 : vector<16xf32>
    %add3A_1683 = arith.addf %sub3A_1677, %mul3A_1682 : vector<16xf32>
    %sub3A_1684 = arith.subf %add3A_1683, %gather3A_1648 : vector<16xf32>
    %add3A_1685 = arith.addf %add3A_1559, %sub3A_1684 : vector<16xf32>
    %add3A_1686 = arith.constant 208 : i32
    %add3A_1687 = vector.broadcast %add3A_1686 : i32 to vector<16xi32>
    %add3A_1688 = arith.addi %add3A_1687, %iota3A : vector<16xi32>
    %mul3A_1689 = arith.constant 16 : i32
    %mul3A_1690 = vector.broadcast %mul3A_1689 : i32 to vector<16xi32>
    %mul3A_1691 = arith.muli %add3A_1688, %mul3A_1690 : vector<16xi32>
    %broadcast_in_dim3A_1692 = arith.constant 0.000000e+00 : f32
    %broadcast_in_dim3A_1693 = vector.broadcast %broadcast_in_dim3A_1692 : f32 to vector<16xf32>
    %add3A_1694 = arith.constant 0 : i32
    %add3A_1695 = vector.broadcast %add3A_1694 : i32 to vector<16xi32>
    %add3A_1696 = arith.addi %mul3A_1691, %add3A_1695 : vector<16xi32>
    %gather3A_1697 = tpu.vector_load_idx %arg14[%add3A_1696] : memref<4096xf32, #tpu.memory_space<vmem>>[vector<16xi32>], vector<16xf32>,
    %add3A_1698 = arith.addf %broadcast_in_dim3A_1693, %gather3A_1697 : vector<16xf32>
    %add3A_1699 = arith.constant 1 : i32
    %add3A_1700 = vector.broadcast %add3A_1699 : i32 to vector<16xi32>
    %add3A_1701 = arith.addi %mul3A_1691, %add3A_1700 : vector<16xi32>
    %gather3A_1702 = tpu.vector_load_idx %arg14[%add3A_1701] : memref<4096xf32, #tpu.memory_space<vmem>>[vector<16xi32>], vector<16xf32>,
    %add3A_1703 = arith.addf %add3A_1698, %gather3A_1702 : vector<16xf32>
    %add3A_1704 = arith.constant 2 : i32
    %add3A_1705 = vector.broadcast %add3A_1704 : i32 to vector<16xi32>
    %add3A_1706 = arith.addi %mul3A_1691, %add3A_1705 : vector<16xi32>
    %gather3A_1707 = tpu.vector_load_idx %arg14[%add3A_1706] : memref<4096xf32, #tpu.memory_space<vmem>>[vector<16xi32>], vector<16xf32>,
    %add3A_1708 = arith.addf %add3A_1703, %gather3A_1707 : vector<16xf32>
    %add3A_1709 = arith.constant 3 : i32
    %add3A_1710 = vector.broadcast %add3A_1709 : i32 to vector<16xi32>
    %add3A_1711 = arith.addi %mul3A_1691, %add3A_1710 : vector<16xi32>
    %gather3A_1712 = tpu.vector_load_idx %arg14[%add3A_1711] : memref<4096xf32, #tpu.memory_space<vmem>>[vector<16xi32>], vector<16xf32>,
    %add3A_1713 = arith.addf %add3A_1708, %gather3A_1712 : vector<16xf32>
    %add3A_1714 = arith.constant 4 : i32
    %add3A_1715 = vector.broadcast %add3A_1714 : i32 to vector<16xi32>
    %add3A_1716 = arith.addi %mul3A_1691, %add3A_1715 : vector<16xi32>
    %gather3A_1717 = tpu.vector_load_idx %arg14[%add3A_1716] : memref<4096xf32, #tpu.memory_space<vmem>>[vector<16xi32>], vector<16xf32>,
    %add3A_1718 = arith.addf %add3A_1713, %gather3A_1717 : vector<16xf32>
    %add3A_1719 = arith.constant 5 : i32
    %add3A_1720 = vector.broadcast %add3A_1719 : i32 to vector<16xi32>
    %add3A_1721 = arith.addi %mul3A_1691, %add3A_1720 : vector<16xi32>
    %gather3A_1722 = tpu.vector_load_idx %arg14[%add3A_1721] : memref<4096xf32, #tpu.memory_space<vmem>>[vector<16xi32>], vector<16xf32>,
    %add3A_1723 = arith.addf %add3A_1718, %gather3A_1722 : vector<16xf32>
    %add3A_1724 = arith.constant 6 : i32
    %add3A_1725 = vector.broadcast %add3A_1724 : i32 to vector<16xi32>
    %add3A_1726 = arith.addi %mul3A_1691, %add3A_1725 : vector<16xi32>
    %gather3A_1727 = tpu.vector_load_idx %arg14[%add3A_1726] : memref<4096xf32, #tpu.memory_space<vmem>>[vector<16xi32>], vector<16xf32>,
    %add3A_1728 = arith.addf %add3A_1723, %gather3A_1727 : vector<16xf32>
    %add3A_1729 = arith.constant 7 : i32
    %add3A_1730 = vector.broadcast %add3A_1729 : i32 to vector<16xi32>
    %add3A_1731 = arith.addi %mul3A_1691, %add3A_1730 : vector<16xi32>
    %gather3A_1732 = tpu.vector_load_idx %arg14[%add3A_1731] : memref<4096xf32, #tpu.memory_space<vmem>>[vector<16xi32>], vector<16xf32>,
    %add3A_1733 = arith.addf %add3A_1728, %gather3A_1732 : vector<16xf32>
    %add3A_1734 = arith.constant 8 : i32
    %add3A_1735 = vector.broadcast %add3A_1734 : i32 to vector<16xi32>
    %add3A_1736 = arith.addi %mul3A_1691, %add3A_1735 : vector<16xi32>
    %gather3A_1737 = tpu.vector_load_idx %arg14[%add3A_1736] : memref<4096xf32, #tpu.memory_space<vmem>>[vector<16xi32>], vector<16xf32>,
    %add3A_1738 = arith.addf %add3A_1733, %gather3A_1737 : vector<16xf32>
    %add3A_1739 = arith.constant 9 : i32
    %add3A_1740 = vector.broadcast %add3A_1739 : i32 to vector<16xi32>
    %add3A_1741 = arith.addi %mul3A_1691, %add3A_1740 : vector<16xi32>
    %gather3A_1742 = tpu.vector_load_idx %arg14[%add3A_1741] : memref<4096xf32, #tpu.memory_space<vmem>>[vector<16xi32>], vector<16xf32>,
    %add3A_1743 = arith.addf %add3A_1738, %gather3A_1742 : vector<16xf32>
    %add3A_1744 = arith.constant 10 : i32
    %add3A_1745 = vector.broadcast %add3A_1744 : i32 to vector<16xi32>
    %add3A_1746 = arith.addi %mul3A_1691, %add3A_1745 : vector<16xi32>
    %gather3A_1747 = tpu.vector_load_idx %arg14[%add3A_1746] : memref<4096xf32, #tpu.memory_space<vmem>>[vector<16xi32>], vector<16xf32>,
    %add3A_1748 = arith.addf %add3A_1743, %gather3A_1747 : vector<16xf32>
    %add3A_1749 = arith.constant 11 : i32
    %add3A_1750 = vector.broadcast %add3A_1749 : i32 to vector<16xi32>
    %add3A_1751 = arith.addi %mul3A_1691, %add3A_1750 : vector<16xi32>
    %gather3A_1752 = tpu.vector_load_idx %arg14[%add3A_1751] : memref<4096xf32, #tpu.memory_space<vmem>>[vector<16xi32>], vector<16xf32>,
    %add3A_1753 = arith.addf %add3A_1748, %gather3A_1752 : vector<16xf32>
    %add3A_1754 = arith.constant 12 : i32
    %add3A_1755 = vector.broadcast %add3A_1754 : i32 to vector<16xi32>
    %add3A_1756 = arith.addi %mul3A_1691, %add3A_1755 : vector<16xi32>
    %gather3A_1757 = tpu.vector_load_idx %arg14[%add3A_1756] : memref<4096xf32, #tpu.memory_space<vmem>>[vector<16xi32>], vector<16xf32>,
    %add3A_1758 = arith.addf %add3A_1753, %gather3A_1757 : vector<16xf32>
    %add3A_1759 = arith.constant 13 : i32
    %add3A_1760 = vector.broadcast %add3A_1759 : i32 to vector<16xi32>
    %add3A_1761 = arith.addi %mul3A_1691, %add3A_1760 : vector<16xi32>
    %gather3A_1762 = tpu.vector_load_idx %arg14[%add3A_1761] : memref<4096xf32, #tpu.memory_space<vmem>>[vector<16xi32>], vector<16xf32>,
    %add3A_1763 = arith.addf %add3A_1758, %gather3A_1762 : vector<16xf32>
    %add3A_1764 = arith.constant 14 : i32
    %add3A_1765 = vector.broadcast %add3A_1764 : i32 to vector<16xi32>
    %add3A_1766 = arith.addi %mul3A_1691, %add3A_1765 : vector<16xi32>
    %gather3A_1767 = tpu.vector_load_idx %arg14[%add3A_1766] : memref<4096xf32, #tpu.memory_space<vmem>>[vector<16xi32>], vector<16xf32>,
    %add3A_1768 = arith.addf %add3A_1763, %gather3A_1767 : vector<16xf32>
    %add3A_1769 = arith.constant 15 : i32
    %add3A_1770 = vector.broadcast %add3A_1769 : i32 to vector<16xi32>
    %add3A_1771 = arith.addi %mul3A_1691, %add3A_1770 : vector<16xi32>
    %gather3A_1772 = tpu.vector_load_idx %arg14[%add3A_1771] : memref<4096xf32, #tpu.memory_space<vmem>>[vector<16xi32>], vector<16xf32>,
    %add3A_1773 = arith.addf %add3A_1768, %gather3A_1772 : vector<16xf32>
    %gather3A_1774 = tpu.vector_load_idx %arg15[%mul3A_1691] : memref<4096xf32, #tpu.memory_space<vmem>>[vector<16xi32>], vector<16xf32>,
    %bitcast3A_1775 = vector.bitcast %add3A_1773 : vector<16xf32> to vector<16xi32>
    %convert_element_type3A_1776 = arith.sitofp %bitcast3A_1775 : vector<16xi32> to vector<16xf32>
    %mul3A_1777 = arith.constant 8.26295832E-8 : f32
    %mul3A_1778 = vector.broadcast %mul3A_1777 : f32 to vector<16xf32>
    %mul3A_1779 = arith.mulf %convert_element_type3A_1776, %mul3A_1778 : vector<16xf32>
    %sub3A_1780 = arith.constant 87.9899673 : f32
    %sub3A_1781 = vector.broadcast %sub3A_1780 : f32 to vector<16xf32>
    %sub3A_1782 = arith.subf %mul3A_1779, %sub3A_1781 : vector<16xf32>
    %sub3A_1783 = arith.constant 1.000000e+00 : f32
    %sub3A_1784 = vector.broadcast %sub3A_1783 : f32 to vector<16xf32>
    %sub3A_1785 = arith.subf %sub3A_1782, %sub3A_1784 : vector<16xf32>
    %neg3A_1786 = arith.constant 0.000000e+00 : f32
    %neg3A_1787 = vector.broadcast %neg3A_1786 : f32 to vector<16xf32>
    %neg3A_1788 = arith.subf %neg3A_1787, %sub3A_1782 : vector<16xf32>
    %exp3A_1789 = math.exp %neg3A_1788 : vector<16xf32>
    %mul3A_1790 = arith.mulf %add3A_1773, %exp3A_1789 : vector<16xf32>
    %add3A_1791 = arith.addf %sub3A_1785, %mul3A_1790 : vector<16xf32>
    %sub3A_1792 = arith.constant 1.000000e+00 : f32
    %sub3A_1793 = vector.broadcast %sub3A_1792 : f32 to vector<16xf32>
    %sub3A_1794 = arith.subf %add3A_1791, %sub3A_1793 : vector<16xf32>
    %neg3A_1795 = arith.constant 0.000000e+00 : f32
    %neg3A_1796 = vector.broadcast %neg3A_1795 : f32 to vector<16xf32>
    %neg3A_1797 = arith.subf %neg3A_1796, %add3A_1791 : vector<16xf32>
    %exp3A_1798 = math.exp %neg3A_1797 : vector<16xf32>
    %mul3A_1799 = arith.mulf %add3A_1773, %exp3A_1798 : vector<16xf32>
    %add3A_1800 = arith.addf %sub3A_1794, %mul3A_1799 : vector<16xf32>
    %sub3A_1801 = arith.constant 1.000000e+00 : f32
    %sub3A_1802 = vector.broadcast %sub3A_1801 : f32 to vector<16xf32>
    %sub3A_1803 = arith.subf %add3A_1800, %sub3A_1802 : vector<16xf32>
    %neg3A_1804 = arith.constant 0.000000e+00 : f32
    %neg3A_1805 = vector.broadcast %neg3A_1804 : f32 to vector<16xf32>
    %neg3A_1806 = arith.subf %neg3A_1805, %add3A_1800 : vector<16xf32>
    %exp3A_1807 = math.exp %neg3A_1806 : vector<16xf32>
    %mul3A_1808 = arith.mulf %add3A_1773, %exp3A_1807 : vector<16xf32>
    %add3A_1809 = arith.addf %sub3A_1803, %mul3A_1808 : vector<16xf32>
    %sub3A_1810 = arith.subf %add3A_1809, %gather3A_1774 : vector<16xf32>
    %add3A_1811 = arith.addf %add3A_1685, %sub3A_1810 : vector<16xf32>
    %add3A_1812 = arith.constant 224 : i32
    %add3A_1813 = vector.broadcast %add3A_1812 : i32 to vector<16xi32>
    %add3A_1814 = arith.addi %add3A_1813, %iota3A : vector<16xi32>
    %mul3A_1815 = arith.constant 16 : i32
    %mul3A_1816 = vector.broadcast %mul3A_1815 : i32 to vector<16xi32>
    %mul3A_1817 = arith.muli %add3A_1814, %mul3A_1816 : vector<16xi32>
    %broadcast_in_dim3A_1818 = arith.constant 0.000000e+00 : f32
    %broadcast_in_dim3A_1819 = vector.broadcast %broadcast_in_dim3A_1818 : f32 to vector<16xf32>
    %add3A_1820 = arith.constant 0 : i32
    %add3A_1821 = vector.broadcast %add3A_1820 : i32 to vector<16xi32>
    %add3A_1822 = arith.addi %mul3A_1817, %add3A_1821 : vector<16xi32>
    %gather3A_1823 = tpu.vector_load_idx %arg14[%add3A_1822] : memref<4096xf32, #tpu.memory_space<vmem>>[vector<16xi32>], vector<16xf32>,
    %add3A_1824 = arith.addf %broadcast_in_dim3A_1819, %gather3A_1823 : vector<16xf32>
    %add3A_1825 = arith.constant 1 : i32
    %add3A_1826 = vector.broadcast %add3A_1825 : i32 to vector<16xi32>
    %add3A_1827 = arith.addi %mul3A_1817, %add3A_1826 : vector<16xi32>
    %gather3A_1828 = tpu.vector_load_idx %arg14[%add3A_1827] : memref<4096xf32, #tpu.memory_space<vmem>>[vector<16xi32>], vector<16xf32>,
    %add3A_1829 = arith.addf %add3A_1824, %gather3A_1828 : vector<16xf32>
    %add3A_1830 = arith.constant 2 : i32
    %add3A_1831 = vector.broadcast %add3A_1830 : i32 to vector<16xi32>
    %add3A_1832 = arith.addi %mul3A_1817, %add3A_1831 : vector<16xi32>
    %gather3A_1833 = tpu.vector_load_idx %arg14[%add3A_1832] : memref<4096xf32, #tpu.memory_space<vmem>>[vector<16xi32>], vector<16xf32>,
    %add3A_1834 = arith.addf %add3A_1829, %gather3A_1833 : vector<16xf32>
    %add3A_1835 = arith.constant 3 : i32
    %add3A_1836 = vector.broadcast %add3A_1835 : i32 to vector<16xi32>
    %add3A_1837 = arith.addi %mul3A_1817, %add3A_1836 : vector<16xi32>
    %gather3A_1838 = tpu.vector_load_idx %arg14[%add3A_1837] : memref<4096xf32, #tpu.memory_space<vmem>>[vector<16xi32>], vector<16xf32>,
    %add3A_1839 = arith.addf %add3A_1834, %gather3A_1838 : vector<16xf32>
    %add3A_1840 = arith.constant 4 : i32
    %add3A_1841 = vector.broadcast %add3A_1840 : i32 to vector<16xi32>
    %add3A_1842 = arith.addi %mul3A_1817, %add3A_1841 : vector<16xi32>
    %gather3A_1843 = tpu.vector_load_idx %arg14[%add3A_1842] : memref<4096xf32, #tpu.memory_space<vmem>>[vector<16xi32>], vector<16xf32>,
    %add3A_1844 = arith.addf %add3A_1839, %gather3A_1843 : vector<16xf32>
    %add3A_1845 = arith.constant 5 : i32
    %add3A_1846 = vector.broadcast %add3A_1845 : i32 to vector<16xi32>
    %add3A_1847 = arith.addi %mul3A_1817, %add3A_1846 : vector<16xi32>
    %gather3A_1848 = tpu.vector_load_idx %arg14[%add3A_1847] : memref<4096xf32, #tpu.memory_space<vmem>>[vector<16xi32>], vector<16xf32>,
    %add3A_1849 = arith.addf %add3A_1844, %gather3A_1848 : vector<16xf32>
    %add3A_1850 = arith.constant 6 : i32
    %add3A_1851 = vector.broadcast %add3A_1850 : i32 to vector<16xi32>
    %add3A_1852 = arith.addi %mul3A_1817, %add3A_1851 : vector<16xi32>
    %gather3A_1853 = tpu.vector_load_idx %arg14[%add3A_1852] : memref<4096xf32, #tpu.memory_space<vmem>>[vector<16xi32>], vector<16xf32>,
    %add3A_1854 = arith.addf %add3A_1849, %gather3A_1853 : vector<16xf32>
    %add3A_1855 = arith.constant 7 : i32
    %add3A_1856 = vector.broadcast %add3A_1855 : i32 to vector<16xi32>
    %add3A_1857 = arith.addi %mul3A_1817, %add3A_1856 : vector<16xi32>
    %gather3A_1858 = tpu.vector_load_idx %arg14[%add3A_1857] : memref<4096xf32, #tpu.memory_space<vmem>>[vector<16xi32>], vector<16xf32>,
    %add3A_1859 = arith.addf %add3A_1854, %gather3A_1858 : vector<16xf32>
    %add3A_1860 = arith.constant 8 : i32
    %add3A_1861 = vector.broadcast %add3A_1860 : i32 to vector<16xi32>
    %add3A_1862 = arith.addi %mul3A_1817, %add3A_1861 : vector<16xi32>
    %gather3A_1863 = tpu.vector_load_idx %arg14[%add3A_1862] : memref<4096xf32, #tpu.memory_space<vmem>>[vector<16xi32>], vector<16xf32>,
    %add3A_1864 = arith.addf %add3A_1859, %gather3A_1863 : vector<16xf32>
    %add3A_1865 = arith.constant 9 : i32
    %add3A_1866 = vector.broadcast %add3A_1865 : i32 to vector<16xi32>
    %add3A_1867 = arith.addi %mul3A_1817, %add3A_1866 : vector<16xi32>
    %gather3A_1868 = tpu.vector_load_idx %arg14[%add3A_1867] : memref<4096xf32, #tpu.memory_space<vmem>>[vector<16xi32>], vector<16xf32>,
    %add3A_1869 = arith.addf %add3A_1864, %gather3A_1868 : vector<16xf32>
    %add3A_1870 = arith.constant 10 : i32
    %add3A_1871 = vector.broadcast %add3A_1870 : i32 to vector<16xi32>
    %add3A_1872 = arith.addi %mul3A_1817, %add3A_1871 : vector<16xi32>
    %gather3A_1873 = tpu.vector_load_idx %arg14[%add3A_1872] : memref<4096xf32, #tpu.memory_space<vmem>>[vector<16xi32>], vector<16xf32>,
    %add3A_1874 = arith.addf %add3A_1869, %gather3A_1873 : vector<16xf32>
    %add3A_1875 = arith.constant 11 : i32
    %add3A_1876 = vector.broadcast %add3A_1875 : i32 to vector<16xi32>
    %add3A_1877 = arith.addi %mul3A_1817, %add3A_1876 : vector<16xi32>
    %gather3A_1878 = tpu.vector_load_idx %arg14[%add3A_1877] : memref<4096xf32, #tpu.memory_space<vmem>>[vector<16xi32>], vector<16xf32>,
    %add3A_1879 = arith.addf %add3A_1874, %gather3A_1878 : vector<16xf32>
    %add3A_1880 = arith.constant 12 : i32
    %add3A_1881 = vector.broadcast %add3A_1880 : i32 to vector<16xi32>
    %add3A_1882 = arith.addi %mul3A_1817, %add3A_1881 : vector<16xi32>
    %gather3A_1883 = tpu.vector_load_idx %arg14[%add3A_1882] : memref<4096xf32, #tpu.memory_space<vmem>>[vector<16xi32>], vector<16xf32>,
    %add3A_1884 = arith.addf %add3A_1879, %gather3A_1883 : vector<16xf32>
    %add3A_1885 = arith.constant 13 : i32
    %add3A_1886 = vector.broadcast %add3A_1885 : i32 to vector<16xi32>
    %add3A_1887 = arith.addi %mul3A_1817, %add3A_1886 : vector<16xi32>
    %gather3A_1888 = tpu.vector_load_idx %arg14[%add3A_1887] : memref<4096xf32, #tpu.memory_space<vmem>>[vector<16xi32>], vector<16xf32>,
    %add3A_1889 = arith.addf %add3A_1884, %gather3A_1888 : vector<16xf32>
    %add3A_1890 = arith.constant 14 : i32
    %add3A_1891 = vector.broadcast %add3A_1890 : i32 to vector<16xi32>
    %add3A_1892 = arith.addi %mul3A_1817, %add3A_1891 : vector<16xi32>
    %gather3A_1893 = tpu.vector_load_idx %arg14[%add3A_1892] : memref<4096xf32, #tpu.memory_space<vmem>>[vector<16xi32>], vector<16xf32>,
    %add3A_1894 = arith.addf %add3A_1889, %gather3A_1893 : vector<16xf32>
    %add3A_1895 = arith.constant 15 : i32
    %add3A_1896 = vector.broadcast %add3A_1895 : i32 to vector<16xi32>
    %add3A_1897 = arith.addi %mul3A_1817, %add3A_1896 : vector<16xi32>
    %gather3A_1898 = tpu.vector_load_idx %arg14[%add3A_1897] : memref<4096xf32, #tpu.memory_space<vmem>>[vector<16xi32>], vector<16xf32>,
    %add3A_1899 = arith.addf %add3A_1894, %gather3A_1898 : vector<16xf32>
    %gather3A_1900 = tpu.vector_load_idx %arg15[%mul3A_1817] : memref<4096xf32, #tpu.memory_space<vmem>>[vector<16xi32>], vector<16xf32>,
    %bitcast3A_1901 = vector.bitcast %add3A_1899 : vector<16xf32> to vector<16xi32>
    %convert_element_type3A_1902 = arith.sitofp %bitcast3A_1901 : vector<16xi32> to vector<16xf32>
    %mul3A_1903 = arith.constant 8.26295832E-8 : f32
    %mul3A_1904 = vector.broadcast %mul3A_1903 : f32 to vector<16xf32>
    %mul3A_1905 = arith.mulf %convert_element_type3A_1902, %mul3A_1904 : vector<16xf32>
    %sub3A_1906 = arith.constant 87.9899673 : f32
    %sub3A_1907 = vector.broadcast %sub3A_1906 : f32 to vector<16xf32>
    %sub3A_1908 = arith.subf %mul3A_1905, %sub3A_1907 : vector<16xf32>
    %sub3A_1909 = arith.constant 1.000000e+00 : f32
    %sub3A_1910 = vector.broadcast %sub3A_1909 : f32 to vector<16xf32>
    %sub3A_1911 = arith.subf %sub3A_1908, %sub3A_1910 : vector<16xf32>
    %neg3A_1912 = arith.constant 0.000000e+00 : f32
    %neg3A_1913 = vector.broadcast %neg3A_1912 : f32 to vector<16xf32>
    %neg3A_1914 = arith.subf %neg3A_1913, %sub3A_1908 : vector<16xf32>
    %exp3A_1915 = math.exp %neg3A_1914 : vector<16xf32>
    %mul3A_1916 = arith.mulf %add3A_1899, %exp3A_1915 : vector<16xf32>
    %add3A_1917 = arith.addf %sub3A_1911, %mul3A_1916 : vector<16xf32>
    %sub3A_1918 = arith.constant 1.000000e+00 : f32
    %sub3A_1919 = vector.broadcast %sub3A_1918 : f32 to vector<16xf32>
    %sub3A_1920 = arith.subf %add3A_1917, %sub3A_1919 : vector<16xf32>
    %neg3A_1921 = arith.constant 0.000000e+00 : f32
    %neg3A_1922 = vector.broadcast %neg3A_1921 : f32 to vector<16xf32>
    %neg3A_1923 = arith.subf %neg3A_1922, %add3A_1917 : vector<16xf32>
    %exp3A_1924 = math.exp %neg3A_1923 : vector<16xf32>
    %mul3A_1925 = arith.mulf %add3A_1899, %exp3A_1924 : vector<16xf32>
    %add3A_1926 = arith.addf %sub3A_1920, %mul3A_1925 : vector<16xf32>
    %sub3A_1927 = arith.constant 1.000000e+00 : f32
    %sub3A_1928 = vector.broadcast %sub3A_1927 : f32 to vector<16xf32>
    %sub3A_1929 = arith.subf %add3A_1926, %sub3A_1928 : vector<16xf32>
    %neg3A_1930 = arith.constant 0.000000e+00 : f32
    %neg3A_1931 = vector.broadcast %neg3A_1930 : f32 to vector<16xf32>
    %neg3A_1932 = arith.subf %neg3A_1931, %add3A_1926 : vector<16xf32>
    %exp3A_1933 = math.exp %neg3A_1932 : vector<16xf32>
    %mul3A_1934 = arith.mulf %add3A_1899, %exp3A_1933 : vector<16xf32>
    %add3A_1935 = arith.addf %sub3A_1929, %mul3A_1934 : vector<16xf32>
    %sub3A_1936 = arith.subf %add3A_1935, %gather3A_1900 : vector<16xf32>
    %add3A_1937 = arith.addf %add3A_1811, %sub3A_1936 : vector<16xf32>
    %add3A_1938 = arith.constant 240 : i32
    %add3A_1939 = vector.broadcast %add3A_1938 : i32 to vector<16xi32>
    %add3A_1940 = arith.addi %add3A_1939, %iota3A : vector<16xi32>
    %mul3A_1941 = arith.constant 16 : i32
    %mul3A_1942 = vector.broadcast %mul3A_1941 : i32 to vector<16xi32>
    %mul3A_1943 = arith.muli %add3A_1940, %mul3A_1942 : vector<16xi32>
    %broadcast_in_dim3A_1944 = arith.constant 0.000000e+00 : f32
    %broadcast_in_dim3A_1945 = vector.broadcast %broadcast_in_dim3A_1944 : f32 to vector<16xf32>
    %add3A_1946 = arith.constant 0 : i32
    %add3A_1947 = vector.broadcast %add3A_1946 : i32 to vector<16xi32>
    %add3A_1948 = arith.addi %mul3A_1943, %add3A_1947 : vector<16xi32>
    %gather3A_1949 = tpu.vector_load_idx %arg14[%add3A_1948] : memref<4096xf32, #tpu.memory_space<vmem>>[vector<16xi32>], vector<16xf32>,
    %add3A_1950 = arith.addf %broadcast_in_dim3A_1945, %gather3A_1949 : vector<16xf32>
    %add3A_1951 = arith.constant 1 : i32
    %add3A_1952 = vector.broadcast %add3A_1951 : i32 to vector<16xi32>
    %add3A_1953 = arith.addi %mul3A_1943, %add3A_1952 : vector<16xi32>
    %gather3A_1954 = tpu.vector_load_idx %arg14[%add3A_1953] : memref<4096xf32, #tpu.memory_space<vmem>>[vector<16xi32>], vector<16xf32>,
    %add3A_1955 = arith.addf %add3A_1950, %gather3A_1954 : vector<16xf32>
    %add3A_1956 = arith.constant 2 : i32
    %add3A_1957 = vector.broadcast %add3A_1956 : i32 to vector<16xi32>
    %add3A_1958 = arith.addi %mul3A_1943, %add3A_1957 : vector<16xi32>
    %gather3A_1959 = tpu.vector_load_idx %arg14[%add3A_1958] : memref<4096xf32, #tpu.memory_space<vmem>>[vector<16xi32>], vector<16xf32>,
    %add3A_1960 = arith.addf %add3A_1955, %gather3A_1959 : vector<16xf32>
    %add3A_1961 = arith.constant 3 : i32
    %add3A_1962 = vector.broadcast %add3A_1961 : i32 to vector<16xi32>
    %add3A_1963 = arith.addi %mul3A_1943, %add3A_1962 : vector<16xi32>
    %gather3A_1964 = tpu.vector_load_idx %arg14[%add3A_1963] : memref<4096xf32, #tpu.memory_space<vmem>>[vector<16xi32>], vector<16xf32>,
    %add3A_1965 = arith.addf %add3A_1960, %gather3A_1964 : vector<16xf32>
    %add3A_1966 = arith.constant 4 : i32
    %add3A_1967 = vector.broadcast %add3A_1966 : i32 to vector<16xi32>
    %add3A_1968 = arith.addi %mul3A_1943, %add3A_1967 : vector<16xi32>
    %gather3A_1969 = tpu.vector_load_idx %arg14[%add3A_1968] : memref<4096xf32, #tpu.memory_space<vmem>>[vector<16xi32>], vector<16xf32>,
    %add3A_1970 = arith.addf %add3A_1965, %gather3A_1969 : vector<16xf32>
    %add3A_1971 = arith.constant 5 : i32
    %add3A_1972 = vector.broadcast %add3A_1971 : i32 to vector<16xi32>
    %add3A_1973 = arith.addi %mul3A_1943, %add3A_1972 : vector<16xi32>
    %gather3A_1974 = tpu.vector_load_idx %arg14[%add3A_1973] : memref<4096xf32, #tpu.memory_space<vmem>>[vector<16xi32>], vector<16xf32>,
    %add3A_1975 = arith.addf %add3A_1970, %gather3A_1974 : vector<16xf32>
    %add3A_1976 = arith.constant 6 : i32
    %add3A_1977 = vector.broadcast %add3A_1976 : i32 to vector<16xi32>
    %add3A_1978 = arith.addi %mul3A_1943, %add3A_1977 : vector<16xi32>
    %gather3A_1979 = tpu.vector_load_idx %arg14[%add3A_1978] : memref<4096xf32, #tpu.memory_space<vmem>>[vector<16xi32>], vector<16xf32>,
    %add3A_1980 = arith.addf %add3A_1975, %gather3A_1979 : vector<16xf32>
    %add3A_1981 = arith.constant 7 : i32
    %add3A_1982 = vector.broadcast %add3A_1981 : i32 to vector<16xi32>
    %add3A_1983 = arith.addi %mul3A_1943, %add3A_1982 : vector<16xi32>
    %gather3A_1984 = tpu.vector_load_idx %arg14[%add3A_1983] : memref<4096xf32, #tpu.memory_space<vmem>>[vector<16xi32>], vector<16xf32>,
    %add3A_1985 = arith.addf %add3A_1980, %gather3A_1984 : vector<16xf32>
    %add3A_1986 = arith.constant 8 : i32
    %add3A_1987 = vector.broadcast %add3A_1986 : i32 to vector<16xi32>
    %add3A_1988 = arith.addi %mul3A_1943, %add3A_1987 : vector<16xi32>
    %gather3A_1989 = tpu.vector_load_idx %arg14[%add3A_1988] : memref<4096xf32, #tpu.memory_space<vmem>>[vector<16xi32>], vector<16xf32>,
    %add3A_1990 = arith.addf %add3A_1985, %gather3A_1989 : vector<16xf32>
    %add3A_1991 = arith.constant 9 : i32
    %add3A_1992 = vector.broadcast %add3A_1991 : i32 to vector<16xi32>
    %add3A_1993 = arith.addi %mul3A_1943, %add3A_1992 : vector<16xi32>
    %gather3A_1994 = tpu.vector_load_idx %arg14[%add3A_1993] : memref<4096xf32, #tpu.memory_space<vmem>>[vector<16xi32>], vector<16xf32>,
    %add3A_1995 = arith.addf %add3A_1990, %gather3A_1994 : vector<16xf32>
    %add3A_1996 = arith.constant 10 : i32
    %add3A_1997 = vector.broadcast %add3A_1996 : i32 to vector<16xi32>
    %add3A_1998 = arith.addi %mul3A_1943, %add3A_1997 : vector<16xi32>
    %gather3A_1999 = tpu.vector_load_idx %arg14[%add3A_1998] : memref<4096xf32, #tpu.memory_space<vmem>>[vector<16xi32>], vector<16xf32>,
    %add3A_2000 = arith.addf %add3A_1995, %gather3A_1999 : vector<16xf32>
    %add3A_2001 = arith.constant 11 : i32
    %add3A_2002 = vector.broadcast %add3A_2001 : i32 to vector<16xi32>
    %add3A_2003 = arith.addi %mul3A_1943, %add3A_2002 : vector<16xi32>
    %gather3A_2004 = tpu.vector_load_idx %arg14[%add3A_2003] : memref<4096xf32, #tpu.memory_space<vmem>>[vector<16xi32>], vector<16xf32>,
    %add3A_2005 = arith.addf %add3A_2000, %gather3A_2004 : vector<16xf32>
    %add3A_2006 = arith.constant 12 : i32
    %add3A_2007 = vector.broadcast %add3A_2006 : i32 to vector<16xi32>
    %add3A_2008 = arith.addi %mul3A_1943, %add3A_2007 : vector<16xi32>
    %gather3A_2009 = tpu.vector_load_idx %arg14[%add3A_2008] : memref<4096xf32, #tpu.memory_space<vmem>>[vector<16xi32>], vector<16xf32>,
    %add3A_2010 = arith.addf %add3A_2005, %gather3A_2009 : vector<16xf32>
    %add3A_2011 = arith.constant 13 : i32
    %add3A_2012 = vector.broadcast %add3A_2011 : i32 to vector<16xi32>
    %add3A_2013 = arith.addi %mul3A_1943, %add3A_2012 : vector<16xi32>
    %gather3A_2014 = tpu.vector_load_idx %arg14[%add3A_2013] : memref<4096xf32, #tpu.memory_space<vmem>>[vector<16xi32>], vector<16xf32>,
    %add3A_2015 = arith.addf %add3A_2010, %gather3A_2014 : vector<16xf32>
    %add3A_2016 = arith.constant 14 : i32
    %add3A_2017 = vector.broadcast %add3A_2016 : i32 to vector<16xi32>
    %add3A_2018 = arith.addi %mul3A_1943, %add3A_2017 : vector<16xi32>
    %gather3A_2019 = tpu.vector_load_idx %arg14[%add3A_2018] : memref<4096xf32, #tpu.memory_space<vmem>>[vector<16xi32>], vector<16xf32>,
    %add3A_2020 = arith.addf %add3A_2015, %gather3A_2019 : vector<16xf32>
    %add3A_2021 = arith.constant 15 : i32
    %add3A_2022 = vector.broadcast %add3A_2021 : i32 to vector<16xi32>
    %add3A_2023 = arith.addi %mul3A_1943, %add3A_2022 : vector<16xi32>
    %gather3A_2024 = tpu.vector_load_idx %arg14[%add3A_2023] : memref<4096xf32, #tpu.memory_space<vmem>>[vector<16xi32>], vector<16xf32>,
    %add3A_2025 = arith.addf %add3A_2020, %gather3A_2024 : vector<16xf32>
    %gather3A_2026 = tpu.vector_load_idx %arg15[%mul3A_1943] : memref<4096xf32, #tpu.memory_space<vmem>>[vector<16xi32>], vector<16xf32>,
    %bitcast3A_2027 = vector.bitcast %add3A_2025 : vector<16xf32> to vector<16xi32>
    %convert_element_type3A_2028 = arith.sitofp %bitcast3A_2027 : vector<16xi32> to vector<16xf32>
    %mul3A_2029 = arith.constant 8.26295832E-8 : f32
    %mul3A_2030 = vector.broadcast %mul3A_2029 : f32 to vector<16xf32>
    %mul3A_2031 = arith.mulf %convert_element_type3A_2028, %mul3A_2030 : vector<16xf32>
    %sub3A_2032 = arith.constant 87.9899673 : f32
    %sub3A_2033 = vector.broadcast %sub3A_2032 : f32 to vector<16xf32>
    %sub3A_2034 = arith.subf %mul3A_2031, %sub3A_2033 : vector<16xf32>
    %sub3A_2035 = arith.constant 1.000000e+00 : f32
    %sub3A_2036 = vector.broadcast %sub3A_2035 : f32 to vector<16xf32>
    %sub3A_2037 = arith.subf %sub3A_2034, %sub3A_2036 : vector<16xf32>
    %neg3A_2038 = arith.constant 0.000000e+00 : f32
    %neg3A_2039 = vector.broadcast %neg3A_2038 : f32 to vector<16xf32>
    %neg3A_2040 = arith.subf %neg3A_2039, %sub3A_2034 : vector<16xf32>
    %exp3A_2041 = math.exp %neg3A_2040 : vector<16xf32>
    %mul3A_2042 = arith.mulf %add3A_2025, %exp3A_2041 : vector<16xf32>
    %add3A_2043 = arith.addf %sub3A_2037, %mul3A_2042 : vector<16xf32>
    %sub3A_2044 = arith.constant 1.000000e+00 : f32
    %sub3A_2045 = vector.broadcast %sub3A_2044 : f32 to vector<16xf32>
    %sub3A_2046 = arith.subf %add3A_2043, %sub3A_2045 : vector<16xf32>
    %neg3A_2047 = arith.constant 0.000000e+00 : f32
    %neg3A_2048 = vector.broadcast %neg3A_2047 : f32 to vector<16xf32>
    %neg3A_2049 = arith.subf %neg3A_2048, %add3A_2043 : vector<16xf32>
    %exp3A_2050 = math.exp %neg3A_2049 : vector<16xf32>
    %mul3A_2051 = arith.mulf %add3A_2025, %exp3A_2050 : vector<16xf32>
    %add3A_2052 = arith.addf %sub3A_2046, %mul3A_2051 : vector<16xf32>
    %sub3A_2053 = arith.constant 1.000000e+00 : f32
    %sub3A_2054 = vector.broadcast %sub3A_2053 : f32 to vector<16xf32>
    %sub3A_2055 = arith.subf %add3A_2052, %sub3A_2054 : vector<16xf32>
    %neg3A_2056 = arith.constant 0.000000e+00 : f32
    %neg3A_2057 = vector.broadcast %neg3A_2056 : f32 to vector<16xf32>
    %neg3A_2058 = arith.subf %neg3A_2057, %add3A_2052 : vector<16xf32>
    %exp3A_2059 = math.exp %neg3A_2058 : vector<16xf32>
    %mul3A_2060 = arith.mulf %add3A_2025, %exp3A_2059 : vector<16xf32>
    %add3A_2061 = arith.addf %sub3A_2055, %mul3A_2060 : vector<16xf32>
    %sub3A_2062 = arith.subf %add3A_2061, %gather3A_2026 : vector<16xf32>
    %add3A_2063 = arith.addf %add3A_1937, %sub3A_2062 : vector<16xf32>
    %swap3A = arith.constant 0 : index
    %swap3A_2064 = tpu.vector_load %arg13[%swap3A] {strides = array<i32>} : memref<16xf32, #tpu.memory_space<vmem>>, vector<16xf32>,
    tpu.vector_store %arg13[%swap3A], %add3A_2063 {strides = array<i32>} : memref<16xf32, #tpu.memory_space<vmem>>, vector<16xf32>,
    %broadcast_in_dim3A_2065 = arith.constant 0.000000e+00 : f32
    %broadcast_in_dim3A_2066 = vector.broadcast %broadcast_in_dim3A_2065 : f32 to vector<16xf32>
    %broadcast_in_dim3A_2067 = arith.constant 0 : i32
    %broadcast_in_dim3A_2068 = vector.broadcast %broadcast_in_dim3A_2067 : i32 to vector<16xi32>
    %gather3A_2069 = tpu.vector_load_idx %arg13[%broadcast_in_dim3A_2068] : memref<16xf32, #tpu.memory_space<vmem>>[vector<16xi32>], vector<16xf32>,
    %add3A_2070 = arith.addf %broadcast_in_dim3A_2066, %gather3A_2069 : vector<16xf32>
    %broadcast_in_dim3A_2071 = arith.constant 1 : i32
    %broadcast_in_dim3A_2072 = vector.broadcast %broadcast_in_dim3A_2071 : i32 to vector<16xi32>
    %gather3A_2073 = tpu.vector_load_idx %arg13[%broadcast_in_dim3A_2072] : memref<16xf32, #tpu.memory_space<vmem>>[vector<16xi32>], vector<16xf32>,
    %add3A_2074 = arith.addf %add3A_2070, %gather3A_2073 : vector<16xf32>
    %broadcast_in_dim3A_2075 = arith.constant 2 : i32
    %broadcast_in_dim3A_2076 = vector.broadcast %broadcast_in_dim3A_2075 : i32 to vector<16xi32>
    %gather3A_2077 = tpu.vector_load_idx %arg13[%broadcast_in_dim3A_2076] : memref<16xf32, #tpu.memory_space<vmem>>[vector<16xi32>], vector<16xf32>,
    %add3A_2078 = arith.addf %add3A_2074, %gather3A_2077 : vector<16xf32>
    %broadcast_in_dim3A_2079 = arith.constant 3 : i32
    %broadcast_in_dim3A_2080 = vector.broadcast %broadcast_in_dim3A_2079 : i32 to vector<16xi32>
    %gather3A_2081 = tpu.vector_load_idx %arg13[%broadcast_in_dim3A_2080] : memref<16xf32, #tpu.memory_space<vmem>>[vector<16xi32>], vector<16xf32>,
    %add3A_2082 = arith.addf %add3A_2078, %gather3A_2081 : vector<16xf32>
    %broadcast_in_dim3A_2083 = arith.constant 4 : i32
    %broadcast_in_dim3A_2084 = vector.broadcast %broadcast_in_dim3A_2083 : i32 to vector<16xi32>
    %gather3A_2085 = tpu.vector_load_idx %arg13[%broadcast_in_dim3A_2084] : memref<16xf32, #tpu.memory_space<vmem>>[vector<16xi32>], vector<16xf32>,
    %add3A_2086 = arith.addf %add3A_2082, %gather3A_2085 : vector<16xf32>
    %broadcast_in_dim3A_2087 = arith.constant 5 : i32
    %broadcast_in_dim3A_2088 = vector.broadcast %broadcast_in_dim3A_2087 : i32 to vector<16xi32>
    %gather3A_2089 = tpu.vector_load_idx %arg13[%broadcast_in_dim3A_2088] : memref<16xf32, #tpu.memory_space<vmem>>[vector<16xi32>], vector<16xf32>,
    %add3A_2090 = arith.addf %add3A_2086, %gather3A_2089 : vector<16xf32>
    %broadcast_in_dim3A_2091 = arith.constant 6 : i32
    %broadcast_in_dim3A_2092 = vector.broadcast %broadcast_in_dim3A_2091 : i32 to vector<16xi32>
    %gather3A_2093 = tpu.vector_load_idx %arg13[%broadcast_in_dim3A_2092] : memref<16xf32, #tpu.memory_space<vmem>>[vector<16xi32>], vector<16xf32>,
    %add3A_2094 = arith.addf %add3A_2090, %gather3A_2093 : vector<16xf32>
    %broadcast_in_dim3A_2095 = arith.constant 7 : i32
    %broadcast_in_dim3A_2096 = vector.broadcast %broadcast_in_dim3A_2095 : i32 to vector<16xi32>
    %gather3A_2097 = tpu.vector_load_idx %arg13[%broadcast_in_dim3A_2096] : memref<16xf32, #tpu.memory_space<vmem>>[vector<16xi32>], vector<16xf32>,
    %add3A_2098 = arith.addf %add3A_2094, %gather3A_2097 : vector<16xf32>
    %broadcast_in_dim3A_2099 = arith.constant 8 : i32
    %broadcast_in_dim3A_2100 = vector.broadcast %broadcast_in_dim3A_2099 : i32 to vector<16xi32>
    %gather3A_2101 = tpu.vector_load_idx %arg13[%broadcast_in_dim3A_2100] : memref<16xf32, #tpu.memory_space<vmem>>[vector<16xi32>], vector<16xf32>,
    %add3A_2102 = arith.addf %add3A_2098, %gather3A_2101 : vector<16xf32>
    %broadcast_in_dim3A_2103 = arith.constant 9 : i32
    %broadcast_in_dim3A_2104 = vector.broadcast %broadcast_in_dim3A_2103 : i32 to vector<16xi32>
    %gather3A_2105 = tpu.vector_load_idx %arg13[%broadcast_in_dim3A_2104] : memref<16xf32, #tpu.memory_space<vmem>>[vector<16xi32>], vector<16xf32>,
    %add3A_2106 = arith.addf %add3A_2102, %gather3A_2105 : vector<16xf32>
    %broadcast_in_dim3A_2107 = arith.constant 10 : i32
    %broadcast_in_dim3A_2108 = vector.broadcast %broadcast_in_dim3A_2107 : i32 to vector<16xi32>
    %gather3A_2109 = tpu.vector_load_idx %arg13[%broadcast_in_dim3A_2108] : memref<16xf32, #tpu.memory_space<vmem>>[vector<16xi32>], vector<16xf32>,
    %add3A_2110 = arith.addf %add3A_2106, %gather3A_2109 : vector<16xf32>
    %broadcast_in_dim3A_2111 = arith.constant 11 : i32
    %broadcast_in_dim3A_2112 = vector.broadcast %broadcast_in_dim3A_2111 : i32 to vector<16xi32>
    %gather3A_2113 = tpu.vector_load_idx %arg13[%broadcast_in_dim3A_2112] : memref<16xf32, #tpu.memory_space<vmem>>[vector<16xi32>], vector<16xf32>,
    %add3A_2114 = arith.addf %add3A_2110, %gather3A_2113 : vector<16xf32>
    %broadcast_in_dim3A_2115 = arith.constant 12 : i32
    %broadcast_in_dim3A_2116 = vector.broadcast %broadcast_in_dim3A_2115 : i32 to vector<16xi32>
    %gather3A_2117 = tpu.vector_load_idx %arg13[%broadcast_in_dim3A_2116] : memref<16xf32, #tpu.memory_space<vmem>>[vector<16xi32>], vector<16xf32>,
    %add3A_2118 = arith.addf %add3A_2114, %gather3A_2117 : vector<16xf32>
    %broadcast_in_dim3A_2119 = arith.constant 13 : i32
    %broadcast_in_dim3A_2120 = vector.broadcast %broadcast_in_dim3A_2119 : i32 to vector<16xi32>
    %gather3A_2121 = tpu.vector_load_idx %arg13[%broadcast_in_dim3A_2120] : memref<16xf32, #tpu.memory_space<vmem>>[vector<16xi32>], vector<16xf32>,
    %add3A_2122 = arith.addf %add3A_2118, %gather3A_2121 : vector<16xf32>
    %broadcast_in_dim3A_2123 = arith.constant 14 : i32
    %broadcast_in_dim3A_2124 = vector.broadcast %broadcast_in_dim3A_2123 : i32 to vector<16xi32>
    %gather3A_2125 = tpu.vector_load_idx %arg13[%broadcast_in_dim3A_2124] : memref<16xf32, #tpu.memory_space<vmem>>[vector<16xi32>], vector<16xf32>,
    %add3A_2126 = arith.addf %add3A_2122, %gather3A_2125 : vector<16xf32>
    %broadcast_in_dim3A_2127 = arith.constant 15 : i32
    %broadcast_in_dim3A_2128 = vector.broadcast %broadcast_in_dim3A_2127 : i32 to vector<16xi32>
    %gather3A_2129 = tpu.vector_load_idx %arg13[%broadcast_in_dim3A_2128] : memref<16xf32, #tpu.memory_space<vmem>>[vector<16xi32>], vector<16xf32>,
    %add3A_2130 = arith.addf %add3A_2126, %gather3A_2129 : vector<16xf32>
    %swap3A_2131 = arith.constant 0 : index
    %swap3A_2132 = tpu.vector_load %arg13[%swap3A_2131] {strides = array<i32>} : memref<16xf32, #tpu.memory_space<vmem>>, vector<16xf32>,
    tpu.vector_store %arg13[%swap3A_2131], %add3A_2130 {strides = array<i32>} : memref<16xf32, #tpu.memory_space<vmem>>, vector<16xf32>,
    "tpu.region"() ({
      %run_scoped3A = tpu.sem_alloc : memref<!tpu.dma_semaphore, #tpu.memory_space<semaphore_mem>>
      %dma_start3A_2133 = arith.constant 0 : i32
      %dma_start3A_2134 = tpu.memref_slice %arg13[%dma_start3A_2133] : memref<16xf32, #tpu.memory_space<vmem>> -> memref<16xf32, #tpu.memory_space<vmem>>
      %dma_start3A_2135 = arith.constant 0 : i32
      %dma_start3A_2136 = tpu.memref_slice %arg6[%add3A, %dma_start3A_2135] : memref<32x16xf32, #tpu.memory_space<hbm>> -> memref<1x16xf32, #tpu.memory_space<hbm>>
      %dma_start3A_2137 = tpu.memref_squeeze %dma_start3A_2136 : memref<1x16xf32, #tpu.memory_space<hbm>> -> memref<16xf32, #tpu.memory_space<hbm>>
      %dma_start3A_2138 = arith.constant 0 : i32
      %dma_start3A_2139 = tpu.memref_slice %arg6[%add3A, %dma_start3A_2138] : memref<32x16xf32, #tpu.memory_space<hbm>> -> memref<1x16xf32, #tpu.memory_space<hbm>>
      %dma_start3A_2140 = tpu.memref_squeeze %dma_start3A_2139 : memref<1x16xf32, #tpu.memory_space<hbm>> -> memref<16xf32, #tpu.memory_space<hbm>>
      %dma_start3A_2141 = arith.constant 0 : i32
      %dma_start3A_2142 = tpu.memref_slice %arg13[%dma_start3A_2141] : memref<16xf32, #tpu.memory_space<vmem>> -> memref<16xf32, #tpu.memory_space<vmem>>
      tpu.enqueue_dma source(%dma_start3A_2142 : memref<16xf32, #tpu.memory_space<vmem>>) target(%dma_start3A_2140 : memref<16xf32, #tpu.memory_space<hbm>>) target_semaphore(%run_scoped3A : memref<!tpu.dma_semaphore, #tpu.memory_space<semaphore_mem>>)
      %dma_wait3A_2143 = arith.constant 0 : i32
      %dma_wait3A_2144 = tpu.memref_slice %arg13[%dma_wait3A_2143] : memref<16xf32, #tpu.memory_space<vmem>> -> memref<16xf32, #tpu.memory_space<vmem>>
      %dma_wait3A_2145 = arith.constant 0 : i32
      %dma_wait3A_2146 = tpu.memref_slice %arg6[%add3A, %dma_wait3A_2145] : memref<32x16xf32, #tpu.memory_space<hbm>> -> memref<1x16xf32, #tpu.memory_space<hbm>>
      %dma_wait3A_2147 = tpu.memref_squeeze %dma_wait3A_2146 : memref<1x16xf32, #tpu.memory_space<hbm>> -> memref<16xf32, #tpu.memory_space<hbm>>
      %dma_wait3A_2148 = arith.constant 0 : i32
      %dma_wait3A_2149 = tpu.memref_slice %arg6[%add3A, %dma_wait3A_2148] : memref<32x16xf32, #tpu.memory_space<hbm>> -> memref<1x16xf32, #tpu.memory_space<hbm>>
      %dma_wait3A_2150 = tpu.memref_squeeze %dma_wait3A_2149 : memref<1x16xf32, #tpu.memory_space<hbm>> -> memref<16xf32, #tpu.memory_space<hbm>>
      %dma_wait3A_2151 = arith.constant 0 : i32
      %dma_wait3A_2152 = tpu.memref_slice %arg13[%dma_wait3A_2151] : memref<16xf32, #tpu.memory_space<vmem>> -> memref<16xf32, #tpu.memory_space<vmem>>
      tpu.wait_dma2 semaphore(%run_scoped3A : memref<!tpu.dma_semaphore, #tpu.memory_space<semaphore_mem>>) src(%dma_wait3A_2152 : memref<16xf32, #tpu.memory_space<vmem>>) dst(%dma_wait3A_2150 : memref<16xf32, #tpu.memory_space<hbm>>)
      tpu.yield
    }) : () -> ()
    return
  }
}

</mosaic_0001>

<sc_bundles>
// kernel: kernel.3.cloned.1.call-start
scs
__scs_entry_jumppad:
0x0: {  	(pc) =	sbr.rel $0x88, $3  }
0x1: {  	(tag) =	ssettag $0x0;
	lr =	simm.s32 $0x1  }
0x2: {  	[smem:$0x3F9E] =	sst lr;
	_ =	strace $0xD0000000  }
0x3: {  	_ = 	snop  }
0x4: {  	_ = 	snop  }
0x5: {  	_ = 	snop  }
0x6: {  	_ = 	snop  }
0x7: {  	_ = 	snop  }
__scs_overlays_trampoline_lowered:
0x8: {  	[smem:$0x3FAD] =	sst s0  }
0x9: {  	[smem:$0x3FAE] =	sst s1  }
0xa: {  	[smem:$0x3FAF] =	sst s2  }
0xb: {  	[smem:$0x3FB0] =	sst s3  }
0xc: {  	[smem:$0x3FB1] =	sst s4  }
0xd: {  	[smem:$0x3FB2] =	sst s5  }
0xe: {  	[smem:$0x3FB3] =	sst s6  }
0xf: {  	[smem:$0x3FB4] =	sst s7  }
0x10: {  	[smem:$0x3FB5] =	sst s8  }
0x11: {  	[smem:$0x3FB6] =	sst s9;
	s0 =	simm.s32 @!p0 $0x0  }
0x12: {  	s1 =	sld [smem:$0x3F9C];
	s0 =	simm.s32 @p0 $0x1  }
0x13: {  	[smem:$0x3FB7] =	sst s0;
	s0 =	simm.s32 @!p1 $0x0  }
0x14: {  	s2 =	sld [smem:$0x3F9B];
	s0 =	simm.s32 @p1 $0x1  }
0x15: {  	[smem:$0x3FB8] =	sst s0;
	s0 =	simm.s32 @!p2 $0x0  }
0x16: {  	s3 =	sld [smem:$0x3FDB];
	s0 =	simm.s32 @p2 $0x1  }
0x17: {  	s4 =	simm.s32 $0x1BF5;
	[smem:$0x3FBA] =	sst s0  }
0x18: {  	s0 =	sld [smem:$0x3F9D];
	_ =	swait.ge [sflag:s4], $0x0  }
0x19: {  	s7 =	sld [smem:$0x3F9E]  }
0x1a: {  	s8 =	sadd.s32 $0xFFFFE003, lr  }
0x1b: {  	s9 =	sadd.s32 $0xFFFFFEF7, lr;
	s5 =	simm.s32 $0xFFFFFFFF;
	p2 =	slt.u32 s8, $0xFFFFF086  }
0x1c: {  	p1 =	slt.u32 s9, $0xF7A;
	s5 =	simm.s32 @!p2 $0x0  }
0x1d: {  	s5 =	simm.s32 @p1 $0x1;
	p0 =	seq.s32 s7, s2  }
0x1e: {  	s7 =	smul.u32 @!p0 $0xF7A, s2;
	p2 =	seq.s32 @!p0 s5, $0x0  }
0x1f: {  	s9 =	smul.u32 $0xF7A, s1;
	s8 =	simm.s32 @!p0 $0x1BF5;
	p2 =	por !p2, p0  }
0x20: {  	[sflag:s8] =	ssyncset.s32 @!p0 $0xFFFFF086;
	s6 =	sadd.s32 @!p0 s3, s7;
	s7 =	simm.s32 @!p0 $0x108  }
0x21: {  	s3 =	sadd.s32 s3, s9;
	s6 =	sadd.s32 @!p0 $0x88, s6;
	s7 =	simm.s32 @p2 $0x1082  }
0x22: {  	[simem:s7], [sflag:s8] =	dma.local @!p0 [hbm:s6], $0xF7A  }
0x23: {  	s9 =	sor.u32 $0xD0000000, s2;
	s6 =	simm.s32 $0x108;
	_ =	swait.ge @!p0 [sflag:s8], $0x0  }
0x24: {  	s3 =	sadd.s32 $0x88, s3;
	s6 =	simm.s32 @!p1 $0x1082;
	[sflag:s4] =	ssyncset.s32 $0xFFFFF086  }
0x25: {  	[simem:s6], [sflag:s4] =	dma.local [hbm:s3], $0xF7A  }
0x26: {  	[smem:$0x3F9E] =	sst s1;
	(tag) =	ssettag s2;
	_ =	strace s9  }
0x27: {  	s1 =	sld [smem:$0x3FAE]  }
0x28: {  	s2 =	sld [smem:$0x3FAF]  }
0x29: {  	s4 =	sld [smem:$0x3FB1]  }
0x2a: {  	p0 =	seq.s32 s5, $0x0;
	s5 =	sld [smem:$0x3FB2]  }
0x2b: {  	s6 =	sld [smem:$0x3FB3]  }
0x2c: {  	s7 =	sld [smem:$0x3FB4]  }
0x2d: {  	s3 =	simm.s32 $0x108;
	s8 =	sld [smem:$0x3FB5]  }
0x2e: {  	s3 =	simm.s32 @!p0 $0x1082;
	s9 =	sld [smem:$0x3FB6]  }
0x2f: {  	lr =	sadd.s32 s0, s3;
	s0 =	sld [smem:$0x3FAD]  }
0x30: {  	s3 =	sld [smem:$0x3FB0]  }
0x31: {  	[smem:$0x3FB9] =	sst s10  }
0x32: {  	s10 =	sld [smem:$0x3FB7];
	_ =	sdelay $0x3  }
0x33: {  	p0 =	seq.s32 s10, $0x1;
	s10 =	sld [smem:$0x3FB9];
	_ =	sdelay $0x3  }
0x34: {  	[smem:$0x3FB9] =	sst s10  }
0x35: {  	s10 =	sld [smem:$0x3FB8];
	_ =	sdelay $0x3  }
0x36: {  	p1 =	seq.s32 s10, $0x1;
	s10 =	sld [smem:$0x3FB9];
	_ =	sdelay $0x3  }
0x37: {  	[smem:$0x3FB9] =	sst s10  }
0x38: {  	s10 =	sld [smem:$0x3FBA]  }
0x39: {  	_ = 	snop;
	(pc) =	sbr.ind lr, $3  }
0x3a: {  	_ = 	snop  }
0x3b: {  	_ = 	snop  }
0x3c: {  	p2 =	seq.s32 s10, $0x1;
	s10 =	sld [smem:$0x3FB9]  }
0x3d: {  	_ =	shalt  }
0x3e: {  	_ =	shalt  }
0x3f: {  	_ =	shalt  }
0x40: {  	_ =	shalt  }
0x41: {  	_ =	shalt  }
0x42: {  	_ =	shalt  }
0x43: {  	_ =	shalt  }
0x44: {  	_ =	shalt  }
0x45: {  	_ =	shalt  }
0x46: {  	_ =	shalt  }
0x47: {  	_ =	shalt  }
0x48: {  	_ =	shalt  }
0x49: {  	_ =	shalt  }
0x4a: {  	_ =	shalt  }
0x4b: {  	_ =	shalt  }
0x4c: {  	_ =	shalt  }
0x4d: {  	_ =	shalt  }
0x4e: {  	_ =	shalt  }
0x4f: {  	_ =	shalt  }
0x50: {  	_ =	shalt  }
0x51: {  	_ =	shalt  }
0x52: {  	_ =	shalt  }
0x53: {  	_ =	shalt  }
0x54: {  	_ =	shalt  }
0x55: {  	_ =	shalt  }
0x56: {  	_ =	shalt  }
0x57: {  	_ =	shalt  }
0x58: {  	_ =	shalt  }
0x59: {  	_ =	shalt  }
0x5a: {  	_ =	shalt  }
0x5b: {  	_ =	shalt  }
0x5c: {  	_ =	shalt  }
0x5d: {  	_ =	shalt  }
0x5e: {  	_ =	shalt  }
0x5f: {  	_ =	shalt  }
0x60: {  	_ =	shalt  }
0x61: {  	_ =	shalt  }
0x62: {  	_ =	shalt  }
0x63: {  	_ =	shalt  }
0x64: {  	_ =	shalt  }
0x65: {  	_ =	shalt  }
0x66: {  	_ =	shalt  }
0x67: {  	_ =	shalt  }
0x68: {  	_ =	shalt  }
0x69: {  	_ =	shalt  }
0x6a: {  	_ =	shalt  }
0x6b: {  	_ =	shalt  }
0x6c: {  	_ =	shalt  }
0x6d: {  	_ =	shalt  }
0x6e: {  	_ =	shalt  }
0x6f: {  	_ =	shalt  }
0x70: {  	_ =	shalt  }
0x71: {  	_ =	shalt  }
0x72: {  	_ =	shalt  }
0x73: {  	_ =	shalt  }
0x74: {  	_ =	shalt  }
0x75: {  	_ =	shalt  }
0x76: {  	_ =	shalt  }
0x77: {  	_ =	shalt  }
0x78: {  	_ =	shalt  }
0x79: {  	_ =	shalt  }
0x7a: {  	_ =	shalt  }
0x7b: {  	_ =	shalt  }
0x7c: {  	_ =	shalt  }
0x7d: {  	_ =	shalt  }
0x7e: {  	_ =	shalt  }
0x7f: {  	_ =	shalt  }
0x80: {  	_ =	shalt  }
0x81: {  	_ =	shalt  }
0x82: {  	_ =	shalt  }
0x83: {  	_ =	shalt  }
0x84: {  	_ =	shalt  }
0x85: {  	_ =	shalt  }
0x86: {  	_ =	shalt  }
0x87: {  	_ =	shalt  }
.Lfunc_end0:
.L_simem_size_0:
called_computation_lowered:
.L_overlay_start_0:
0x88: {  	s2 =	sld [smem:$0x3FD9]  }
0x89: {  	s3 =	sld [smem:$0x3FFE];
	_ =	sdelay $0x1  }
0x8a: {  	s1 =	srdreg.scid  }
0x8b: {  	s0 =	sand.u32 $0x1, s1  }
0x8c: {  	s14 =	sshll.u32 s0, $0xA;
	s2 =	sadd.s32 s3, s2  }
0x8d: {  	s2 =	sadd.s32 s2, s14  }
0x8e: {  	[smem:$0x3FC5] =	sst s2  }
0x8f: {  	_ = 	snop  }
0x90: {  	s2 =	sld [smem:$0x3FD0];
	_ =	sdelay $0x2  }
0x91: {  	s4 =	simm.s32 $0xA;
	s5 =	simm.s32 $0x10;
	s15 =	sld [smem:$0x3FC7]  }
0x92: {  	[smem:s5], [sflag:s4] =	dma.local [hbm:s2], $0x1  }
0x93: {  	_ =	swait.eq [sflag:s4], $0x1  }
0x94: {  	[sflag:s4] =	ssyncset.done $0x0  }
0x95: {  	[sflag:s4] =	ssyncadd.s32 $0xFFFFFFFF  }
0x96: {  	s16 =	sld [smem:$0x10];
	(tm) =	ssettm $0x1  }
0x97: {  	s17 =	sld [smem:$0x3FFB];
	_ =	sdelay $0x3  }
0x98: {  	_ =	strace s17  }
0x99: {  	s4 =	sld [smem:$0x3FFC];
	_ =	sdelay $0x3  }
0x9a: {  	_ =	strace s4  }
0x9b: {  	s4 =	sld [smem:$0x3FFD];
	_ =	sdelay $0x3  }
0x9c: {  	_ =	strace s4  }
0x9d: {  	_ =	strace $0x8FFFFFFF  }
0x9e: {  	s18 =	sld [smem:$0x3FDB];
	_ =	sdelay $0x1  }
0x9f: {  	s19 =	simm.s32 $_scs_section_size  }
0xa0: {  	s6 =	simm.s32 $_size__tile_overlayer_lowered;
	s7 =	simm.s32 $_tile_overlayer_lowered  }
0xa1: {  	s22 =	simm.s32 $0x1BFF;
	s21 =	sshll.u32 s7, $0x1;
	s4 =	sadd.s32 s19, s18  }
0xa2: {  	s8 =	simm.s32 $0x0;
	s20 =	sshll.u32 s6, $0x1;
	s6 =	sadd.s32 s21, s4  }
0xa3: {  	[timem:s8], [sflag:s22] =	dma.local [hbm:s6], s20  }
0xa4: {  	_ =	swait.ge [sflag:s22], s20  }
0xa5: {  	s5 =	ssub.s32 $0x0, s20;
	[sflag:s22] =	ssyncset.done $0x0  }
0xa6: {  	[sflag:s22] =	ssyncadd.s32 s5;
	_ =	sdelay $0x1  }
0xa7: {  	s23 =	simm.s32 $0x1B8B  }
0xa8: {  	_ =	swait.ge [sflag:s23], $0x1  }
0xa9: {  	[sflag:s23] =	ssyncset.done $0x0  }
0xaa: {  	s25 =	simm.s32 $0x1B8E;
	s24 =	sld [smem:$0x3FFE];
	[sflag:s23] =	ssyncadd.s32 $0xFFFFFFFF  }
0xab: {  	s26 =	simm.s32 $execute0_lowered;
	[smem:$0x3FD2] =	sst s25  }
0xac: {  	s6 =	sshll.u32 s26, $0x1;
	_ =	strace $0x80000046;
	[dreg:$0x1] =	wrdreg $0xFFFFFFFF  }
0xad: {  	s28 =	simm.s32 $_size_execute0_lowered;
	s4 =	sadd.s32 s4, s6;
	[dreg:$0x0] =	wrdreg $0x0  }
0xae: {  	s6 =	sshll.u32 s28, $0x1;
	[dreg:$0x2] =	wrdreg s4  }
0xaf: {  	[dreg:$0x3] =	wrdreg s6  }
0xb0: {  	[dreg:$0x4] =	wrdreg $0xC0  }
0xb1: {  	_ =	task [dreg:s8], $0x5FFFF  }
0xb2: {  	[dreg:$0x1] =	wrdreg $0xFFFFFFFF  }
0xb3: {  	[dreg:$0x0] =	wrdreg $0x60  }
0xb4: {  	[dreg:$0x2] =	wrdreg s15  }
0xb5: {  	[dreg:$0x3] =	wrdreg s24  }
0xb6: {  	[dreg:$0x4] =	wrdreg s16  }
0xb7: {  	[dreg:$0x5] =	wrdreg $0x9  }
0xb8: {  	_ =	task.clear_ibuf [dreg:s8], $0x6FFFF;
	_ =	strace $0x90000046  }
0xb9: {  	s29 =	simm.s32 $0x9;
	_ =	strace $0x80000048  }
0xba: {  	_ =	swait.ge [sflag:s29], $0x1  }
0xbb: {  	[sflag:s29] =	ssyncadd.s32 $0xFFFFFFFF  }
0xbc: {  	_ =	strace $0x90000048  }
0xbd: {  	_ =	sfence  }
0xbe: {  	s30 =	sld [smem:$0x0];
	_ =	sdelay $0x2  }
0xbf: {  	s31 =	sshll.u32 s1, $0xD;
	s1 =	sshrl.u32 s1, $0x2  }
0xc0: {  	s3 =	sand.u32 $0x4000, s31;
	s1 =	sadd.s32 s1, s30  }
0xc1: {  	s0 =	sor.u32 s3, s0;
	s1 =	sshll.u32 s1, $0x11  }
0xc2: {  	s0 =	sor.u32 s1, s0  }
0xc3: {  	s0 =	sadd.s32 $0x8F2B, s0  }
0xc4: {  	[sflag:s0] =	ssyncadd.remote.s32 $0x1  }
0xc5: {  	_ =	sfence.sel $0xFFFF  }
0xc6: {  	[dreg:$0x0] =	wrdreg $0xFFFFFFFF;
	(pc) =	sbr.abs _section_cstart, $3  }
0xc7: {  	[dreg:$0x1] =	wrdreg $0xFFFFFFFF  }
0xc8: {  	_ =	task.clear_ibuf [dreg:s8], $0x2FFFF;
	_ =	strace $0x9FFFFFFF  }
0xc9: {  	(tm) =	ssettm $0x7FFFFFFF  }
tec
execute0_lowered:
.L_overlay_start_1:
0x0: {  	(tag) =	ssettag $0x1  }
0x1: {  	s1 =	rddreg [dreg:$0x0]  }
0x2: {  	s0 =	rddreg [dreg:$0x1];
	s2 =	srdreg.scid  }
0x3: {  	s3 =	stileid.u32;
	s15 =	rddreg [dreg:$0x2];
	s23 =	simm.s32 $0x0  }
0x4: {  	s21 =	simm.s32 $0x4000;
	s31 =	simm.s32 $0x8100;
	s29 =	simm.s32 $0xC100  }
0x5: {  	s28 =	simm.s32 $0x1;
	s30 =	simm.s32 $0x10100;
	s18 =	simm.s32 $0x400  }
0x6: {  	s19 =	simm.s32 $0x2;
	s20 =	simm.s32 $0x3;
	s2 =	sand.u32 $0x1, s2  }
0x7: {  	s3 =	sshll.u32 s3, $0x1;
	[smem:$0x7FF] =	sst s23;
	s9 =	sadd.s32 $0x800, s1  }
0x8: {  	s10 =	sadd.s32 $0xC00, s1;
	s11 =	sadd.s32 $0x1000, s1;
	s12 =	sadd.s32 $0x1400, s1  }
0x9: {  	s13 =	sadd.s32 $0x1800, s1;
	s14 =	sadd.s32 $0x1C00, s1;
	s25 =	sadd.s32 $0x20, s15  }
0xa: {  	s16 =	sadd.s32 $0x40, s15;
	s17 =	sadd.s32 $0x60, s15;
	s3 =	sor.u32 s2, s3  }
0xb: {  	_ =	strace $0x80000047;
	s2 =	ssub.s32 $0x2, s2;
	[dreg:$0x6] =	wrdreg s25  }
0xc: {  	s4 =	sshll.u32 s3, $0xB;
	s5 =	sshll.u32 s3, $0x5;
	s6 =	sshll.u32 s3, $0x4  }
0xd: {  	s7 =	sshrl.u32 s2, $0x1;
	s4 =	sadd.s32 s4, s0;
	s8 =	sadd.s32 s5, s0  }
0xe: {  	s0 =	sadd.s32 s6, s0;
	s2 =	ssub.s32 s2, s7;
	s5 =	sshll.u32 s3, $0x8  }
0xf: {  	s7 =	simm.s32 $0x100;
	s3 =	simm.s32 $0x14180;
	s22 =	sadd.s32 $0x800, s4  }
0x10: {  	s6 =	simm.s32 $0x0;
	s24 =	sadd.s32 $0x400, s8;
	[dreg:$0x4] =	wrdreg s22  }
0x11: {  	v0 =	vlaneseq.u32;
	s8 =	sadd.s32 $0x400, s1;
	s0 =	sadd.s32 $0x10800, s0;
	[dreg:$0x5] =	wrdreg s24  }
0x12: {  	v2 =	vshrl.u32 v0, $0x1;
	s26 =	smax.u32 s2, $0x1;
	s2 =	simm.s32 $0x9;
	[dreg:$0x7] =	wrdreg s0  }
0x13: {  	vm0 =	vmmov $0xffff;
	v41 =	vand.u32 $0x1, v0;
	v2 =	vmul.u32 $0x8, v2;
	s4 =	simm.s32 $0x4;
	[dreg:$0x8] =	wrdreg s26;
	s22 =	simm.s32 $0x4100  }
.LBB2_1:
0x14: {  	[dreg:$0x9] =	wrdreg s6  }
0x15: {  	s0 =	rddreg [dreg:$0x4]  }
0x16: {  	[tilespmem:s23], [sflag:$0x9] =	stream.linear.gather [hbm4b:s0+s23], $0x4000, $0x38;
	[tilespmem:$0x16180] =	vst v63  }
0x17: {  	_ =	swait.ge [sflag:s2], $0x4000  }
0x18: {  	[sflag:s2] =	ssyncset.done $0x0  }
0x19: {  	s15 =	rddreg [dreg:$0x5];
	[sflag:s2] =	ssyncadd.s32 $0xFFFFC000  }
0x1a: {  	[tilespmem:s21], [sflag:$0x9] =	stream.linear.gather [hbm4b:s15+s23], $0x100, $0x38;
	[tilespmem:$0x16180] =	vst v63  }
0x1b: {  	_ =	swait.ge [sflag:s2], $0x100  }
0x1c: {  	[sflag:s2] =	ssyncset.done $0x0  }
0x1d: {  	[sflag:s2] =	ssyncadd.s32 $0xFFFFFF00  }
0x1e: {  	v3 =	vld.msk [tilespmem:$0x0], $0x3;
	_ =	sdelay $0x4  }
0x1f: {  	v4 =	vshll.u32 v3, $0x6  }
0x20: {  	v3 =	vand.u32 $0x7, v3;
	v4 =	vand.u32 $0xFFFFFE00, v4  }
0x21: {  	v3 =	vor.u32 v3, v4  }
0x22: {  	v3 =	vperm.xlane v3, v41;
	_ =	sdelay $0x1  }
0x23: {  	v3 =	vadd.s32 v2, v3;
	_ =	sdelay $0x4  }
0x24: {  	[tilespmem:s22], [sflag:$0x1] =	stream.indirect_vreg.gather [hbm4b:s1+s23], $0x80, v3, vm0, $0xb8;
	[tilespmem:$0x16180] =	vst v63  }
0x25: {  	s24 =	simm.s32 $0x4900  }
0x26: {  	[tilespmem:s24], [sflag:$0x1] =	stream.indirect_vreg.gather [hbm4b:s8+s23], $0x80, v3, vm0, $0xb8;
	[tilespmem:$0x16180] =	vst v63  }
0x27: {  	s25 =	simm.s32 $0x5100  }
0x28: {  	[tilespmem:s25], [sflag:$0x1] =	stream.indirect_vreg.gather [hbm4b:s9+s23], $0x80, v3, vm0, $0xb8;
	[tilespmem:$0x16180] =	vst v63  }
0x29: {  	s26 =	simm.s32 $0x5900  }
0x2a: {  	[tilespmem:s26], [sflag:$0x1] =	stream.indirect_vreg.gather [hbm4b:s10+s23], $0x80, v3, vm0, $0xb8;
	[tilespmem:$0x16180] =	vst v63  }
0x2b: {  	s2 =	simm.s32 $0x6100  }
0x2c: {  	[tilespmem:s2], [sflag:$0x1] =	stream.indirect_vreg.gather [hbm4b:s11+s23], $0x80, v3, vm0, $0xb8;
	[tilespmem:$0x16180] =	vst v63  }
0x2d: {  	s6 =	simm.s32 $0x6900  }
0x2e: {  	[tilespmem:s6], [sflag:$0x1] =	stream.indirect_vreg.gather [hbm4b:s12+s23], $0x80, v3, vm0, $0xb8;
	[tilespmem:$0x16180] =	vst v63  }
0x2f: {  	s15 =	simm.s32 $0x7100  }
0x30: {  	[tilespmem:s15], [sflag:$0x1] =	stream.indirect_vreg.gather [hbm4b:s13+s23], $0x80, v3, vm0, $0xb8;
	[tilespmem:$0x16180] =	vst v63  }
0x31: {  	s24 =	simm.s32 $0x7900  }
0x32: {  	[tilespmem:s24], [sflag:$0x1] =	stream.indirect_vreg.gather [hbm4b:s14+s23], $0x80, v3, vm0, $0xb8;
	[tilespmem:$0x16180] =	vst v63  }
0x33: {  	v3 =	vld.msk [tilespmem:$0x80], $0x3;
	_ =	sdelay $0x4  }
0x34: {  	v62 =	vshll.u32 v3, $0x6  }
0x35: {  	v3 =	vand.u32 $0x7, v3;
	v4 =	vand.u32 $0xFFFFFE00, v62  }
0x36: {  	v3 =	vor.u32 v3, v4  }
0x37: {  	v3 =	vperm.xlane v3, v41;
	_ =	sdelay $0x1  }
0x38: {  	v3 =	vadd.s32 v2, v3;
	_ =	sdelay $0x4  }
0x39: {  	[tilespmem:s31], [sflag:$0x2] =	stream.indirect_vreg.gather [hbm4b:s1+s23], $0x80, v3, vm0, $0xb8;
	[tilespmem:$0x16180] =	vst v63  }
0x3a: {  	s25 =	simm.s32 $0x8900  }
0x3b: {  	[tilespmem:s25], [sflag:$0x2] =	stream.indirect_vreg.gather [hbm4b:s8+s23], $0x80, v3, vm0, $0xb8;
	[tilespmem:$0x16180] =	vst v63  }
0x3c: {  	s26 =	simm.s32 $0x9100  }
0x3d: {  	[tilespmem:s26], [sflag:$0x2] =	stream.indirect_vreg.gather [hbm4b:s9+s23], $0x80, v3, vm0, $0xb8;
	[tilespmem:$0x16180] =	vst v63  }
0x3e: {  	s2 =	simm.s32 $0x9900  }
0x3f: {  	[tilespmem:s2], [sflag:$0x2] =	stream.indirect_vreg.gather [hbm4b:s10+s23], $0x80, v3, vm0, $0xb8;
	[tilespmem:$0x16180] =	vst v63  }
0x40: {  	s6 =	simm.s32 $0xA100  }
0x41: {  	[tilespmem:s6], [sflag:$0x2] =	stream.indirect_vreg.gather [hbm4b:s11+s23], $0x80, v3, vm0, $0xb8;
	[tilespmem:$0x16180] =	vst v63  }
0x42: {  	s15 =	simm.s32 $0xA900  }
0x43: {  	[tilespmem:s15], [sflag:$0x2] =	stream.indirect_vreg.gather [hbm4b:s12+s23], $0x80, v3, vm0, $0xb8;
	[tilespmem:$0x16180] =	vst v63  }
0x44: {  	s24 =	simm.s32 $0xB100  }
0x45: {  	[tilespmem:s24], [sflag:$0x2] =	stream.indirect_vreg.gather [hbm4b:s13+s23], $0x80, v3, vm0, $0xb8;
	[tilespmem:$0x16180] =	vst v63  }
0x46: {  	s25 =	simm.s32 $0xB900  }
0x47: {  	[tilespmem:s25], [sflag:$0x2] =	stream.indirect_vreg.gather [hbm4b:s14+s23], $0x80, v3, vm0, $0xb8;
	[tilespmem:$0x16180] =	vst v63  }
0x48: {  	v3 =	vld.msk [tilespmem:$0x100], $0x3;
	_ =	sdelay $0x4  }
0x49: {  	v63 =	vshll.u32 v3, $0x6  }
0x4a: {  	v3 =	vand.u32 $0x7, v3;
	v4 =	vand.u32 $0xFFFFFE00, v63  }
0x4b: {  	v3 =	vor.u32 v3, v4  }
0x4c: {  	v3 =	vperm.xlane v3, v41;
	_ =	sdelay $0x1  }
0x4d: {  	v3 =	vadd.s32 v2, v3;
	_ =	sdelay $0x4  }
0x4e: {  	[tilespmem:s29], [sflag:$0x3] =	stream.indirect_vreg.gather [hbm4b:s1+s23], $0x80, v3, vm0, $0xb8;
	[tilespmem:$0x16180] =	vst v63  }
0x4f: {  	s26 =	simm.s32 $0xC900  }
0x50: {  	[tilespmem:s26], [sflag:$0x3] =	stream.indirect_vreg.gather [hbm4b:s8+s23], $0x80, v3, vm0, $0xb8;
	[tilespmem:$0x16180] =	vst v63  }
0x51: {  	s2 =	simm.s32 $0xD100  }
0x52: {  	[tilespmem:s2], [sflag:$0x3] =	stream.indirect_vreg.gather [hbm4b:s9+s23], $0x80, v3, vm0, $0xb8;
	[tilespmem:$0x16180] =	vst v63  }
0x53: {  	s6 =	simm.s32 $0xD900  }
0x54: {  	[tilespmem:s6], [sflag:$0x3] =	stream.indirect_vreg.gather [hbm4b:s10+s23], $0x80, v3, vm0, $0xb8;
	[tilespmem:$0x16180] =	vst v63  }
0x55: {  	s15 =	simm.s32 $0xE100  }
0x56: {  	[tilespmem:s15], [sflag:$0x3] =	stream.indirect_vreg.gather [hbm4b:s11+s23], $0x80, v3, vm0, $0xb8;
	[tilespmem:$0x16180] =	vst v63  }
0x57: {  	s24 =	simm.s32 $0xE900  }
0x58: {  	[tilespmem:s24], [sflag:$0x3] =	stream.indirect_vreg.gather [hbm4b:s12+s23], $0x80, v3, vm0, $0xb8;
	[tilespmem:$0x16180] =	vst v63  }
0x59: {  	s25 =	simm.s32 $0xF100  }
0x5a: {  	[tilespmem:s25], [sflag:$0x3] =	stream.indirect_vreg.gather [hbm4b:s13+s23], $0x80, v3, vm0, $0xb8;
	[tilespmem:$0x16180] =	vst v63  }
0x5b: {  	s26 =	simm.s32 $0xF900;
	s2 =	simm.s32 $0x0  }
0x5c: {  	[tilespmem:s26], [sflag:$0x3] =	stream.indirect_vreg.gather [hbm4b:s14+s23], $0x80, v3, vm0, $0xb8;
	[tilespmem:$0x16180] =	vst v63  }
.LBB2_2:
0x5d: {  	_ =	swait.ge [sflag:s28], $0x4000  }
0x5e: {  	p0 =	seq.s32 s2, $0x0;
	[sflag:s28] =	ssyncset.done $0x0  }
0x5f: {  	s0 =	simm.s32 @!p0 $0x8;
	[sflag:s28] =	ssyncadd.s32 $0xFFFFC000  }
0x60: {  	s23 =	sshllo.u32 s2, $0x2;
	_ =	swait.ge @!p0 [sflag:s0], $0x4000  }
0x61: {  	s6 =	sshll.u32 s23, $0x7;
	[sflag:s0] =	ssyncset.done @!p0 $0x0  }
0x62: {  	s6 =	sand.u32 $0x3FFFFF80, s6;
	[sflag:s0] =	ssyncadd.s32 @!p0 $0xFFFFC000  }
0x63: {  	v3 =	vld.msk [tilespmem:s6+$0x0], $0x3;
	_ =	sdelay $0x4  }
0x64: {  	v4 =	vshll.u32 v3, $0x6  }
0x65: {  	v3 =	vand.u32 $0x7, v3;
	v4 =	vand.u32 $0xFFFFFE00, v4  }
0x66: {  	v3 =	vor.u32 v3, v4  }
0x67: {  	v3 =	vperm.xlane v3, v41;
	_ =	sdelay $0x1  }
0x68: {  	v3 =	vadd.s32 v2, v3;
	_ =	sdelay $0x3  }
0x69: {  	s0 =	simm.s32 $0x0  }
0x6a: {  	[tilespmem:s30], [sflag:$0x4] =	stream.indirect_vreg.gather [hbm4b:s1+s0], $0x80, v3, vm0, $0xb8;
	[tilespmem:$0x16180] =	vst v63  }
0x6b: {  	s15 =	simm.s32 $0x10900  }
0x6c: {  	[tilespmem:s15], [sflag:$0x4] =	stream.indirect_vreg.gather [hbm4b:s8+s0], $0x80, v3, vm0, $0xb8;
	[tilespmem:$0x16180] =	vst v63  }
0x6d: {  	s24 =	simm.s32 $0x11100  }
0x6e: {  	[tilespmem:s24], [sflag:$0x4] =	stream.indirect_vreg.gather [hbm4b:s9+s0], $0x80, v3, vm0, $0xb8;
	[tilespmem:$0x16180] =	vst v63  }
0x6f: {  	s25 =	simm.s32 $0x11900  }
0x70: {  	[tilespmem:s25], [sflag:$0x4] =	stream.indirect_vreg.gather [hbm4b:s10+s0], $0x80, v3, vm0, $0xb8;
	[tilespmem:$0x16180] =	vst v63  }
0x71: {  	s26 =	simm.s32 $0x12100  }
0x72: {  	[tilespmem:s26], [sflag:$0x4] =	stream.indirect_vreg.gather [hbm4b:s11+s0], $0x80, v3, vm0, $0xb8;
	[tilespmem:$0x16180] =	vst v63  }
0x73: {  	s15 =	simm.s32 $0x12900  }
0x74: {  	[tilespmem:s15], [sflag:$0x4] =	stream.indirect_vreg.gather [hbm4b:s12+s0], $0x80, v3, vm0, $0xb8;
	[tilespmem:$0x16180] =	vst v63  }
0x75: {  	s24 =	simm.s32 $0x13100  }
0x76: {  	[tilespmem:s24], [sflag:$0x4] =	stream.indirect_vreg.gather [hbm4b:s13+s0], $0x80, v3, vm0, $0xb8;
	[tilespmem:$0x16180] =	vst v63  }
0x77: {  	s24 =	sshll.u32 s2, $0x3  }
0x78: {  	s25 =	simm.s32 $0x13900;
	s26 =	sadd.s32 s5, s24  }
0x79: {  	[tilespmem:s25], [sflag:$0x4] =	stream.indirect_vreg.gather [hbm4b:s14+s0], $0x80, v3, vm0, $0xb8;
	[tilespmem:$0x16180] =	vst v63  }
0x7a: {  	s6 =	rddreg [dreg:$0x2];
	s25 =	sshll.u32 s26, $0xA  }
0x7b: {  	s15 =	simm.s32 $0x0;
	s0 =	sadd.s32 s6, s25  }
0x7c: {  	[hbm4b:s0+s7] =	stream.strided.scatter [tilespmem:s22], [sflag:$0x5], $0x4000, s18, s7, $0x38;
	[tilespmem:$0x16180] =	vst v63  }
0x7d: {  	v3 =	vld [tilespmem:s15+$0x4160]  }
0x7e: {  	v4 =	vld [tilespmem:s15+$0x4130]  }
0x7f: {  	v5 =	vld [tilespmem:s15+$0x4220]  }
0x80: {  	v6 =	vld [tilespmem:s15+$0x4120]  }
0x81: {  	v7 =	vld [tilespmem:s15+$0x4150]  }
0x82: {  	v8 =	vld [tilespmem:s15+$0x4170]  }
0x83: {  	v9 =	vld [tilespmem:s15+$0x4250]  }
0x84: {  	v10 =	vld [tilespmem:s15+$0x4100]  }
0x85: {  	v11 =	vld [tilespmem:s15+$0x4110]  }
0x86: {  	v12 =	vld [tilespmem:s15+$0x4140]  }
0x87: {  	v13 =	vld [tilespmem:s15+$0x4230]  }
0x88: {  	v14 =	vld [tilespmem:s15+$0x4200]  }
0x89: {  	v15 =	vld [tilespmem:s15+$0x4260];
	v5 =	vmul.f32 $1.442695020e+00, v5;
	v4 =	vmul.f32 $1.442695020e+00, v4  }
0x8a: {  	v19 =	vld [tilespmem:s15+$0x4240];
	v3 =	vmul.f32 $1.442695020e+00, v3;
	v8 =	vmul.f32 $1.442695020e+00, v8  }
0x8b: {  	v20 =	vld [tilespmem:s15+$0x4270];
	v9 =	vmul.f32 $1.442695020e+00, v9;
	v10 =	vmul.f32 $1.442695020e+00, v10  }
0x8c: {  	s26 =	simm.s32 $0x200;
	v18 =	vld [tilespmem:s15+$0x4210];
	v11 =	vmul.f32 $1.442695020e+00, v11;
	v12 =	vmul.f32 $1.442695020e+00, v12  }
0x8d: {  	v21 =	vld [tilespmem:s26+$0x4160];
	v13 =	vmul.f32 $1.442695020e+00, v13;
	v7 =	vmul.f32 $1.442695020e+00, v7  }
0x8e: {  	v22 =	vld [tilespmem:s26+$0x4130];
	v15 =	vmul.f32 $1.442695020e+00, v15;
	v14 =	vmul.f32 $1.442695020e+00, v14  }
0x8f: {  	v23 =	vld [tilespmem:s26+$0x4120];
	v19 =	vmul.f32 $1.442695020e+00, v19;
	(erf) = vpow2.f32 v5  }
0x90: {  	s0 =	simm.s32 $0x400;
	v20 =	vmul.f32 $1.442695020e+00, v20;
	v5 =	vld [tilespmem:s26+$0x4220];
	(erf) = vpow2.f32 v4  }
0x91: {  	v30 =	vld [tilespmem:s0+$0x4160];
	v18 =	vmul.f32 $1.442695020e+00, v18;
	(erf) = vpow2.f32 v3  }
0x92: {  	v6 =	vmul.f32 $1.442695020e+00, v6;
	v3 =	vld [tilespmem:s26+$0x4170];
	(erf) = vpow2.f32 v8  }
0x93: {  	v21 =	vmul.f32 $1.442695020e+00, v21;
	v4 =	vld [tilespmem:s26+$0x4150];
	(erf) = vpow2.f32 v9  }
0x94: {  	v23 =	vmul.f32 $1.442695020e+00, v23;
	v8 =	vld [tilespmem:s26+$0x4250];
	(erf) = vpow2.f32 v12  }
0x95: {  	v9 =	vld [tilespmem:s26+$0x4100];
	v24 =	vmul.f32 $1.442695020e+00, v5;
	(erf) = vpow2.f32 v6  }
0x96: {  	v12 =	vmul.f32 $1.442695020e+00, v22;
	v6 =	vld [tilespmem:s26+$0x4140];
	(erf) = vpow2.f32 v13  }
0x97: {  	v13 =	vmul.f32 $1.442695020e+00, v3;
	v3 =	vld [tilespmem:s26+$0x4230];
	(erf) = vpow2.f32 v10  }
0x98: {  	v5 =	vld [tilespmem:s26+$0x4110];
	v31 =	vmul.f32 $1.442695020e+00, v4;
	v25 =	vpop (erf);
	(erf) = vpow2.f32 v7  }
0x99: {  	v8 =	vmul.f32 $1.442695020e+00, v8;
	v7 =	vld [tilespmem:s26+$0x4260];
	v22 =	vpop (erf);
	(erf) = vpow2.f32 v14  }
0x9a: {  	v10 =	vld [tilespmem:s26+$0x4200];
	v9 =	vmul.f32 $1.442695020e+00, v9;
	(erf) = vpow2.f32 v11;
	v26 =	vpop (erf)  }
0x9b: {  	v28 =	vmul.f32 $1.442695020e+00, v6;
	v6 =	vld [tilespmem:s26+$0x4240];
	v11 =	vpop (erf);
	(erf) = vpow2.f32 v19  }
0x9c: {  	v29 =	vmul.f32 $1.442695020e+00, v3;
	v19 =	vld [tilespmem:s26+$0x4270];
	v3 =	vpop (erf);
	(erf) = vpow2.f32 v20  }
0x9d: {  	v27 =	vmul.f32 $1.442695020e+00, v5;
	v14 =	vld [tilespmem:s26+$0x4210];
	v20 =	vimm.f32 $0.0e+00;
	v4 =	vpop (erf);
	(erf) = vpow2.f32 v18  }
0x9e: {  	v18 =	vadd.f32 v22, v20;
	v22 =	vld [tilespmem:s0+$0x4130];
	v5 =	vmul.f32 $1.442695020e+00, v7;
	(erf) = vpow2.f32 v24;
	v7 =	vpop (erf)  }
0x9f: {  	v32 =	vmul.f32 $1.442695020e+00, v10;
	v24 =	vld [tilespmem:s0+$0x4220];
	v33 =	vadd.f32 v7, v20;
	v34 =	vpop (erf);
	(erf) = vpow2.f32 v15  }
0xa0: {  	v63 =	vld [tilespmem:s0+$0x4100];
	v35 =	vmul.f32 $1.442695020e+00, v6;
	(erf) = vpow2.f32 v12;
	v12 =	vadd.f32 v11, v18;
	v10 =	vpop (erf)  }
0xa1: {  	v11 =	vmul.f32 $1.442695020e+00, v19;
	v18 =	vld [tilespmem:s0+$0x4170];
	(erf) = vpow2.f32 v21;
	v15 =	vadd.f32 v10, v20;
	v36 =	vpop (erf)  }
0xa2: {  	v37 =	vld [tilespmem:s0+$0x4110];
	v10 =	vmul.f32 $1.442695020e+00, v14;
	(erf) = vpow2.f32 v13;
	v12 =	vadd.f32 v34, v12;
	v62 =	vpop (erf)  }
0xa3: {  	v21 =	vld [tilespmem:s0+$0x4250];
	v14 =	vmul.f32 $1.442695020e+00, v22;
	(erf) = vpow2.f32 v8;
	v8 =	vadd.f32 v26, v33;
	v26 =	vpop (erf)  }
0xa4: {  	v38 =	vld [tilespmem:s0+$0x4140];
	v19 =	vmul.f32 $1.442695020e+00, v24;
	v24 =	vadd.f32 v4, v15;
	(erf) = vpow2.f32 v28;
	v13 =	vpop (erf)  }
0xa5: {  	v7 =	vld [tilespmem:s0+$0x4120];
	v15 =	vmul.f32 $1.442695020e+00, v30;
	v20 =	vadd.f32 v26, v20;
	(erf) = vpow2.f32 v23;
	v4 =	vpop (erf)  }
0xa6: {  	v6 =	vld [tilespmem:s0+$0x4150];
	v18 =	vmul.f32 $1.442695020e+00, v18;
	v39 =	vadd.f32 v25, v8;
	(erf) = vpow2.f32 v29;
	v29 =	vpop (erf)  }
0xa7: {  	v30 =	vld [tilespmem:s0+$0x4230];
	v8 =	vmul.f32 $1.442695020e+00, v37;
	v22 =	vadd.f32 v4, v12;
	(erf) = vpow2.f32 v9;
	v4 =	vpop (erf)  }
0xa8: {  	v26 =	vld [tilespmem:s0+$0x4260];
	v21 =	vmul.f32 $1.442695020e+00, v21;
	v25 =	vadd.f32 v36, v20;
	(erf) = vpow2.f32 v31;
	v31 =	vpop (erf)  }
0xa9: {  	v23 =	vld [tilespmem:s0+$0x4200];
	v9 =	vmul.f32 $1.442695020e+00, v63;
	v28 =	vpop (erf);
	(erf) = vpow2.f32 v32  }
0xaa: {  	v20 =	vld [tilespmem:s0+$0x4210];
	v29 =	vadd.f32 v29, v25;
	v32 =	vadd.f32 v62, v24;
	(erf) = vpow2.f32 v27;
	v12 =	vpop (erf)  }
0xab: {  	s6 =	simm.s32 $0x1800;
	v25 =	vmul.f32 $1.442695020e+00, v38;
	v31 =	vadd.f32 v31, v39;
	v27 =	vld [tilespmem:s0+$0x4240];
	v24 =	vpop (erf);
	(erf) = vpow2.f32 v35  }
.LBB2_3:
0xac: {  	v30 =	vmul.f32 $1.442695020e+00, v30;
	(erf) = vpow2.f32 v11;
	v13 =	vadd.f32 v13, v32  }
0xad: {  	p0 =	sne.s32 s6, $0xF800;
	v33 =	vld [tilespmem:s0+$0x4270];
	s0 =	sshra.s32 s6, $0x2;
	s6 =	sadd.s32 $0x800, s6;
	v11 =	vmov v3;
	v3 =	vpop (erf);
	v32 =	vmov v5;
	v34 =	vmov v7  }
0xae: {  	v36 =	vmul.f32 $1.442695020e+00, v6;
	v6 =	vadd.f32 v28, v22;
	v35 =	vld [tilespmem:s0+$0x4160];
	v22 =	vpop (erf);
	(erf) = vpow2.f32 v10  }
0xaf: {  	v28 =	vld [tilespmem:s0+$0x4130];
	v5 =	vmul.f32 $1.442695020e+00, v26;
	(erf) = vpow2.f32 v19;
	v7 =	vpop (erf);
	v26 =	vadd.f32 v11, v29  }
0xb0: {  	v29 =	vmul.f32 $1.442695020e+00, v23;
	v19 =	vld [tilespmem:s0+$0x4220];
	v23 =	vadd.f32 v7, v31;
	v31 =	vpop (erf);
	(erf) = vpow2.f32 v32  }
0xb1: {  	v7 =	vld [tilespmem:s0+$0x4120];
	v37 =	vmul.f32 $1.442695020e+00, v27;
	(erf) = vpow2.f32 v14;
	v14 =	vadd.f32 v24, v6;
	v10 =	vpop (erf)  }
0xb2: {  	v6 =	vld [tilespmem:s0+$0x4150];
	v11 =	vmul.f32 $1.442695020e+00, v33;
	(erf) = vpow2.f32 v15;
	v0 =	vadd.f32 v10, v13;
	v24 =	vpop (erf)  }
0xb3: {  	v10 =	vmul.f32 $1.442695020e+00, v20;
	v27 =	vld [tilespmem:s0+$0x4170];
	(erf) = vpow2.f32 v18;
	v18 =	vadd.f32 v31, v14;
	v20 =	vpop (erf)  }
0xb4: {  	v15 =	vmul.f32 $1.442695020e+00, v34;
	v12 =	vadd.f32 v12, v23;
	v31 =	vld [tilespmem:s0+$0x4250];
	(erf) = vpow2.f32 v21;
	v21 =	vpop (erf)  }
0xb5: {  	v32 =	vld [tilespmem:s0+$0x4100];
	v19 =	vmul.f32 $1.442695020e+00, v19;
	(erf) = vpow2.f32 v25;
	v25 =	vadd.f32 v22, v0;
	v13 =	vpop (erf)  }
0xb6: {  	v14 =	vmul.f32 $1.442695020e+00, v28;
	v26 =	vadd.f32 v21, v26;
	v33 =	vld [tilespmem:s0+$0x4110];
	(erf) = vpow2.f32 v15;
	v21 =	vpop (erf)  }
0xb7: {  	v15 =	vmul.f32 $1.442695020e+00, v35;
	v34 =	vld [tilespmem:s0+$0x4140];
	(erf) = vpow2.f32 v30;
	v22 =	vadd.f32 v21, v18;
	v35 =	vpop (erf)  }
.Ltmp0:
0xb8: {  	v38 =	vadd.f32 v4, v12;
	v18 =	vmul.f32 $1.442695020e+00, v27;
	v30 =	vld [tilespmem:s0+$0x4230];
	(erf) = vpow2.f32 v9;
	v4 =	vpop (erf);
	(pc) =	sbr.rel @p0 .LBB2_3-.Ltmp0, $4  }
0xb9: {  	v0 =	vadd.f32 v24, v26;
	v23 =	vld [tilespmem:s0+$0x4200];
	v21 =	vmul.f32 $1.442695020e+00, v31;
	(erf) = vpow2.f32 v36;
	v31 =	vpop (erf)  }
0xba: {  	v9 =	vmul.f32 $1.442695020e+00, v32;
	v26 =	vld [tilespmem:s0+$0x4260];
	v28 =	vpop (erf);
	(erf) = vpow2.f32 v29;
	v32 =	vadd.f32 v20, v25  }
0xbb: {  	v29 =	vadd.f32 v35, v0;
	v20 =	vld [tilespmem:s0+$0x4210];
	(erf) = vpow2.f32 v8;
	v8 =	vmul.f32 $1.442695020e+00, v33;
	v12 =	vpop (erf)  }
0xbc: {  	v31 =	vadd.f32 v31, v38;
	v25 =	vmul.f32 $1.442695020e+00, v34;
	v27 =	vld [tilespmem:s0+$0x4240];
	v24 =	vpop (erf);
	(erf) = vpow2.f32 v37  }
0xbd: {  	v33 =	vpop (erf);
	(erf) = vpow2.f32 v11  }
0xbe: {  	v11 =	vpop (erf);
	(erf) = vpow2.f32 v10  }
0xbf: {  	(erf) = vpow2.f32 v19  }
0xc0: {  	v10 =	vpop (erf);
	(erf) = vpow2.f32 v5  }
0xc1: {  	v19 =	vpop (erf);
	(erf) = vpow2.f32 v14  }
0xc2: {  	v5 =	vpop (erf);
	(erf) = vpow2.f32 v15  }
0xc3: {  	v7 =	vmul.f32 $1.442695020e+00, v7;
	v14 =	vpop (erf);
	(erf) = vpow2.f32 v18  }
0xc4: {  	v15 =	vpop (erf);
	(erf) = vpow2.f32 v21;
	v21 =	vmul.f32 $1.442695020e+00, v30  }
0xc5: {  	v18 =	vpop (erf)  }
0xc6: {  	v6 =	vmul.f32 $1.442695020e+00, v6;
	(erf) = vpow2.f32 v25;
	v25 =	vpop (erf)  }
0xc7: {  	(erf) = vpow2.f32 v7;
	v7 =	vpop (erf)  }
0xc8: {  	v22 =	vadd.f32 v28, v22;
	v30 =	vld [tilespmem:s0+$0x4270];
	(erf) = vpow2.f32 v21;
	v21 =	vpop (erf)  }
0xc9: {  	v13 =	vadd.f32 v13, v32;
	v23 =	vmul.f32 $1.442695020e+00, v23;
	(erf) = vpow2.f32 v9;
	v9 =	vpop (erf)  }
0xca: {  	v3 =	vadd.f32 v3, v29;
	v22 =	vadd.f32 v24, v22;
	(erf) = vpow2.f32 v6;
	v6 =	vpop (erf)  }
0xcb: {  	v10 =	vadd.f32 v10, v31;
	v20 =	vmul.f32 $1.442695020e+00, v20;
	(erf) = vpow2.f32 v23;
	v28 =	vpop (erf)  }
0xcc: {  	v3 =	vadd.f32 v18, v3;
	v23 =	vmul.f32 $1.442695020e+00, v27;
	(erf) = vpow2.f32 v8;
	v8 =	vpop (erf)  }
0xcd: {  	v5 =	vadd.f32 v5, v13;
	v10 =	vadd.f32 v12, v10;
	v27 =	vmul.f32 $1.442695020e+00, v30;
	v13 =	vpop (erf)  }
0xce: {  	v3 =	vadd.f32 v14, v3;
	v14 =	vadd.f32 v19, v22;
	(erf) = vpow2.f32 v23;
	v18 =	vpop (erf)  }
0xcf: {  	v5 =	vadd.f32 v11, v5;
	(erf) = vpow2.f32 v27;
	v12 =	vpop (erf)  }
0xd0: {  	v26 =	vmul.f32 $1.442695020e+00, v26;
	v7 =	vadd.f32 v7, v14;
	(erf) = vpow2.f32 v20;
	v11 =	vpop (erf)  }
0xd1: {  	v4 =	vadd.f32 v4, v10;
	v5 =	vadd.f32 v15, v5;
	v10 =	vpop (erf)  }
0xd2: {  	v3 =	vadd.f32 v21, v3;
	v7 =	vadd.f32 v28, v7;
	(erf) = vpow2.f32 v26;
	v15 =	vpop (erf)  }
0xd3: {  	v5 =	vadd.f32 v25, v5;
	v4 =	vadd.f32 v6, v4;
	v6 =	vpop (erf)  }
0xd4: {  	v3 =	vadd.f32 v33, v3;
	v7 =	vadd.f32 v13, v7;
	v14 =	vpop (erf)  }
0xd5: {  	v4 =	vadd.f32 v11, v4;
	v5 =	vadd.f32 v15, v5;
	v11 =	vpop (erf)  }
0xd6: {  	v3 =	vadd.f32 v11, v3  }
0xd7: {  	v4 =	vadd.f32 v8, v4;
	v5 =	vadd.f32 v12, v5;
	v8 =	vpop (erf)  }
0xd8: {  	v11 =	vpop (erf);
	v3 =	vadd.f32 v6, v3  }
0xd9: {  	v5 =	vadd.f32 v14, v5;
	v6 =	vadd.f32 v10, v7;
	v7 =	vpop (erf)  }
0xda: {  	v4 =	vadd.f32 v9, v4;
	v3 =	vadd.f32 v7, v3  }
0xdb: {  	v5 =	vadd.f32 v8, v5;
	v9 =	vpop (erf);
	v6 =	vadd.f32 v11, v6;
	v7 =	vmov s24  }
0xdc: {  	v4 =	vadd.f32 v9, v4;
	v7 =	vand.u32 $0xFFFFFFF8, v7;
	v3 =	vadd.f32 v18, v3  }
0xdd: {  	v7 =	vbroadcast v7, $0x0  }
0xde: {  	v4 =	vadd.f32 v6, v4;
	v3 =	vadd.f32 v3, v5;
	_ =	sdelay $0x1  }
0xdf: {  	v3 =	vadd.f32 v4, v3  }
0xe0: {  	s0 =	sshll.u32 s2, $0x7  }
0xe1: {  	[tilespmem:s0+$0x14180] =	vst v3  }
0xe2: {  	v3 =	vld.idx.msk [tilespmem:v7+s21+$0x0], $0xffff;
	_ =	sdelay $0x4  }
0xe3: {  	v4 =	vshll.u32 v3, $0x1  }
0xe4: {  	v3 =	vand.u32 $0x7F, v3;
	v4 =	vand.u32 $0xFFFFFF00, v4  }
0xe5: {  	v3 =	vor.u32 v3, v4;
	_ =	sdelay $0x4  }
0xe6: {  	v3 =	vld.idx.msk [tilespmem:v3+s22+$0x0], $0xffff;
	_ =	sdelay $0x4  }
0xe7: {  	s6 =	simm.s32 $0x0;
	[tilespmem:s0+$0x15180] =	vst v3  }
0xe8: {  	v3 =	vld [tilespmem:s6+$0x41E0]  }
0xe9: {  	v4 =	vld [tilespmem:s6+$0x41B0]  }
0xea: {  	v5 =	vld [tilespmem:s6+$0x42A0]  }
0xeb: {  	v6 =	vld [tilespmem:s6+$0x41A0]  }
0xec: {  	v7 =	vld [tilespmem:s6+$0x41D0]  }
0xed: {  	v8 =	vld [tilespmem:s6+$0x41F0]  }
0xee: {  	v9 =	vld [tilespmem:s6+$0x42D0]  }
0xef: {  	v10 =	vld [tilespmem:s6+$0x4180]  }
0xf0: {  	v11 =	vld [tilespmem:s6+$0x4190]  }
0xf1: {  	v12 =	vld [tilespmem:s6+$0x41C0]  }
0xf2: {  	v13 =	vld [tilespmem:s6+$0x42B0]  }
0xf3: {  	v14 =	vld [tilespmem:s6+$0x4280]  }
0xf4: {  	v15 =	vld [tilespmem:s6+$0x42E0];
	v5 =	vmul.f32 $1.442695020e+00, v5;
	v4 =	vmul.f32 $1.442695020e+00, v4  }
0xf5: {  	v19 =	vld [tilespmem:s6+$0x42C0];
	v3 =	vmul.f32 $1.442695020e+00, v3;
	v8 =	vmul.f32 $1.442695020e+00, v8  }
0xf6: {  	v20 =	vld [tilespmem:s6+$0x42F0];
	v9 =	vmul.f32 $1.442695020e+00, v9;
	v10 =	vmul.f32 $1.442695020e+00, v10  }
0xf7: {  	s15 =	simm.s32 $0x200;
	v18 =	vld [tilespmem:s6+$0x4290];
	v11 =	vmul.f32 $1.442695020e+00, v11;
	v12 =	vmul.f32 $1.442695020e+00, v12  }
0xf8: {  	v21 =	vld [tilespmem:s15+$0x41E0];
	v13 =	vmul.f32 $1.442695020e+00, v13;
	v7 =	vmul.f32 $1.442695020e+00, v7  }
0xf9: {  	v22 =	vld [tilespmem:s15+$0x41B0];
	v15 =	vmul.f32 $1.442695020e+00, v15;
	v14 =	vmul.f32 $1.442695020e+00, v14  }
0xfa: {  	v23 =	vld [tilespmem:s15+$0x41A0];
	v19 =	vmul.f32 $1.442695020e+00, v19;
	(erf) = vpow2.f32 v5  }
0xfb: {  	s26 =	simm.s32 $0x400;
	v20 =	vmul.f32 $1.442695020e+00, v20;
	v5 =	vld [tilespmem:s15+$0x42A0];
	(erf) = vpow2.f32 v4  }
0xfc: {  	v30 =	vld [tilespmem:s26+$0x41E0];
	v18 =	vmul.f32 $1.442695020e+00, v18;
	(erf) = vpow2.f32 v3  }
0xfd: {  	v6 =	vmul.f32 $1.442695020e+00, v6;
	v3 =	vld [tilespmem:s15+$0x41F0];
	(erf) = vpow2.f32 v8  }
0xfe: {  	v21 =	vmul.f32 $1.442695020e+00, v21;
	v4 =	vld [tilespmem:s15+$0x41D0];
	(erf) = vpow2.f32 v9  }
0xff: {  	v23 =	vmul.f32 $1.442695020e+00, v23;
	v8 =	vld [tilespmem:s15+$0x42D0];
	(erf) = vpow2.f32 v12  }
0x100: {  	v9 =	vld [tilespmem:s15+$0x4180];
	v24 =	vmul.f32 $1.442695020e+00, v5;
	(erf) = vpow2.f32 v6  }
0x101: {  	v12 =	vmul.f32 $1.442695020e+00, v22;
	v6 =	vld [tilespmem:s15+$0x41C0];
	(erf) = vpow2.f32 v13  }
0x102: {  	v13 =	vmul.f32 $1.442695020e+00, v3;
	v3 =	vld [tilespmem:s15+$0x42B0];
	(erf) = vpow2.f32 v10  }
0x103: {  	v5 =	vld [tilespmem:s15+$0x4190];
	v31 =	vmul.f32 $1.442695020e+00, v4;
	v25 =	vpop (erf);
	(erf) = vpow2.f32 v7  }
0x104: {  	v8 =	vmul.f32 $1.442695020e+00, v8;
	v7 =	vld [tilespmem:s15+$0x42E0];
	v22 =	vpop (erf);
	(erf) = vpow2.f32 v14  }
0x105: {  	v10 =	vld [tilespmem:s15+$0x4280];
	v9 =	vmul.f32 $1.442695020e+00, v9;
	(erf) = vpow2.f32 v11;
	v26 =	vpop (erf)  }
0x106: {  	v28 =	vmul.f32 $1.442695020e+00, v6;
	v6 =	vld [tilespmem:s15+$0x42C0];
	v11 =	vpop (erf);
	(erf) = vpow2.f32 v19  }
0x107: {  	v29 =	vmul.f32 $1.442695020e+00, v3;
	v19 =	vld [tilespmem:s15+$0x42F0];
	v3 =	vpop (erf);
	(erf) = vpow2.f32 v20  }
0x108: {  	v27 =	vmul.f32 $1.442695020e+00, v5;
	v14 =	vld [tilespmem:s15+$0x4290];
	v20 =	vimm.f32 $0.0e+00;
	v4 =	vpop (erf);
	(erf) = vpow2.f32 v18  }
0x109: {  	v18 =	vadd.f32 v22, v20;
	v22 =	vld [tilespmem:s26+$0x41B0];
	v5 =	vmul.f32 $1.442695020e+00, v7;
	(erf) = vpow2.f32 v24;
	v7 =	vpop (erf)  }
0x10a: {  	v60 =	vmul.f32 $1.442695020e+00, v10;
	v24 =	vld [tilespmem:s26+$0x42A0];
	v34 =	vpop (erf);
	(erf) = vpow2.f32 v15  }
0x10b: {  	v63 =	vld [tilespmem:s26+$0x4180];
	v61 =	vadd.f32 v7, v20;
	v35 =	vmul.f32 $1.442695020e+00, v6;
	(erf) = vpow2.f32 v12;
	v10 =	vpop (erf)  }
0x10c: {  	v12 =	vadd.f32 v11, v18;
	v11 =	vmul.f32 $1.442695020e+00, v19;
	v18 =	vld [tilespmem:s26+$0x41F0];
	(erf) = vpow2.f32 v21;
	v36 =	vpop (erf)  }
0x10d: {  	v37 =	vld [tilespmem:s26+$0x4190];
	v15 =	vadd.f32 v10, v20;
	v10 =	vmul.f32 $1.442695020e+00, v14;
	(erf) = vpow2.f32 v13;
	v62 =	vpop (erf)  }
0x10e: {  	v38 =	vld [tilespmem:s26+$0x41C0];
	v14 =	vmul.f32 $1.442695020e+00, v22;
	(erf) = vpow2.f32 v8;
	v8 =	vadd.f32 v26, v61;
	v26 =	vpop (erf)  }
0x10f: {  	v21 =	vld [tilespmem:s26+$0x42D0];
	v12 =	vadd.f32 v34, v12;
	v19 =	vmul.f32 $1.442695020e+00, v24;
	(erf) = vpow2.f32 v28;
	v13 =	vpop (erf)  }
0x110: {  	v7 =	vld [tilespmem:s26+$0x41A0];
	v24 =	vadd.f32 v4, v15;
	v15 =	vmul.f32 $1.442695020e+00, v30;
	(erf) = vpow2.f32 v23;
	v4 =	vpop (erf)  }
0x111: {  	v6 =	vld [tilespmem:s26+$0x41D0];
	v20 =	vadd.f32 v26, v20;
	v18 =	vmul.f32 $1.442695020e+00, v18;
	(erf) = vpow2.f32 v29;
	v29 =	vpop (erf)  }
0x112: {  	v30 =	vld [tilespmem:s26+$0x42B0];
	v39 =	vadd.f32 v25, v8;
	v22 =	vadd.f32 v4, v12;
	(erf) = vpow2.f32 v9;
	v4 =	vpop (erf)  }
0x113: {  	v26 =	vld [tilespmem:s26+$0x42E0];
	v8 =	vmul.f32 $1.442695020e+00, v37;
	v25 =	vadd.f32 v36, v20;
	(erf) = vpow2.f32 v31;
	v31 =	vpop (erf)  }
0x114: {  	v23 =	vld [tilespmem:s26+$0x4280];
	v32 =	vadd.f32 v62, v24;
	v21 =	vmul.f32 $1.442695020e+00, v21;
	v28 =	vpop (erf);
	(erf) = vpow2.f32 v60  }
0x115: {  	v20 =	vld [tilespmem:s26+$0x4290];
	v9 =	vmul.f32 $1.442695020e+00, v63;
	v29 =	vadd.f32 v29, v25;
	(erf) = vpow2.f32 v27;
	v12 =	vpop (erf)  }
0x116: {  	s6 =	simm.s32 $0x1800;
	v25 =	vmul.f32 $1.442695020e+00, v38;
	v31 =	vadd.f32 v31, v39;
	v27 =	vld [tilespmem:s26+$0x42C0];
	v24 =	vpop (erf);
	(erf) = vpow2.f32 v35  }
.LBB2_5:
0x117: {  	v30 =	vmul.f32 $1.442695020e+00, v30;
	(erf) = vpow2.f32 v11;
	v13 =	vadd.f32 v13, v32  }
0x118: {  	p0 =	sne.s32 s6, $0xF800;
	v33 =	vld [tilespmem:s26+$0x42F0];
	s26 =	sshra.s32 s6, $0x2;
	s6 =	sadd.s32 $0x800, s6;
	v11 =	vmov v3;
	v3 =	vpop (erf);
	v32 =	vmov v5;
	v34 =	vmov v7  }
0x119: {  	v36 =	vmul.f32 $1.442695020e+00, v6;
	v6 =	vadd.f32 v28, v22;
	v35 =	vld [tilespmem:s26+$0x41E0];
	v22 =	vpop (erf);
	(erf) = vpow2.f32 v10  }
0x11a: {  	v28 =	vld [tilespmem:s26+$0x41B0];
	v5 =	vmul.f32 $1.442695020e+00, v26;
	(erf) = vpow2.f32 v19;
	v7 =	vpop (erf);
	v26 =	vadd.f32 v11, v29  }
0x11b: {  	v29 =	vmul.f32 $1.442695020e+00, v23;
	v19 =	vld [tilespmem:s26+$0x42A0];
	v23 =	vadd.f32 v7, v31;
	v31 =	vpop (erf);
	(erf) = vpow2.f32 v32  }
0x11c: {  	v7 =	vld [tilespmem:s26+$0x41A0];
	v37 =	vmul.f32 $1.442695020e+00, v27;
	(erf) = vpow2.f32 v14;
	v14 =	vadd.f32 v24, v6;
	v10 =	vpop (erf)  }
0x11d: {  	v6 =	vld [tilespmem:s26+$0x41D0];
	v11 =	vmul.f32 $1.442695020e+00, v33;
	(erf) = vpow2.f32 v15;
	v0 =	vadd.f32 v10, v13;
	v24 =	vpop (erf)  }
0x11e: {  	v10 =	vmul.f32 $1.442695020e+00, v20;
	v27 =	vld [tilespmem:s26+$0x41F0];
	(erf) = vpow2.f32 v18;
	v18 =	vadd.f32 v31, v14;
	v20 =	vpop (erf)  }
0x11f: {  	v15 =	vmul.f32 $1.442695020e+00, v34;
	v12 =	vadd.f32 v12, v23;
	v31 =	vld [tilespmem:s26+$0x42D0];
	(erf) = vpow2.f32 v21;
	v21 =	vpop (erf)  }
0x120: {  	v32 =	vld [tilespmem:s26+$0x4180];
	v19 =	vmul.f32 $1.442695020e+00, v19;
	(erf) = vpow2.f32 v25;
	v25 =	vadd.f32 v22, v0;
	v13 =	vpop (erf)  }
0x121: {  	v14 =	vmul.f32 $1.442695020e+00, v28;
	v26 =	vadd.f32 v21, v26;
	v33 =	vld [tilespmem:s26+$0x4190];
	(erf) = vpow2.f32 v15;
	v21 =	vpop (erf)  }
0x122: {  	v15 =	vmul.f32 $1.442695020e+00, v35;
	v34 =	vld [tilespmem:s26+$0x41C0];
	(erf) = vpow2.f32 v30;
	v22 =	vadd.f32 v21, v18;
	v35 =	vpop (erf)  }
.Ltmp1:
0x123: {  	v38 =	vadd.f32 v4, v12;
	v18 =	vmul.f32 $1.442695020e+00, v27;
	v30 =	vld [tilespmem:s26+$0x42B0];
	(erf) = vpow2.f32 v9;
	v4 =	vpop (erf);
	(pc) =	sbr.rel @p0 .LBB2_5-.Ltmp1, $4  }
0x124: {  	v0 =	vadd.f32 v24, v26;
	v23 =	vld [tilespmem:s26+$0x4280];
	v21 =	vmul.f32 $1.442695020e+00, v31;
	(erf) = vpow2.f32 v36;
	v31 =	vpop (erf)  }
0x125: {  	v9 =	vmul.f32 $1.442695020e+00, v32;
	v26 =	vld [tilespmem:s26+$0x42E0];
	v28 =	vpop (erf);
	(erf) = vpow2.f32 v29;
	v32 =	vadd.f32 v20, v25  }
0x126: {  	v29 =	vadd.f32 v35, v0;
	v20 =	vld [tilespmem:s26+$0x4290];
	(erf) = vpow2.f32 v8;
	v8 =	vmul.f32 $1.442695020e+00, v33;
	v12 =	vpop (erf)  }
0x127: {  	v31 =	vadd.f32 v31, v38;
	v25 =	vmul.f32 $1.442695020e+00, v34;
	v27 =	vld [tilespmem:s26+$0x42C0];
	v24 =	vpop (erf);
	(erf) = vpow2.f32 v37  }
0x128: {  	v33 =	vpop (erf);
	(erf) = vpow2.f32 v11  }
0x129: {  	v11 =	vpop (erf);
	(erf) = vpow2.f32 v10  }
0x12a: {  	(erf) = vpow2.f32 v19  }
0x12b: {  	v10 =	vpop (erf);
	(erf) = vpow2.f32 v5  }
0x12c: {  	v19 =	vpop (erf);
	(erf) = vpow2.f32 v14  }
0x12d: {  	v5 =	vpop (erf);
	(erf) = vpow2.f32 v15  }
0x12e: {  	v7 =	vmul.f32 $1.442695020e+00, v7;
	v14 =	vpop (erf);
	(erf) = vpow2.f32 v18  }
0x12f: {  	v15 =	vpop (erf);
	(erf) = vpow2.f32 v21;
	v21 =	vmul.f32 $1.442695020e+00, v30  }
0x130: {  	v18 =	vpop (erf)  }
0x131: {  	v6 =	vmul.f32 $1.442695020e+00, v6;
	(erf) = vpow2.f32 v25;
	v25 =	vpop (erf)  }
0x132: {  	(erf) = vpow2.f32 v7;
	v7 =	vpop (erf)  }
0x133: {  	v22 =	vadd.f32 v28, v22;
	v30 =	vld [tilespmem:s26+$0x42F0];
	(erf) = vpow2.f32 v21;
	v21 =	vpop (erf)  }
0x134: {  	v13 =	vadd.f32 v13, v32;
	v23 =	vmul.f32 $1.442695020e+00, v23;
	(erf) = vpow2.f32 v9;
	v9 =	vpop (erf)  }
0x135: {  	v3 =	vadd.f32 v3, v29;
	v22 =	vadd.f32 v24, v22;
	(erf) = vpow2.f32 v6;
	v6 =	vpop (erf)  }
0x136: {  	v10 =	vadd.f32 v10, v31;
	v20 =	vmul.f32 $1.442695020e+00, v20;
	(erf) = vpow2.f32 v23;
	v28 =	vpop (erf)  }
0x137: {  	v3 =	vadd.f32 v18, v3;
	v23 =	vmul.f32 $1.442695020e+00, v27;
	(erf) = vpow2.f32 v8;
	v8 =	vpop (erf)  }
0x138: {  	v5 =	vadd.f32 v5, v13;
	v10 =	vadd.f32 v12, v10;
	v27 =	vmul.f32 $1.442695020e+00, v30;
	v13 =	vpop (erf)  }
0x139: {  	v3 =	vadd.f32 v14, v3;
	v14 =	vadd.f32 v19, v22;
	(erf) = vpow2.f32 v23;
	v18 =	vpop (erf)  }
0x13a: {  	v5 =	vadd.f32 v11, v5;
	(erf) = vpow2.f32 v27;
	v12 =	vpop (erf)  }
0x13b: {  	v26 =	vmul.f32 $1.442695020e+00, v26;
	v7 =	vadd.f32 v7, v14;
	(erf) = vpow2.f32 v20;
	v11 =	vpop (erf)  }
0x13c: {  	v4 =	vadd.f32 v4, v10;
	v5 =	vadd.f32 v15, v5;
	v10 =	vpop (erf)  }
0x13d: {  	v3 =	vadd.f32 v21, v3;
	v7 =	vadd.f32 v28, v7;
	(erf) = vpow2.f32 v26;
	v15 =	vpop (erf)  }
0x13e: {  	v5 =	vadd.f32 v25, v5;
	v4 =	vadd.f32 v6, v4;
	v6 =	vpop (erf)  }
0x13f: {  	v3 =	vadd.f32 v33, v3;
	v7 =	vadd.f32 v13, v7;
	v14 =	vpop (erf)  }
0x140: {  	v4 =	vadd.f32 v11, v4;
	v5 =	vadd.f32 v15, v5;
	v11 =	vpop (erf)  }
0x141: {  	v3 =	vadd.f32 v11, v3  }
0x142: {  	v4 =	vadd.f32 v8, v4;
	v5 =	vadd.f32 v12, v5;
	v8 =	vpop (erf)  }
0x143: {  	v11 =	vpop (erf);
	v3 =	vadd.f32 v6, v3  }
0x144: {  	v5 =	vadd.f32 v14, v5;
	v6 =	vadd.f32 v10, v7;
	v7 =	vpop (erf)  }
0x145: {  	s6 =	sor.u32 $0x1, s24;
	v4 =	vadd.f32 v9, v4;
	v3 =	vadd.f32 v7, v3  }
0x146: {  	v5 =	vadd.f32 v8, v5;
	v9 =	vpop (erf);
	v6 =	vadd.f32 v11, v6;
	v7 =	vmov s6  }
0x147: {  	v4 =	vadd.f32 v9, v4;
	v7 =	vand.u32 $0xFFFFFFF9, v7;
	v3 =	vadd.f32 v18, v3  }
0x148: {  	v7 =	vbroadcast v7, $0x0  }
0x149: {  	v4 =	vadd.f32 v6, v4;
	v3 =	vadd.f32 v3, v5;
	_ =	sdelay $0x1  }
0x14a: {  	v3 =	vadd.f32 v4, v3;
	_ =	sdelay $0x1  }
0x14b: {  	[tilespmem:s0+$0x14190] =	vst v3  }
0x14c: {  	v3 =	vld.idx.msk [tilespmem:v7+s21+$0x0], $0xffff;
	_ =	sdelay $0x4  }
0x14d: {  	v4 =	vshll.u32 v3, $0x1  }
0x14e: {  	v3 =	vand.u32 $0x7F, v3;
	v4 =	vand.u32 $0xFFFFFF00, v4  }
0x14f: {  	v3 =	vor.u32 v4, v3  }
0x150: {  	v3 =	vor.u32 $0x80, v3;
	_ =	sdelay $0x4  }
0x151: {  	v3 =	vld.idx.msk [tilespmem:v3+s22+$0x0], $0xffff;
	_ =	sdelay $0x4  }
0x152: {  	[tilespmem:s0+$0x15190] =	vst v3  }
0x153: {  	_ =	swait.ge [sflag:s19], $0x4000  }
0x154: {  	p0 =	seq.s32 s2, $0x1F;
	[sflag:s19] =	ssyncset.done $0x0  }
0x155: {  	s6 =	simm.s32 @!p0 $0x5;
	[sflag:s19] =	ssyncadd.s32 $0xFFFFC000  }
0x156: {  	_ =	swait.ge @!p0 [sflag:s6], $0x4000  }
0x157: {  	s15 =	sshll.u32 @!p0 s2, $0x9;
	[sflag:s6] =	ssyncset.done @!p0 $0x0  }
0x158: {  	s26 =	sand.u32 @!p0 $0x3FFFFE00, s15;
	[sflag:s6] =	ssyncadd.s32 @!p0 $0xFFFFC000  }
0x159: {  	v3 =	vld.msk @!p0 [tilespmem:s26+$0x200], $0x3;
	_ =	sdelay $0x4  }
0x15a: {  	v4 =	vshll.u32 @!p0 v3, $0x6  }
0x15b: {  	v5 =	vlaneseq.u32 @!p0;
	v3 =	vand.u32 @!p0 $0x7, v3;
	v4 =	vand.u32 @!p0 $0xFFFFFE00, v4  }
0x15c: {  	v3 =	vor.u32 @!p0 v3, v4;
	v4 =	vand.u32 @!p0 $0x1, v5;
	v5 =	vshrl.u32 @!p0 v5, $0x1  }
0x15d: {  	v3 =	vperm.xlane @!p0 v3, v4;
	v4 =	vmul.u32 @!p0 $0x8, v5;
	_ =	sdelay $0x1  }
0x15e: {  	v3 =	vadd.s32 @!p0 v4, v3;
	_ =	sdelay $0x3  }
0x15f: {  	vm1 =	vmmov @!p0 $0xffff;
	s15 =	simm.s32 @!p0 $0x4100;
	s6 =	simm.s32 @!p0 $0x0  }
0x160: {  	[tilespmem:s15], [sflag:$0x1] =	stream.indirect_vreg.gather @!p0 [hbm4b:s1+s6], $0x80, v3, vm1, $0xb8;
	[tilespmem:$0x16180] =	vst v63  }
0x161: {  	s15 =	simm.s32 @!p0 $0x4900  }
0x162: {  	[tilespmem:s15], [sflag:$0x1] =	stream.indirect_vreg.gather @!p0 [hbm4b:s8+s6], $0x80, v3, vm1, $0xb8;
	[tilespmem:$0x16180] =	vst v63  }
0x163: {  	s15 =	simm.s32 @!p0 $0x5100  }
0x164: {  	[tilespmem:s15], [sflag:$0x1] =	stream.indirect_vreg.gather @!p0 [hbm4b:s9+s6], $0x80, v3, vm1, $0xb8;
	[tilespmem:$0x16180] =	vst v63  }
0x165: {  	s15 =	simm.s32 @!p0 $0x5900  }
0x166: {  	[tilespmem:s15], [sflag:$0x1] =	stream.indirect_vreg.gather @!p0 [hbm4b:s10+s6], $0x80, v3, vm1, $0xb8;
	[tilespmem:$0x16180] =	vst v63  }
0x167: {  	s15 =	simm.s32 @!p0 $0x6100  }
0x168: {  	[tilespmem:s15], [sflag:$0x1] =	stream.indirect_vreg.gather @!p0 [hbm4b:s11+s6], $0x80, v3, vm1, $0xb8;
	[tilespmem:$0x16180] =	vst v63  }
0x169: {  	s15 =	simm.s32 @!p0 $0x6900  }
0x16a: {  	[tilespmem:s15], [sflag:$0x1] =	stream.indirect_vreg.gather @!p0 [hbm4b:s12+s6], $0x80, v3, vm1, $0xb8;
	[tilespmem:$0x16180] =	vst v63  }
0x16b: {  	s15 =	simm.s32 @!p0 $0x7100  }
0x16c: {  	[tilespmem:s15], [sflag:$0x1] =	stream.indirect_vreg.gather @!p0 [hbm4b:s13+s6], $0x80, v3, vm1, $0xb8;
	[tilespmem:$0x16180] =	vst v63  }
0x16d: {  	s15 =	simm.s32 @!p0 $0x7900  }
0x16e: {  	[tilespmem:s15], [sflag:$0x1] =	stream.indirect_vreg.gather @!p0 [hbm4b:s14+s6], $0x80, v3, vm1, $0xb8;
	[tilespmem:$0x16180] =	vst v63  }
0x16f: {  	s15 =	rddreg [dreg:$0x6]  }
0x170: {  	s6 =	sadd.s32 s25, s15  }
0x171: {  	[hbm4b:s6+s7] =	stream.strided.scatter [tilespmem:s31], [sflag:$0x6], $0x4000, s18, s7, $0x38;
	[tilespmem:$0x16180] =	vst v63  }
0x172: {  	s6 =	simm.s32 $0x0  }
0x173: {  	v3 =	vld [tilespmem:s6+$0x8160]  }
0x174: {  	v4 =	vld [tilespmem:s6+$0x8130]  }
0x175: {  	v5 =	vld [tilespmem:s6+$0x8220]  }
0x176: {  	v6 =	vld [tilespmem:s6+$0x8120]  }
0x177: {  	v7 =	vld [tilespmem:s6+$0x8150]  }
0x178: {  	v8 =	vld [tilespmem:s6+$0x8170]  }
0x179: {  	v9 =	vld [tilespmem:s6+$0x8250]  }
0x17a: {  	v10 =	vld [tilespmem:s6+$0x8100]  }
0x17b: {  	v11 =	vld [tilespmem:s6+$0x8110]  }
0x17c: {  	v12 =	vld [tilespmem:s6+$0x8140]  }
0x17d: {  	v13 =	vld [tilespmem:s6+$0x8230]  }
0x17e: {  	v14 =	vld [tilespmem:s6+$0x8200]  }
0x17f: {  	v15 =	vld [tilespmem:s6+$0x8260];
	v5 =	vmul.f32 $1.442695020e+00, v5;
	v4 =	vmul.f32 $1.442695020e+00, v4  }
0x180: {  	v19 =	vld [tilespmem:s6+$0x8240];
	v3 =	vmul.f32 $1.442695020e+00, v3;
	v8 =	vmul.f32 $1.442695020e+00, v8  }
0x181: {  	v20 =	vld [tilespmem:s6+$0x8270];
	v9 =	vmul.f32 $1.442695020e+00, v9;
	v10 =	vmul.f32 $1.442695020e+00, v10  }
0x182: {  	s15 =	simm.s32 $0x200;
	v18 =	vld [tilespmem:s6+$0x8210];
	v11 =	vmul.f32 $1.442695020e+00, v11;
	v12 =	vmul.f32 $1.442695020e+00, v12  }
0x183: {  	v21 =	vld [tilespmem:s15+$0x8160];
	v13 =	vmul.f32 $1.442695020e+00, v13;
	v7 =	vmul.f32 $1.442695020e+00, v7  }
0x184: {  	v22 =	vld [tilespmem:s15+$0x8130];
	v15 =	vmul.f32 $1.442695020e+00, v15;
	v14 =	vmul.f32 $1.442695020e+00, v14  }
0x185: {  	v23 =	vld [tilespmem:s15+$0x8120];
	v19 =	vmul.f32 $1.442695020e+00, v19;
	(erf) = vpow2.f32 v5  }
0x186: {  	s6 =	simm.s32 $0x400;
	v20 =	vmul.f32 $1.442695020e+00, v20;
	v5 =	vld [tilespmem:s15+$0x8220];
	(erf) = vpow2.f32 v4  }
0x187: {  	v30 =	vld [tilespmem:s6+$0x8160];
	v18 =	vmul.f32 $1.442695020e+00, v18;
	(erf) = vpow2.f32 v3  }
0x188: {  	v6 =	vmul.f32 $1.442695020e+00, v6;
	v3 =	vld [tilespmem:s15+$0x8170];
	(erf) = vpow2.f32 v8  }
0x189: {  	v21 =	vmul.f32 $1.442695020e+00, v21;
	v4 =	vld [tilespmem:s15+$0x8150];
	(erf) = vpow2.f32 v9  }
0x18a: {  	v23 =	vmul.f32 $1.442695020e+00, v23;
	v8 =	vld [tilespmem:s15+$0x8250];
	(erf) = vpow2.f32 v12  }
0x18b: {  	v9 =	vld [tilespmem:s15+$0x8100];
	v24 =	vmul.f32 $1.442695020e+00, v5;
	(erf) = vpow2.f32 v6  }
0x18c: {  	v12 =	vmul.f32 $1.442695020e+00, v22;
	v6 =	vld [tilespmem:s15+$0x8140];
	(erf) = vpow2.f32 v13  }
0x18d: {  	v13 =	vmul.f32 $1.442695020e+00, v3;
	v3 =	vld [tilespmem:s15+$0x8230];
	(erf) = vpow2.f32 v10  }
0x18e: {  	v5 =	vld [tilespmem:s15+$0x8110];
	v31 =	vmul.f32 $1.442695020e+00, v4;
	v25 =	vpop (erf);
	(erf) = vpow2.f32 v7  }
0x18f: {  	v8 =	vmul.f32 $1.442695020e+00, v8;
	v7 =	vld [tilespmem:s15+$0x8260];
	v22 =	vpop (erf);
	(erf) = vpow2.f32 v14  }
0x190: {  	v10 =	vld [tilespmem:s15+$0x8200];
	v9 =	vmul.f32 $1.442695020e+00, v9;
	(erf) = vpow2.f32 v11;
	v26 =	vpop (erf)  }
0x191: {  	v28 =	vmul.f32 $1.442695020e+00, v6;
	v6 =	vld [tilespmem:s15+$0x8240];
	v11 =	vpop (erf);
	(erf) = vpow2.f32 v19  }
0x192: {  	v29 =	vmul.f32 $1.442695020e+00, v3;
	v19 =	vld [tilespmem:s15+$0x8270];
	v3 =	vpop (erf);
	(erf) = vpow2.f32 v20  }
0x193: {  	v27 =	vmul.f32 $1.442695020e+00, v5;
	v14 =	vld [tilespmem:s15+$0x8210];
	v20 =	vimm.f32 $0.0e+00;
	v4 =	vpop (erf);
	(erf) = vpow2.f32 v18  }
0x194: {  	v18 =	vadd.f32 v22, v20;
	v22 =	vld [tilespmem:s6+$0x8130];
	v5 =	vmul.f32 $1.442695020e+00, v7;
	(erf) = vpow2.f32 v24;
	v7 =	vpop (erf)  }
0x195: {  	v60 =	vmul.f32 $1.442695020e+00, v10;
	v24 =	vld [tilespmem:s6+$0x8220];
	v34 =	vpop (erf);
	(erf) = vpow2.f32 v15  }
0x196: {  	v63 =	vld [tilespmem:s6+$0x8100];
	v61 =	vadd.f32 v7, v20;
	v35 =	vmul.f32 $1.442695020e+00, v6;
	(erf) = vpow2.f32 v12;
	v10 =	vpop (erf)  }
0x197: {  	v12 =	vadd.f32 v11, v18;
	v11 =	vmul.f32 $1.442695020e+00, v19;
	v18 =	vld [tilespmem:s6+$0x8170];
	(erf) = vpow2.f32 v21;
	v36 =	vpop (erf)  }
0x198: {  	v37 =	vld [tilespmem:s6+$0x8110];
	v15 =	vadd.f32 v10, v20;
	v10 =	vmul.f32 $1.442695020e+00, v14;
	(erf) = vpow2.f32 v13;
	v62 =	vpop (erf)  }
0x199: {  	v38 =	vld [tilespmem:s6+$0x8140];
	v14 =	vmul.f32 $1.442695020e+00, v22;
	(erf) = vpow2.f32 v8;
	v8 =	vadd.f32 v26, v61;
	v26 =	vpop (erf)  }
0x19a: {  	v21 =	vld [tilespmem:s6+$0x8250];
	v12 =	vadd.f32 v34, v12;
	v19 =	vmul.f32 $1.442695020e+00, v24;
	(erf) = vpow2.f32 v28;
	v13 =	vpop (erf)  }
0x19b: {  	v7 =	vld [tilespmem:s6+$0x8120];
	v24 =	vadd.f32 v4, v15;
	v15 =	vmul.f32 $1.442695020e+00, v30;
	(erf) = vpow2.f32 v23;
	v4 =	vpop (erf)  }
0x19c: {  	v6 =	vld [tilespmem:s6+$0x8150];
	v20 =	vadd.f32 v26, v20;
	v18 =	vmul.f32 $1.442695020e+00, v18;
	(erf) = vpow2.f32 v29;
	v29 =	vpop (erf)  }
0x19d: {  	v30 =	vld [tilespmem:s6+$0x8230];
	v39 =	vadd.f32 v25, v8;
	v22 =	vadd.f32 v4, v12;
	(erf) = vpow2.f32 v9;
	v4 =	vpop (erf)  }
0x19e: {  	v26 =	vld [tilespmem:s6+$0x8260];
	v8 =	vmul.f32 $1.442695020e+00, v37;
	v25 =	vadd.f32 v36, v20;
	(erf) = vpow2.f32 v31;
	v31 =	vpop (erf)  }
0x19f: {  	v23 =	vld [tilespmem:s6+$0x8200];
	v32 =	vadd.f32 v62, v24;
	v21 =	vmul.f32 $1.442695020e+00, v21;
	v28 =	vpop (erf);
	(erf) = vpow2.f32 v60  }
0x1a0: {  	v20 =	vld [tilespmem:s6+$0x8210];
	v9 =	vmul.f32 $1.442695020e+00, v63;
	v29 =	vadd.f32 v29, v25;
	(erf) = vpow2.f32 v27;
	v12 =	vpop (erf)  }
0x1a1: {  	s15 =	simm.s32 $0x1800;
	v25 =	vmul.f32 $1.442695020e+00, v38;
	v31 =	vadd.f32 v31, v39;
	v27 =	vld [tilespmem:s6+$0x8240];
	v24 =	vpop (erf);
	(erf) = vpow2.f32 v35  }
.LBB2_7:
0x1a2: {  	v30 =	vmul.f32 $1.442695020e+00, v30;
	(erf) = vpow2.f32 v11;
	v13 =	vadd.f32 v13, v32  }
0x1a3: {  	p1 =	sne.s32 s15, $0xF800;
	v33 =	vld [tilespmem:s6+$0x8270];
	s6 =	sshra.s32 s15, $0x2;
	s15 =	sadd.s32 $0x800, s15;
	v11 =	vmov v3;
	v3 =	vpop (erf);
	v32 =	vmov v5;
	v34 =	vmov v7  }
0x1a4: {  	v36 =	vmul.f32 $1.442695020e+00, v6;
	v6 =	vadd.f32 v28, v22;
	v35 =	vld [tilespmem:s6+$0x8160];
	v22 =	vpop (erf);
	(erf) = vpow2.f32 v10  }
0x1a5: {  	v28 =	vld [tilespmem:s6+$0x8130];
	v5 =	vmul.f32 $1.442695020e+00, v26;
	(erf) = vpow2.f32 v19;
	v7 =	vpop (erf);
	v26 =	vadd.f32 v11, v29  }
0x1a6: {  	v29 =	vmul.f32 $1.442695020e+00, v23;
	v19 =	vld [tilespmem:s6+$0x8220];
	v23 =	vadd.f32 v7, v31;
	v31 =	vpop (erf);
	(erf) = vpow2.f32 v32  }
0x1a7: {  	v7 =	vld [tilespmem:s6+$0x8120];
	v37 =	vmul.f32 $1.442695020e+00, v27;
	(erf) = vpow2.f32 v14;
	v14 =	vadd.f32 v24, v6;
	v10 =	vpop (erf)  }
0x1a8: {  	v6 =	vld [tilespmem:s6+$0x8150];
	v11 =	vmul.f32 $1.442695020e+00, v33;
	(erf) = vpow2.f32 v15;
	v0 =	vadd.f32 v10, v13;
	v24 =	vpop (erf)  }
0x1a9: {  	v10 =	vmul.f32 $1.442695020e+00, v20;
	v27 =	vld [tilespmem:s6+$0x8170];
	(erf) = vpow2.f32 v18;
	v18 =	vadd.f32 v31, v14;
	v20 =	vpop (erf)  }
0x1aa: {  	v15 =	vmul.f32 $1.442695020e+00, v34;
	v12 =	vadd.f32 v12, v23;
	v31 =	vld [tilespmem:s6+$0x8250];
	(erf) = vpow2.f32 v21;
	v21 =	vpop (erf)  }
0x1ab: {  	v32 =	vld [tilespmem:s6+$0x8100];
	v19 =	vmul.f32 $1.442695020e+00, v19;
	(erf) = vpow2.f32 v25;
	v25 =	vadd.f32 v22, v0;
	v13 =	vpop (erf)  }
0x1ac: {  	v14 =	vmul.f32 $1.442695020e+00, v28;
	v26 =	vadd.f32 v21, v26;
	v33 =	vld [tilespmem:s6+$0x8110];
	(erf) = vpow2.f32 v15;
	v21 =	vpop (erf)  }
0x1ad: {  	v15 =	vmul.f32 $1.442695020e+00, v35;
	v34 =	vld [tilespmem:s6+$0x8140];
	(erf) = vpow2.f32 v30;
	v22 =	vadd.f32 v21, v18;
	v35 =	vpop (erf)  }
.Ltmp2:
0x1ae: {  	v38 =	vadd.f32 v4, v12;
	v18 =	vmul.f32 $1.442695020e+00, v27;
	v30 =	vld [tilespmem:s6+$0x8230];
	(erf) = vpow2.f32 v9;
	v4 =	vpop (erf);
	(pc) =	sbr.rel @p1 .LBB2_7-.Ltmp2, $4  }
0x1af: {  	v0 =	vadd.f32 v24, v26;
	v23 =	vld [tilespmem:s6+$0x8200];
	v21 =	vmul.f32 $1.442695020e+00, v31;
	(erf) = vpow2.f32 v36;
	v31 =	vpop (erf)  }
0x1b0: {  	v9 =	vmul.f32 $1.442695020e+00, v32;
	v26 =	vld [tilespmem:s6+$0x8260];
	v28 =	vpop (erf);
	(erf) = vpow2.f32 v29;
	v32 =	vadd.f32 v20, v25  }
0x1b1: {  	v29 =	vadd.f32 v35, v0;
	v20 =	vld [tilespmem:s6+$0x8210];
	(erf) = vpow2.f32 v8;
	v8 =	vmul.f32 $1.442695020e+00, v33;
	v12 =	vpop (erf)  }
0x1b2: {  	v31 =	vadd.f32 v31, v38;
	v25 =	vmul.f32 $1.442695020e+00, v34;
	v27 =	vld [tilespmem:s6+$0x8240];
	v24 =	vpop (erf);
	(erf) = vpow2.f32 v37  }
0x1b3: {  	v33 =	vpop (erf);
	(erf) = vpow2.f32 v11  }
0x1b4: {  	v11 =	vpop (erf);
	(erf) = vpow2.f32 v10  }
0x1b5: {  	(erf) = vpow2.f32 v19  }
0x1b6: {  	v10 =	vpop (erf);
	(erf) = vpow2.f32 v5  }
0x1b7: {  	v19 =	vpop (erf);
	(erf) = vpow2.f32 v14  }
0x1b8: {  	v5 =	vpop (erf);
	(erf) = vpow2.f32 v15  }
0x1b9: {  	v7 =	vmul.f32 $1.442695020e+00, v7;
	v14 =	vpop (erf);
	(erf) = vpow2.f32 v18  }
0x1ba: {  	v15 =	vpop (erf);
	(erf) = vpow2.f32 v21;
	v21 =	vmul.f32 $1.442695020e+00, v30  }
0x1bb: {  	v18 =	vpop (erf)  }
0x1bc: {  	v6 =	vmul.f32 $1.442695020e+00, v6;
	(erf) = vpow2.f32 v25;
	v25 =	vpop (erf)  }
0x1bd: {  	(erf) = vpow2.f32 v7;
	v7 =	vpop (erf)  }
0x1be: {  	v22 =	vadd.f32 v28, v22;
	v30 =	vld [tilespmem:s6+$0x8270];
	(erf) = vpow2.f32 v21;
	v21 =	vpop (erf)  }
0x1bf: {  	v13 =	vadd.f32 v13, v32;
	v23 =	vmul.f32 $1.442695020e+00, v23;
	(erf) = vpow2.f32 v9;
	v9 =	vpop (erf)  }
0x1c0: {  	v3 =	vadd.f32 v3, v29;
	v22 =	vadd.f32 v24, v22;
	(erf) = vpow2.f32 v6;
	v6 =	vpop (erf)  }
0x1c1: {  	v10 =	vadd.f32 v10, v31;
	v20 =	vmul.f32 $1.442695020e+00, v20;
	(erf) = vpow2.f32 v23;
	v28 =	vpop (erf)  }
0x1c2: {  	v3 =	vadd.f32 v18, v3;
	v23 =	vmul.f32 $1.442695020e+00, v27;
	(erf) = vpow2.f32 v8;
	v8 =	vpop (erf)  }
0x1c3: {  	v5 =	vadd.f32 v5, v13;
	v10 =	vadd.f32 v12, v10;
	v27 =	vmul.f32 $1.442695020e+00, v30;
	v13 =	vpop (erf)  }
0x1c4: {  	v3 =	vadd.f32 v14, v3;
	v14 =	vadd.f32 v19, v22;
	(erf) = vpow2.f32 v23;
	v18 =	vpop (erf)  }
0x1c5: {  	v5 =	vadd.f32 v11, v5;
	(erf) = vpow2.f32 v27;
	v12 =	vpop (erf)  }
0x1c6: {  	v26 =	vmul.f32 $1.442695020e+00, v26;
	v7 =	vadd.f32 v7, v14;
	(erf) = vpow2.f32 v20;
	v11 =	vpop (erf)  }
0x1c7: {  	v4 =	vadd.f32 v4, v10;
	v5 =	vadd.f32 v15, v5;
	v10 =	vpop (erf)  }
0x1c8: {  	v3 =	vadd.f32 v21, v3;
	v7 =	vadd.f32 v28, v7;
	(erf) = vpow2.f32 v26;
	v15 =	vpop (erf)  }
0x1c9: {  	v5 =	vadd.f32 v25, v5;
	v4 =	vadd.f32 v6, v4;
	v6 =	vpop (erf)  }
0x1ca: {  	v3 =	vadd.f32 v33, v3;
	v7 =	vadd.f32 v13, v7;
	v14 =	vpop (erf)  }
0x1cb: {  	v4 =	vadd.f32 v11, v4;
	v5 =	vadd.f32 v15, v5;
	v11 =	vpop (erf)  }
0x1cc: {  	v3 =	vadd.f32 v11, v3  }
0x1cd: {  	v4 =	vadd.f32 v8, v4;
	v5 =	vadd.f32 v12, v5;
	v8 =	vpop (erf)  }
0x1ce: {  	v11 =	vpop (erf);
	v3 =	vadd.f32 v6, v3  }
0x1cf: {  	v5 =	vadd.f32 v14, v5;
	v6 =	vadd.f32 v10, v7;
	v7 =	vpop (erf)  }
0x1d0: {  	s15 =	sor.u32 $0x2, s24;
	v4 =	vadd.f32 v9, v4;
	v3 =	vadd.f32 v7, v3  }
0x1d1: {  	v5 =	vadd.f32 v8, v5;
	v9 =	vpop (erf);
	v6 =	vadd.f32 v11, v6;
	v7 =	vmov s15  }
0x1d2: {  	v4 =	vadd.f32 v9, v4;
	v7 =	vand.u32 $0xFFFFFFFA, v7;
	v3 =	vadd.f32 v18, v3  }
0x1d3: {  	v7 =	vbroadcast v7, $0x0  }
0x1d4: {  	v4 =	vadd.f32 v6, v4;
	v3 =	vadd.f32 v3, v5;
	_ =	sdelay $0x1  }
0x1d5: {  	v3 =	vadd.f32 v4, v3;
	_ =	sdelay $0x1  }
0x1d6: {  	[tilespmem:s0+$0x141A0] =	vst v3  }
0x1d7: {  	v3 =	vld.idx.msk [tilespmem:v7+s21+$0x0], $0xffff;
	_ =	sdelay $0x4  }
0x1d8: {  	v4 =	vshll.u32 v3, $0x1  }
0x1d9: {  	v3 =	vand.u32 $0x7F, v3;
	v4 =	vand.u32 $0xFFFFFF00, v4  }
0x1da: {  	v3 =	vor.u32 v3, v4;
	_ =	sdelay $0x4  }
0x1db: {  	v3 =	vld.idx.msk [tilespmem:v3+s31+$0x0], $0xffff;
	_ =	sdelay $0x4  }
0x1dc: {  	s6 =	simm.s32 $0x0;
	[tilespmem:s0+$0x151A0] =	vst v3  }
0x1dd: {  	v3 =	vld [tilespmem:s6+$0x81E0]  }
0x1de: {  	v4 =	vld [tilespmem:s6+$0x81B0]  }
0x1df: {  	v5 =	vld [tilespmem:s6+$0x82A0]  }
0x1e0: {  	v6 =	vld [tilespmem:s6+$0x81A0]  }
0x1e1: {  	v7 =	vld [tilespmem:s6+$0x81D0]  }
0x1e2: {  	v8 =	vld [tilespmem:s6+$0x81F0]  }
0x1e3: {  	v9 =	vld [tilespmem:s6+$0x82D0]  }
0x1e4: {  	v10 =	vld [tilespmem:s6+$0x8180]  }
0x1e5: {  	v11 =	vld [tilespmem:s6+$0x8190]  }
0x1e6: {  	v12 =	vld [tilespmem:s6+$0x81C0]  }
0x1e7: {  	v13 =	vld [tilespmem:s6+$0x82B0]  }
0x1e8: {  	v14 =	vld [tilespmem:s6+$0x8280]  }
0x1e9: {  	v15 =	vld [tilespmem:s6+$0x82E0];
	v5 =	vmul.f32 $1.442695020e+00, v5;
	v4 =	vmul.f32 $1.442695020e+00, v4  }
0x1ea: {  	v19 =	vld [tilespmem:s6+$0x82C0];
	v3 =	vmul.f32 $1.442695020e+00, v3;
	v8 =	vmul.f32 $1.442695020e+00, v8  }
0x1eb: {  	v20 =	vld [tilespmem:s6+$0x82F0];
	v9 =	vmul.f32 $1.442695020e+00, v9;
	v10 =	vmul.f32 $1.442695020e+00, v10  }
0x1ec: {  	s15 =	simm.s32 $0x200;
	v18 =	vld [tilespmem:s6+$0x8290];
	v11 =	vmul.f32 $1.442695020e+00, v11;
	v12 =	vmul.f32 $1.442695020e+00, v12  }
0x1ed: {  	v21 =	vld [tilespmem:s15+$0x81E0];
	v13 =	vmul.f32 $1.442695020e+00, v13;
	v7 =	vmul.f32 $1.442695020e+00, v7  }
0x1ee: {  	v22 =	vld [tilespmem:s15+$0x81B0];
	v15 =	vmul.f32 $1.442695020e+00, v15;
	v14 =	vmul.f32 $1.442695020e+00, v14  }
0x1ef: {  	v23 =	vld [tilespmem:s15+$0x81A0];
	v19 =	vmul.f32 $1.442695020e+00, v19;
	(erf) = vpow2.f32 v5  }
0x1f0: {  	s6 =	simm.s32 $0x400;
	v20 =	vmul.f32 $1.442695020e+00, v20;
	v5 =	vld [tilespmem:s15+$0x82A0];
	(erf) = vpow2.f32 v4  }
0x1f1: {  	v30 =	vld [tilespmem:s6+$0x81E0];
	v18 =	vmul.f32 $1.442695020e+00, v18;
	(erf) = vpow2.f32 v3  }
0x1f2: {  	v6 =	vmul.f32 $1.442695020e+00, v6;
	v3 =	vld [tilespmem:s15+$0x81F0];
	(erf) = vpow2.f32 v8  }
0x1f3: {  	v21 =	vmul.f32 $1.442695020e+00, v21;
	v4 =	vld [tilespmem:s15+$0x81D0];
	(erf) = vpow2.f32 v9  }
0x1f4: {  	v23 =	vmul.f32 $1.442695020e+00, v23;
	v8 =	vld [tilespmem:s15+$0x82D0];
	(erf) = vpow2.f32 v12  }
0x1f5: {  	v9 =	vld [tilespmem:s15+$0x8180];
	v24 =	vmul.f32 $1.442695020e+00, v5;
	(erf) = vpow2.f32 v6  }
0x1f6: {  	v12 =	vmul.f32 $1.442695020e+00, v22;
	v6 =	vld [tilespmem:s15+$0x81C0];
	(erf) = vpow2.f32 v13  }
0x1f7: {  	v13 =	vmul.f32 $1.442695020e+00, v3;
	v3 =	vld [tilespmem:s15+$0x82B0];
	(erf) = vpow2.f32 v10  }
0x1f8: {  	v5 =	vld [tilespmem:s15+$0x8190];
	v31 =	vmul.f32 $1.442695020e+00, v4;
	v25 =	vpop (erf);
	(erf) = vpow2.f32 v7  }
0x1f9: {  	v8 =	vmul.f32 $1.442695020e+00, v8;
	v7 =	vld [tilespmem:s15+$0x82E0];
	v22 =	vpop (erf);
	(erf) = vpow2.f32 v14  }
0x1fa: {  	v10 =	vld [tilespmem:s15+$0x8280];
	v9 =	vmul.f32 $1.442695020e+00, v9;
	(erf) = vpow2.f32 v11;
	v26 =	vpop (erf)  }
0x1fb: {  	v28 =	vmul.f32 $1.442695020e+00, v6;
	v6 =	vld [tilespmem:s15+$0x82C0];
	v11 =	vpop (erf);
	(erf) = vpow2.f32 v19  }
0x1fc: {  	v29 =	vmul.f32 $1.442695020e+00, v3;
	v19 =	vld [tilespmem:s15+$0x82F0];
	v3 =	vpop (erf);
	(erf) = vpow2.f32 v20  }
0x1fd: {  	v27 =	vmul.f32 $1.442695020e+00, v5;
	v14 =	vld [tilespmem:s15+$0x8290];
	v20 =	vimm.f32 $0.0e+00;
	v4 =	vpop (erf);
	(erf) = vpow2.f32 v18  }
0x1fe: {  	v18 =	vadd.f32 v22, v20;
	v22 =	vld [tilespmem:s6+$0x81B0];
	v5 =	vmul.f32 $1.442695020e+00, v7;
	(erf) = vpow2.f32 v24;
	v7 =	vpop (erf)  }
0x1ff: {  	v60 =	vmul.f32 $1.442695020e+00, v10;
	v24 =	vld [tilespmem:s6+$0x82A0];
	v34 =	vpop (erf);
	(erf) = vpow2.f32 v15  }
0x200: {  	v63 =	vld [tilespmem:s6+$0x8180];
	v61 =	vadd.f32 v7, v20;
	v35 =	vmul.f32 $1.442695020e+00, v6;
	(erf) = vpow2.f32 v12;
	v10 =	vpop (erf)  }
0x201: {  	v12 =	vadd.f32 v11, v18;
	v11 =	vmul.f32 $1.442695020e+00, v19;
	v18 =	vld [tilespmem:s6+$0x81F0];
	(erf) = vpow2.f32 v21;
	v36 =	vpop (erf)  }
0x202: {  	v37 =	vld [tilespmem:s6+$0x8190];
	v15 =	vadd.f32 v10, v20;
	v10 =	vmul.f32 $1.442695020e+00, v14;
	(erf) = vpow2.f32 v13;
	v62 =	vpop (erf)  }
0x203: {  	v38 =	vld [tilespmem:s6+$0x81C0];
	v14 =	vmul.f32 $1.442695020e+00, v22;
	(erf) = vpow2.f32 v8;
	v8 =	vadd.f32 v26, v61;
	v26 =	vpop (erf)  }
0x204: {  	v21 =	vld [tilespmem:s6+$0x82D0];
	v12 =	vadd.f32 v34, v12;
	v19 =	vmul.f32 $1.442695020e+00, v24;
	(erf) = vpow2.f32 v28;
	v13 =	vpop (erf)  }
0x205: {  	v7 =	vld [tilespmem:s6+$0x81A0];
	v24 =	vadd.f32 v4, v15;
	v15 =	vmul.f32 $1.442695020e+00, v30;
	(erf) = vpow2.f32 v23;
	v4 =	vpop (erf)  }
0x206: {  	v6 =	vld [tilespmem:s6+$0x81D0];
	v20 =	vadd.f32 v26, v20;
	v18 =	vmul.f32 $1.442695020e+00, v18;
	(erf) = vpow2.f32 v29;
	v29 =	vpop (erf)  }
0x207: {  	v30 =	vld [tilespmem:s6+$0x82B0];
	v39 =	vadd.f32 v25, v8;
	v22 =	vadd.f32 v4, v12;
	(erf) = vpow2.f32 v9;
	v4 =	vpop (erf)  }
0x208: {  	v26 =	vld [tilespmem:s6+$0x82E0];
	v8 =	vmul.f32 $1.442695020e+00, v37;
	v25 =	vadd.f32 v36, v20;
	(erf) = vpow2.f32 v31;
	v31 =	vpop (erf)  }
0x209: {  	v23 =	vld [tilespmem:s6+$0x8280];
	v32 =	vadd.f32 v62, v24;
	v21 =	vmul.f32 $1.442695020e+00, v21;
	v28 =	vpop (erf);
	(erf) = vpow2.f32 v60  }
0x20a: {  	v20 =	vld [tilespmem:s6+$0x8290];
	v9 =	vmul.f32 $1.442695020e+00, v63;
	v29 =	vadd.f32 v29, v25;
	(erf) = vpow2.f32 v27;
	v12 =	vpop (erf)  }
0x20b: {  	s15 =	simm.s32 $0x1800;
	v25 =	vmul.f32 $1.442695020e+00, v38;
	v31 =	vadd.f32 v31, v39;
	v27 =	vld [tilespmem:s6+$0x82C0];
	v24 =	vpop (erf);
	(erf) = vpow2.f32 v35  }
.LBB2_9:
0x20c: {  	v30 =	vmul.f32 $1.442695020e+00, v30;
	(erf) = vpow2.f32 v11;
	v13 =	vadd.f32 v13, v32  }
0x20d: {  	p1 =	sne.s32 s15, $0xF800;
	v33 =	vld [tilespmem:s6+$0x82F0];
	s6 =	sshra.s32 s15, $0x2;
	s15 =	sadd.s32 $0x800, s15;
	v11 =	vmov v3;
	v3 =	vpop (erf);
	v32 =	vmov v5;
	v34 =	vmov v7  }
0x20e: {  	v36 =	vmul.f32 $1.442695020e+00, v6;
	v6 =	vadd.f32 v28, v22;
	v35 =	vld [tilespmem:s6+$0x81E0];
	v22 =	vpop (erf);
	(erf) = vpow2.f32 v10  }
0x20f: {  	v28 =	vld [tilespmem:s6+$0x81B0];
	v5 =	vmul.f32 $1.442695020e+00, v26;
	(erf) = vpow2.f32 v19;
	v7 =	vpop (erf);
	v26 =	vadd.f32 v11, v29  }
0x210: {  	v29 =	vmul.f32 $1.442695020e+00, v23;
	v19 =	vld [tilespmem:s6+$0x82A0];
	v23 =	vadd.f32 v7, v31;
	v31 =	vpop (erf);
	(erf) = vpow2.f32 v32  }
0x211: {  	v7 =	vld [tilespmem:s6+$0x81A0];
	v37 =	vmul.f32 $1.442695020e+00, v27;
	(erf) = vpow2.f32 v14;
	v14 =	vadd.f32 v24, v6;
	v10 =	vpop (erf)  }
0x212: {  	v6 =	vld [tilespmem:s6+$0x81D0];
	v11 =	vmul.f32 $1.442695020e+00, v33;
	(erf) = vpow2.f32 v15;
	v0 =	vadd.f32 v10, v13;
	v24 =	vpop (erf)  }
0x213: {  	v10 =	vmul.f32 $1.442695020e+00, v20;
	v27 =	vld [tilespmem:s6+$0x81F0];
	(erf) = vpow2.f32 v18;
	v18 =	vadd.f32 v31, v14;
	v20 =	vpop (erf)  }
0x214: {  	v15 =	vmul.f32 $1.442695020e+00, v34;
	v12 =	vadd.f32 v12, v23;
	v31 =	vld [tilespmem:s6+$0x82D0];
	(erf) = vpow2.f32 v21;
	v21 =	vpop (erf)  }
0x215: {  	v32 =	vld [tilespmem:s6+$0x8180];
	v19 =	vmul.f32 $1.442695020e+00, v19;
	(erf) = vpow2.f32 v25;
	v25 =	vadd.f32 v22, v0;
	v13 =	vpop (erf)  }
0x216: {  	v14 =	vmul.f32 $1.442695020e+00, v28;
	v26 =	vadd.f32 v21, v26;
	v33 =	vld [tilespmem:s6+$0x8190];
	(erf) = vpow2.f32 v15;
	v21 =	vpop (erf)  }
0x217: {  	v15 =	vmul.f32 $1.442695020e+00, v35;
	v34 =	vld [tilespmem:s6+$0x81C0];
	(erf) = vpow2.f32 v30;
	v22 =	vadd.f32 v21, v18;
	v35 =	vpop (erf)  }
.Ltmp3:
0x218: {  	v38 =	vadd.f32 v4, v12;
	v18 =	vmul.f32 $1.442695020e+00, v27;
	v30 =	vld [tilespmem:s6+$0x82B0];
	(erf) = vpow2.f32 v9;
	v4 =	vpop (erf);
	(pc) =	sbr.rel @p1 .LBB2_9-.Ltmp3, $4  }
0x219: {  	v0 =	vadd.f32 v24, v26;
	v23 =	vld [tilespmem:s6+$0x8280];
	v21 =	vmul.f32 $1.442695020e+00, v31;
	(erf) = vpow2.f32 v36;
	v31 =	vpop (erf)  }
0x21a: {  	v9 =	vmul.f32 $1.442695020e+00, v32;
	v26 =	vld [tilespmem:s6+$0x82E0];
	v28 =	vpop (erf);
	(erf) = vpow2.f32 v29;
	v32 =	vadd.f32 v20, v25  }
0x21b: {  	v29 =	vadd.f32 v35, v0;
	v20 =	vld [tilespmem:s6+$0x8290];
	(erf) = vpow2.f32 v8;
	v8 =	vmul.f32 $1.442695020e+00, v33;
	v12 =	vpop (erf)  }
0x21c: {  	v31 =	vadd.f32 v31, v38;
	v25 =	vmul.f32 $1.442695020e+00, v34;
	v27 =	vld [tilespmem:s6+$0x82C0];
	v24 =	vpop (erf);
	(erf) = vpow2.f32 v37  }
0x21d: {  	v33 =	vpop (erf);
	(erf) = vpow2.f32 v11  }
0x21e: {  	v11 =	vpop (erf);
	(erf) = vpow2.f32 v10  }
0x21f: {  	(erf) = vpow2.f32 v19  }
0x220: {  	v10 =	vpop (erf);
	(erf) = vpow2.f32 v5  }
0x221: {  	v19 =	vpop (erf);
	(erf) = vpow2.f32 v14  }
0x222: {  	v5 =	vpop (erf);
	(erf) = vpow2.f32 v15  }
0x223: {  	v7 =	vmul.f32 $1.442695020e+00, v7;
	v14 =	vpop (erf);
	(erf) = vpow2.f32 v18  }
0x224: {  	v15 =	vpop (erf);
	(erf) = vpow2.f32 v21;
	v21 =	vmul.f32 $1.442695020e+00, v30  }
0x225: {  	v18 =	vpop (erf)  }
0x226: {  	v6 =	vmul.f32 $1.442695020e+00, v6;
	(erf) = vpow2.f32 v25;
	v25 =	vpop (erf)  }
0x227: {  	(erf) = vpow2.f32 v7;
	v7 =	vpop (erf)  }
0x228: {  	v22 =	vadd.f32 v28, v22;
	v30 =	vld [tilespmem:s6+$0x82F0];
	(erf) = vpow2.f32 v21;
	v21 =	vpop (erf)  }
0x229: {  	v13 =	vadd.f32 v13, v32;
	v23 =	vmul.f32 $1.442695020e+00, v23;
	(erf) = vpow2.f32 v9;
	v9 =	vpop (erf)  }
0x22a: {  	v3 =	vadd.f32 v3, v29;
	v22 =	vadd.f32 v24, v22;
	(erf) = vpow2.f32 v6;
	v6 =	vpop (erf)  }
0x22b: {  	v10 =	vadd.f32 v10, v31;
	v20 =	vmul.f32 $1.442695020e+00, v20;
	(erf) = vpow2.f32 v23;
	v28 =	vpop (erf)  }
0x22c: {  	v3 =	vadd.f32 v18, v3;
	v23 =	vmul.f32 $1.442695020e+00, v27;
	(erf) = vpow2.f32 v8;
	v8 =	vpop (erf)  }
0x22d: {  	v5 =	vadd.f32 v5, v13;
	v10 =	vadd.f32 v12, v10;
	v27 =	vmul.f32 $1.442695020e+00, v30;
	v13 =	vpop (erf)  }
0x22e: {  	v3 =	vadd.f32 v14, v3;
	v14 =	vadd.f32 v19, v22;
	(erf) = vpow2.f32 v23;
	v18 =	vpop (erf)  }
0x22f: {  	v5 =	vadd.f32 v11, v5;
	(erf) = vpow2.f32 v27;
	v12 =	vpop (erf)  }
0x230: {  	v26 =	vmul.f32 $1.442695020e+00, v26;
	v7 =	vadd.f32 v7, v14;
	(erf) = vpow2.f32 v20;
	v11 =	vpop (erf)  }
0x231: {  	v4 =	vadd.f32 v4, v10;
	v5 =	vadd.f32 v15, v5;
	v10 =	vpop (erf)  }
0x232: {  	v3 =	vadd.f32 v21, v3;
	v7 =	vadd.f32 v28, v7;
	(erf) = vpow2.f32 v26;
	v15 =	vpop (erf)  }
0x233: {  	v5 =	vadd.f32 v25, v5;
	v4 =	vadd.f32 v6, v4;
	v6 =	vpop (erf)  }
0x234: {  	v3 =	vadd.f32 v33, v3;
	v7 =	vadd.f32 v13, v7;
	v14 =	vpop (erf)  }
0x235: {  	v4 =	vadd.f32 v11, v4;
	v5 =	vadd.f32 v15, v5;
	v11 =	vpop (erf)  }
0x236: {  	v3 =	vadd.f32 v11, v3  }
0x237: {  	v4 =	vadd.f32 v8, v4;
	v5 =	vadd.f32 v12, v5;
	v8 =	vpop (erf)  }
0x238: {  	v11 =	vpop (erf);
	v3 =	vadd.f32 v6, v3  }
0x239: {  	v5 =	vadd.f32 v14, v5;
	v6 =	vadd.f32 v10, v7;
	v7 =	vpop (erf)  }
0x23a: {  	s15 =	sor.u32 $0x3, s24;
	v4 =	vadd.f32 v9, v4;
	v3 =	vadd.f32 v7, v3  }
0x23b: {  	v5 =	vadd.f32 v8, v5;
	v9 =	vpop (erf);
	v6 =	vadd.f32 v11, v6;
	v7 =	vmov s15  }
0x23c: {  	v4 =	vadd.f32 v9, v4;
	v7 =	vand.u32 $0xFFFFFFFB, v7;
	v3 =	vadd.f32 v18, v3  }
0x23d: {  	v7 =	vbroadcast v7, $0x0  }
0x23e: {  	v4 =	vadd.f32 v6, v4;
	v3 =	vadd.f32 v3, v5;
	_ =	sdelay $0x1  }
0x23f: {  	v3 =	vadd.f32 v4, v3;
	_ =	sdelay $0x1  }
0x240: {  	[tilespmem:s0+$0x141B0] =	vst v3  }
0x241: {  	v3 =	vld.idx.msk [tilespmem:v7+s21+$0x0], $0xffff;
	_ =	sdelay $0x4  }
0x242: {  	v4 =	vshll.u32 v3, $0x1  }
0x243: {  	v3 =	vand.u32 $0x7F, v3;
	v4 =	vand.u32 $0xFFFFFF00, v4  }
0x244: {  	v3 =	vor.u32 v4, v3  }
0x245: {  	v3 =	vor.u32 $0x80, v3;
	_ =	sdelay $0x4  }
0x246: {  	v3 =	vld.idx.msk [tilespmem:v3+s31+$0x0], $0xffff;
	_ =	sdelay $0x4  }
0x247: {  	[tilespmem:s0+$0x151B0] =	vst v3  }
0x248: {  	_ =	swait.ge [sflag:s20], $0x4000  }
0x249: {  	[sflag:s20] =	ssyncset.done $0x0  }
0x24a: {  	s6 =	simm.s32 @!p0 $0x6;
	[sflag:s20] =	ssyncadd.s32 $0xFFFFC000  }
0x24b: {  	_ =	swait.ge @!p0 [sflag:s6], $0x4000  }
0x24c: {  	[sflag:s6] =	ssyncset.done @!p0 $0x0  }
0x24d: {  	[sflag:s6] =	ssyncadd.s32 @!p0 $0xFFFFC000  }
0x24e: {  	v3 =	vld.msk @!p0 [tilespmem:s26+$0x280], $0x3;
	_ =	sdelay $0x4  }
0x24f: {  	v4 =	vshll.u32 @!p0 v3, $0x6  }
0x250: {  	v5 =	vlaneseq.u32 @!p0;
	v3 =	vand.u32 @!p0 $0x7, v3;
	v4 =	vand.u32 @!p0 $0xFFFFFE00, v4  }
0x251: {  	v3 =	vor.u32 @!p0 v3, v4;
	v4 =	vand.u32 @!p0 $0x1, v5;
	v5 =	vshrl.u32 @!p0 v5, $0x1  }
0x252: {  	v3 =	vperm.xlane @!p0 v3, v4;
	v4 =	vmul.u32 @!p0 $0x8, v5;
	_ =	sdelay $0x1  }
0x253: {  	v3 =	vadd.s32 @!p0 v4, v3;
	_ =	sdelay $0x3  }
0x254: {  	s15 =	simm.s32 @!p0 $0x8100;
	s6 =	simm.s32 @!p0 $0x0  }
0x255: {  	[tilespmem:s15], [sflag:$0x2] =	stream.indirect_vreg.gather @!p0 [hbm4b:s1+s6], $0x80, v3, vm1, $0xb8;
	[tilespmem:$0x16180] =	vst v63  }
0x256: {  	s15 =	simm.s32 @!p0 $0x8900  }
0x257: {  	[tilespmem:s15], [sflag:$0x2] =	stream.indirect_vreg.gather @!p0 [hbm4b:s8+s6], $0x80, v3, vm1, $0xb8;
	[tilespmem:$0x16180] =	vst v63  }
0x258: {  	s15 =	simm.s32 @!p0 $0x9100  }
0x259: {  	[tilespmem:s15], [sflag:$0x2] =	stream.indirect_vreg.gather @!p0 [hbm4b:s9+s6], $0x80, v3, vm1, $0xb8;
	[tilespmem:$0x16180] =	vst v63  }
0x25a: {  	s15 =	simm.s32 @!p0 $0x9900  }
0x25b: {  	[tilespmem:s15], [sflag:$0x2] =	stream.indirect_vreg.gather @!p0 [hbm4b:s10+s6], $0x80, v3, vm1, $0xb8;
	[tilespmem:$0x16180] =	vst v63  }
0x25c: {  	s15 =	simm.s32 @!p0 $0xA100  }
0x25d: {  	[tilespmem:s15], [sflag:$0x2] =	stream.indirect_vreg.gather @!p0 [hbm4b:s11+s6], $0x80, v3, vm1, $0xb8;
	[tilespmem:$0x16180] =	vst v63  }
0x25e: {  	s15 =	simm.s32 @!p0 $0xA900  }
0x25f: {  	[tilespmem:s15], [sflag:$0x2] =	stream.indirect_vreg.gather @!p0 [hbm4b:s12+s6], $0x80, v3, vm1, $0xb8;
	[tilespmem:$0x16180] =	vst v63  }
0x260: {  	s15 =	simm.s32 @!p0 $0xB100  }
0x261: {  	[tilespmem:s15], [sflag:$0x2] =	stream.indirect_vreg.gather @!p0 [hbm4b:s13+s6], $0x80, v3, vm1, $0xb8;
	[tilespmem:$0x16180] =	vst v63  }
0x262: {  	s15 =	simm.s32 @!p0 $0xB900  }
0x263: {  	[tilespmem:s15], [sflag:$0x2] =	stream.indirect_vreg.gather @!p0 [hbm4b:s14+s6], $0x80, v3, vm1, $0xb8;
	[tilespmem:$0x16180] =	vst v63  }
0x264: {  	s25 =	sadd.s32 s25, s16;
	s15 =	simm.s32 $0x0  }
0x265: {  	[hbm4b:s25+s7] =	stream.strided.scatter [tilespmem:s29], [sflag:$0x7], $0x4000, s18, s7, $0x38;
	[tilespmem:$0x16180] =	vst v63  }
0x266: {  	v3 =	vld [tilespmem:s15+$0xC160]  }
0x267: {  	v4 =	vld [tilespmem:s15+$0xC130]  }
0x268: {  	v5 =	vld [tilespmem:s15+$0xC220]  }
0x269: {  	v6 =	vld [tilespmem:s15+$0xC120]  }
0x26a: {  	v7 =	vld [tilespmem:s15+$0xC150]  }
0x26b: {  	v8 =	vld [tilespmem:s15+$0xC170]  }
0x26c: {  	v9 =	vld [tilespmem:s15+$0xC250]  }
0x26d: {  	v10 =	vld [tilespmem:s15+$0xC100]  }
0x26e: {  	v11 =	vld [tilespmem:s15+$0xC110]  }
0x26f: {  	v12 =	vld [tilespmem:s15+$0xC140]  }
0x270: {  	v13 =	vld [tilespmem:s15+$0xC230]  }
0x271: {  	v14 =	vld [tilespmem:s15+$0xC200]  }
0x272: {  	v15 =	vld [tilespmem:s15+$0xC260];
	v5 =	vmul.f32 $1.442695020e+00, v5;
	v4 =	vmul.f32 $1.442695020e+00, v4  }
0x273: {  	v19 =	vld [tilespmem:s15+$0xC240];
	v3 =	vmul.f32 $1.442695020e+00, v3;
	v8 =	vmul.f32 $1.442695020e+00, v8  }
0x274: {  	v20 =	vld [tilespmem:s15+$0xC270];
	v9 =	vmul.f32 $1.442695020e+00, v9;
	v10 =	vmul.f32 $1.442695020e+00, v10  }
0x275: {  	s25 =	simm.s32 $0x200;
	v18 =	vld [tilespmem:s15+$0xC210];
	v11 =	vmul.f32 $1.442695020e+00, v11;
	v12 =	vmul.f32 $1.442695020e+00, v12  }
0x276: {  	v21 =	vld [tilespmem:s25+$0xC160];
	v13 =	vmul.f32 $1.442695020e+00, v13;
	v7 =	vmul.f32 $1.442695020e+00, v7  }
0x277: {  	v22 =	vld [tilespmem:s25+$0xC130];
	v15 =	vmul.f32 $1.442695020e+00, v15;
	v14 =	vmul.f32 $1.442695020e+00, v14  }
0x278: {  	v23 =	vld [tilespmem:s25+$0xC120];
	v19 =	vmul.f32 $1.442695020e+00, v19;
	(erf) = vpow2.f32 v5  }
0x279: {  	s6 =	simm.s32 $0x400;
	v20 =	vmul.f32 $1.442695020e+00, v20;
	v5 =	vld [tilespmem:s25+$0xC220];
	(erf) = vpow2.f32 v4  }
0x27a: {  	v30 =	vld [tilespmem:s6+$0xC160];
	v18 =	vmul.f32 $1.442695020e+00, v18;
	(erf) = vpow2.f32 v3  }
0x27b: {  	v6 =	vmul.f32 $1.442695020e+00, v6;
	v3 =	vld [tilespmem:s25+$0xC170];
	(erf) = vpow2.f32 v8  }
0x27c: {  	v21 =	vmul.f32 $1.442695020e+00, v21;
	v4 =	vld [tilespmem:s25+$0xC150];
	(erf) = vpow2.f32 v9  }
0x27d: {  	v23 =	vmul.f32 $1.442695020e+00, v23;
	v8 =	vld [tilespmem:s25+$0xC250];
	(erf) = vpow2.f32 v12  }
0x27e: {  	v9 =	vld [tilespmem:s25+$0xC100];
	v24 =	vmul.f32 $1.442695020e+00, v5;
	(erf) = vpow2.f32 v6  }
0x27f: {  	v12 =	vmul.f32 $1.442695020e+00, v22;
	v6 =	vld [tilespmem:s25+$0xC140];
	(erf) = vpow2.f32 v13  }
0x280: {  	v13 =	vmul.f32 $1.442695020e+00, v3;
	v3 =	vld [tilespmem:s25+$0xC230];
	(erf) = vpow2.f32 v10  }
0x281: {  	v5 =	vld [tilespmem:s25+$0xC110];
	v31 =	vmul.f32 $1.442695020e+00, v4;
	v25 =	vpop (erf);
	(erf) = vpow2.f32 v7  }
0x282: {  	v8 =	vmul.f32 $1.442695020e+00, v8;
	v7 =	vld [tilespmem:s25+$0xC260];
	v22 =	vpop (erf);
	(erf) = vpow2.f32 v14  }
0x283: {  	v10 =	vld [tilespmem:s25+$0xC200];
	v9 =	vmul.f32 $1.442695020e+00, v9;
	(erf) = vpow2.f32 v11;
	v26 =	vpop (erf)  }
0x284: {  	v28 =	vmul.f32 $1.442695020e+00, v6;
	v6 =	vld [tilespmem:s25+$0xC240];
	v11 =	vpop (erf);
	(erf) = vpow2.f32 v19  }
0x285: {  	v29 =	vmul.f32 $1.442695020e+00, v3;
	v19 =	vld [tilespmem:s25+$0xC270];
	v3 =	vpop (erf);
	(erf) = vpow2.f32 v20  }
0x286: {  	v27 =	vmul.f32 $1.442695020e+00, v5;
	v14 =	vld [tilespmem:s25+$0xC210];
	v20 =	vimm.f32 $0.0e+00;
	v4 =	vpop (erf);
	(erf) = vpow2.f32 v18  }
0x287: {  	v18 =	vadd.f32 v22, v20;
	v22 =	vld [tilespmem:s6+$0xC130];
	v5 =	vmul.f32 $1.442695020e+00, v7;
	(erf) = vpow2.f32 v24;
	v7 =	vpop (erf)  }
0x288: {  	v60 =	vmul.f32 $1.442695020e+00, v10;
	v24 =	vld [tilespmem:s6+$0xC220];
	v34 =	vpop (erf);
	(erf) = vpow2.f32 v15  }
0x289: {  	v63 =	vld [tilespmem:s6+$0xC100];
	v61 =	vadd.f32 v7, v20;
	v35 =	vmul.f32 $1.442695020e+00, v6;
	(erf) = vpow2.f32 v12;
	v10 =	vpop (erf)  }
0x28a: {  	v12 =	vadd.f32 v11, v18;
	v11 =	vmul.f32 $1.442695020e+00, v19;
	v18 =	vld [tilespmem:s6+$0xC170];
	(erf) = vpow2.f32 v21;
	v36 =	vpop (erf)  }
0x28b: {  	v37 =	vld [tilespmem:s6+$0xC110];
	v15 =	vadd.f32 v10, v20;
	v10 =	vmul.f32 $1.442695020e+00, v14;
	(erf) = vpow2.f32 v13;
	v62 =	vpop (erf)  }
0x28c: {  	v38 =	vld [tilespmem:s6+$0xC140];
	v14 =	vmul.f32 $1.442695020e+00, v22;
	(erf) = vpow2.f32 v8;
	v8 =	vadd.f32 v26, v61;
	v26 =	vpop (erf)  }
0x28d: {  	v21 =	vld [tilespmem:s6+$0xC250];
	v12 =	vadd.f32 v34, v12;
	v19 =	vmul.f32 $1.442695020e+00, v24;
	(erf) = vpow2.f32 v28;
	v13 =	vpop (erf)  }
0x28e: {  	v7 =	vld [tilespmem:s6+$0xC120];
	v24 =	vadd.f32 v4, v15;
	v15 =	vmul.f32 $1.442695020e+00, v30;
	(erf) = vpow2.f32 v23;
	v4 =	vpop (erf)  }
0x28f: {  	v6 =	vld [tilespmem:s6+$0xC150];
	v20 =	vadd.f32 v26, v20;
	v18 =	vmul.f32 $1.442695020e+00, v18;
	(erf) = vpow2.f32 v29;
	v29 =	vpop (erf)  }
0x290: {  	v30 =	vld [tilespmem:s6+$0xC230];
	v39 =	vadd.f32 v25, v8;
	v22 =	vadd.f32 v4, v12;
	(erf) = vpow2.f32 v9;
	v4 =	vpop (erf)  }
0x291: {  	v26 =	vld [tilespmem:s6+$0xC260];
	v8 =	vmul.f32 $1.442695020e+00, v37;
	v25 =	vadd.f32 v36, v20;
	(erf) = vpow2.f32 v31;
	v31 =	vpop (erf)  }
0x292: {  	v23 =	vld [tilespmem:s6+$0xC200];
	v32 =	vadd.f32 v62, v24;
	v21 =	vmul.f32 $1.442695020e+00, v21;
	v28 =	vpop (erf);
	(erf) = vpow2.f32 v60  }
0x293: {  	v20 =	vld [tilespmem:s6+$0xC210];
	v9 =	vmul.f32 $1.442695020e+00, v63;
	v29 =	vadd.f32 v29, v25;
	(erf) = vpow2.f32 v27;
	v12 =	vpop (erf)  }
0x294: {  	s15 =	simm.s32 $0x1800;
	v25 =	vmul.f32 $1.442695020e+00, v38;
	v31 =	vadd.f32 v31, v39;
	v27 =	vld [tilespmem:s6+$0xC240];
	v24 =	vpop (erf);
	(erf) = vpow2.f32 v35  }
.LBB2_11:
0x295: {  	v30 =	vmul.f32 $1.442695020e+00, v30;
	(erf) = vpow2.f32 v11;
	v13 =	vadd.f32 v13, v32  }
0x296: {  	p1 =	sne.s32 s15, $0xF800;
	v33 =	vld [tilespmem:s6+$0xC270];
	s6 =	sshra.s32 s15, $0x2;
	s15 =	sadd.s32 $0x800, s15;
	v11 =	vmov v3;
	v3 =	vpop (erf);
	v32 =	vmov v5;
	v34 =	vmov v7  }
0x297: {  	v36 =	vmul.f32 $1.442695020e+00, v6;
	v6 =	vadd.f32 v28, v22;
	v35 =	vld [tilespmem:s6+$0xC160];
	v22 =	vpop (erf);
	(erf) = vpow2.f32 v10  }
0x298: {  	v28 =	vld [tilespmem:s6+$0xC130];
	v5 =	vmul.f32 $1.442695020e+00, v26;
	(erf) = vpow2.f32 v19;
	v7 =	vpop (erf);
	v26 =	vadd.f32 v11, v29  }
0x299: {  	v29 =	vmul.f32 $1.442695020e+00, v23;
	v19 =	vld [tilespmem:s6+$0xC220];
	v23 =	vadd.f32 v7, v31;
	v31 =	vpop (erf);
	(erf) = vpow2.f32 v32  }
0x29a: {  	v7 =	vld [tilespmem:s6+$0xC120];
	v37 =	vmul.f32 $1.442695020e+00, v27;
	(erf) = vpow2.f32 v14;
	v14 =	vadd.f32 v24, v6;
	v10 =	vpop (erf)  }
0x29b: {  	v6 =	vld [tilespmem:s6+$0xC150];
	v11 =	vmul.f32 $1.442695020e+00, v33;
	(erf) = vpow2.f32 v15;
	v0 =	vadd.f32 v10, v13;
	v24 =	vpop (erf)  }
0x29c: {  	v10 =	vmul.f32 $1.442695020e+00, v20;
	v27 =	vld [tilespmem:s6+$0xC170];
	(erf) = vpow2.f32 v18;
	v18 =	vadd.f32 v31, v14;
	v20 =	vpop (erf)  }
0x29d: {  	v15 =	vmul.f32 $1.442695020e+00, v34;
	v12 =	vadd.f32 v12, v23;
	v31 =	vld [tilespmem:s6+$0xC250];
	(erf) = vpow2.f32 v21;
	v21 =	vpop (erf)  }
0x29e: {  	v32 =	vld [tilespmem:s6+$0xC100];
	v19 =	vmul.f32 $1.442695020e+00, v19;
	(erf) = vpow2.f32 v25;
	v25 =	vadd.f32 v22, v0;
	v13 =	vpop (erf)  }
0x29f: {  	v14 =	vmul.f32 $1.442695020e+00, v28;
	v26 =	vadd.f32 v21, v26;
	v33 =	vld [tilespmem:s6+$0xC110];
	(erf) = vpow2.f32 v15;
	v21 =	vpop (erf)  }
0x2a0: {  	v15 =	vmul.f32 $1.442695020e+00, v35;
	v34 =	vld [tilespmem:s6+$0xC140];
	(erf) = vpow2.f32 v30;
	v22 =	vadd.f32 v21, v18;
	v35 =	vpop (erf)  }
.Ltmp4:
0x2a1: {  	v38 =	vadd.f32 v4, v12;
	v18 =	vmul.f32 $1.442695020e+00, v27;
	v30 =	vld [tilespmem:s6+$0xC230];
	(erf) = vpow2.f32 v9;
	v4 =	vpop (erf);
	(pc) =	sbr.rel @p1 .LBB2_11-.Ltmp4, $4  }
0x2a2: {  	v0 =	vadd.f32 v24, v26;
	v23 =	vld [tilespmem:s6+$0xC200];
	v21 =	vmul.f32 $1.442695020e+00, v31;
	(erf) = vpow2.f32 v36;
	v31 =	vpop (erf)  }
0x2a3: {  	v9 =	vmul.f32 $1.442695020e+00, v32;
	v26 =	vld [tilespmem:s6+$0xC260];
	v28 =	vpop (erf);
	(erf) = vpow2.f32 v29;
	v32 =	vadd.f32 v20, v25  }
0x2a4: {  	v29 =	vadd.f32 v35, v0;
	v20 =	vld [tilespmem:s6+$0xC210];
	(erf) = vpow2.f32 v8;
	v8 =	vmul.f32 $1.442695020e+00, v33;
	v12 =	vpop (erf)  }
0x2a5: {  	v31 =	vadd.f32 v31, v38;
	v25 =	vmul.f32 $1.442695020e+00, v34;
	v27 =	vld [tilespmem:s6+$0xC240];
	v24 =	vpop (erf);
	(erf) = vpow2.f32 v37  }
0x2a6: {  	v33 =	vpop (erf);
	(erf) = vpow2.f32 v11  }
0x2a7: {  	v11 =	vpop (erf);
	(erf) = vpow2.f32 v10  }
0x2a8: {  	(erf) = vpow2.f32 v19  }
0x2a9: {  	v10 =	vpop (erf);
	(erf) = vpow2.f32 v5  }
0x2aa: {  	v19 =	vpop (erf);
	(erf) = vpow2.f32 v14  }
0x2ab: {  	v5 =	vpop (erf);
	(erf) = vpow2.f32 v15  }
0x2ac: {  	v7 =	vmul.f32 $1.442695020e+00, v7;
	v14 =	vpop (erf);
	(erf) = vpow2.f32 v18  }
0x2ad: {  	v15 =	vpop (erf);
	(erf) = vpow2.f32 v21;
	v21 =	vmul.f32 $1.442695020e+00, v30  }
0x2ae: {  	v18 =	vpop (erf)  }
0x2af: {  	v6 =	vmul.f32 $1.442695020e+00, v6;
	(erf) = vpow2.f32 v25;
	v25 =	vpop (erf)  }
0x2b0: {  	(erf) = vpow2.f32 v7;
	v7 =	vpop (erf)  }
0x2b1: {  	v22 =	vadd.f32 v28, v22;
	v30 =	vld [tilespmem:s6+$0xC270];
	(erf) = vpow2.f32 v21;
	v21 =	vpop (erf)  }
0x2b2: {  	v13 =	vadd.f32 v13, v32;
	v23 =	vmul.f32 $1.442695020e+00, v23;
	(erf) = vpow2.f32 v9;
	v9 =	vpop (erf)  }
0x2b3: {  	v3 =	vadd.f32 v3, v29;
	v22 =	vadd.f32 v24, v22;
	(erf) = vpow2.f32 v6;
	v6 =	vpop (erf)  }
0x2b4: {  	v10 =	vadd.f32 v10, v31;
	v20 =	vmul.f32 $1.442695020e+00, v20;
	(erf) = vpow2.f32 v23;
	v28 =	vpop (erf)  }
0x2b5: {  	v3 =	vadd.f32 v18, v3;
	v23 =	vmul.f32 $1.442695020e+00, v27;
	(erf) = vpow2.f32 v8;
	v8 =	vpop (erf)  }
0x2b6: {  	v5 =	vadd.f32 v5, v13;
	v10 =	vadd.f32 v12, v10;
	v27 =	vmul.f32 $1.442695020e+00, v30;
	v13 =	vpop (erf)  }
0x2b7: {  	v3 =	vadd.f32 v14, v3;
	v14 =	vadd.f32 v19, v22;
	(erf) = vpow2.f32 v23;
	v18 =	vpop (erf)  }
0x2b8: {  	v5 =	vadd.f32 v11, v5;
	(erf) = vpow2.f32 v27;
	v12 =	vpop (erf)  }
0x2b9: {  	v26 =	vmul.f32 $1.442695020e+00, v26;
	v7 =	vadd.f32 v7, v14;
	(erf) = vpow2.f32 v20;
	v11 =	vpop (erf)  }
0x2ba: {  	v4 =	vadd.f32 v4, v10;
	v5 =	vadd.f32 v15, v5;
	v10 =	vpop (erf)  }
0x2bb: {  	v3 =	vadd.f32 v21, v3;
	v7 =	vadd.f32 v28, v7;
	(erf) = vpow2.f32 v26;
	v15 =	vpop (erf)  }
0x2bc: {  	v5 =	vadd.f32 v25, v5;
	v4 =	vadd.f32 v6, v4;
	v6 =	vpop (erf)  }
0x2bd: {  	v3 =	vadd.f32 v33, v3;
	v7 =	vadd.f32 v13, v7;
	v14 =	vpop (erf)  }
0x2be: {  	v4 =	vadd.f32 v11, v4;
	v5 =	vadd.f32 v15, v5;
	v11 =	vpop (erf)  }
0x2bf: {  	v3 =	vadd.f32 v11, v3  }
0x2c0: {  	v4 =	vadd.f32 v8, v4;
	v5 =	vadd.f32 v12, v5;
	v8 =	vpop (erf)  }
0x2c1: {  	v11 =	vpop (erf);
	v3 =	vadd.f32 v6, v3  }
0x2c2: {  	v5 =	vadd.f32 v14, v5;
	v6 =	vadd.f32 v10, v7;
	v7 =	vpop (erf)  }
0x2c3: {  	s15 =	sor.u32 $0x4, s24;
	v4 =	vadd.f32 v9, v4;
	v3 =	vadd.f32 v7, v3  }
0x2c4: {  	v5 =	vadd.f32 v8, v5;
	v9 =	vpop (erf);
	v6 =	vadd.f32 v11, v6;
	v7 =	vmov s15  }
0x2c5: {  	v4 =	vadd.f32 v9, v4;
	v7 =	vand.u32 $0xFFFFFFFC, v7;
	v3 =	vadd.f32 v18, v3  }
0x2c6: {  	v7 =	vbroadcast v7, $0x0  }
0x2c7: {  	v4 =	vadd.f32 v6, v4;
	v3 =	vadd.f32 v3, v5;
	_ =	sdelay $0x1  }
0x2c8: {  	v3 =	vadd.f32 v4, v3;
	_ =	sdelay $0x1  }
0x2c9: {  	[tilespmem:s0+$0x141C0] =	vst v3  }
0x2ca: {  	v3 =	vld.idx.msk [tilespmem:v7+s21+$0x0], $0xffff;
	_ =	sdelay $0x4  }
0x2cb: {  	v4 =	vshll.u32 v3, $0x1  }
0x2cc: {  	v3 =	vand.u32 $0x7F, v3;
	v4 =	vand.u32 $0xFFFFFF00, v4  }
0x2cd: {  	v3 =	vor.u32 v3, v4;
	_ =	sdelay $0x4  }
0x2ce: {  	v3 =	vld.idx.msk [tilespmem:v3+s29+$0x0], $0xffff;
	_ =	sdelay $0x4  }
0x2cf: {  	s25 =	simm.s32 $0x0;
	[tilespmem:s0+$0x151C0] =	vst v3  }
0x2d0: {  	v3 =	vld [tilespmem:s25+$0xC1E0]  }
0x2d1: {  	v4 =	vld [tilespmem:s25+$0xC1B0]  }
0x2d2: {  	v5 =	vld [tilespmem:s25+$0xC2A0]  }
0x2d3: {  	v6 =	vld [tilespmem:s25+$0xC1A0]  }
0x2d4: {  	v7 =	vld [tilespmem:s25+$0xC1D0]  }
0x2d5: {  	v8 =	vld [tilespmem:s25+$0xC1F0]  }
0x2d6: {  	v9 =	vld [tilespmem:s25+$0xC2D0]  }
0x2d7: {  	v10 =	vld [tilespmem:s25+$0xC180]  }
0x2d8: {  	v11 =	vld [tilespmem:s25+$0xC190]  }
0x2d9: {  	v12 =	vld [tilespmem:s25+$0xC1C0]  }
0x2da: {  	v13 =	vld [tilespmem:s25+$0xC2B0]  }
0x2db: {  	v14 =	vld [tilespmem:s25+$0xC280]  }
0x2dc: {  	v15 =	vld [tilespmem:s25+$0xC2E0];
	v5 =	vmul.f32 $1.442695020e+00, v5;
	v4 =	vmul.f32 $1.442695020e+00, v4  }
0x2dd: {  	v19 =	vld [tilespmem:s25+$0xC2C0];
	v3 =	vmul.f32 $1.442695020e+00, v3;
	v8 =	vmul.f32 $1.442695020e+00, v8  }
0x2de: {  	v20 =	vld [tilespmem:s25+$0xC2F0];
	v9 =	vmul.f32 $1.442695020e+00, v9;
	v10 =	vmul.f32 $1.442695020e+00, v10  }
0x2df: {  	s15 =	simm.s32 $0x200;
	v18 =	vld [tilespmem:s25+$0xC290];
	v11 =	vmul.f32 $1.442695020e+00, v11;
	v12 =	vmul.f32 $1.442695020e+00, v12  }
0x2e0: {  	v21 =	vld [tilespmem:s15+$0xC1E0];
	v13 =	vmul.f32 $1.442695020e+00, v13;
	v7 =	vmul.f32 $1.442695020e+00, v7  }
0x2e1: {  	v22 =	vld [tilespmem:s15+$0xC1B0];
	v15 =	vmul.f32 $1.442695020e+00, v15;
	v14 =	vmul.f32 $1.442695020e+00, v14  }
0x2e2: {  	v23 =	vld [tilespmem:s15+$0xC1A0];
	v19 =	vmul.f32 $1.442695020e+00, v19;
	(erf) = vpow2.f32 v5  }
0x2e3: {  	s6 =	simm.s32 $0x400;
	v20 =	vmul.f32 $1.442695020e+00, v20;
	v5 =	vld [tilespmem:s15+$0xC2A0];
	(erf) = vpow2.f32 v4  }
0x2e4: {  	v30 =	vld [tilespmem:s6+$0xC1E0];
	v18 =	vmul.f32 $1.442695020e+00, v18;
	(erf) = vpow2.f32 v3  }
0x2e5: {  	v6 =	vmul.f32 $1.442695020e+00, v6;
	v3 =	vld [tilespmem:s15+$0xC1F0];
	(erf) = vpow2.f32 v8  }
0x2e6: {  	v21 =	vmul.f32 $1.442695020e+00, v21;
	v4 =	vld [tilespmem:s15+$0xC1D0];
	(erf) = vpow2.f32 v9  }
0x2e7: {  	v23 =	vmul.f32 $1.442695020e+00, v23;
	v8 =	vld [tilespmem:s15+$0xC2D0];
	(erf) = vpow2.f32 v12  }
0x2e8: {  	v9 =	vld [tilespmem:s15+$0xC180];
	v24 =	vmul.f32 $1.442695020e+00, v5;
	(erf) = vpow2.f32 v6  }
0x2e9: {  	v12 =	vmul.f32 $1.442695020e+00, v22;
	v6 =	vld [tilespmem:s15+$0xC1C0];
	(erf) = vpow2.f32 v13  }
0x2ea: {  	v13 =	vmul.f32 $1.442695020e+00, v3;
	v3 =	vld [tilespmem:s15+$0xC2B0];
	(erf) = vpow2.f32 v10  }
0x2eb: {  	v5 =	vld [tilespmem:s15+$0xC190];
	v31 =	vmul.f32 $1.442695020e+00, v4;
	v25 =	vpop (erf);
	(erf) = vpow2.f32 v7  }
0x2ec: {  	v8 =	vmul.f32 $1.442695020e+00, v8;
	v7 =	vld [tilespmem:s15+$0xC2E0];
	v22 =	vpop (erf);
	(erf) = vpow2.f32 v14  }
0x2ed: {  	v10 =	vld [tilespmem:s15+$0xC280];
	v9 =	vmul.f32 $1.442695020e+00, v9;
	(erf) = vpow2.f32 v11;
	v26 =	vpop (erf)  }
0x2ee: {  	v28 =	vmul.f32 $1.442695020e+00, v6;
	v6 =	vld [tilespmem:s15+$0xC2C0];
	v11 =	vpop (erf);
	(erf) = vpow2.f32 v19  }
0x2ef: {  	v29 =	vmul.f32 $1.442695020e+00, v3;
	v19 =	vld [tilespmem:s15+$0xC2F0];
	v3 =	vpop (erf);
	(erf) = vpow2.f32 v20  }
0x2f0: {  	v27 =	vmul.f32 $1.442695020e+00, v5;
	v14 =	vld [tilespmem:s15+$0xC290];
	v20 =	vimm.f32 $0.0e+00;
	v4 =	vpop (erf);
	(erf) = vpow2.f32 v18  }
0x2f1: {  	v18 =	vadd.f32 v22, v20;
	v22 =	vld [tilespmem:s6+$0xC1B0];
	v5 =	vmul.f32 $1.442695020e+00, v7;
	(erf) = vpow2.f32 v24;
	v7 =	vpop (erf)  }
0x2f2: {  	v60 =	vmul.f32 $1.442695020e+00, v10;
	v24 =	vld [tilespmem:s6+$0xC2A0];
	v34 =	vpop (erf);
	(erf) = vpow2.f32 v15  }
0x2f3: {  	v63 =	vld [tilespmem:s6+$0xC180];
	v61 =	vadd.f32 v7, v20;
	v35 =	vmul.f32 $1.442695020e+00, v6;
	(erf) = vpow2.f32 v12;
	v10 =	vpop (erf)  }
0x2f4: {  	v12 =	vadd.f32 v11, v18;
	v11 =	vmul.f32 $1.442695020e+00, v19;
	v18 =	vld [tilespmem:s6+$0xC1F0];
	(erf) = vpow2.f32 v21;
	v36 =	vpop (erf)  }
0x2f5: {  	v37 =	vld [tilespmem:s6+$0xC190];
	v15 =	vadd.f32 v10, v20;
	v10 =	vmul.f32 $1.442695020e+00, v14;
	(erf) = vpow2.f32 v13;
	v62 =	vpop (erf)  }
0x2f6: {  	v38 =	vld [tilespmem:s6+$0xC1C0];
	v14 =	vmul.f32 $1.442695020e+00, v22;
	(erf) = vpow2.f32 v8;
	v8 =	vadd.f32 v26, v61;
	v26 =	vpop (erf)  }
0x2f7: {  	v21 =	vld [tilespmem:s6+$0xC2D0];
	v12 =	vadd.f32 v34, v12;
	v19 =	vmul.f32 $1.442695020e+00, v24;
	(erf) = vpow2.f32 v28;
	v13 =	vpop (erf)  }
0x2f8: {  	v7 =	vld [tilespmem:s6+$0xC1A0];
	v24 =	vadd.f32 v4, v15;
	v15 =	vmul.f32 $1.442695020e+00, v30;
	(erf) = vpow2.f32 v23;
	v4 =	vpop (erf)  }
0x2f9: {  	v6 =	vld [tilespmem:s6+$0xC1D0];
	v20 =	vadd.f32 v26, v20;
	v18 =	vmul.f32 $1.442695020e+00, v18;
	(erf) = vpow2.f32 v29;
	v29 =	vpop (erf)  }
0x2fa: {  	v30 =	vld [tilespmem:s6+$0xC2B0];
	v39 =	vadd.f32 v25, v8;
	v22 =	vadd.f32 v4, v12;
	(erf) = vpow2.f32 v9;
	v4 =	vpop (erf)  }
0x2fb: {  	v26 =	vld [tilespmem:s6+$0xC2E0];
	v8 =	vmul.f32 $1.442695020e+00, v37;
	v25 =	vadd.f32 v36, v20;
	(erf) = vpow2.f32 v31;
	v31 =	vpop (erf)  }
0x2fc: {  	v23 =	vld [tilespmem:s6+$0xC280];
	v32 =	vadd.f32 v62, v24;
	v21 =	vmul.f32 $1.442695020e+00, v21;
	v28 =	vpop (erf);
	(erf) = vpow2.f32 v60  }
0x2fd: {  	v20 =	vld [tilespmem:s6+$0xC290];
	v9 =	vmul.f32 $1.442695020e+00, v63;
	v29 =	vadd.f32 v29, v25;
	(erf) = vpow2.f32 v27;
	v12 =	vpop (erf)  }
0x2fe: {  	s15 =	simm.s32 $0x1800;
	v25 =	vmul.f32 $1.442695020e+00, v38;
	v31 =	vadd.f32 v31, v39;
	v27 =	vld [tilespmem:s6+$0xC2C0];
	v24 =	vpop (erf);
	(erf) = vpow2.f32 v35  }
.LBB2_13:
0x2ff: {  	v30 =	vmul.f32 $1.442695020e+00, v30;
	(erf) = vpow2.f32 v11;
	v13 =	vadd.f32 v13, v32  }
0x300: {  	p1 =	sne.s32 s15, $0xF800;
	v33 =	vld [tilespmem:s6+$0xC2F0];
	s6 =	sshra.s32 s15, $0x2;
	s15 =	sadd.s32 $0x800, s15;
	v11 =	vmov v3;
	v3 =	vpop (erf);
	v32 =	vmov v5;
	v34 =	vmov v7  }
0x301: {  	v36 =	vmul.f32 $1.442695020e+00, v6;
	v6 =	vadd.f32 v28, v22;
	v35 =	vld [tilespmem:s6+$0xC1E0];
	v22 =	vpop (erf);
	(erf) = vpow2.f32 v10  }
0x302: {  	v28 =	vld [tilespmem:s6+$0xC1B0];
	v5 =	vmul.f32 $1.442695020e+00, v26;
	(erf) = vpow2.f32 v19;
	v7 =	vpop (erf);
	v26 =	vadd.f32 v11, v29  }
0x303: {  	v29 =	vmul.f32 $1.442695020e+00, v23;
	v19 =	vld [tilespmem:s6+$0xC2A0];
	v23 =	vadd.f32 v7, v31;
	v31 =	vpop (erf);
	(erf) = vpow2.f32 v32  }
0x304: {  	v7 =	vld [tilespmem:s6+$0xC1A0];
	v37 =	vmul.f32 $1.442695020e+00, v27;
	(erf) = vpow2.f32 v14;
	v14 =	vadd.f32 v24, v6;
	v10 =	vpop (erf)  }
0x305: {  	v6 =	vld [tilespmem:s6+$0xC1D0];
	v11 =	vmul.f32 $1.442695020e+00, v33;
	(erf) = vpow2.f32 v15;
	v0 =	vadd.f32 v10, v13;
	v24 =	vpop (erf)  }
0x306: {  	v10 =	vmul.f32 $1.442695020e+00, v20;
	v27 =	vld [tilespmem:s6+$0xC1F0];
	(erf) = vpow2.f32 v18;
	v18 =	vadd.f32 v31, v14;
	v20 =	vpop (erf)  }
0x307: {  	v15 =	vmul.f32 $1.442695020e+00, v34;
	v12 =	vadd.f32 v12, v23;
	v31 =	vld [tilespmem:s6+$0xC2D0];
	(erf) = vpow2.f32 v21;
	v21 =	vpop (erf)  }
0x308: {  	v32 =	vld [tilespmem:s6+$0xC180];
	v19 =	vmul.f32 $1.442695020e+00, v19;
	(erf) = vpow2.f32 v25;
	v25 =	vadd.f32 v22, v0;
	v13 =	vpop (erf)  }
0x309: {  	v14 =	vmul.f32 $1.442695020e+00, v28;
	v26 =	vadd.f32 v21, v26;
	v33 =	vld [tilespmem:s6+$0xC190];
	(erf) = vpow2.f32 v15;
	v21 =	vpop (erf)  }
0x30a: {  	v15 =	vmul.f32 $1.442695020e+00, v35;
	v34 =	vld [tilespmem:s6+$0xC1C0];
	(erf) = vpow2.f32 v30;
	v22 =	vadd.f32 v21, v18;
	v35 =	vpop (erf)  }
.Ltmp5:
0x30b: {  	v38 =	vadd.f32 v4, v12;
	v18 =	vmul.f32 $1.442695020e+00, v27;
	v30 =	vld [tilespmem:s6+$0xC2B0];
	(erf) = vpow2.f32 v9;
	v4 =	vpop (erf);
	(pc) =	sbr.rel @p1 .LBB2_13-.Ltmp5, $4  }
0x30c: {  	v0 =	vadd.f32 v24, v26;
	v23 =	vld [tilespmem:s6+$0xC280];
	v21 =	vmul.f32 $1.442695020e+00, v31;
	(erf) = vpow2.f32 v36;
	v31 =	vpop (erf)  }
0x30d: {  	v9 =	vmul.f32 $1.442695020e+00, v32;
	v26 =	vld [tilespmem:s6+$0xC2E0];
	v28 =	vpop (erf);
	(erf) = vpow2.f32 v29;
	v32 =	vadd.f32 v20, v25  }
0x30e: {  	v29 =	vadd.f32 v35, v0;
	v20 =	vld [tilespmem:s6+$0xC290];
	(erf) = vpow2.f32 v8;
	v8 =	vmul.f32 $1.442695020e+00, v33;
	v12 =	vpop (erf)  }
0x30f: {  	v31 =	vadd.f32 v31, v38;
	v25 =	vmul.f32 $1.442695020e+00, v34;
	v27 =	vld [tilespmem:s6+$0xC2C0];
	v24 =	vpop (erf);
	(erf) = vpow2.f32 v37  }
0x310: {  	v33 =	vpop (erf);
	(erf) = vpow2.f32 v11  }
0x311: {  	v11 =	vpop (erf);
	(erf) = vpow2.f32 v10  }
0x312: {  	(erf) = vpow2.f32 v19  }
0x313: {  	v10 =	vpop (erf);
	(erf) = vpow2.f32 v5  }
0x314: {  	v19 =	vpop (erf);
	(erf) = vpow2.f32 v14  }
0x315: {  	v5 =	vpop (erf);
	(erf) = vpow2.f32 v15  }
0x316: {  	v7 =	vmul.f32 $1.442695020e+00, v7;
	v14 =	vpop (erf);
	(erf) = vpow2.f32 v18  }
0x317: {  	v15 =	vpop (erf);
	(erf) = vpow2.f32 v21;
	v21 =	vmul.f32 $1.442695020e+00, v30  }
0x318: {  	v18 =	vpop (erf)  }
0x319: {  	v6 =	vmul.f32 $1.442695020e+00, v6;
	(erf) = vpow2.f32 v25;
	v25 =	vpop (erf)  }
0x31a: {  	(erf) = vpow2.f32 v7;
	v7 =	vpop (erf)  }
0x31b: {  	v22 =	vadd.f32 v28, v22;
	v30 =	vld [tilespmem:s6+$0xC2F0];
	(erf) = vpow2.f32 v21;
	v21 =	vpop (erf)  }
0x31c: {  	v13 =	vadd.f32 v13, v32;
	v23 =	vmul.f32 $1.442695020e+00, v23;
	(erf) = vpow2.f32 v9;
	v9 =	vpop (erf)  }
0x31d: {  	v3 =	vadd.f32 v3, v29;
	v22 =	vadd.f32 v24, v22;
	(erf) = vpow2.f32 v6;
	v6 =	vpop (erf)  }
0x31e: {  	v10 =	vadd.f32 v10, v31;
	v20 =	vmul.f32 $1.442695020e+00, v20;
	(erf) = vpow2.f32 v23;
	v28 =	vpop (erf)  }
0x31f: {  	v3 =	vadd.f32 v18, v3;
	v23 =	vmul.f32 $1.442695020e+00, v27;
	(erf) = vpow2.f32 v8;
	v8 =	vpop (erf)  }
0x320: {  	v5 =	vadd.f32 v5, v13;
	v10 =	vadd.f32 v12, v10;
	v27 =	vmul.f32 $1.442695020e+00, v30;
	v13 =	vpop (erf)  }
0x321: {  	v3 =	vadd.f32 v14, v3;
	v14 =	vadd.f32 v19, v22;
	(erf) = vpow2.f32 v23;
	v18 =	vpop (erf)  }
0x322: {  	v5 =	vadd.f32 v11, v5;
	(erf) = vpow2.f32 v27;
	v12 =	vpop (erf)  }
0x323: {  	v26 =	vmul.f32 $1.442695020e+00, v26;
	v7 =	vadd.f32 v7, v14;
	(erf) = vpow2.f32 v20;
	v11 =	vpop (erf)  }
0x324: {  	v4 =	vadd.f32 v4, v10;
	v5 =	vadd.f32 v15, v5;
	v10 =	vpop (erf)  }
0x325: {  	v3 =	vadd.f32 v21, v3;
	v7 =	vadd.f32 v28, v7;
	(erf) = vpow2.f32 v26;
	v15 =	vpop (erf)  }
0x326: {  	v5 =	vadd.f32 v25, v5;
	v4 =	vadd.f32 v6, v4;
	v6 =	vpop (erf)  }
0x327: {  	v3 =	vadd.f32 v33, v3;
	v7 =	vadd.f32 v13, v7;
	v14 =	vpop (erf)  }
0x328: {  	v4 =	vadd.f32 v11, v4;
	v5 =	vadd.f32 v15, v5;
	v11 =	vpop (erf)  }
0x329: {  	v3 =	vadd.f32 v11, v3  }
0x32a: {  	v4 =	vadd.f32 v8, v4;
	v5 =	vadd.f32 v12, v5;
	v8 =	vpop (erf)  }
0x32b: {  	v11 =	vpop (erf);
	v3 =	vadd.f32 v6, v3  }
0x32c: {  	v5 =	vadd.f32 v14, v5;
	v6 =	vadd.f32 v10, v7;
	v7 =	vpop (erf)  }
0x32d: {  	s15 =	sor.u32 $0x5, s24;
	v4 =	vadd.f32 v9, v4;
	v3 =	vadd.f32 v7, v3  }
0x32e: {  	v5 =	vadd.f32 v8, v5;
	v9 =	vpop (erf);
	v6 =	vadd.f32 v11, v6;
	v7 =	vmov s15  }
0x32f: {  	v4 =	vadd.f32 v9, v4;
	v7 =	vand.u32 $0xFFFFFFFD, v7;
	v3 =	vadd.f32 v18, v3  }
0x330: {  	v7 =	vbroadcast v7, $0x0  }
0x331: {  	v4 =	vadd.f32 v6, v4;
	v3 =	vadd.f32 v3, v5;
	_ =	sdelay $0x1  }
0x332: {  	v3 =	vadd.f32 v4, v3;
	_ =	sdelay $0x1  }
0x333: {  	[tilespmem:s0+$0x141D0] =	vst v3  }
0x334: {  	v3 =	vld.idx.msk [tilespmem:v7+s21+$0x0], $0xffff;
	_ =	sdelay $0x4  }
0x335: {  	v4 =	vshll.u32 v3, $0x1  }
0x336: {  	v3 =	vand.u32 $0x7F, v3;
	v4 =	vand.u32 $0xFFFFFF00, v4  }
0x337: {  	v3 =	vor.u32 v4, v3  }
0x338: {  	v3 =	vor.u32 $0x80, v3;
	_ =	sdelay $0x4  }
0x339: {  	v3 =	vld.idx.msk [tilespmem:v3+s29+$0x0], $0xffff;
	_ =	sdelay $0x4  }
0x33a: {  	[tilespmem:s0+$0x151D0] =	vst v3  }
0x33b: {  	_ =	swait.ge [sflag:s4], $0x4000  }
0x33c: {  	[sflag:s4] =	ssyncset.done $0x0  }
0x33d: {  	s6 =	simm.s32 @!p0 $0x7;
	[sflag:s4] =	ssyncadd.s32 $0xFFFFC000  }
0x33e: {  	_ =	swait.ge @!p0 [sflag:s6], $0x4000  }
0x33f: {  	[sflag:s6] =	ssyncset.done @!p0 $0x0  }
0x340: {  	[sflag:s6] =	ssyncadd.s32 @!p0 $0xFFFFC000  }
0x341: {  	v3 =	vld.msk @!p0 [tilespmem:s26+$0x300], $0x3;
	_ =	sdelay $0x4  }
0x342: {  	v4 =	vshll.u32 @!p0 v3, $0x6  }
0x343: {  	v5 =	vlaneseq.u32 @!p0;
	v3 =	vand.u32 @!p0 $0x7, v3;
	v4 =	vand.u32 @!p0 $0xFFFFFE00, v4  }
0x344: {  	v3 =	vor.u32 @!p0 v3, v4;
	v4 =	vand.u32 @!p0 $0x1, v5;
	v5 =	vshrl.u32 @!p0 v5, $0x1  }
0x345: {  	v3 =	vperm.xlane @!p0 v3, v4;
	v4 =	vmul.u32 @!p0 $0x8, v5;
	_ =	sdelay $0x1  }
0x346: {  	v3 =	vadd.s32 @!p0 v4, v3;
	_ =	sdelay $0x3  }
0x347: {  	s15 =	simm.s32 @!p0 $0xC100;
	s6 =	simm.s32 @!p0 $0x0  }
0x348: {  	[tilespmem:s15], [sflag:$0x3] =	stream.indirect_vreg.gather @!p0 [hbm4b:s1+s6], $0x80, v3, vm1, $0xb8;
	[tilespmem:$0x16180] =	vst v63  }
0x349: {  	s15 =	simm.s32 @!p0 $0xC900  }
0x34a: {  	[tilespmem:s15], [sflag:$0x3] =	stream.indirect_vreg.gather @!p0 [hbm4b:s8+s6], $0x80, v3, vm1, $0xb8;
	[tilespmem:$0x16180] =	vst v63  }
0x34b: {  	s15 =	simm.s32 @!p0 $0xD100  }
0x34c: {  	[tilespmem:s15], [sflag:$0x3] =	stream.indirect_vreg.gather @!p0 [hbm4b:s9+s6], $0x80, v3, vm1, $0xb8;
	[tilespmem:$0x16180] =	vst v63  }
0x34d: {  	s15 =	simm.s32 @!p0 $0xD900  }
0x34e: {  	[tilespmem:s15], [sflag:$0x3] =	stream.indirect_vreg.gather @!p0 [hbm4b:s10+s6], $0x80, v3, vm1, $0xb8;
	[tilespmem:$0x16180] =	vst v63  }
0x34f: {  	s15 =	simm.s32 @!p0 $0xE100  }
0x350: {  	[tilespmem:s15], [sflag:$0x3] =	stream.indirect_vreg.gather @!p0 [hbm4b:s11+s6], $0x80, v3, vm1, $0xb8;
	[tilespmem:$0x16180] =	vst v63  }
0x351: {  	s15 =	simm.s32 @!p0 $0xE900  }
0x352: {  	[tilespmem:s15], [sflag:$0x3] =	stream.indirect_vreg.gather @!p0 [hbm4b:s12+s6], $0x80, v3, vm1, $0xb8;
	[tilespmem:$0x16180] =	vst v63  }
0x353: {  	s23 =	sshll.u32 s23, $0x1;
	s15 =	simm.s32 @!p0 $0xF100  }
0x354: {  	[tilespmem:s15], [sflag:$0x3] =	stream.indirect_vreg.gather @!p0 [hbm4b:s13+s6], $0x80, v3, vm1, $0xb8;
	[tilespmem:$0x16180] =	vst v63  }
0x355: {  	s24 =	sadd.s32 s5, s23;
	s15 =	simm.s32 @!p0 $0xF900  }
0x356: {  	[tilespmem:s15], [sflag:$0x3] =	stream.indirect_vreg.gather @!p0 [hbm4b:s14+s6], $0x80, v3, vm1, $0xb8;
	[tilespmem:$0x16180] =	vst v63  }
0x357: {  	s6 =	sshll.u32 s24, $0xA  }
0x358: {  	s6 =	sand.u32 $0x1FFFE000, s6  }
0x359: {  	s25 =	simm.s32 $0x0;
	s6 =	sadd.s32 s6, s17  }
0x35a: {  	[hbm4b:s6+s7] =	stream.strided.scatter [tilespmem:s30], [sflag:$0x8], $0x4000, s18, s7, $0x38;
	[tilespmem:$0x16180] =	vst v63  }
0x35b: {  	v3 =	vld [tilespmem:s25+$0x10160]  }
0x35c: {  	v4 =	vld [tilespmem:s25+$0x10130]  }
0x35d: {  	v5 =	vld [tilespmem:s25+$0x10220]  }
0x35e: {  	v6 =	vld [tilespmem:s25+$0x10120]  }
0x35f: {  	v7 =	vld [tilespmem:s25+$0x10150]  }
0x360: {  	v8 =	vld [tilespmem:s25+$0x10170]  }
0x361: {  	v9 =	vld [tilespmem:s25+$0x10250]  }
0x362: {  	v10 =	vld [tilespmem:s25+$0x10100]  }
0x363: {  	v11 =	vld [tilespmem:s25+$0x10110]  }
0x364: {  	v12 =	vld [tilespmem:s25+$0x10140]  }
0x365: {  	v13 =	vld [tilespmem:s25+$0x10230]  }
0x366: {  	v14 =	vld [tilespmem:s25+$0x10200]  }
0x367: {  	v15 =	vld [tilespmem:s25+$0x10260];
	v5 =	vmul.f32 $1.442695020e+00, v5;
	v4 =	vmul.f32 $1.442695020e+00, v4  }
0x368: {  	v19 =	vld [tilespmem:s25+$0x10240];
	v3 =	vmul.f32 $1.442695020e+00, v3;
	v8 =	vmul.f32 $1.442695020e+00, v8  }
0x369: {  	v20 =	vld [tilespmem:s25+$0x10270];
	v9 =	vmul.f32 $1.442695020e+00, v9;
	v10 =	vmul.f32 $1.442695020e+00, v10  }
0x36a: {  	s26 =	simm.s32 $0x200;
	v18 =	vld [tilespmem:s25+$0x10210];
	v11 =	vmul.f32 $1.442695020e+00, v11;
	v12 =	vmul.f32 $1.442695020e+00, v12  }
0x36b: {  	v21 =	vld [tilespmem:s26+$0x10160];
	v13 =	vmul.f32 $1.442695020e+00, v13;
	v7 =	vmul.f32 $1.442695020e+00, v7  }
0x36c: {  	v22 =	vld [tilespmem:s26+$0x10130];
	v15 =	vmul.f32 $1.442695020e+00, v15;
	v14 =	vmul.f32 $1.442695020e+00, v14  }
0x36d: {  	v23 =	vld [tilespmem:s26+$0x10120];
	v19 =	vmul.f32 $1.442695020e+00, v19;
	(erf) = vpow2.f32 v5  }
0x36e: {  	s6 =	simm.s32 $0x400;
	v20 =	vmul.f32 $1.442695020e+00, v20;
	v5 =	vld [tilespmem:s26+$0x10220];
	(erf) = vpow2.f32 v4  }
0x36f: {  	v30 =	vld [tilespmem:s6+$0x10160];
	v18 =	vmul.f32 $1.442695020e+00, v18;
	(erf) = vpow2.f32 v3  }
0x370: {  	v6 =	vmul.f32 $1.442695020e+00, v6;
	v3 =	vld [tilespmem:s26+$0x10170];
	(erf) = vpow2.f32 v8  }
0x371: {  	v21 =	vmul.f32 $1.442695020e+00, v21;
	v4 =	vld [tilespmem:s26+$0x10150];
	(erf) = vpow2.f32 v9  }
0x372: {  	v23 =	vmul.f32 $1.442695020e+00, v23;
	v8 =	vld [tilespmem:s26+$0x10250];
	(erf) = vpow2.f32 v12  }
0x373: {  	v9 =	vld [tilespmem:s26+$0x10100];
	v24 =	vmul.f32 $1.442695020e+00, v5;
	(erf) = vpow2.f32 v6  }
0x374: {  	v12 =	vmul.f32 $1.442695020e+00, v22;
	v6 =	vld [tilespmem:s26+$0x10140];
	(erf) = vpow2.f32 v13  }
0x375: {  	v13 =	vmul.f32 $1.442695020e+00, v3;
	v3 =	vld [tilespmem:s26+$0x10230];
	(erf) = vpow2.f32 v10  }
0x376: {  	v5 =	vld [tilespmem:s26+$0x10110];
	v31 =	vmul.f32 $1.442695020e+00, v4;
	v25 =	vpop (erf);
	(erf) = vpow2.f32 v7  }
0x377: {  	v8 =	vmul.f32 $1.442695020e+00, v8;
	v7 =	vld [tilespmem:s26+$0x10260];
	v22 =	vpop (erf);
	(erf) = vpow2.f32 v14  }
0x378: {  	v10 =	vld [tilespmem:s26+$0x10200];
	v9 =	vmul.f32 $1.442695020e+00, v9;
	(erf) = vpow2.f32 v11;
	v26 =	vpop (erf)  }
0x379: {  	v28 =	vmul.f32 $1.442695020e+00, v6;
	v6 =	vld [tilespmem:s26+$0x10240];
	v11 =	vpop (erf);
	(erf) = vpow2.f32 v19  }
0x37a: {  	v29 =	vmul.f32 $1.442695020e+00, v3;
	v19 =	vld [tilespmem:s26+$0x10270];
	v3 =	vpop (erf);
	(erf) = vpow2.f32 v20  }
0x37b: {  	v27 =	vmul.f32 $1.442695020e+00, v5;
	v14 =	vld [tilespmem:s26+$0x10210];
	v20 =	vimm.f32 $0.0e+00;
	v4 =	vpop (erf);
	(erf) = vpow2.f32 v18  }
0x37c: {  	v18 =	vadd.f32 v22, v20;
	v22 =	vld [tilespmem:s6+$0x10130];
	v5 =	vmul.f32 $1.442695020e+00, v7;
	(erf) = vpow2.f32 v24;
	v7 =	vpop (erf)  }
0x37d: {  	v60 =	vmul.f32 $1.442695020e+00, v10;
	v24 =	vld [tilespmem:s6+$0x10220];
	v34 =	vpop (erf);
	(erf) = vpow2.f32 v15  }
0x37e: {  	v63 =	vld [tilespmem:s6+$0x10100];
	v61 =	vadd.f32 v7, v20;
	v35 =	vmul.f32 $1.442695020e+00, v6;
	(erf) = vpow2.f32 v12;
	v10 =	vpop (erf)  }
0x37f: {  	v12 =	vadd.f32 v11, v18;
	v11 =	vmul.f32 $1.442695020e+00, v19;
	v18 =	vld [tilespmem:s6+$0x10170];
	(erf) = vpow2.f32 v21;
	v36 =	vpop (erf)  }
0x380: {  	v37 =	vld [tilespmem:s6+$0x10110];
	v15 =	vadd.f32 v10, v20;
	v10 =	vmul.f32 $1.442695020e+00, v14;
	(erf) = vpow2.f32 v13;
	v62 =	vpop (erf)  }
0x381: {  	v38 =	vld [tilespmem:s6+$0x10140];
	v14 =	vmul.f32 $1.442695020e+00, v22;
	(erf) = vpow2.f32 v8;
	v8 =	vadd.f32 v26, v61;
	v26 =	vpop (erf)  }
0x382: {  	v21 =	vld [tilespmem:s6+$0x10250];
	v12 =	vadd.f32 v34, v12;
	v19 =	vmul.f32 $1.442695020e+00, v24;
	(erf) = vpow2.f32 v28;
	v13 =	vpop (erf)  }
0x383: {  	v7 =	vld [tilespmem:s6+$0x10120];
	v24 =	vadd.f32 v4, v15;
	v15 =	vmul.f32 $1.442695020e+00, v30;
	(erf) = vpow2.f32 v23;
	v4 =	vpop (erf)  }
0x384: {  	v6 =	vld [tilespmem:s6+$0x10150];
	v20 =	vadd.f32 v26, v20;
	v18 =	vmul.f32 $1.442695020e+00, v18;
	(erf) = vpow2.f32 v29;
	v29 =	vpop (erf)  }
0x385: {  	v30 =	vld [tilespmem:s6+$0x10230];
	v39 =	vadd.f32 v25, v8;
	v22 =	vadd.f32 v4, v12;
	(erf) = vpow2.f32 v9;
	v4 =	vpop (erf)  }
0x386: {  	v26 =	vld [tilespmem:s6+$0x10260];
	v8 =	vmul.f32 $1.442695020e+00, v37;
	v25 =	vadd.f32 v36, v20;
	(erf) = vpow2.f32 v31;
	v31 =	vpop (erf)  }
0x387: {  	v23 =	vld [tilespmem:s6+$0x10200];
	v32 =	vadd.f32 v62, v24;
	v21 =	vmul.f32 $1.442695020e+00, v21;
	v28 =	vpop (erf);
	(erf) = vpow2.f32 v60  }
0x388: {  	v20 =	vld [tilespmem:s6+$0x10210];
	v9 =	vmul.f32 $1.442695020e+00, v63;
	v29 =	vadd.f32 v29, v25;
	(erf) = vpow2.f32 v27;
	v12 =	vpop (erf)  }
0x389: {  	s15 =	simm.s32 $0x1800;
	v25 =	vmul.f32 $1.442695020e+00, v38;
	v31 =	vadd.f32 v31, v39;
	v27 =	vld [tilespmem:s6+$0x10240];
	v24 =	vpop (erf);
	(erf) = vpow2.f32 v35  }
.LBB2_15:
0x38a: {  	v30 =	vmul.f32 $1.442695020e+00, v30;
	(erf) = vpow2.f32 v11;
	v13 =	vadd.f32 v13, v32  }
0x38b: {  	p0 =	sne.s32 s15, $0xF800;
	v33 =	vld [tilespmem:s6+$0x10270];
	s6 =	sshra.s32 s15, $0x2;
	s15 =	sadd.s32 $0x800, s15;
	v11 =	vmov v3;
	v3 =	vpop (erf);
	v32 =	vmov v5;
	v34 =	vmov v7  }
0x38c: {  	v36 =	vmul.f32 $1.442695020e+00, v6;
	v6 =	vadd.f32 v28, v22;
	v35 =	vld [tilespmem:s6+$0x10160];
	v22 =	vpop (erf);
	(erf) = vpow2.f32 v10  }
0x38d: {  	v28 =	vld [tilespmem:s6+$0x10130];
	v5 =	vmul.f32 $1.442695020e+00, v26;
	(erf) = vpow2.f32 v19;
	v7 =	vpop (erf);
	v26 =	vadd.f32 v11, v29  }
0x38e: {  	v29 =	vmul.f32 $1.442695020e+00, v23;
	v19 =	vld [tilespmem:s6+$0x10220];
	v23 =	vadd.f32 v7, v31;
	v31 =	vpop (erf);
	(erf) = vpow2.f32 v32  }
0x38f: {  	v7 =	vld [tilespmem:s6+$0x10120];
	v37 =	vmul.f32 $1.442695020e+00, v27;
	(erf) = vpow2.f32 v14;
	v14 =	vadd.f32 v24, v6;
	v10 =	vpop (erf)  }
0x390: {  	v6 =	vld [tilespmem:s6+$0x10150];
	v11 =	vmul.f32 $1.442695020e+00, v33;
	(erf) = vpow2.f32 v15;
	v0 =	vadd.f32 v10, v13;
	v24 =	vpop (erf)  }
0x391: {  	v10 =	vmul.f32 $1.442695020e+00, v20;
	v27 =	vld [tilespmem:s6+$0x10170];
	(erf) = vpow2.f32 v18;
	v18 =	vadd.f32 v31, v14;
	v20 =	vpop (erf)  }
0x392: {  	v15 =	vmul.f32 $1.442695020e+00, v34;
	v12 =	vadd.f32 v12, v23;
	v31 =	vld [tilespmem:s6+$0x10250];
	(erf) = vpow2.f32 v21;
	v21 =	vpop (erf)  }
0x393: {  	v32 =	vld [tilespmem:s6+$0x10100];
	v19 =	vmul.f32 $1.442695020e+00, v19;
	(erf) = vpow2.f32 v25;
	v25 =	vadd.f32 v22, v0;
	v13 =	vpop (erf)  }
0x394: {  	v14 =	vmul.f32 $1.442695020e+00, v28;
	v26 =	vadd.f32 v21, v26;
	v33 =	vld [tilespmem:s6+$0x10110];
	(erf) = vpow2.f32 v15;
	v21 =	vpop (erf)  }
0x395: {  	v15 =	vmul.f32 $1.442695020e+00, v35;
	v34 =	vld [tilespmem:s6+$0x10140];
	(erf) = vpow2.f32 v30;
	v22 =	vadd.f32 v21, v18;
	v35 =	vpop (erf)  }
.Ltmp6:
0x396: {  	v38 =	vadd.f32 v4, v12;
	v18 =	vmul.f32 $1.442695020e+00, v27;
	v30 =	vld [tilespmem:s6+$0x10230];
	(erf) = vpow2.f32 v9;
	v4 =	vpop (erf);
	(pc) =	sbr.rel @p0 .LBB2_15-.Ltmp6, $4  }
0x397: {  	v0 =	vadd.f32 v24, v26;
	v23 =	vld [tilespmem:s6+$0x10200];
	v21 =	vmul.f32 $1.442695020e+00, v31;
	(erf) = vpow2.f32 v36;
	v31 =	vpop (erf)  }
0x398: {  	v9 =	vmul.f32 $1.442695020e+00, v32;
	v26 =	vld [tilespmem:s6+$0x10260];
	v28 =	vpop (erf);
	(erf) = vpow2.f32 v29;
	v32 =	vadd.f32 v20, v25  }
0x399: {  	v29 =	vadd.f32 v35, v0;
	v20 =	vld [tilespmem:s6+$0x10210];
	(erf) = vpow2.f32 v8;
	v8 =	vmul.f32 $1.442695020e+00, v33;
	v12 =	vpop (erf)  }
0x39a: {  	v31 =	vadd.f32 v31, v38;
	v25 =	vmul.f32 $1.442695020e+00, v34;
	v27 =	vld [tilespmem:s6+$0x10240];
	v24 =	vpop (erf);
	(erf) = vpow2.f32 v37  }
0x39b: {  	v33 =	vpop (erf);
	(erf) = vpow2.f32 v11  }
0x39c: {  	v11 =	vpop (erf);
	(erf) = vpow2.f32 v10  }
0x39d: {  	(erf) = vpow2.f32 v19  }
0x39e: {  	v10 =	vpop (erf);
	(erf) = vpow2.f32 v5  }
0x39f: {  	v19 =	vpop (erf);
	(erf) = vpow2.f32 v14  }
0x3a0: {  	v5 =	vpop (erf);
	(erf) = vpow2.f32 v15  }
0x3a1: {  	v7 =	vmul.f32 $1.442695020e+00, v7;
	v14 =	vpop (erf);
	(erf) = vpow2.f32 v18  }
0x3a2: {  	v15 =	vpop (erf);
	(erf) = vpow2.f32 v21;
	v21 =	vmul.f32 $1.442695020e+00, v30  }
0x3a3: {  	v18 =	vpop (erf)  }
0x3a4: {  	v6 =	vmul.f32 $1.442695020e+00, v6;
	(erf) = vpow2.f32 v25;
	v25 =	vpop (erf)  }
0x3a5: {  	(erf) = vpow2.f32 v7;
	v7 =	vpop (erf)  }
0x3a6: {  	v22 =	vadd.f32 v28, v22;
	v30 =	vld [tilespmem:s6+$0x10270];
	(erf) = vpow2.f32 v21;
	v21 =	vpop (erf)  }
0x3a7: {  	v13 =	vadd.f32 v13, v32;
	v23 =	vmul.f32 $1.442695020e+00, v23;
	(erf) = vpow2.f32 v9;
	v9 =	vpop (erf)  }
0x3a8: {  	v3 =	vadd.f32 v3, v29;
	v22 =	vadd.f32 v24, v22;
	(erf) = vpow2.f32 v6;
	v6 =	vpop (erf)  }
0x3a9: {  	v10 =	vadd.f32 v10, v31;
	v20 =	vmul.f32 $1.442695020e+00, v20;
	(erf) = vpow2.f32 v23;
	v28 =	vpop (erf)  }
0x3aa: {  	v3 =	vadd.f32 v18, v3;
	v23 =	vmul.f32 $1.442695020e+00, v27;
	(erf) = vpow2.f32 v8;
	v8 =	vpop (erf)  }
0x3ab: {  	v5 =	vadd.f32 v5, v13;
	v10 =	vadd.f32 v12, v10;
	v27 =	vmul.f32 $1.442695020e+00, v30;
	v13 =	vpop (erf)  }
0x3ac: {  	v3 =	vadd.f32 v14, v3;
	v14 =	vadd.f32 v19, v22;
	(erf) = vpow2.f32 v23;
	v18 =	vpop (erf)  }
0x3ad: {  	v5 =	vadd.f32 v11, v5;
	(erf) = vpow2.f32 v27;
	v12 =	vpop (erf)  }
0x3ae: {  	v26 =	vmul.f32 $1.442695020e+00, v26;
	v7 =	vadd.f32 v7, v14;
	(erf) = vpow2.f32 v20;
	v11 =	vpop (erf)  }
0x3af: {  	v4 =	vadd.f32 v4, v10;
	v5 =	vadd.f32 v15, v5;
	v10 =	vpop (erf)  }
0x3b0: {  	v3 =	vadd.f32 v21, v3;
	v7 =	vadd.f32 v28, v7;
	(erf) = vpow2.f32 v26;
	v15 =	vpop (erf)  }
0x3b1: {  	v5 =	vadd.f32 v25, v5;
	v4 =	vadd.f32 v6, v4;
	v6 =	vpop (erf)  }
0x3b2: {  	v3 =	vadd.f32 v33, v3;
	v7 =	vadd.f32 v13, v7;
	v14 =	vpop (erf)  }
0x3b3: {  	v4 =	vadd.f32 v11, v4;
	v5 =	vadd.f32 v15, v5;
	v11 =	vpop (erf)  }
0x3b4: {  	v3 =	vadd.f32 v11, v3  }
0x3b5: {  	v4 =	vadd.f32 v8, v4;
	v5 =	vadd.f32 v12, v5;
	v8 =	vpop (erf)  }
0x3b6: {  	v11 =	vpop (erf);
	v3 =	vadd.f32 v6, v3  }
0x3b7: {  	v5 =	vadd.f32 v14, v5;
	v6 =	vadd.f32 v10, v7;
	v7 =	vpop (erf)  }
0x3b8: {  	v4 =	vadd.f32 v9, v4;
	v3 =	vadd.f32 v7, v3  }
0x3b9: {  	v5 =	vadd.f32 v8, v5;
	v9 =	vpop (erf);
	v6 =	vadd.f32 v11, v6;
	v7 =	vmov s23  }
0x3ba: {  	v4 =	vadd.f32 v9, v4;
	v7 =	vand.u32 $0xFFFFFFFE, v7;
	v3 =	vadd.f32 v18, v3  }
0x3bb: {  	v7 =	vbroadcast v7, $0x0  }
0x3bc: {  	v4 =	vadd.f32 v6, v4;
	v3 =	vadd.f32 v3, v5;
	_ =	sdelay $0x1  }
0x3bd: {  	v3 =	vadd.f32 v4, v3;
	_ =	sdelay $0x1  }
0x3be: {  	[tilespmem:s0+$0x141E0] =	vst v3  }
0x3bf: {  	v3 =	vld.idx.msk [tilespmem:v7+s21+$0x0], $0xffff;
	_ =	sdelay $0x4  }
0x3c0: {  	v4 =	vshll.u32 v3, $0x1  }
0x3c1: {  	v3 =	vand.u32 $0x7F, v3;
	v4 =	vand.u32 $0xFFFFFF00, v4  }
0x3c2: {  	v3 =	vor.u32 v3, v4;
	_ =	sdelay $0x4  }
0x3c3: {  	v3 =	vld.idx.msk [tilespmem:v3+s30+$0x0], $0xffff;
	_ =	sdelay $0x4  }
0x3c4: {  	s26 =	simm.s32 $0x0;
	[tilespmem:s0+$0x151E0] =	vst v3  }
0x3c5: {  	v3 =	vld [tilespmem:s26+$0x101E0]  }
0x3c6: {  	v4 =	vld [tilespmem:s26+$0x101B0]  }
0x3c7: {  	v5 =	vld [tilespmem:s26+$0x102A0]  }
0x3c8: {  	v6 =	vld [tilespmem:s26+$0x101A0]  }
0x3c9: {  	v7 =	vld [tilespmem:s26+$0x101D0]  }
0x3ca: {  	v8 =	vld [tilespmem:s26+$0x101F0]  }
0x3cb: {  	v9 =	vld [tilespmem:s26+$0x102D0]  }
0x3cc: {  	v10 =	vld [tilespmem:s26+$0x10180]  }
0x3cd: {  	v11 =	vld [tilespmem:s26+$0x10190]  }
0x3ce: {  	v12 =	vld [tilespmem:s26+$0x101C0]  }
0x3cf: {  	v13 =	vld [tilespmem:s26+$0x102B0]  }
0x3d0: {  	v14 =	vld [tilespmem:s26+$0x10280]  }
0x3d1: {  	v15 =	vld [tilespmem:s26+$0x102E0];
	v5 =	vmul.f32 $1.442695020e+00, v5;
	v4 =	vmul.f32 $1.442695020e+00, v4  }
0x3d2: {  	v19 =	vld [tilespmem:s26+$0x102C0];
	v3 =	vmul.f32 $1.442695020e+00, v3;
	v8 =	vmul.f32 $1.442695020e+00, v8  }
0x3d3: {  	v20 =	vld [tilespmem:s26+$0x102F0];
	v9 =	vmul.f32 $1.442695020e+00, v9;
	v10 =	vmul.f32 $1.442695020e+00, v10  }
0x3d4: {  	s15 =	simm.s32 $0x200;
	v18 =	vld [tilespmem:s26+$0x10290];
	v11 =	vmul.f32 $1.442695020e+00, v11;
	v12 =	vmul.f32 $1.442695020e+00, v12  }
0x3d5: {  	v21 =	vld [tilespmem:s15+$0x101E0];
	v13 =	vmul.f32 $1.442695020e+00, v13;
	v7 =	vmul.f32 $1.442695020e+00, v7  }
0x3d6: {  	v22 =	vld [tilespmem:s15+$0x101B0];
	v15 =	vmul.f32 $1.442695020e+00, v15;
	v14 =	vmul.f32 $1.442695020e+00, v14  }
0x3d7: {  	v23 =	vld [tilespmem:s15+$0x101A0];
	v19 =	vmul.f32 $1.442695020e+00, v19;
	(erf) = vpow2.f32 v5  }
0x3d8: {  	s6 =	simm.s32 $0x400;
	v20 =	vmul.f32 $1.442695020e+00, v20;
	v5 =	vld [tilespmem:s15+$0x102A0];
	(erf) = vpow2.f32 v4  }
0x3d9: {  	v30 =	vld [tilespmem:s6+$0x101E0];
	v18 =	vmul.f32 $1.442695020e+00, v18;
	(erf) = vpow2.f32 v3  }
0x3da: {  	v6 =	vmul.f32 $1.442695020e+00, v6;
	v3 =	vld [tilespmem:s15+$0x101F0];
	(erf) = vpow2.f32 v8  }
0x3db: {  	v21 =	vmul.f32 $1.442695020e+00, v21;
	v4 =	vld [tilespmem:s15+$0x101D0];
	(erf) = vpow2.f32 v9  }
0x3dc: {  	v23 =	vmul.f32 $1.442695020e+00, v23;
	v8 =	vld [tilespmem:s15+$0x102D0];
	(erf) = vpow2.f32 v12  }
0x3dd: {  	v9 =	vld [tilespmem:s15+$0x10180];
	v24 =	vmul.f32 $1.442695020e+00, v5;
	(erf) = vpow2.f32 v6  }
0x3de: {  	v12 =	vmul.f32 $1.442695020e+00, v22;
	v6 =	vld [tilespmem:s15+$0x101C0];
	(erf) = vpow2.f32 v13  }
0x3df: {  	v13 =	vmul.f32 $1.442695020e+00, v3;
	v3 =	vld [tilespmem:s15+$0x102B0];
	(erf) = vpow2.f32 v10  }
0x3e0: {  	v5 =	vld [tilespmem:s15+$0x10190];
	v31 =	vmul.f32 $1.442695020e+00, v4;
	v25 =	vpop (erf);
	(erf) = vpow2.f32 v7  }
0x3e1: {  	v8 =	vmul.f32 $1.442695020e+00, v8;
	v7 =	vld [tilespmem:s15+$0x102E0];
	v22 =	vpop (erf);
	(erf) = vpow2.f32 v14  }
0x3e2: {  	v10 =	vld [tilespmem:s15+$0x10280];
	v9 =	vmul.f32 $1.442695020e+00, v9;
	(erf) = vpow2.f32 v11;
	v26 =	vpop (erf)  }
0x3e3: {  	v28 =	vmul.f32 $1.442695020e+00, v6;
	v6 =	vld [tilespmem:s15+$0x102C0];
	v11 =	vpop (erf);
	(erf) = vpow2.f32 v19  }
0x3e4: {  	v29 =	vmul.f32 $1.442695020e+00, v3;
	v19 =	vld [tilespmem:s15+$0x102F0];
	v3 =	vpop (erf);
	(erf) = vpow2.f32 v20  }
0x3e5: {  	v27 =	vmul.f32 $1.442695020e+00, v5;
	v14 =	vld [tilespmem:s15+$0x10290];
	v20 =	vimm.f32 $0.0e+00;
	v4 =	vpop (erf);
	(erf) = vpow2.f32 v18  }
0x3e6: {  	v18 =	vadd.f32 v22, v20;
	v22 =	vld [tilespmem:s6+$0x101B0];
	v5 =	vmul.f32 $1.442695020e+00, v7;
	(erf) = vpow2.f32 v24;
	v7 =	vpop (erf)  }
0x3e7: {  	v60 =	vmul.f32 $1.442695020e+00, v10;
	v24 =	vld [tilespmem:s6+$0x102A0];
	v34 =	vpop (erf);
	(erf) = vpow2.f32 v15  }
0x3e8: {  	v63 =	vld [tilespmem:s6+$0x10180];
	v61 =	vadd.f32 v7, v20;
	v35 =	vmul.f32 $1.442695020e+00, v6;
	(erf) = vpow2.f32 v12;
	v10 =	vpop (erf)  }
0x3e9: {  	v12 =	vadd.f32 v11, v18;
	v11 =	vmul.f32 $1.442695020e+00, v19;
	v18 =	vld [tilespmem:s6+$0x101F0];
	(erf) = vpow2.f32 v21;
	v36 =	vpop (erf)  }
0x3ea: {  	v37 =	vld [tilespmem:s6+$0x10190];
	v15 =	vadd.f32 v10, v20;
	v10 =	vmul.f32 $1.442695020e+00, v14;
	(erf) = vpow2.f32 v13;
	v62 =	vpop (erf)  }
0x3eb: {  	v38 =	vld [tilespmem:s6+$0x101C0];
	v14 =	vmul.f32 $1.442695020e+00, v22;
	(erf) = vpow2.f32 v8;
	v8 =	vadd.f32 v26, v61;
	v26 =	vpop (erf)  }
0x3ec: {  	v21 =	vld [tilespmem:s6+$0x102D0];
	v12 =	vadd.f32 v34, v12;
	v19 =	vmul.f32 $1.442695020e+00, v24;
	(erf) = vpow2.f32 v28;
	v13 =	vpop (erf)  }
0x3ed: {  	v7 =	vld [tilespmem:s6+$0x101A0];
	v24 =	vadd.f32 v4, v15;
	v15 =	vmul.f32 $1.442695020e+00, v30;
	(erf) = vpow2.f32 v23;
	v4 =	vpop (erf)  }
0x3ee: {  	v6 =	vld [tilespmem:s6+$0x101D0];
	v20 =	vadd.f32 v26, v20;
	v18 =	vmul.f32 $1.442695020e+00, v18;
	(erf) = vpow2.f32 v29;
	v29 =	vpop (erf)  }
0x3ef: {  	v30 =	vld [tilespmem:s6+$0x102B0];
	v39 =	vadd.f32 v25, v8;
	v22 =	vadd.f32 v4, v12;
	(erf) = vpow2.f32 v9;
	v4 =	vpop (erf)  }
0x3f0: {  	v26 =	vld [tilespmem:s6+$0x102E0];
	v8 =	vmul.f32 $1.442695020e+00, v37;
	v25 =	vadd.f32 v36, v20;
	(erf) = vpow2.f32 v31;
	v31 =	vpop (erf)  }
0x3f1: {  	v23 =	vld [tilespmem:s6+$0x10280];
	v32 =	vadd.f32 v62, v24;
	v21 =	vmul.f32 $1.442695020e+00, v21;
	v28 =	vpop (erf);
	(erf) = vpow2.f32 v60  }
0x3f2: {  	v20 =	vld [tilespmem:s6+$0x10290];
	v9 =	vmul.f32 $1.442695020e+00, v63;
	v29 =	vadd.f32 v29, v25;
	(erf) = vpow2.f32 v27;
	v12 =	vpop (erf)  }
0x3f3: {  	s15 =	simm.s32 $0x1800;
	v25 =	vmul.f32 $1.442695020e+00, v38;
	v31 =	vadd.f32 v31, v39;
	v27 =	vld [tilespmem:s6+$0x102C0];
	v24 =	vpop (erf);
	(erf) = vpow2.f32 v35  }
.LBB2_17:
0x3f4: {  	v30 =	vmul.f32 $1.442695020e+00, v30;
	(erf) = vpow2.f32 v11;
	v13 =	vadd.f32 v13, v32  }
0x3f5: {  	p0 =	sne.s32 s15, $0xF800;
	v33 =	vld [tilespmem:s6+$0x102F0];
	s6 =	sshra.s32 s15, $0x2;
	s15 =	sadd.s32 $0x800, s15;
	v11 =	vmov v3;
	v3 =	vpop (erf);
	v32 =	vmov v5;
	v34 =	vmov v7  }
0x3f6: {  	v36 =	vmul.f32 $1.442695020e+00, v6;
	v6 =	vadd.f32 v28, v22;
	v35 =	vld [tilespmem:s6+$0x101E0];
	v22 =	vpop (erf);
	(erf) = vpow2.f32 v10  }
0x3f7: {  	v28 =	vld [tilespmem:s6+$0x101B0];
	v5 =	vmul.f32 $1.442695020e+00, v26;
	(erf) = vpow2.f32 v19;
	v7 =	vpop (erf);
	v26 =	vadd.f32 v11, v29  }
0x3f8: {  	v29 =	vmul.f32 $1.442695020e+00, v23;
	v19 =	vld [tilespmem:s6+$0x102A0];
	v23 =	vadd.f32 v7, v31;
	v31 =	vpop (erf);
	(erf) = vpow2.f32 v32  }
0x3f9: {  	v7 =	vld [tilespmem:s6+$0x101A0];
	v37 =	vmul.f32 $1.442695020e+00, v27;
	(erf) = vpow2.f32 v14;
	v14 =	vadd.f32 v24, v6;
	v10 =	vpop (erf)  }
0x3fa: {  	v6 =	vld [tilespmem:s6+$0x101D0];
	v11 =	vmul.f32 $1.442695020e+00, v33;
	(erf) = vpow2.f32 v15;
	v0 =	vadd.f32 v10, v13;
	v24 =	vpop (erf)  }
0x3fb: {  	v10 =	vmul.f32 $1.442695020e+00, v20;
	v27 =	vld [tilespmem:s6+$0x101F0];
	(erf) = vpow2.f32 v18;
	v18 =	vadd.f32 v31, v14;
	v20 =	vpop (erf)  }
0x3fc: {  	v15 =	vmul.f32 $1.442695020e+00, v34;
	v12 =	vadd.f32 v12, v23;
	v31 =	vld [tilespmem:s6+$0x102D0];
	(erf) = vpow2.f32 v21;
	v21 =	vpop (erf)  }
0x3fd: {  	v32 =	vld [tilespmem:s6+$0x10180];
	v19 =	vmul.f32 $1.442695020e+00, v19;
	(erf) = vpow2.f32 v25;
	v25 =	vadd.f32 v22, v0;
	v13 =	vpop (erf)  }
0x3fe: {  	v14 =	vmul.f32 $1.442695020e+00, v28;
	v26 =	vadd.f32 v21, v26;
	v33 =	vld [tilespmem:s6+$0x10190];
	(erf) = vpow2.f32 v15;
	v21 =	vpop (erf)  }
0x3ff: {  	v15 =	vmul.f32 $1.442695020e+00, v35;
	v34 =	vld [tilespmem:s6+$0x101C0];
	(erf) = vpow2.f32 v30;
	v22 =	vadd.f32 v21, v18;
	v35 =	vpop (erf)  }
.Ltmp7:
0x400: {  	v38 =	vadd.f32 v4, v12;
	v18 =	vmul.f32 $1.442695020e+00, v27;
	v30 =	vld [tilespmem:s6+$0x102B0];
	(erf) = vpow2.f32 v9;
	v4 =	vpop (erf);
	(pc) =	sbr.rel @p0 .LBB2_17-.Ltmp7, $4  }
0x401: {  	v0 =	vadd.f32 v24, v26;
	v23 =	vld [tilespmem:s6+$0x10280];
	v21 =	vmul.f32 $1.442695020e+00, v31;
	(erf) = vpow2.f32 v36;
	v31 =	vpop (erf)  }
0x402: {  	v9 =	vmul.f32 $1.442695020e+00, v32;
	v26 =	vld [tilespmem:s6+$0x102E0];
	v28 =	vpop (erf);
	(erf) = vpow2.f32 v29;
	v32 =	vadd.f32 v20, v25  }
0x403: {  	v29 =	vadd.f32 v35, v0;
	v20 =	vld [tilespmem:s6+$0x10290];
	(erf) = vpow2.f32 v8;
	v8 =	vmul.f32 $1.442695020e+00, v33;
	v12 =	vpop (erf)  }
0x404: {  	v31 =	vadd.f32 v31, v38;
	v25 =	vmul.f32 $1.442695020e+00, v34;
	v27 =	vld [tilespmem:s6+$0x102C0];
	v24 =	vpop (erf);
	(erf) = vpow2.f32 v37  }
0x405: {  	v33 =	vpop (erf);
	(erf) = vpow2.f32 v11  }
0x406: {  	v58 =	vpop (erf);
	(erf) = vpow2.f32 v10  }
0x407: {  	(erf) = vpow2.f32 v19;
	v59 =	vpop (erf)  }
0x408: {  	v60 =	vpop (erf);
	(erf) = vpow2.f32 v5  }
0x409: {  	(erf) = vpow2.f32 v14;
	v61 =	vpop (erf)  }
0x40a: {  	(erf) = vpow2.f32 v15;
	v62 =	vpop (erf)  }
0x40b: {  	(erf) = vpow2.f32 v18;
	v63 =	vpop (erf)  }
0x40c: {  	v7 =	vmul.f32 $1.442695020e+00, v7;
	(erf) = vpow2.f32 v21;
	v34 =	vpop (erf)  }
0x40d: {  	v35 =	vmul.f32 $1.442695020e+00, v30;
	(erf) = vpow2.f32 v25;
	v36 =	vpop (erf)  }
0x40e: {  	(erf) = vpow2.f32 v7;
	v37 =	vpop (erf)  }
0x40f: {  	v38 =	vld [tilespmem:s6+$0x102F0];
	v6 =	vmul.f32 $1.442695020e+00, v6;
	(erf) = vpow2.f32 v35;
	v39 =	vpop (erf)  }
0x410: {  	v23 =	vmul.f32 $1.442695020e+00, v23;
	(erf) = vpow2.f32 v9;
	v40 =	vpop (erf)  }
0x411: {  	v13 =	vadd.f32 v13, v32;
	(erf) = vpow2.f32 v6;
	v42 =	vpop (erf)  }
0x412: {  	v22 =	vadd.f32 v28, v22;
	v26 =	vmul.f32 $1.442695020e+00, v26;
	v43 =	vpop (erf);
	(erf) = vpow2.f32 v23  }
0x413: {  	v3 =	vadd.f32 v3, v29;
	v44 =	vmul.f32 $1.442695020e+00, v27;
	(erf) = vpow2.f32 v8;
	v45 =	vpop (erf)  }
0x414: {  	v10 =	vadd.f32 v59, v31;
	v46 =	vmul.f32 $1.442695020e+00, v38;
	v5 =	vadd.f32 v61, v13;
	v47 =	vpop (erf)  }
0x415: {  	v20 =	vmul.f32 $1.442695020e+00, v20;
	v3 =	vadd.f32 v34, v3;
	(erf) = vpow2.f32 v44;
	v48 =	vpop (erf)  }
0x416: {  	v22 =	vadd.f32 v24, v22;
	v5 =	vadd.f32 v58, v5;
	(erf) = vpow2.f32 v46;
	v49 =	vpop (erf)  }
0x417: {  	v10 =	vadd.f32 v12, v10;
	v3 =	vadd.f32 v62, v3;
	(erf) = vpow2.f32 v20;
	v50 =	vpop (erf)  }
0x418: {  	v51 =	vadd.f32 v60, v22;
	v5 =	vadd.f32 v63, v5;
	v52 =	vpop (erf)  }
0x419: {  	v4 =	vadd.f32 v4, v10;
	v3 =	vadd.f32 v39, v3;
	(erf) = vpow2.f32 v26;
	v53 =	vpop (erf)  }
0x41a: {  	v7 =	vadd.f32 v37, v51;
	v5 =	vadd.f32 v36, v5;
	v54 =	vpop (erf)  }
0x41b: {  	v4 =	vadd.f32 v42, v4;
	v3 =	vadd.f32 v33, v3;
	v55 =	vpop (erf)  }
0x41c: {  	v7 =	vadd.f32 v43, v7;
	v5 =	vadd.f32 v53, v5;
	v56 =	vpop (erf)  }
0x41d: {  	v4 =	vadd.f32 v50, v4;
	v3 =	vadd.f32 v56, v3  }
0x41e: {  	v7 =	vadd.f32 v47, v7;
	v5 =	vadd.f32 v49, v5;
	v57 =	vpop (erf)  }
0x41f: {  	v4 =	vadd.f32 v45, v4;
	v58 =	vpop (erf);
	v3 =	vadd.f32 v54, v3  }
0x420: {  	v59 =	vadd.f32 v52, v7;
	v5 =	vadd.f32 v55, v5;
	v60 =	vpop (erf)  }
0x421: {  	v4 =	vadd.f32 v40, v4;
	v3 =	vadd.f32 v60, v3  }
0x422: {  	v6 =	vadd.f32 v58, v59;
	v5 =	vadd.f32 v57, v5;
	v61 =	vpop (erf)  }
0x423: {  	v4 =	vadd.f32 v61, v4;
	v3 =	vadd.f32 v48, v3  }
0x424: {  	s26 =	sor.u32 $0x1, s23  }
0x425: {  	v62 =	vmov s26;
	v4 =	vadd.f32 v6, v4;
	v3 =	vadd.f32 v3, v5;
	_ =	sdelay $0x1  }
0x426: {  	v3 =	vadd.f32 v4, v3;
	_ =	sdelay $0x1  }
0x427: {  	[tilespmem:s0+$0x141F0] =	vst v3  }
0x428: {  	v3 =	vld.idx.msk [tilespmem:v62+s21+$0x0], $0xffff;
	_ =	sdelay $0x4  }
0x429: {  	v63 =	vshll.u32 v3, $0x1  }
0x42a: {  	v3 =	vand.u32 $0x7F, v3;
	v4 =	vand.u32 $0xFFFFFF00, v63  }
0x42b: {  	v3 =	vor.u32 v4, v3  }
0x42c: {  	v3 =	vor.u32 $0x80, v3;
	_ =	sdelay $0x3  }
0x42d: {  	s2 =	sadd.s32 $0x1, s2  }
0x42e: {  	p0 =	sne.s32 s2, $0x20;
	v3 =	vld.idx.msk [tilespmem:v3+s30+$0x0], $0xffff  }
.Ltmp8:
0x42f: {  	_ = 	snop;
	(pc) =	sbr.rel @p0 .LBB2_2-.Ltmp8, $2  }
0x430: {  	_ =	sdelay $0x2  }
0x431: {  	[tilespmem:s0+$0x151F0] =	vst v3  }
0x432: {  	s0 =	simm.s32 $0x5  }
0x433: {  	_ =	swait.ge [sflag:s0], $0x4000  }
0x434: {  	[sflag:s0] =	ssyncset.done $0x0  }
0x435: {  	s6 =	simm.s32 $0x6;
	[sflag:s0] =	ssyncadd.s32 $0xFFFFC000  }
0x436: {  	_ =	swait.ge [sflag:s6], $0x4000  }
0x437: {  	[sflag:s6] =	ssyncset.done $0x0  }
0x438: {  	s15 =	simm.s32 $0x7;
	v0 =	vlaneseq.u32;
	[sflag:s6] =	ssyncadd.s32 $0xFFFFC000  }
0x439: {  	v18 =	vmul.u32 $0x10, v0;
	_ =	swait.ge [sflag:s15], $0x4000  }
0x43a: {  	[sflag:s15] =	ssyncset.done $0x0  }
0x43b: {  	s23 =	simm.s32 $0x8;
	[sflag:s15] =	ssyncadd.s32 $0xFFFFC000  }
0x43c: {  	v3 =	vor.u32 $0x1, v18;
	_ =	swait.ge [sflag:s23], $0x4000  }
0x43d: {  	[sflag:s23] =	ssyncset.done $0x0  }
0x43e: {  	v4 =	vor.u32 $0x2, v18;
	[sflag:s23] =	ssyncadd.s32 $0xFFFFC000  }
0x43f: {  	v5 =	vld.idx.msk [tilespmem:v18+s3+$0x0], $0xffff  }
0x440: {  	v6 =	vor.u32 $0x3, v18  }
0x441: {  	v3 =	vld.idx.msk [tilespmem:v3+s3+$0x0], $0xffff  }
0x442: {  	v7 =	vor.u32 $0x4, v18  }
0x443: {  	v4 =	vld.idx.msk [tilespmem:v4+s3+$0x0], $0xffff  }
0x444: {  	v8 =	vor.u32 $0x5, v18;
	v5 =	vadd.f32 $0.0e+00, v5  }
0x445: {  	v6 =	vld.idx.msk [tilespmem:v6+s3+$0x0], $0xffff  }
0x446: {  	v42 =	vor.u32 $0x6, v18;
	v3 =	vadd.f32 v3, v5  }
0x447: {  	v7 =	vld.idx.msk [tilespmem:v7+s3+$0x0], $0xffff  }
0x448: {  	v43 =	vor.u32 $0x7, v18;
	v3 =	vadd.f32 v4, v3  }
0x449: {  	v8 =	vld.idx.msk [tilespmem:v8+s3+$0x0], $0xffff  }
0x44a: {  	v44 =	vor.u32 $0x8, v18;
	v3 =	vadd.f32 v6, v3  }
0x44b: {  	v5 =	vld.idx.msk [tilespmem:v42+s3+$0x0], $0xffff  }
0x44c: {  	v45 =	vor.u32 $0x9, v18;
	v3 =	vadd.f32 v7, v3  }
0x44d: {  	v4 =	vld.idx.msk [tilespmem:v43+s3+$0x0], $0xffff  }
0x44e: {  	v46 =	vor.u32 $0xA, v18;
	v3 =	vadd.f32 v8, v3  }
0x44f: {  	v6 =	vld.idx.msk [tilespmem:v44+s3+$0x0], $0xffff  }
0x450: {  	v47 =	vor.u32 $0xB, v18;
	v3 =	vadd.f32 v5, v3  }
0x451: {  	v7 =	vld.idx.msk [tilespmem:v45+s3+$0x0], $0xffff  }
0x452: {  	v48 =	vor.u32 $0xC, v18;
	v3 =	vadd.f32 v4, v3  }
0x453: {  	v8 =	vld.idx.msk [tilespmem:v46+s3+$0x0], $0xffff  }
0x454: {  	v49 =	vor.u32 $0xD, v18;
	v3 =	vadd.f32 v6, v3  }
0x455: {  	v5 =	vld.idx.msk [tilespmem:v47+s3+$0x0], $0xffff  }
0x456: {  	v50 =	vor.u32 $0xE, v18;
	v3 =	vadd.f32 v7, v3  }
0x457: {  	v4 =	vld.idx.msk [tilespmem:v48+s3+$0x0], $0xffff  }
0x458: {  	v51 =	vor.u32 $0xF, v18;
	v3 =	vadd.f32 v8, v3  }
0x459: {  	v6 =	vld.idx.msk [tilespmem:v49+s3+$0x0], $0xffff  }
0x45a: {  	v3 =	vadd.f32 v5, v3  }
0x45b: {  	v52 =	vld.idx.msk [tilespmem:v50+s3+$0x0], $0xffff  }
0x45c: {  	v3 =	vadd.f32 v4, v3  }
0x45d: {  	v53 =	vld.idx.msk [tilespmem:v51+s3+$0x0], $0xffff  }
0x45e: {  	v3 =	vadd.f32 v6, v3  }
0x45f: {  	v36 =	vor.u32 $0x100, v18  }
0x460: {  	v3 =	vadd.f32 v52, v3  }
0x461: {  	v54 =	vor.u32 $0x101, v18  }
0x462: {  	v20 =	vadd.f32 v53, v3  }
0x463: {  	v3 =	vor.u32 $0x102, v18  }
0x464: {  	v55 =	vld.idx.msk [tilespmem:v36+s3+$0x0], $0xffff;
	v4 =	vcvt.s32.f32 v20  }
0x465: {  	v56 =	vor.u32 $0x103, v18  }
0x466: {  	v5 =	vld.idx.msk [tilespmem:v54+s3+$0x0], $0xffff;
	v4 =	vmul.f32 $8.262958320e-08, v4  }
0x467: {  	v57 =	vor.u32 $0x104, v18  }
0x468: {  	v3 =	vld.idx.msk [tilespmem:v3+s3+$0x0], $0xffff;
	v4 =	vadd.f32 $-8.798996730e+01, v4  }
0x469: {  	v9 =	vor.u32 $0x105, v18;
	v6 =	vadd.f32 $0.0e+00, v55  }
0x46a: {  	v7 =	vld.idx.msk [tilespmem:v56+s3+$0x0], $0xffff;
	v10 =	vsub.f32 $0.0e+00, v4  }
0x46b: {  	v58 =	vor.u32 $0x106, v18;
	v5 =	vadd.f32 v5, v6  }
0x46c: {  	v8 =	vld.idx.msk [tilespmem:v57+s3+$0x0], $0xffff;
	v10 =	vmul.f32 $1.442695020e+00, v10  }
0x46d: {  	v59 =	vor.u32 $0x107, v18;
	v3 =	vadd.f32 v3, v5  }
0x46e: {  	v9 =	vld.idx.msk [tilespmem:v9+s3+$0x0], $0xffff;
	(erf) = vpow2.f32 v10  }
0x46f: {  	v60 =	vor.u32 $0x108, v18;
	v3 =	vadd.f32 v7, v3  }
0x470: {  	v6 =	vld.idx.msk [tilespmem:v58+s3+$0x0], $0xffff  }
0x471: {  	v61 =	vor.u32 $0x109, v18;
	v3 =	vadd.f32 v8, v3  }
0x472: {  	v5 =	vld.idx.msk [tilespmem:v59+s3+$0x0], $0xffff  }
0x473: {  	v62 =	vor.u32 $0x10A, v18;
	v3 =	vadd.f32 v9, v3  }
0x474: {  	v7 =	vld.idx.msk [tilespmem:v60+s3+$0x0], $0xffff  }
0x475: {  	v63 =	vor.u32 $0x10B, v18;
	v3 =	vadd.f32 v6, v3  }
0x476: {  	v8 =	vld.idx.msk [tilespmem:v61+s3+$0x0], $0xffff  }
0x477: {  	v12 =	vor.u32 $0x10C, v18;
	v3 =	vadd.f32 v5, v3;
	v10 =	vpop (erf)  }
0x478: {  	v4 =	vadd.f32 $-1.000000000e+00, v4;
	v9 =	vld.idx.msk [tilespmem:v62+s3+$0x0], $0xffff;
	v10 =	vmul.f32 v10, v20  }
0x479: {  	v13 =	vor.u32 $0x10D, v18;
	v3 =	vadd.f32 v7, v3  }
0x47a: {  	v6 =	vld.idx.msk [tilespmem:v63+s3+$0x0], $0xffff;
	v4 =	vadd.f32 v10, v4  }
0x47b: {  	v14 =	vor.u32 $0x10E, v18;
	v3 =	vadd.f32 v8, v3  }
0x47c: {  	v5 =	vld.idx.msk [tilespmem:v12+s3+$0x0], $0xffff;
	v10 =	vsub.f32 $0.0e+00, v4  }
0x47d: {  	v15 =	vor.u32 $0x10F, v18;
	v3 =	vadd.f32 v9, v3  }
0x47e: {  	v7 =	vld.idx.msk [tilespmem:v13+s3+$0x0], $0xffff;
	v10 =	vmul.f32 $1.442695020e+00, v10  }
0x47f: {  	v3 =	vadd.f32 v6, v3  }
0x480: {  	v16 =	vld.idx.msk [tilespmem:v14+s3+$0x0], $0xffff;
	(erf) = vpow2.f32 v10  }
0x481: {  	v3 =	vadd.f32 v5, v3  }
0x482: {  	v17 =	vld.idx.msk [tilespmem:v15+s3+$0x0], $0xffff  }
0x483: {  	v3 =	vadd.f32 v7, v3  }
0x484: {  	v32 =	vor.u32 $0x200, v18  }
0x485: {  	v3 =	vadd.f32 v16, v3  }
0x486: {  	v19 =	vor.u32 $0x201, v18  }
0x487: {  	v22 =	vadd.f32 v17, v3  }
0x488: {  	v3 =	vor.u32 $0x202, v18  }
0x489: {  	v25 =	vld.idx.msk [tilespmem:v32+s3+$0x0], $0xffff;
	v24 =	vcvt.s32.f32 v22;
	v23 =	vpop (erf)  }
0x48a: {  	v26 =	vor.u32 $0x203, v18;
	v4 =	vadd.f32 $-1.000000000e+00, v4;
	v5 =	vmul.f32 v23, v20  }
0x48b: {  	v6 =	vld.idx.msk [tilespmem:v19+s3+$0x0], $0xffff;
	v7 =	vmul.f32 $8.262958320e-08, v24  }
0x48c: {  	v29 =	vor.u32 $0x204, v18;
	v28 =	vadd.f32 v5, v4  }
0x48d: {  	v3 =	vld.idx.msk [tilespmem:v3+s3+$0x0], $0xffff;
	v30 =	vadd.f32 $-8.798996730e+01, v7  }
0x48e: {  	v33 =	vor.u32 $0x205, v18;
	v8 =	vadd.f32 $0.0e+00, v25;
	v31 =	vsub.f32 $0.0e+00, v28  }
0x48f: {  	v9 =	vld.idx.msk [tilespmem:v26+s3+$0x0], $0xffff;
	v11 =	vsub.f32 $0.0e+00, v30  }
0x490: {  	v34 =	vor.u32 $0x206, v18;
	v6 =	vadd.f32 v6, v8;
	v7 =	vmul.f32 $1.442695020e+00, v31  }
0x491: {  	v4 =	vld.idx.msk [tilespmem:v29+s3+$0x0], $0xffff;
	v11 =	vmul.f32 $1.442695020e+00, v11  }
0x492: {  	v35 =	vor.u32 $0x207, v18;
	v3 =	vadd.f32 v3, v6;
	(erf) = vpow2.f32 v7  }
0x493: {  	v37 =	vld.idx.msk [tilespmem:v33+s3+$0x0], $0xffff;
	(erf) = vpow2.f32 v11  }
0x494: {  	v38 =	vor.u32 $0x208, v18;
	v3 =	vadd.f32 v9, v3  }
0x495: {  	v8 =	vld.idx.msk [tilespmem:v34+s3+$0x0], $0xffff  }
0x496: {  	v39 =	vor.u32 $0x209, v18;
	v3 =	vadd.f32 v4, v3  }
0x497: {  	v6 =	vld.idx.msk [tilespmem:v35+s3+$0x0], $0xffff  }
0x498: {  	v40 =	vor.u32 $0x20A, v18;
	v3 =	vadd.f32 v37, v3  }
0x499: {  	v9 =	vld.idx.msk [tilespmem:v38+s3+$0x0], $0xffff  }
0x49a: {  	v42 =	vor.u32 $0x20B, v18;
	v3 =	vadd.f32 v8, v3  }
0x49b: {  	v4 =	vld.idx.msk [tilespmem:v39+s3+$0x0], $0xffff;
	v0 =	vpop (erf)  }
0x49c: {  	v44 =	vor.u32 $0x20C, v18;
	v3 =	vadd.f32 v6, v3;
	v43 =	vpop (erf)  }
0x49d: {  	v5 =	vadd.f32 $-1.000000000e+00, v30;
	v7 =	vld.idx.msk [tilespmem:v40+s3+$0x0], $0xffff;
	v10 =	vmul.f32 v43, v22  }
0x49e: {  	v45 =	vor.u32 $0x20D, v18;
	v3 =	vadd.f32 v9, v3  }
0x49f: {  	v8 =	vld.idx.msk [tilespmem:v42+s3+$0x0], $0xffff;
	v5 =	vadd.f32 v10, v5  }
0x4a0: {  	v46 =	vor.u32 $0x20E, v18;
	v3 =	vadd.f32 v4, v3  }
0x4a1: {  	v6 =	vld.idx.msk [tilespmem:v44+s3+$0x0], $0xffff;
	v10 =	vsub.f32 $0.0e+00, v5  }
0x4a2: {  	v47 =	vor.u32 $0x20F, v18;
	v3 =	vadd.f32 v7, v3  }
0x4a3: {  	v9 =	vld.idx.msk [tilespmem:v45+s3+$0x0], $0xffff;
	v10 =	vmul.f32 $1.442695020e+00, v10  }
0x4a4: {  	v3 =	vadd.f32 v8, v3  }
0x4a5: {  	v4 =	vld.idx.msk [tilespmem:v46+s3+$0x0], $0xffff;
	(erf) = vpow2.f32 v10  }
0x4a6: {  	v3 =	vadd.f32 v6, v3  }
0x4a7: {  	v48 =	vld.idx.msk [tilespmem:v47+s3+$0x0], $0xffff  }
0x4a8: {  	v3 =	vadd.f32 v9, v3  }
0x4a9: {  	v25 =	vor.u32 $0x300, v18  }
0x4aa: {  	v3 =	vadd.f32 v4, v3  }
0x4ab: {  	v49 =	vor.u32 $0x301, v18  }
0x4ac: {  	v26 =	vadd.f32 v48, v3  }
0x4ad: {  	v3 =	vor.u32 $0x302, v18  }
0x4ae: {  	v52 =	vld.idx.msk [tilespmem:v25+s3+$0x0], $0xffff;
	v51 =	vcvt.s32.f32 v26;
	v50 =	vpop (erf)  }
0x4af: {  	v53 =	vor.u32 $0x303, v18;
	v5 =	vadd.f32 $-1.000000000e+00, v5;
	v6 =	vmul.f32 v50, v22  }
0x4b0: {  	v4 =	vld.idx.msk [tilespmem:v49+s3+$0x0], $0xffff;
	v7 =	vmul.f32 $8.262958320e-08, v51  }
0x4b1: {  	v54 =	vor.u32 $0x304, v18;
	v27 =	vadd.f32 v6, v5  }
0x4b2: {  	v3 =	vld.idx.msk [tilespmem:v3+s3+$0x0], $0xffff;
	v55 =	vadd.f32 $-8.798996730e+01, v7  }
0x4b3: {  	v57 =	vor.u32 $0x305, v18;
	v8 =	vadd.f32 $0.0e+00, v52;
	v56 =	vsub.f32 $0.0e+00, v27  }
0x4b4: {  	v9 =	vld.idx.msk [tilespmem:v53+s3+$0x0], $0xffff;
	v58 =	vsub.f32 $0.0e+00, v55  }
0x4b5: {  	v59 =	vor.u32 $0x306, v18;
	v4 =	vadd.f32 v4, v8;
	v7 =	vmul.f32 $1.442695020e+00, v56  }
0x4b6: {  	v5 =	vld.idx.msk [tilespmem:v54+s3+$0x0], $0xffff;
	v11 =	vmul.f32 $1.442695020e+00, v58  }
0x4b7: {  	v60 =	vor.u32 $0x307, v18;
	v3 =	vadd.f32 v3, v4;
	(erf) = vpow2.f32 v7  }
0x4b8: {  	v61 =	vld.idx.msk [tilespmem:v57+s3+$0x0], $0xffff;
	(erf) = vpow2.f32 v11  }
0x4b9: {  	v62 =	vor.u32 $0x308, v18;
	v3 =	vadd.f32 v9, v3  }
0x4ba: {  	v8 =	vld.idx.msk [tilespmem:v59+s3+$0x0], $0xffff  }
0x4bb: {  	v63 =	vor.u32 $0x309, v18;
	v3 =	vadd.f32 v5, v3  }
0x4bc: {  	v4 =	vld.idx.msk [tilespmem:v60+s3+$0x0], $0xffff  }
0x4bd: {  	v12 =	vor.u32 $0x30A, v18;
	v3 =	vadd.f32 v61, v3  }
0x4be: {  	v9 =	vld.idx.msk [tilespmem:v62+s3+$0x0], $0xffff  }
0x4bf: {  	v13 =	vor.u32 $0x30B, v18;
	v3 =	vadd.f32 v8, v3  }
0x4c0: {  	[tilespmem:$0x1FFB0] =	vst v0;
	v5 =	vld.idx.msk [tilespmem:v63+s3+$0x0], $0xffff;
	v0 =	vpop (erf)  }
0x4c1: {  	v15 =	vor.u32 $0x30C, v18;
	v3 =	vadd.f32 v4, v3;
	v14 =	vpop (erf)  }
0x4c2: {  	v6 =	vadd.f32 $-1.000000000e+00, v55;
	v7 =	vld.idx.msk [tilespmem:v12+s3+$0x0], $0xffff;
	v10 =	vmul.f32 v14, v26  }
0x4c3: {  	v16 =	vor.u32 $0x30D, v18;
	v3 =	vadd.f32 v9, v3  }
0x4c4: {  	v8 =	vld.idx.msk [tilespmem:v13+s3+$0x0], $0xffff;
	v6 =	vadd.f32 v10, v6  }
0x4c5: {  	v17 =	vor.u32 $0x30E, v18;
	v3 =	vadd.f32 v5, v3  }
0x4c6: {  	v4 =	vld.idx.msk [tilespmem:v15+s3+$0x0], $0xffff;
	v10 =	vsub.f32 $0.0e+00, v6  }
0x4c7: {  	v19 =	vor.u32 $0x30F, v18;
	v3 =	vadd.f32 v7, v3  }
0x4c8: {  	v9 =	vld.idx.msk [tilespmem:v16+s3+$0x0], $0xffff;
	v10 =	vmul.f32 $1.442695020e+00, v10  }
0x4c9: {  	v3 =	vadd.f32 v8, v3  }
0x4ca: {  	v5 =	vld.idx.msk [tilespmem:v17+s3+$0x0], $0xffff;
	(erf) = vpow2.f32 v10  }
0x4cb: {  	v3 =	vadd.f32 v4, v3  }
0x4cc: {  	v21 =	vld.idx.msk [tilespmem:v19+s3+$0x0], $0xffff  }
0x4cd: {  	v3 =	vadd.f32 v9, v3  }
0x4ce: {  	v29 =	vor.u32 $0x400, v18  }
0x4cf: {  	v3 =	vadd.f32 v5, v3  }
0x4d0: {  	v23 =	vor.u32 $0x401, v18  }
0x4d1: {  	v30 =	vadd.f32 v21, v3  }
0x4d2: {  	v3 =	vor.u32 $0x402, v18  }
0x4d3: {  	v33 =	vld.idx.msk [tilespmem:v29+s3+$0x0], $0xffff;
	v31 =	vcvt.s32.f32 v30;
	v24 =	vpop (erf)  }
0x4d4: {  	v34 =	vor.u32 $0x403, v18;
	v6 =	vadd.f32 $-1.000000000e+00, v6;
	v4 =	vmul.f32 v24, v26  }
0x4d5: {  	v5 =	vld.idx.msk [tilespmem:v23+s3+$0x0], $0xffff;
	v7 =	vmul.f32 $8.262958320e-08, v31  }
0x4d6: {  	v35 =	vor.u32 $0x404, v18;
	v31 =	vadd.f32 v4, v6  }
0x4d7: {  	v3 =	vld.idx.msk [tilespmem:v3+s3+$0x0], $0xffff;
	v37 =	vadd.f32 $-8.798996730e+01, v7  }
0x4d8: {  	v39 =	vor.u32 $0x405, v18;
	v8 =	vadd.f32 $0.0e+00, v33;
	v38 =	vsub.f32 $0.0e+00, v31  }
0x4d9: {  	v9 =	vld.idx.msk [tilespmem:v34+s3+$0x0], $0xffff;
	v40 =	vsub.f32 $0.0e+00, v37  }
0x4da: {  	v42 =	vor.u32 $0x406, v18;
	v5 =	vadd.f32 v5, v8;
	v7 =	vmul.f32 $1.442695020e+00, v38  }
0x4db: {  	v4 =	vld.idx.msk [tilespmem:v35+s3+$0x0], $0xffff;
	v11 =	vmul.f32 $1.442695020e+00, v40  }
0x4dc: {  	v43 =	vor.u32 $0x407, v18;
	v3 =	vadd.f32 v3, v5;
	(erf) = vpow2.f32 v7  }
0x4dd: {  	v44 =	vld.idx.msk [tilespmem:v39+s3+$0x0], $0xffff;
	(erf) = vpow2.f32 v11  }
0x4de: {  	v45 =	vor.u32 $0x408, v18;
	v3 =	vadd.f32 v9, v3  }
0x4df: {  	v8 =	vld.idx.msk [tilespmem:v42+s3+$0x0], $0xffff  }
0x4e0: {  	v46 =	vor.u32 $0x409, v18;
	v3 =	vadd.f32 v4, v3  }
0x4e1: {  	v5 =	vld.idx.msk [tilespmem:v43+s3+$0x0], $0xffff  }
0x4e2: {  	v47 =	vor.u32 $0x40A, v18;
	v3 =	vadd.f32 v44, v3  }
0x4e3: {  	v9 =	vld.idx.msk [tilespmem:v45+s3+$0x0], $0xffff  }
0x4e4: {  	v48 =	vor.u32 $0x40B, v18;
	v3 =	vadd.f32 v8, v3  }
0x4e5: {  	[tilespmem:$0x1FFC0] =	vst v0;
	v4 =	vld.idx.msk [tilespmem:v46+s3+$0x0], $0xffff;
	v0 =	vpop (erf)  }
0x4e6: {  	v50 =	vor.u32 $0x40C, v18;
	v3 =	vadd.f32 v5, v3;
	v49 =	vpop (erf)  }
0x4e7: {  	v6 =	vadd.f32 $-1.000000000e+00, v37;
	v7 =	vld.idx.msk [tilespmem:v47+s3+$0x0], $0xffff;
	v10 =	vmul.f32 v49, v30  }
0x4e8: {  	v51 =	vor.u32 $0x40D, v18;
	v3 =	vadd.f32 v9, v3  }
0x4e9: {  	v8 =	vld.idx.msk [tilespmem:v48+s3+$0x0], $0xffff;
	v6 =	vadd.f32 v10, v6  }
0x4ea: {  	v52 =	vor.u32 $0x40E, v18;
	v3 =	vadd.f32 v4, v3  }
0x4eb: {  	v5 =	vld.idx.msk [tilespmem:v50+s3+$0x0], $0xffff;
	v10 =	vsub.f32 $0.0e+00, v6  }
0x4ec: {  	v53 =	vor.u32 $0x40F, v18;
	v3 =	vadd.f32 v7, v3  }
0x4ed: {  	v9 =	vld.idx.msk [tilespmem:v51+s3+$0x0], $0xffff;
	v10 =	vmul.f32 $1.442695020e+00, v10  }
0x4ee: {  	v3 =	vadd.f32 v8, v3  }
0x4ef: {  	v4 =	vld.idx.msk [tilespmem:v52+s3+$0x0], $0xffff;
	(erf) = vpow2.f32 v10  }
0x4f0: {  	v3 =	vadd.f32 v5, v3  }
0x4f1: {  	v54 =	vld.idx.msk [tilespmem:v53+s3+$0x0], $0xffff  }
0x4f2: {  	v3 =	vadd.f32 v9, v3  }
0x4f3: {  	v33 =	vor.u32 $0x500, v18  }
0x4f4: {  	v3 =	vadd.f32 v4, v3  }
0x4f5: {  	v55 =	vor.u32 $0x501, v18  }
0x4f6: {  	v34 =	vadd.f32 v54, v3  }
0x4f7: {  	v3 =	vor.u32 $0x502, v18  }
0x4f8: {  	v58 =	vld.idx.msk [tilespmem:v33+s3+$0x0], $0xffff;
	v57 =	vcvt.s32.f32 v34;
	v56 =	vpop (erf)  }
0x4f9: {  	v59 =	vor.u32 $0x503, v18;
	v6 =	vadd.f32 $-1.000000000e+00, v6;
	v5 =	vmul.f32 v56, v30  }
0x4fa: {  	v4 =	vld.idx.msk [tilespmem:v55+s3+$0x0], $0xffff;
	v7 =	vmul.f32 $8.262958320e-08, v57  }
0x4fb: {  	v60 =	vor.u32 $0x504, v18;
	v35 =	vadd.f32 v5, v6  }
0x4fc: {  	v3 =	vld.idx.msk [tilespmem:v3+s3+$0x0], $0xffff;
	v61 =	vadd.f32 $-8.798996730e+01, v7  }
0x4fd: {  	v63 =	vor.u32 $0x505, v18;
	v8 =	vadd.f32 $0.0e+00, v58;
	v62 =	vsub.f32 $0.0e+00, v35  }
0x4fe: {  	v9 =	vld.idx.msk [tilespmem:v59+s3+$0x0], $0xffff;
	v12 =	vsub.f32 $0.0e+00, v61  }
0x4ff: {  	v13 =	vor.u32 $0x506, v18;
	v4 =	vadd.f32 v4, v8;
	v7 =	vmul.f32 $1.442695020e+00, v62  }
0x500: {  	v5 =	vld.idx.msk [tilespmem:v60+s3+$0x0], $0xffff;
	v11 =	vmul.f32 $1.442695020e+00, v12  }
0x501: {  	v14 =	vor.u32 $0x507, v18;
	v3 =	vadd.f32 v3, v4;
	(erf) = vpow2.f32 v7  }
0x502: {  	v15 =	vld.idx.msk [tilespmem:v63+s3+$0x0], $0xffff;
	(erf) = vpow2.f32 v11  }
0x503: {  	v16 =	vor.u32 $0x508, v18;
	v3 =	vadd.f32 v9, v3  }
0x504: {  	v8 =	vld.idx.msk [tilespmem:v13+s3+$0x0], $0xffff  }
0x505: {  	v17 =	vor.u32 $0x509, v18;
	v3 =	vadd.f32 v5, v3  }
0x506: {  	v4 =	vld.idx.msk [tilespmem:v14+s3+$0x0], $0xffff  }
0x507: {  	v19 =	vor.u32 $0x50A, v18;
	v3 =	vadd.f32 v15, v3  }
0x508: {  	v9 =	vld.idx.msk [tilespmem:v16+s3+$0x0], $0xffff  }
0x509: {  	v21 =	vor.u32 $0x50B, v18;
	v3 =	vadd.f32 v8, v3  }
0x50a: {  	[tilespmem:$0x1FFD0] =	vst v0;
	v5 =	vld.idx.msk [tilespmem:v17+s3+$0x0], $0xffff;
	v0 =	vpop (erf)  }
0x50b: {  	v24 =	vor.u32 $0x50C, v18;
	v3 =	vadd.f32 v4, v3;
	v23 =	vpop (erf)  }
0x50c: {  	v6 =	vadd.f32 $-1.000000000e+00, v61;
	v7 =	vld.idx.msk [tilespmem:v19+s3+$0x0], $0xffff;
	v10 =	vmul.f32 v23, v34  }
0x50d: {  	v37 =	vor.u32 $0x50D, v18;
	v3 =	vadd.f32 v9, v3  }
0x50e: {  	v8 =	vld.idx.msk [tilespmem:v21+s3+$0x0], $0xffff;
	v6 =	vadd.f32 v10, v6  }
0x50f: {  	v38 =	vor.u32 $0x50E, v18;
	v3 =	vadd.f32 v5, v3  }
0x510: {  	v4 =	vld.idx.msk [tilespmem:v24+s3+$0x0], $0xffff;
	v10 =	vsub.f32 $0.0e+00, v6  }
0x511: {  	v39 =	vor.u32 $0x50F, v18;
	v3 =	vadd.f32 v7, v3  }
0x512: {  	v9 =	vld.idx.msk [tilespmem:v37+s3+$0x0], $0xffff;
	v10 =	vmul.f32 $1.442695020e+00, v10  }
0x513: {  	v3 =	vadd.f32 v8, v3  }
0x514: {  	v5 =	vld.idx.msk [tilespmem:v38+s3+$0x0], $0xffff;
	(erf) = vpow2.f32 v10  }
0x515: {  	v3 =	vadd.f32 v4, v3  }
0x516: {  	v40 =	vld.idx.msk [tilespmem:v39+s3+$0x0], $0xffff  }
0x517: {  	v3 =	vadd.f32 v9, v3  }
0x518: {  	v37 =	vor.u32 $0x600, v18  }
0x519: {  	v3 =	vadd.f32 v5, v3  }
0x51a: {  	v42 =	vor.u32 $0x601, v18  }
0x51b: {  	v38 =	vadd.f32 v40, v3  }
0x51c: {  	v3 =	vor.u32 $0x602, v18  }
0x51d: {  	v45 =	vld.idx.msk [tilespmem:v37+s3+$0x0], $0xffff;
	v44 =	vcvt.s32.f32 v38;
	v43 =	vpop (erf)  }
0x51e: {  	v46 =	vor.u32 $0x603, v18;
	v6 =	vadd.f32 $-1.000000000e+00, v6;
	v4 =	vmul.f32 v43, v34  }
0x51f: {  	v5 =	vld.idx.msk [tilespmem:v42+s3+$0x0], $0xffff;
	v7 =	vmul.f32 $8.262958320e-08, v44  }
0x520: {  	v47 =	vor.u32 $0x604, v18;
	v39 =	vadd.f32 v4, v6  }
0x521: {  	v3 =	vld.idx.msk [tilespmem:v3+s3+$0x0], $0xffff;
	v48 =	vadd.f32 $-8.798996730e+01, v7  }
0x522: {  	v50 =	vor.u32 $0x605, v18;
	v8 =	vadd.f32 $0.0e+00, v45;
	v49 =	vsub.f32 $0.0e+00, v39  }
0x523: {  	v9 =	vld.idx.msk [tilespmem:v46+s3+$0x0], $0xffff;
	v51 =	vsub.f32 $0.0e+00, v48  }
0x524: {  	v52 =	vor.u32 $0x606, v18;
	v5 =	vadd.f32 v5, v8;
	v7 =	vmul.f32 $1.442695020e+00, v49  }
0x525: {  	v11 =	vmul.f32 $1.442695020e+00, v51;
	v4 =	vld.idx.msk [tilespmem:v47+s3+$0x0], $0xffff  }
0x526: {  	v53 =	vor.u32 $0x607, v18;
	v3 =	vadd.f32 v3, v5;
	(erf) = vpow2.f32 v7  }
0x527: {  	v54 =	vld.idx.msk [tilespmem:v50+s3+$0x0], $0xffff;
	(erf) = vpow2.f32 v11  }
0x528: {  	v55 =	vor.u32 $0x608, v18;
	v3 =	vadd.f32 v9, v3  }
0x529: {  	v8 =	vld.idx.msk [tilespmem:v52+s3+$0x0], $0xffff  }
0x52a: {  	v56 =	vor.u32 $0x609, v18;
	v3 =	vadd.f32 v4, v3  }
0x52b: {  	v5 =	vld.idx.msk [tilespmem:v53+s3+$0x0], $0xffff  }
0x52c: {  	v57 =	vor.u32 $0x60A, v18;
	v3 =	vadd.f32 v54, v3  }
0x52d: {  	v9 =	vld.idx.msk [tilespmem:v55+s3+$0x0], $0xffff  }
0x52e: {  	v58 =	vor.u32 $0x60B, v18;
	v3 =	vadd.f32 v8, v3  }
0x52f: {  	[tilespmem:$0x1FFE0] =	vst v0;
	v4 =	vld.idx.msk [tilespmem:v56+s3+$0x0], $0xffff;
	v0 =	vpop (erf)  }
0x530: {  	v60 =	vor.u32 $0x60C, v18;
	v3 =	vadd.f32 v5, v3;
	v59 =	vpop (erf)  }
0x531: {  	v6 =	vadd.f32 $-1.000000000e+00, v48;
	v7 =	vld.idx.msk [tilespmem:v57+s3+$0x0], $0xffff;
	v10 =	vmul.f32 v59, v38  }
0x532: {  	v61 =	vor.u32 $0x60D, v18;
	v3 =	vadd.f32 v9, v3  }
0x533: {  	v8 =	vld.idx.msk [tilespmem:v58+s3+$0x0], $0xffff;
	v6 =	vadd.f32 v10, v6  }
0x534: {  	v62 =	vor.u32 $0x60E, v18;
	v3 =	vadd.f32 v4, v3  }
0x535: {  	v5 =	vld.idx.msk [tilespmem:v60+s3+$0x0], $0xffff;
	v10 =	vsub.f32 $0.0e+00, v6  }
0x536: {  	v63 =	vor.u32 $0x60F, v18;
	v3 =	vadd.f32 v7, v3  }
0x537: {  	v9 =	vld.idx.msk [tilespmem:v61+s3+$0x0], $0xffff;
	v10 =	vmul.f32 $1.442695020e+00, v10  }
0x538: {  	v3 =	vadd.f32 v8, v3  }
0x539: {  	v4 =	vld.idx.msk [tilespmem:v62+s3+$0x0], $0xffff;
	(erf) = vpow2.f32 v10  }
0x53a: {  	v3 =	vadd.f32 v5, v3  }
0x53b: {  	v12 =	vld.idx.msk [tilespmem:v63+s3+$0x0], $0xffff  }
0x53c: {  	v3 =	vadd.f32 v9, v3  }
0x53d: {  	v19 =	vor.u32 $0x700, v18  }
0x53e: {  	v3 =	vadd.f32 v4, v3  }
0x53f: {  	v13 =	vor.u32 $0x701, v18  }
0x540: {  	v42 =	vadd.f32 v12, v3  }
0x541: {  	v3 =	vor.u32 $0x702, v18  }
0x542: {  	v16 =	vld.idx.msk [tilespmem:v19+s3+$0x0], $0xffff;
	v15 =	vcvt.s32.f32 v42;
	v14 =	vpop (erf)  }
0x543: {  	v17 =	vor.u32 $0x703, v18;
	v6 =	vadd.f32 $-1.000000000e+00, v6;
	v5 =	vmul.f32 v14, v38  }
0x544: {  	v4 =	vld.idx.msk [tilespmem:v13+s3+$0x0], $0xffff;
	v7 =	vmul.f32 $8.262958320e-08, v15  }
0x545: {  	v21 =	vor.u32 $0x704, v18;
	v43 =	vadd.f32 v5, v6  }
0x546: {  	v3 =	vld.idx.msk [tilespmem:v3+s3+$0x0], $0xffff;
	v23 =	vadd.f32 $-8.798996730e+01, v7  }
0x547: {  	v40 =	vor.u32 $0x705, v18;
	v8 =	vadd.f32 $0.0e+00, v16;
	v24 =	vsub.f32 $0.0e+00, v43  }
0x548: {  	v9 =	vld.idx.msk [tilespmem:v17+s3+$0x0], $0xffff;
	v44 =	vsub.f32 $0.0e+00, v23  }
0x549: {  	v45 =	vor.u32 $0x706, v18;
	v4 =	vadd.f32 v4, v8;
	v7 =	vmul.f32 $1.442695020e+00, v24  }
0x54a: {  	v11 =	vmul.f32 $1.442695020e+00, v44;
	v5 =	vld.idx.msk [tilespmem:v21+s3+$0x0], $0xffff  }
0x54b: {  	v46 =	vor.u32 $0x707, v18;
	v3 =	vadd.f32 v3, v4;
	(erf) = vpow2.f32 v7  }
0x54c: {  	v47 =	vld.idx.msk [tilespmem:v40+s3+$0x0], $0xffff;
	(erf) = vpow2.f32 v11  }
0x54d: {  	v48 =	vor.u32 $0x708, v18;
	v3 =	vadd.f32 v9, v3  }
0x54e: {  	v8 =	vld.idx.msk [tilespmem:v45+s3+$0x0], $0xffff  }
0x54f: {  	v49 =	vor.u32 $0x709, v18;
	v3 =	vadd.f32 v5, v3  }
0x550: {  	v4 =	vld.idx.msk [tilespmem:v46+s3+$0x0], $0xffff  }
0x551: {  	v50 =	vor.u32 $0x70A, v18;
	v3 =	vadd.f32 v47, v3  }
0x552: {  	v9 =	vld.idx.msk [tilespmem:v48+s3+$0x0], $0xffff  }
0x553: {  	v51 =	vor.u32 $0x70B, v18;
	v3 =	vadd.f32 v8, v3  }
0x554: {  	v5 =	vld.idx.msk [tilespmem:v49+s3+$0x0], $0xffff;
	v24 =	vpop (erf)  }
0x555: {  	v53 =	vor.u32 $0x70C, v18;
	v3 =	vadd.f32 v4, v3;
	v52 =	vpop (erf)  }
0x556: {  	v6 =	vadd.f32 $-1.000000000e+00, v23;
	v7 =	vld.idx.msk [tilespmem:v50+s3+$0x0], $0xffff;
	v10 =	vmul.f32 v52, v42  }
0x557: {  	v54 =	vor.u32 $0x70D, v18;
	v3 =	vadd.f32 v9, v3  }
0x558: {  	v8 =	vld.idx.msk [tilespmem:v51+s3+$0x0], $0xffff;
	v6 =	vadd.f32 v10, v6  }
0x559: {  	v55 =	vor.u32 $0x70E, v18;
	v3 =	vadd.f32 v5, v3  }
0x55a: {  	v4 =	vld.idx.msk [tilespmem:v53+s3+$0x0], $0xffff;
	v10 =	vsub.f32 $0.0e+00, v6  }
0x55b: {  	v56 =	vor.u32 $0x70F, v18;
	v3 =	vadd.f32 v7, v3  }
0x55c: {  	v9 =	vld.idx.msk [tilespmem:v54+s3+$0x0], $0xffff;
	v10 =	vmul.f32 $1.442695020e+00, v10  }
0x55d: {  	v3 =	vadd.f32 v8, v3  }
0x55e: {  	v5 =	vld.idx.msk [tilespmem:v55+s3+$0x0], $0xffff;
	(erf) = vpow2.f32 v10  }
0x55f: {  	v3 =	vadd.f32 v4, v3  }
0x560: {  	v57 =	vld.idx.msk [tilespmem:v56+s3+$0x0], $0xffff  }
0x561: {  	v3 =	vadd.f32 v9, v3  }
0x562: {  	v45 =	vor.u32 $0x800, v18  }
0x563: {  	v3 =	vadd.f32 v5, v3  }
0x564: {  	v58 =	vor.u32 $0x801, v18  }
0x565: {  	v46 =	vadd.f32 v57, v3  }
0x566: {  	v3 =	vor.u32 $0x802, v18  }
0x567: {  	v61 =	vld.idx.msk [tilespmem:v45+s3+$0x0], $0xffff;
	v60 =	vcvt.s32.f32 v46;
	v59 =	vpop (erf)  }
0x568: {  	v62 =	vor.u32 $0x803, v18;
	v6 =	vadd.f32 $-1.000000000e+00, v6;
	v4 =	vmul.f32 v59, v42  }
0x569: {  	v5 =	vld.idx.msk [tilespmem:v58+s3+$0x0], $0xffff;
	v7 =	vmul.f32 $8.262958320e-08, v60  }
0x56a: {  	v63 =	vor.u32 $0x804, v18;
	v47 =	vadd.f32 v4, v6  }
0x56b: {  	v3 =	vld.idx.msk [tilespmem:v3+s3+$0x0], $0xffff;
	v12 =	vadd.f32 $-8.798996730e+01, v7  }
0x56c: {  	v14 =	vor.u32 $0x805, v18;
	v8 =	vadd.f32 $0.0e+00, v61;
	v13 =	vsub.f32 $0.0e+00, v47  }
0x56d: {  	v9 =	vld.idx.msk [tilespmem:v62+s3+$0x0], $0xffff;
	v15 =	vsub.f32 $0.0e+00, v12  }
0x56e: {  	v16 =	vor.u32 $0x806, v18;
	v5 =	vadd.f32 v5, v8;
	v7 =	vmul.f32 $1.442695020e+00, v13  }
0x56f: {  	v11 =	vmul.f32 $1.442695020e+00, v15;
	v4 =	vld.idx.msk [tilespmem:v63+s3+$0x0], $0xffff  }
0x570: {  	v17 =	vor.u32 $0x807, v18;
	v3 =	vadd.f32 v3, v5;
	(erf) = vpow2.f32 v7  }
0x571: {  	v21 =	vld.idx.msk [tilespmem:v14+s3+$0x0], $0xffff;
	(erf) = vpow2.f32 v11  }
0x572: {  	v23 =	vor.u32 $0x808, v18;
	v3 =	vadd.f32 v9, v3  }
0x573: {  	v8 =	vld.idx.msk [tilespmem:v16+s3+$0x0], $0xffff  }
0x574: {  	v40 =	vor.u32 $0x809, v18;
	v3 =	vadd.f32 v4, v3  }
0x575: {  	v5 =	vld.idx.msk [tilespmem:v17+s3+$0x0], $0xffff  }
0x576: {  	v44 =	vor.u32 $0x80A, v18;
	v3 =	vadd.f32 v21, v3  }
0x577: {  	v9 =	vld.idx.msk [tilespmem:v23+s3+$0x0], $0xffff  }
0x578: {  	v48 =	vor.u32 $0x80B, v18;
	v3 =	vadd.f32 v8, v3  }
0x579: {  	v4 =	vld.idx.msk [tilespmem:v40+s3+$0x0], $0xffff;
	v23 =	vpop (erf)  }
0x57a: {  	v50 =	vor.u32 $0x80C, v18;
	v3 =	vadd.f32 v5, v3;
	v49 =	vpop (erf)  }
0x57b: {  	v6 =	vadd.f32 $-1.000000000e+00, v12;
	v7 =	vld.idx.msk [tilespmem:v44+s3+$0x0], $0xffff;
	v10 =	vmul.f32 v49, v46  }
0x57c: {  	v51 =	vor.u32 $0x80D, v18;
	v3 =	vadd.f32 v9, v3  }
0x57d: {  	v8 =	vld.idx.msk [tilespmem:v48+s3+$0x0], $0xffff;
	v6 =	vadd.f32 v10, v6  }
0x57e: {  	v52 =	vor.u32 $0x80E, v18;
	v3 =	vadd.f32 v4, v3  }
0x57f: {  	v5 =	vld.idx.msk [tilespmem:v50+s3+$0x0], $0xffff;
	v10 =	vsub.f32 $0.0e+00, v6  }
0x580: {  	v53 =	vor.u32 $0x80F, v18;
	v3 =	vadd.f32 v7, v3  }
0x581: {  	v9 =	vld.idx.msk [tilespmem:v51+s3+$0x0], $0xffff;
	v10 =	vmul.f32 $1.442695020e+00, v10  }
0x582: {  	v3 =	vadd.f32 v8, v3  }
0x583: {  	v4 =	vld.idx.msk [tilespmem:v52+s3+$0x0], $0xffff;
	(erf) = vpow2.f32 v10  }
0x584: {  	v3 =	vadd.f32 v5, v3  }
0x585: {  	v54 =	vld.idx.msk [tilespmem:v53+s3+$0x0], $0xffff  }
0x586: {  	v3 =	vadd.f32 v9, v3  }
0x587: {  	v49 =	vor.u32 $0x900, v18  }
0x588: {  	v3 =	vadd.f32 v4, v3  }
0x589: {  	v55 =	vor.u32 $0x901, v18  }
0x58a: {  	v50 =	vadd.f32 v54, v3  }
0x58b: {  	v3 =	vor.u32 $0x902, v18  }
0x58c: {  	v58 =	vld.idx.msk [tilespmem:v49+s3+$0x0], $0xffff;
	v57 =	vcvt.s32.f32 v50;
	v56 =	vpop (erf)  }
0x58d: {  	v59 =	vor.u32 $0x903, v18;
	v6 =	vadd.f32 $-1.000000000e+00, v6;
	v5 =	vmul.f32 v56, v46  }
0x58e: {  	v4 =	vld.idx.msk [tilespmem:v55+s3+$0x0], $0xffff;
	v7 =	vmul.f32 $8.262958320e-08, v57  }
0x58f: {  	v60 =	vor.u32 $0x904, v18;
	v51 =	vadd.f32 v5, v6  }
0x590: {  	v3 =	vld.idx.msk [tilespmem:v3+s3+$0x0], $0xffff;
	v61 =	vadd.f32 $-8.798996730e+01, v7  }
0x591: {  	v63 =	vor.u32 $0x905, v18;
	v8 =	vadd.f32 $0.0e+00, v58;
	v62 =	vsub.f32 $0.0e+00, v51  }
0x592: {  	v9 =	vld.idx.msk [tilespmem:v59+s3+$0x0], $0xffff;
	v12 =	vsub.f32 $0.0e+00, v61  }
0x593: {  	v13 =	vor.u32 $0x906, v18;
	v4 =	vadd.f32 v4, v8;
	v7 =	vmul.f32 $1.442695020e+00, v62  }
0x594: {  	v11 =	vmul.f32 $1.442695020e+00, v12;
	v5 =	vld.idx.msk [tilespmem:v60+s3+$0x0], $0xffff  }
0x595: {  	v14 =	vor.u32 $0x907, v18;
	v3 =	vadd.f32 v3, v4;
	(erf) = vpow2.f32 v7  }
0x596: {  	v15 =	vld.idx.msk [tilespmem:v63+s3+$0x0], $0xffff;
	(erf) = vpow2.f32 v11  }
0x597: {  	v16 =	vor.u32 $0x908, v18;
	v3 =	vadd.f32 v9, v3  }
0x598: {  	v8 =	vld.idx.msk [tilespmem:v13+s3+$0x0], $0xffff  }
0x599: {  	v17 =	vor.u32 $0x909, v18;
	v3 =	vadd.f32 v5, v3  }
0x59a: {  	v4 =	vld.idx.msk [tilespmem:v14+s3+$0x0], $0xffff  }
0x59b: {  	v40 =	vor.u32 $0x90A, v18;
	v3 =	vadd.f32 v15, v3  }
0x59c: {  	v9 =	vld.idx.msk [tilespmem:v16+s3+$0x0], $0xffff  }
0x59d: {  	v44 =	vor.u32 $0x90B, v18;
	v3 =	vadd.f32 v8, v3  }
0x59e: {  	v5 =	vld.idx.msk [tilespmem:v17+s3+$0x0], $0xffff;
	v21 =	vpop (erf)  }
0x59f: {  	v52 =	vor.u32 $0x90C, v18;
	v3 =	vadd.f32 v4, v3;
	v48 =	vpop (erf)  }
0x5a0: {  	v6 =	vadd.f32 $-1.000000000e+00, v61;
	v7 =	vld.idx.msk [tilespmem:v40+s3+$0x0], $0xffff;
	v10 =	vmul.f32 v48, v50  }
0x5a1: {  	v53 =	vor.u32 $0x90D, v18;
	v3 =	vadd.f32 v9, v3  }
0x5a2: {  	v8 =	vld.idx.msk [tilespmem:v44+s3+$0x0], $0xffff;
	v6 =	vadd.f32 v10, v6  }
0x5a3: {  	v54 =	vor.u32 $0x90E, v18;
	v3 =	vadd.f32 v5, v3  }
0x5a4: {  	v4 =	vld.idx.msk [tilespmem:v52+s3+$0x0], $0xffff;
	v10 =	vsub.f32 $0.0e+00, v6  }
0x5a5: {  	v55 =	vor.u32 $0x90F, v18;
	v3 =	vadd.f32 v7, v3  }
0x5a6: {  	v9 =	vld.idx.msk [tilespmem:v53+s3+$0x0], $0xffff;
	v10 =	vmul.f32 $1.442695020e+00, v10  }
0x5a7: {  	v3 =	vadd.f32 v8, v3  }
0x5a8: {  	v5 =	vld.idx.msk [tilespmem:v54+s3+$0x0], $0xffff;
	(erf) = vpow2.f32 v10  }
0x5a9: {  	v3 =	vadd.f32 v4, v3  }
0x5aa: {  	v56 =	vld.idx.msk [tilespmem:v55+s3+$0x0], $0xffff  }
0x5ab: {  	v3 =	vadd.f32 v9, v3  }
0x5ac: {  	v53 =	vor.u32 $0xA00, v18  }
0x5ad: {  	v3 =	vadd.f32 v5, v3  }
0x5ae: {  	v57 =	vor.u32 $0xA01, v18  }
0x5af: {  	v54 =	vadd.f32 v56, v3  }
0x5b0: {  	v3 =	vor.u32 $0xA02, v18  }
0x5b1: {  	v60 =	vld.idx.msk [tilespmem:v53+s3+$0x0], $0xffff;
	v59 =	vcvt.s32.f32 v54;
	v58 =	vpop (erf)  }
0x5b2: {  	v61 =	vor.u32 $0xA03, v18;
	v6 =	vadd.f32 $-1.000000000e+00, v6;
	v4 =	vmul.f32 v58, v50  }
0x5b3: {  	v5 =	vld.idx.msk [tilespmem:v57+s3+$0x0], $0xffff;
	v7 =	vmul.f32 $8.262958320e-08, v59  }
0x5b4: {  	v62 =	vor.u32 $0xA04, v18;
	v55 =	vadd.f32 v4, v6  }
0x5b5: {  	v3 =	vld.idx.msk [tilespmem:v3+s3+$0x0], $0xffff;
	v63 =	vadd.f32 $-8.798996730e+01, v7  }
0x5b6: {  	v13 =	vor.u32 $0xA05, v18;
	v8 =	vadd.f32 $0.0e+00, v60;
	v12 =	vsub.f32 $0.0e+00, v55  }
0x5b7: {  	v9 =	vld.idx.msk [tilespmem:v61+s3+$0x0], $0xffff;
	v14 =	vsub.f32 $0.0e+00, v63  }
0x5b8: {  	v15 =	vor.u32 $0xA06, v18;
	v5 =	vadd.f32 v5, v8;
	v7 =	vmul.f32 $1.442695020e+00, v12  }
0x5b9: {  	v11 =	vmul.f32 $1.442695020e+00, v14;
	v4 =	vld.idx.msk [tilespmem:v62+s3+$0x0], $0xffff  }
0x5ba: {  	v16 =	vor.u32 $0xA07, v18;
	v3 =	vadd.f32 v3, v5;
	(erf) = vpow2.f32 v7  }
0x5bb: {  	v17 =	vld.idx.msk [tilespmem:v13+s3+$0x0], $0xffff;
	(erf) = vpow2.f32 v11  }
0x5bc: {  	v40 =	vor.u32 $0xA08, v18;
	v3 =	vadd.f32 v9, v3  }
0x5bd: {  	v8 =	vld.idx.msk [tilespmem:v15+s3+$0x0], $0xffff  }
0x5be: {  	v44 =	vor.u32 $0xA09, v18;
	v3 =	vadd.f32 v4, v3  }
0x5bf: {  	v5 =	vld.idx.msk [tilespmem:v16+s3+$0x0], $0xffff  }
0x5c0: {  	v48 =	vor.u32 $0xA0A, v18;
	v3 =	vadd.f32 v17, v3  }
0x5c1: {  	v9 =	vld.idx.msk [tilespmem:v40+s3+$0x0], $0xffff  }
0x5c2: {  	v52 =	vor.u32 $0xA0B, v18;
	v3 =	vadd.f32 v8, v3  }
0x5c3: {  	v4 =	vld.idx.msk [tilespmem:v44+s3+$0x0], $0xffff;
	v56 =	vpop (erf)  }
0x5c4: {  	v60 =	vor.u32 $0xA0C, v18;
	v3 =	vadd.f32 v5, v3;
	v59 =	vpop (erf)  }
0x5c5: {  	v6 =	vadd.f32 $-1.000000000e+00, v63;
	v7 =	vld.idx.msk [tilespmem:v48+s3+$0x0], $0xffff;
	v10 =	vmul.f32 v59, v54  }
0x5c6: {  	v61 =	vor.u32 $0xA0D, v18;
	v3 =	vadd.f32 v9, v3  }
0x5c7: {  	v8 =	vld.idx.msk [tilespmem:v52+s3+$0x0], $0xffff;
	v6 =	vadd.f32 v10, v6  }
0x5c8: {  	v62 =	vor.u32 $0xA0E, v18;
	v3 =	vadd.f32 v4, v3  }
0x5c9: {  	v5 =	vld.idx.msk [tilespmem:v60+s3+$0x0], $0xffff;
	v10 =	vsub.f32 $0.0e+00, v6  }
0x5ca: {  	v63 =	vor.u32 $0xA0F, v18;
	v3 =	vadd.f32 v7, v3  }
0x5cb: {  	v9 =	vld.idx.msk [tilespmem:v61+s3+$0x0], $0xffff;
	v10 =	vmul.f32 $1.442695020e+00, v10  }
0x5cc: {  	v3 =	vadd.f32 v8, v3  }
0x5cd: {  	v4 =	vld.idx.msk [tilespmem:v62+s3+$0x0], $0xffff;
	(erf) = vpow2.f32 v10  }
0x5ce: {  	v3 =	vadd.f32 v5, v3  }
0x5cf: {  	v11 =	vld.idx.msk [tilespmem:v63+s3+$0x0], $0xffff  }
0x5d0: {  	v3 =	vadd.f32 v9, v3  }
0x5d1: {  	v57 =	vor.u32 $0xB00, v18  }
0x5d2: {  	v3 =	vadd.f32 v4, v3  }
0x5d3: {  	v12 =	vor.u32 $0xB01, v18  }
0x5d4: {  	v58 =	vadd.f32 v11, v3  }
0x5d5: {  	v3 =	vor.u32 $0xB02, v18  }
0x5d6: {  	v15 =	vld.idx.msk [tilespmem:v57+s3+$0x0], $0xffff;
	v14 =	vcvt.s32.f32 v58;
	v13 =	vpop (erf)  }
0x5d7: {  	v16 =	vor.u32 $0xB03, v18;
	v6 =	vadd.f32 $-1.000000000e+00, v6;
	v5 =	vmul.f32 v13, v54  }
0x5d8: {  	v4 =	vld.idx.msk [tilespmem:v12+s3+$0x0], $0xffff;
	v7 =	vmul.f32 $8.262958320e-08, v14  }
0x5d9: {  	v17 =	vor.u32 $0xB04, v18;
	v59 =	vadd.f32 v5, v6  }
0x5da: {  	v3 =	vld.idx.msk [tilespmem:v3+s3+$0x0], $0xffff;
	v40 =	vadd.f32 $-8.798996730e+01, v7  }
0x5db: {  	v48 =	vor.u32 $0xB05, v18;
	v8 =	vadd.f32 $0.0e+00, v15;
	v44 =	vsub.f32 $0.0e+00, v59  }
0x5dc: {  	v9 =	vld.idx.msk [tilespmem:v16+s3+$0x0], $0xffff;
	v52 =	vsub.f32 $0.0e+00, v40  }
0x5dd: {  	v60 =	vor.u32 $0xB06, v18;
	v4 =	vadd.f32 v4, v8;
	v7 =	vmul.f32 $1.442695020e+00, v44  }
0x5de: {  	v11 =	vmul.f32 $1.442695020e+00, v52;
	v5 =	vld.idx.msk [tilespmem:v17+s3+$0x0], $0xffff  }
0x5df: {  	v61 =	vor.u32 $0xB07, v18;
	v3 =	vadd.f32 v3, v4;
	(erf) = vpow2.f32 v7  }
0x5e0: {  	v62 =	vld.idx.msk [tilespmem:v48+s3+$0x0], $0xffff;
	(erf) = vpow2.f32 v11  }
0x5e1: {  	v63 =	vor.u32 $0xB08, v18;
	v3 =	vadd.f32 v9, v3  }
0x5e2: {  	v8 =	vld.idx.msk [tilespmem:v60+s3+$0x0], $0xffff  }
0x5e3: {  	v12 =	vor.u32 $0xB09, v18;
	v3 =	vadd.f32 v5, v3  }
0x5e4: {  	v4 =	vld.idx.msk [tilespmem:v61+s3+$0x0], $0xffff  }
0x5e5: {  	v13 =	vor.u32 $0xB0A, v18;
	v3 =	vadd.f32 v62, v3  }
0x5e6: {  	v9 =	vld.idx.msk [tilespmem:v63+s3+$0x0], $0xffff  }
0x5e7: {  	v14 =	vor.u32 $0xB0B, v18;
	v3 =	vadd.f32 v8, v3  }
0x5e8: {  	v5 =	vld.idx.msk [tilespmem:v12+s3+$0x0], $0xffff;
	v60 =	vpop (erf)  }
0x5e9: {  	v16 =	vor.u32 $0xB0C, v18;
	v3 =	vadd.f32 v4, v3;
	v15 =	vpop (erf)  }
0x5ea: {  	v6 =	vadd.f32 $-1.000000000e+00, v40;
	v7 =	vld.idx.msk [tilespmem:v13+s3+$0x0], $0xffff;
	v10 =	vmul.f32 v15, v58  }
0x5eb: {  	v17 =	vor.u32 $0xB0D, v18;
	v3 =	vadd.f32 v9, v3  }
0x5ec: {  	v8 =	vld.idx.msk [tilespmem:v14+s3+$0x0], $0xffff;
	v6 =	vadd.f32 v10, v6  }
0x5ed: {  	v40 =	vor.u32 $0xB0E, v18;
	v3 =	vadd.f32 v5, v3  }
0x5ee: {  	v4 =	vld.idx.msk [tilespmem:v16+s3+$0x0], $0xffff;
	v10 =	vsub.f32 $0.0e+00, v6  }
0x5ef: {  	v44 =	vor.u32 $0xB0F, v18;
	v3 =	vadd.f32 v7, v3  }
0x5f0: {  	v9 =	vld.idx.msk [tilespmem:v17+s3+$0x0], $0xffff;
	v10 =	vmul.f32 $1.442695020e+00, v10  }
0x5f1: {  	v3 =	vadd.f32 v8, v3  }
0x5f2: {  	v5 =	vld.idx.msk [tilespmem:v40+s3+$0x0], $0xffff;
	(erf) = vpow2.f32 v10  }
0x5f3: {  	v3 =	vadd.f32 v4, v3  }
0x5f4: {  	v48 =	vld.idx.msk [tilespmem:v44+s3+$0x0], $0xffff  }
0x5f5: {  	v61 =	vor.u32 $0xC00, v18;
	v3 =	vadd.f32 v9, v3;
	_ =	sdelay $0x1  }
0x5f6: {  	v52 =	vor.u32 $0xC01, v18;
	v3 =	vadd.f32 v5, v3;
	_ =	sdelay $0x1  }
0x5f7: {  	v62 =	vadd.f32 v48, v3;
	v3 =	vor.u32 $0xC02, v18  }
0x5f8: {  	v14 =	vld.idx.msk [tilespmem:v61+s3+$0x0], $0xffff  }
0x5f9: {  	v15 =	vor.u32 $0xC03, v18;
	v13 =	vcvt.s32.f32 v62;
	v12 =	vpop (erf)  }
0x5fa: {  	v6 =	vadd.f32 $-1.000000000e+00, v6;
	v5 =	vld.idx.msk [tilespmem:v52+s3+$0x0], $0xffff;
	v4 =	vmul.f32 v12, v58  }
0x5fb: {  	v16 =	vor.u32 $0xC04, v18;
	v7 =	vmul.f32 $8.262958320e-08, v13  }
0x5fc: {  	v3 =	vld.idx.msk [tilespmem:v3+s3+$0x0], $0xffff;
	v63 =	vadd.f32 v4, v6  }
0x5fd: {  	v40 =	vor.u32 $0xC05, v18;
	v8 =	vadd.f32 $0.0e+00, v14;
	v6 =	vadd.f32 $-8.798996730e+01, v7  }
0x5fe: {  	v9 =	vld.idx.msk [tilespmem:v15+s3+$0x0], $0xffff;
	v17 =	vsub.f32 $0.0e+00, v63  }
0x5ff: {  	v5 =	vadd.f32 v5, v8;
	v44 =	vsub.f32 $0.0e+00, v6  }
0x600: {  	v48 =	vor.u32 $0xC06, v18;
	v4 =	vld.idx.msk [tilespmem:v16+s3+$0x0], $0xffff;
	v7 =	vmul.f32 $1.442695020e+00, v17  }
0x601: {  	v3 =	vadd.f32 v3, v5;
	v11 =	vmul.f32 $1.442695020e+00, v44  }
0x602: {  	v52 =	vor.u32 $0xC07, v18;
	v12 =	vld.idx.msk [tilespmem:v40+s3+$0x0], $0xffff;
	(erf) = vpow2.f32 v7  }
0x603: {  	v3 =	vadd.f32 v9, v3;
	(erf) = vpow2.f32 v11  }
0x604: {  	v13 =	vor.u32 $0xC08, v18  }
0x605: {  	v8 =	vld.idx.msk [tilespmem:v48+s3+$0x0], $0xffff;
	v3 =	vadd.f32 v4, v3  }
0x606: {  	v14 =	vor.u32 $0xC09, v18  }
0x607: {  	v5 =	vld.idx.msk [tilespmem:v52+s3+$0x0], $0xffff;
	v3 =	vadd.f32 v12, v3  }
0x608: {  	v15 =	vor.u32 $0xC0A, v18  }
0x609: {  	v9 =	vld.idx.msk [tilespmem:v13+s3+$0x0], $0xffff  }
0x60a: {  	v16 =	vor.u32 $0xC0B, v18;
	v8 =	vadd.f32 v8, v3  }
0x60b: {  	v4 =	vld.idx.msk [tilespmem:v14+s3+$0x0], $0xffff;
	v3 =	vpop (erf)  }
0x60c: {  	v17 =	vor.u32 $0xC0C, v18;
	v5 =	vadd.f32 v5, v8;
	v11 =	vpop (erf)  }
0x60d: {  	v6 =	vadd.f32 $-1.000000000e+00, v6;
	v7 =	vld.idx.msk [tilespmem:v15+s3+$0x0], $0xffff;
	v11 =	vmul.f32 v11, v62  }
0x60e: {  	v40 =	vor.u32 $0xC0D, v18;
	v5 =	vadd.f32 v9, v5  }
0x60f: {  	v10 =	vld.idx.msk [tilespmem:v16+s3+$0x0], $0xffff;
	v6 =	vadd.f32 v11, v6  }
0x610: {  	v44 =	vor.u32 $0xC0E, v18;
	v4 =	vadd.f32 v4, v5  }
0x611: {  	v8 =	vld.idx.msk [tilespmem:v17+s3+$0x0], $0xffff;
	v11 =	vsub.f32 $0.0e+00, v6  }
0x612: {  	v48 =	vor.u32 $0xC0F, v18;
	v4 =	vadd.f32 v7, v4  }
0x613: {  	v9 =	vld.idx.msk [tilespmem:v40+s3+$0x0], $0xffff;
	v11 =	vmul.f32 $1.442695020e+00, v11  }
0x614: {  	v4 =	vadd.f32 v10, v4  }
0x615: {  	v5 =	vld.idx.msk [tilespmem:v44+s3+$0x0], $0xffff;
	(erf) = vpow2.f32 v11  }
0x616: {  	v4 =	vadd.f32 v8, v4  }
0x617: {  	v7 =	vld.idx.msk [tilespmem:v48+s3+$0x0], $0xffff  }
0x618: {  	v8 =	vadd.f32 v9, v4;
	v4 =	vor.u32 $0xD00, v18;
	_ =	sdelay $0x1  }
0x619: {  	v52 =	vor.u32 $0xD01, v18;
	v5 =	vadd.f32 v5, v8;
	_ =	sdelay $0x1  }
0x61a: {  	v16 =	vor.u32 $0xD02, v18;
	v5 =	vadd.f32 v7, v5  }
0x61b: {  	v44 =	vld.idx.msk [tilespmem:v4+s3+$0x0], $0xffff  }
0x61c: {  	v12 =	vor.u32 $0xD03, v18;
	v40 =	vcvt.s32.f32 v5;
	v17 =	vpop (erf)  }
0x61d: {  	v6 =	vadd.f32 $-1.000000000e+00, v6;
	v8 =	vld.idx.msk [tilespmem:v52+s3+$0x0], $0xffff;
	v9 =	vmul.f32 v17, v62  }
0x61e: {  	v48 =	vor.u32 $0xD04, v18;
	v10 =	vmul.f32 $8.262958320e-08, v40  }
0x61f: {  	v7 =	vld.idx.msk [tilespmem:v16+s3+$0x0], $0xffff;
	v6 =	vadd.f32 v9, v6  }
0x620: {  	v14 =	vor.u32 $0xD05, v18;
	v10 =	vadd.f32 $-8.798996730e+01, v10;
	v11 =	vadd.f32 $0.0e+00, v44  }
0x621: {  	v12 =	vld.idx.msk [tilespmem:v12+s3+$0x0], $0xffff;
	v13 =	vsub.f32 $0.0e+00, v6  }
0x622: {  	v15 =	vsub.f32 $0.0e+00, v10;
	v8 =	vadd.f32 v8, v11  }
0x623: {  	v52 =	vor.u32 $0xD06, v18;
	v9 =	vld.idx.msk [tilespmem:v48+s3+$0x0], $0xffff;
	v13 =	vmul.f32 $1.442695020e+00, v13  }
0x624: {  	v15 =	vmul.f32 $1.442695020e+00, v15;
	v7 =	vadd.f32 v7, v8  }
0x625: {  	v16 =	vor.u32 $0xD07, v18;
	v17 =	vld.idx.msk [tilespmem:v14+s3+$0x0], $0xffff;
	(erf) = vpow2.f32 v13  }
0x626: {  	v7 =	vadd.f32 v12, v7;
	(erf) = vpow2.f32 v15  }
0x627: {  	v40 =	vor.u32 $0xD08, v18  }
0x628: {  	v11 =	vld.idx.msk [tilespmem:v52+s3+$0x0], $0xffff;
	v7 =	vadd.f32 v9, v7  }
0x629: {  	v44 =	vor.u32 $0xD09, v18  }
0x62a: {  	v8 =	vld.idx.msk [tilespmem:v16+s3+$0x0], $0xffff;
	v7 =	vadd.f32 v17, v7  }
0x62b: {  	v48 =	vor.u32 $0xD0A, v18  }
0x62c: {  	v12 =	vld.idx.msk [tilespmem:v40+s3+$0x0], $0xffff  }
0x62d: {  	v52 =	vor.u32 $0xD0B, v18;
	v11 =	vadd.f32 v11, v7  }
0x62e: {  	v9 =	vld.idx.msk [tilespmem:v44+s3+$0x0], $0xffff;
	v7 =	vpop (erf)  }
0x62f: {  	v40 =	vor.u32 $0xD0C, v18;
	v8 =	vadd.f32 v8, v11;
	v15 =	vpop (erf)  }
0x630: {  	v10 =	vadd.f32 $-1.000000000e+00, v10;
	v13 =	vld.idx.msk [tilespmem:v48+s3+$0x0], $0xffff;
	v15 =	vmul.f32 v15, v5  }
0x631: {  	v44 =	vor.u32 $0xD0D, v18;
	v8 =	vadd.f32 v12, v8  }
0x632: {  	v14 =	vld.idx.msk [tilespmem:v52+s3+$0x0], $0xffff;
	v10 =	vadd.f32 v15, v10  }
0x633: {  	v48 =	vor.u32 $0xD0E, v18;
	v8 =	vadd.f32 v9, v8  }
0x634: {  	v11 =	vld.idx.msk [tilespmem:v40+s3+$0x0], $0xffff;
	v15 =	vsub.f32 $0.0e+00, v10  }
0x635: {  	v52 =	vor.u32 $0xD0F, v18;
	v8 =	vadd.f32 v13, v8  }
0x636: {  	v12 =	vld.idx.msk [tilespmem:v44+s3+$0x0], $0xffff;
	v15 =	vmul.f32 $1.442695020e+00, v15  }
0x637: {  	v8 =	vadd.f32 v14, v8  }
0x638: {  	v9 =	vld.idx.msk [tilespmem:v48+s3+$0x0], $0xffff;
	(erf) = vpow2.f32 v15  }
0x639: {  	v8 =	vadd.f32 v11, v8  }
0x63a: {  	v17 =	vld.idx.msk [tilespmem:v52+s3+$0x0], $0xffff  }
0x63b: {  	v12 =	vadd.f32 v12, v8  }
0x63c: {  	v8 =	vor.u32 $0xE00, v18  }
0x63d: {  	v9 =	vadd.f32 v9, v12  }
0x63e: {  	v40 =	vor.u32 $0xE01, v18  }
0x63f: {  	v9 =	vadd.f32 v17, v9  }
0x640: {  	v11 =	vor.u32 $0xE02, v18  }
0x641: {  	v52 =	vld.idx.msk [tilespmem:v8+s3+$0x0], $0xffff;
	v48 =	vcvt.s32.f32 v9;
	v44 =	vpop (erf)  }
0x642: {  	v16 =	vor.u32 $0xE03, v18;
	v10 =	vadd.f32 $-1.000000000e+00, v10;
	v13 =	vmul.f32 v44, v5  }
0x643: {  	v12 =	vld.idx.msk [tilespmem:v40+s3+$0x0], $0xffff;
	v14 =	vmul.f32 $8.262958320e-08, v48  }
0x644: {  	v40 =	vor.u32 $0xE04, v18;
	v10 =	vadd.f32 v13, v10  }
0x645: {  	v11 =	vld.idx.msk [tilespmem:v11+s3+$0x0], $0xffff;
	v14 =	vadd.f32 $-8.798996730e+01, v14  }
0x646: {  	[tilespmem:$0x1FFF0] =	vst v0;
	v0 =	vor.u32 $0xE05, v18;
	v15 =	vadd.f32 $0.0e+00, v52;
	v17 =	vsub.f32 $0.0e+00, v10  }
0x647: {  	v16 =	vld.idx.msk [tilespmem:v16+s3+$0x0], $0xffff;
	v1 =	vsub.f32 $0.0e+00, v14  }
0x648: {  	v12 =	vadd.f32 v12, v15;
	v44 =	vor.u32 $0xE06, v18;
	v17 =	vmul.f32 $1.442695020e+00, v17  }
0x649: {  	v1 =	vmul.f32 $1.442695020e+00, v1;
	v13 =	vld.idx.msk [tilespmem:v40+s3+$0x0], $0xffff  }
0x64a: {  	v48 =	vor.u32 $0xE07, v18;
	v11 =	vadd.f32 v11, v12;
	(erf) = vpow2.f32 v17  }
0x64b: {  	v0 =	vld.idx.msk [tilespmem:v0+s3+$0x0], $0xffff;
	(erf) = vpow2.f32 v1  }
0x64c: {  	v52 =	vor.u32 $0xE08, v18;
	v1 =	vadd.f32 v16, v11  }
0x64d: {  	v15 =	vld.idx.msk [tilespmem:v44+s3+$0x0], $0xffff  }
0x64e: {  	v40 =	vor.u32 $0xE09, v18;
	v1 =	vadd.f32 v13, v1  }
0x64f: {  	v12 =	vld.idx.msk [tilespmem:v48+s3+$0x0], $0xffff  }
0x650: {  	v0 =	vadd.f32 v0, v1;
	v1 =	vor.u32 $0xE0A, v18  }
0x651: {  	v44 =	vld.idx.msk [tilespmem:v52+s3+$0x0], $0xffff  }
0x652: {  	v48 =	vor.u32 $0xE0B, v18;
	v0 =	vadd.f32 v15, v0  }
0x653: {  	v13 =	vld.idx.msk [tilespmem:v40+s3+$0x0], $0xffff;
	v11 =	vpop (erf)  }
0x654: {  	v40 =	vor.u32 $0xE0C, v18;
	v0 =	vadd.f32 v12, v0;
	v52 =	vpop (erf)  }
0x655: {  	v14 =	vadd.f32 $-1.000000000e+00, v14;
	v1 =	vld.idx.msk [tilespmem:v1+s3+$0x0], $0xffff;
	v17 =	vmul.f32 v52, v9  }
0x656: {  	v0 =	vadd.f32 v44, v0;
	v44 =	vor.u32 $0xE0D, v18  }
0x657: {  	v15 =	vld.idx.msk [tilespmem:v48+s3+$0x0], $0xffff;
	v14 =	vadd.f32 v17, v14  }
0x658: {  	v48 =	vor.u32 $0xE0E, v18;
	v0 =	vadd.f32 v13, v0  }
0x659: {  	v12 =	vld.idx.msk [tilespmem:v40+s3+$0x0], $0xffff;
	v17 =	vsub.f32 $0.0e+00, v14  }
0x65a: {  	v0 =	vadd.f32 v1, v0;
	v1 =	vor.u32 $0xE0F, v18  }
0x65b: {  	v16 =	vld.idx.msk [tilespmem:v44+s3+$0x0], $0xffff;
	v17 =	vmul.f32 $1.442695020e+00, v17  }
0x65c: {  	v0 =	vadd.f32 v15, v0  }
0x65d: {  	v13 =	vld.idx.msk [tilespmem:v48+s3+$0x0], $0xffff;
	(erf) = vpow2.f32 v17  }
0x65e: {  	v0 =	vadd.f32 v12, v0  }
0x65f: {  	v1 =	vld.idx.msk [tilespmem:v1+s3+$0x0], $0xffff  }
0x660: {  	v0 =	vadd.f32 v16, v0  }
0x661: {  	v12 =	vor.u32 $0xF00, v18  }
0x662: {  	v0 =	vadd.f32 v13, v0  }
0x663: {  	v52 =	vor.u32 $0xF01, v18  }
0x664: {  	v13 =	vadd.f32 v1, v0  }
0x665: {  	v0 =	vor.u32 $0xF02, v18  }
0x666: {  	v48 =	vld.idx.msk [tilespmem:v12+s3+$0x0], $0xffff;
	v44 =	vcvt.s32.f32 v13;
	v1 =	vpop (erf)  }
0x667: {  	v40 =	vor.u32 $0xF03, v18;
	v14 =	vadd.f32 $-1.000000000e+00, v14;
	v1 =	vmul.f32 v1, v9  }
0x668: {  	v15 =	vld.idx.msk [tilespmem:v52+s3+$0x0], $0xffff;
	v16 =	vmul.f32 $8.262958320e-08, v44  }
0x669: {  	v14 =	vadd.f32 v1, v14;
	v1 =	vor.u32 $0xF04, v18  }
0x66a: {  	v0 =	vld.idx.msk [tilespmem:v0+s3+$0x0], $0xffff;
	v16 =	vadd.f32 $-8.798996730e+01, v16  }
0x66b: {  	v17 =	vadd.f32 $0.0e+00, v48;
	v48 =	vor.u32 $0xF05, v18;
	v44 =	vsub.f32 $0.0e+00, v14  }
0x66c: {  	v40 =	vld.idx.msk [tilespmem:v40+s3+$0x0], $0xffff;
	v52 =	vsub.f32 $0.0e+00, v16  }
0x66d: {  	v15 =	vadd.f32 v15, v17;
	v17 =	vmul.f32 $1.442695020e+00, v44;
	v44 =	vor.u32 $0xF06, v18  }
0x66e: {  	v52 =	vmul.f32 $1.442695020e+00, v52;
	v1 =	vld.idx.msk [tilespmem:v1+s3+$0x0], $0xffff  }
0x66f: {  	v0 =	vadd.f32 v0, v15;
	v15 =	vor.u32 $0xF07, v18;
	(erf) = vpow2.f32 v17  }
0x670: {  	v17 =	vld.idx.msk [tilespmem:v48+s3+$0x0], $0xffff;
	(erf) = vpow2.f32 v52  }
0x671: {  	v0 =	vadd.f32 v40, v0;
	v40 =	vor.u32 $0xF08, v18  }
0x672: {  	v44 =	vld.idx.msk [tilespmem:v44+s3+$0x0], $0xffff  }
0x673: {  	v0 =	vadd.f32 v1, v0;
	v1 =	vor.u32 $0xF09, v18  }
0x674: {  	v52 =	vld.idx.msk [tilespmem:v15+s3+$0x0], $0xffff  }
0x675: {  	v0 =	vadd.f32 v17, v0;
	v17 =	vor.u32 $0xF0A, v18  }
0x676: {  	v40 =	vld.idx.msk [tilespmem:v40+s3+$0x0], $0xffff  }
0x677: {  	v0 =	vadd.f32 v44, v0;
	v44 =	vor.u32 $0xF0B, v18  }
0x678: {  	v1 =	vld.idx.msk [tilespmem:v1+s3+$0x0], $0xffff;
	v15 =	vpop (erf)  }
0x679: {  	v0 =	vadd.f32 v52, v0;
	v48 =	vpop (erf);
	v52 =	vor.u32 $0xF0C, v18  }
0x67a: {  	v16 =	vadd.f32 $-1.000000000e+00, v16;
	v48 =	vmul.f32 v48, v13;
	v17 =	vld.idx.msk [tilespmem:v17+s3+$0x0], $0xffff  }
0x67b: {  	v0 =	vadd.f32 v40, v0;
	v40 =	vor.u32 $0xF0D, v18  }
0x67c: {  	v16 =	vadd.f32 v48, v16;
	v44 =	vld.idx.msk [tilespmem:v44+s3+$0x0], $0xffff  }
0x67d: {  	v0 =	vadd.f32 v1, v0;
	v1 =	vor.u32 $0xF0E, v18  }
0x67e: {  	v48 =	vld.idx.msk [tilespmem:v52+s3+$0x0], $0xffff;
	v52 =	vsub.f32 $0.0e+00, v16  }
0x67f: {  	v0 =	vadd.f32 v17, v0;
	v17 =	vor.u32 $0xF0F, v18  }
0x680: {  	v52 =	vmul.f32 $1.442695020e+00, v52;
	v40 =	vld.idx.msk [tilespmem:v40+s3+$0x0], $0xffff  }
0x681: {  	v0 =	vadd.f32 v44, v0  }
0x682: {  	(erf) = vpow2.f32 v52;
	v1 =	vld.idx.msk [tilespmem:v1+s3+$0x0], $0xffff  }
0x683: {  	v0 =	vadd.f32 v48, v0  }
0x684: {  	v17 =	vld.idx.msk [tilespmem:v17+s3+$0x0], $0xffff  }
0x685: {  	v0 =	vadd.f32 v40, v0;
	_ =	sdelay $0x1  }
0x686: {  	v0 =	vadd.f32 v1, v0;
	_ =	sdelay $0x1  }
0x687: {  	v0 =	vadd.f32 v17, v0;
	_ =	sdelay $0x1  }
0x688: {  	v1 =	vpop (erf);
	v17 =	vcvt.s32.f32 v0  }
0x689: {  	v16 =	vadd.f32 $-1.000000000e+00, v16;
	v1 =	vmul.f32 v1, v13  }
0x68a: {  	v17 =	vmul.f32 $8.262958320e-08, v17  }
0x68b: {  	v1 =	vadd.f32 v1, v16  }
0x68c: {  	v16 =	vadd.f32 $-8.798996730e+01, v17  }
0x68d: {  	v48 =	vsub.f32 $0.0e+00, v1  }
0x68e: {  	v52 =	vsub.f32 $0.0e+00, v16  }
0x68f: {  	v17 =	vmul.f32 $1.442695020e+00, v48  }
0x690: {  	v40 =	vmul.f32 $1.442695020e+00, v52  }
0x691: {  	(erf) = vpow2.f32 v17  }
0x692: {  	(erf) = vpow2.f32 v40;
	_ =	sdelay $0x1  }
0x693: {  	v48 =	vld [tilespmem:$0x1FFC0];
	_ =	sdelay $0x3  }
0x694: {  	v44 =	vld [tilespmem:$0x1FFB0]  }
0x695: {  	s24 =	simm.s32 $0x15180;
	v27 =	vadd.f32 $-1.000000000e+00, v27;
	v22 =	vmul.f32 v48, v22  }
0x696: {  	v18 =	vld.idx.msk [tilespmem:v18+s24+$0x0], $0xffff;
	v17 =	vpop (erf)  }
0x697: {  	v22 =	vadd.f32 v22, v27;
	v27 =	vld.idx.msk [tilespmem:v32+s24+$0x0], $0xffff;
	v52 =	vpop (erf)  }
0x698: {  	v16 =	vadd.f32 $-1.000000000e+00, v16;
	v32 =	vld [tilespmem:$0x1FFD0];
	v40 =	vmul.f32 v52, v0  }
0x699: {  	v28 =	vadd.f32 $-1.000000000e+00, v28;
	v20 =	vmul.f32 v44, v20  }
0x69a: {  	v16 =	vadd.f32 v40, v16  }
0x69b: {  	v20 =	vadd.f32 v20, v28  }
0x69c: {  	v36 =	vld.idx.msk [tilespmem:v36+s24+$0x0], $0xffff;
	v44 =	vsub.f32 $0.0e+00, v16  }
0x69d: {  	v18 =	vsub.f32 v20, v18;
	v48 =	vld [tilespmem:$0x1FFE0];
	v20 =	vmul.f32 v32, v26  }
0x69e: {  	v52 =	vadd.f32 $-1.000000000e+00, v35;
	v40 =	vadd.f32 $-1.000000000e+00, v31;
	v35 =	vmul.f32 $1.442695020e+00, v44;
	_ =	sdelay $0x1  }
0x69f: {  	v20 =	vadd.f32 v20, v40;
	v40 =	vld [tilespmem:$0x1FFF0];
	(erf) = vpow2.f32 v35  }
0x6a0: {  	v25 =	vld.idx.msk [tilespmem:v25+s24+$0x0], $0xffff;
	v22 =	vsub.f32 v22, v36  }
0x6a1: {  	v26 =	vmul.f32 v48, v30  }
0x6a2: {  	v18 =	vadd.f32 v22, v18  }
0x6a3: {  	v36 =	vld.idx.msk [tilespmem:v29+s24+$0x0], $0xffff;
	v32 =	vadd.f32 $-1.000000000e+00, v47;
	v26 =	vadd.f32 v26, v52  }
0x6a4: {  	v20 =	vsub.f32 v20, v27;
	v44 =	vadd.f32 $-1.000000000e+00, v39;
	v28 =	vmul.f32 v40, v34  }
0x6a5: {  	v48 =	vsub.f32 v26, v25;
	v16 =	vadd.f32 $-1.000000000e+00, v16  }
0x6a6: {  	v24 =	vmul.f32 v24, v38;
	v52 =	vld.idx.msk [tilespmem:v33+s24+$0x0], $0xffff;
	v18 =	vadd.f32 v20, v18;
	v22 =	vadd.f32 v28, v44  }
0x6a7: {  	v23 =	vmul.f32 v23, v42;
	v31 =	vld.idx.msk [tilespmem:v37+s24+$0x0], $0xffff;
	v35 =	vadd.f32 $-1.000000000e+00, v51;
	v28 =	vadd.f32 $-1.000000000e+00, v43  }
0x6a8: {  	v18 =	vadd.f32 v48, v18;
	v29 =	vsub.f32 v22, v36;
	v39 =	vpop (erf)  }
0x6a9: {  	v34 =	vadd.f32 v23, v32;
	v30 =	vadd.f32 v24, v28;
	v24 =	vmul.f32 v39, v0  }
0x6aa: {  	v19 =	vld.idx.msk [tilespmem:v19+s24+$0x0], $0xffff;
	v21 =	vmul.f32 v21, v46;
	v40 =	vadd.f32 $-1.000000000e+00, v55;
	v18 =	vadd.f32 v29, v18  }
0x6ab: {  	v37 =	vld.idx.msk [tilespmem:v45+s24+$0x0], $0xffff;
	v33 =	vsub.f32 v30, v52;
	v16 =	vadd.f32 v24, v16  }
0x6ac: {  	v38 =	vmul.f32 v56, v50;
	v21 =	vadd.f32 v21, v35;
	v36 =	vsub.f32 v34, v31  }
0x6ad: {  	v18 =	vadd.f32 v33, v18;
	v46 =	vsub.f32 $0.0e+00, v16  }
0x6ae: {  	v45 =	vadd.f32 $-1.000000000e+00, v59;
	v42 =	vadd.f32 v38, v40;
	v43 =	vld.idx.msk [tilespmem:v49+s24+$0x0], $0xffff;
	v44 =	vmul.f32 v60, v54  }
0x6af: {  	v19 =	vsub.f32 v21, v19;
	v18 =	vadd.f32 v36, v18;
	v49 =	vmul.f32 $1.442695020e+00, v46  }
0x6b0: {  	v3 =	vmul.f32 v3, v58;
	v47 =	vld.idx.msk [tilespmem:v53+s24+$0x0], $0xffff;
	v48 =	vadd.f32 $-1.000000000e+00, v63;
	v20 =	vsub.f32 v42, v37  }
0x6b1: {  	v50 =	vld.idx.msk [tilespmem:v57+s24+$0x0], $0xffff;
	v18 =	vadd.f32 v19, v18;
	v19 =	vadd.f32 v44, v45;
	(erf) = vpow2.f32 v49  }
0x6b2: {  	v6 =	vadd.f32 $-1.000000000e+00, v6;
	v7 =	vmul.f32 v7, v62;
	v3 =	vadd.f32 v3, v48  }
0x6b3: {  	v18 =	vadd.f32 v20, v18;
	v19 =	vsub.f32 v19, v43  }
0x6b4: {  	v6 =	vadd.f32 v7, v6;
	v10 =	vadd.f32 $-1.000000000e+00, v10;
	v51 =	vld.idx.msk [tilespmem:v61+s24+$0x0], $0xffff  }
0x6b5: {  	v4 =	vld.idx.msk [tilespmem:v4+s24+$0x0], $0xffff;
	v5 =	vmul.f32 v11, v5;
	v3 =	vsub.f32 v3, v47;
	v18 =	vadd.f32 v19, v18  }
0x6b6: {  	v6 =	vsub.f32 v6, v50;
	v9 =	vmul.f32 v15, v9;
	v52 =	vadd.f32 $-1.000000000e+00, v14  }
0x6b7: {  	v5 =	vadd.f32 v5, v10;
	v54 =	vld.idx.msk [tilespmem:v8+s24+$0x0], $0xffff;
	v3 =	vadd.f32 v3, v18  }
0x6b8: {  	v1 =	vadd.f32 $-1.000000000e+00, v1;
	v55 =	vmul.f32 v17, v13;
	v53 =	vadd.f32 v9, v52  }
0x6b9: {  	v5 =	vsub.f32 v5, v51;
	v3 =	vadd.f32 v6, v3  }
0x6ba: {  	v56 =	vld.idx.msk [tilespmem:v12+s24+$0x0], $0xffff;
	v1 =	vadd.f32 v55, v1;
	v4 =	vsub.f32 v53, v4;
	v57 =	vpop (erf)  }
0x6bb: {  	v58 =	vadd.f32 $-1.000000000e+00, v16;
	v3 =	vadd.f32 v5, v3;
	v0 =	vmul.f32 v57, v0  }
0x6bc: {  	v1 =	vsub.f32 v1, v54  }
0x6bd: {  	v3 =	vadd.f32 v4, v3;
	v0 =	vadd.f32 v0, v58;
	_ =	sdelay $0x1  }
0x6be: {  	v1 =	vadd.f32 v1, v3;
	v0 =	vsub.f32 v0, v56;
	_ =	sdelay $0x1  }
0x6bf: {  	v0 =	vadd.f32 v0, v1;
	v1 =	vimm.s32 $0x1;
	_ =	sdelay $0x1  }
0x6c0: {  	s2 =	simm.s32 $0x14100;
	v3 =	vimm.s32 $0x2;
	[tilespmem:$0x14100] =	vst v0  }
0x6c1: {  	v0 =	vld.msk [tilespmem:s2+$0x0], $0xffff;
	_ =	sdelay $0x1  }
0x6c2: {  	v1 =	vld.idx.msk [tilespmem:v1+s2+$0x0], $0xffff;
	_ =	sdelay $0x1  }
0x6c3: {  	v3 =	vld.idx.msk [tilespmem:v3+s2+$0x0], $0xffff  }
0x6c4: {  	v59 =	vimm.s32 $0x3;
	v0 =	vadd.f32 $0.0e+00, v0;
	_ =	sdelay $0x1  }
0x6c5: {  	v0 =	vadd.f32 v1, v0;
	v1 =	vimm.s32 $0x4;
	_ =	sdelay $0x1  }
0x6c6: {  	v0 =	vadd.f32 v3, v0;
	v3 =	vimm.s32 $0x5  }
0x6c7: {  	v4 =	vld.idx.msk [tilespmem:v59+s2+$0x0], $0xffff;
	_ =	sdelay $0x1  }
0x6c8: {  	v1 =	vld.idx.msk [tilespmem:v1+s2+$0x0], $0xffff;
	_ =	sdelay $0x1  }
0x6c9: {  	v3 =	vld.idx.msk [tilespmem:v3+s2+$0x0], $0xffff  }
0x6ca: {  	v60 =	vimm.s32 $0x6;
	v0 =	vadd.f32 v4, v0;
	_ =	sdelay $0x1  }
0x6cb: {  	v0 =	vadd.f32 v1, v0;
	v1 =	vimm.s32 $0x7;
	_ =	sdelay $0x1  }
0x6cc: {  	v0 =	vadd.f32 v3, v0;
	v3 =	vimm.s32 $0x8  }
0x6cd: {  	v4 =	vld.idx.msk [tilespmem:v60+s2+$0x0], $0xffff;
	_ =	sdelay $0x1  }
0x6ce: {  	v1 =	vld.idx.msk [tilespmem:v1+s2+$0x0], $0xffff;
	_ =	sdelay $0x1  }
0x6cf: {  	v3 =	vld.idx.msk [tilespmem:v3+s2+$0x0], $0xffff  }
0x6d0: {  	v61 =	vimm.s32 $0x9;
	v0 =	vadd.f32 v4, v0;
	_ =	sdelay $0x1  }
0x6d1: {  	v0 =	vadd.f32 v1, v0;
	v1 =	vimm.s32 $0xA;
	_ =	sdelay $0x1  }
0x6d2: {  	v0 =	vadd.f32 v3, v0;
	v3 =	vimm.s32 $0xB  }
0x6d3: {  	v4 =	vld.idx.msk [tilespmem:v61+s2+$0x0], $0xffff;
	_ =	sdelay $0x1  }
0x6d4: {  	v1 =	vld.idx.msk [tilespmem:v1+s2+$0x0], $0xffff;
	_ =	sdelay $0x1  }
0x6d5: {  	v3 =	vld.idx.msk [tilespmem:v3+s2+$0x0], $0xffff  }
0x6d6: {  	v62 =	vimm.s32 $0xC;
	v0 =	vadd.f32 v4, v0;
	_ =	sdelay $0x1  }
0x6d7: {  	v0 =	vadd.f32 v1, v0;
	v1 =	vimm.s32 $0xD;
	_ =	sdelay $0x1  }
0x6d8: {  	v0 =	vadd.f32 v3, v0;
	v3 =	vimm.s32 $0xE  }
0x6d9: {  	v4 =	vld.idx.msk [tilespmem:v62+s2+$0x0], $0xffff  }
0x6da: {  	v63 =	vimm.s32 $0xF  }
0x6db: {  	v1 =	vld.idx.msk [tilespmem:v1+s2+$0x0], $0xffff;
	_ =	sdelay $0x1  }
0x6dc: {  	v3 =	vld.idx.msk [tilespmem:v3+s2+$0x0], $0xffff  }
0x6dd: {  	v0 =	vadd.f32 v4, v0  }
0x6de: {  	v4 =	vld.idx.msk [tilespmem:v63+s2+$0x0], $0xffff  }
0x6df: {  	v0 =	vadd.f32 v1, v0;
	_ =	sdelay $0x1  }
0x6e0: {  	v0 =	vadd.f32 v3, v0;
	_ =	sdelay $0x1  }
0x6e1: {  	v0 =	vadd.f32 v4, v0;
	_ =	sdelay $0x1  }
0x6e2: {  	s25 =	rddreg [dreg:$0x7];
	s23 =	simm.s32 $0x0;
	[tilespmem:$0x14100] =	vst v0  }
0x6e3: {  	[hbm4b:s25+s23] =	stream.linear.scatter [tilespmem:s2], [sflag:$0x9], $0x80, $0x38;
	[tilespmem:$0x16180] =	vst v63  }
0x6e4: {  	s2 =	simm.s32 $0x9  }
0x6e5: {  	_ =	swait.ge [sflag:s2], $0x80  }
0x6e6: {  	s6 =	rddreg [dreg:$0x9]  }
0x6e7: {  	s26 =	rddreg [dreg:$0x8];
	s6 =	sadd.s32 $0x1, s6  }
0x6e8: {  	p0 =	sne.s32 s6, s26  }
.Ltmp9:
0x6e9: {  	_ = 	snop;
	(pc) =	sbr.rel @p0 .LBB2_1-.Ltmp9, $3  }
0x6ea: {  	_ =	sdelay $0x1  }
0x6eb: {  	[sflag:s2] =	ssyncset.done $0x0  }
0x6ec: {  	[sflag:s2] =	ssyncadd.s32 $0xFFFFFF80  }
0x6ed: {  	_ =	sfence.sel $0x180000  }
0x6ee: {  	[bflag:$0x0] =	sbarrier.arrive $0xFFFF  }
0x6ef: {  	_ =	strace $0x90000047  }
0x6f0: {  	s0 =	stileid.u32;
	[bflag:$0x2] =	sbarrier.arrive $0xFFFF  }
0x6f1: {  	p0 =	sne.s32 s0, $0x0;
	s0 =	rddreg [dreg:$0x3]  }
0x6f2: {  	s0 =	sadd.s32 @!p0 $0x100000, s0  }
0x6f3: {  	[sflag:s0] =	ssyncadd.tile.s32 @!p0 $0x1;
	_ =	shalt  }
.Lfunc_end2:
_tile_overlayer_lowered:
.L_overlay_start_2:
0x6f4: {  	(tag) =	ssettag $0x2  }
0x6f5: {  	s0 =	rddreg [dreg:$0x0];
	s2 =	stileid.u32  }
0x6f6: {  	s1 =	rddreg [dreg:$0x1];
	p0 =	sne.s32 s2, $0x0  }
0x6f7: {  	s3 =	rddreg [dreg:$0x2];
	[bflag:$0x3] =	sbarrier.arrive $0xFFFF;
	s2 =	simm.s32 @!p0 $0x1C09  }
0x6f8: {  	[timem:s3], [sflag:s2] =	dma.local @!p0 [hbm:s0], s1  }
0x6f9: {  	s0 =	simm.s32 @!p0 $0x9  }
0x6fa: {  	_ =	swait.ge @!p0 [sflag:s0], s1  }
0x6fb: {  	s1 =	ssub.s32 @!p0 $0x0, s1;
	[sflag:s0] =	ssyncset.done @!p0 $0x0  }
0x6fc: {  	[sflag:s0] =	ssyncadd.s32 @!p0 s1  }
0x6fd: {  	[bflag:$0x3] =	sbarrier.arrive $0xFFFF  }
0x6fe: {  	_ =	shalt  }

</sc_bundles>
